<compile_context>
chip_gen: v7x
topology: tpu7x:2x2x1
jax: 0.10.2.dev20260603
libtpu: 0.0.44.dev20260713+nightly
codegen_flags: <defaults>
</compile_context>

<pallas_src>
import functools

import jax
import jax.numpy as jnp
from jax import lax
from jax.experimental import pallas as pl
from jax.experimental.pallas import tpu as pltpu
from jax.experimental.pallas import tpu_sc as plsc

N = 10000
E = 320000
D = 128
O = 40
EPS = 1e-5

NC = 2
NS = 16
NW = NC * NS
EPW = E // NW
KC = 100
NCH = EPW // KC
NPH = 2
NCH2 = NCH // NPH
NP = 10240
RPT = NP // NS

_mesh = plsc.VectorSubcoreMesh(core_axis_name="c", subcore_axis_name="s")


@functools.partial(
    pl.kernel,
    mesh=_mesh,
    out_type=jax.ShapeDtypeStruct((2, NP), jnp.float32),
    scratch_types=[
        pltpu.VMEM((NP,), jnp.float32),
        pltpu.VMEM((EPW,), jnp.int32),
        pltpu.VMEM_SHARED((NS, NP), jnp.float32),
        pltpu.VMEM((NS * RPT,), jnp.float32),
        pltpu.VMEM((RPT,), jnp.float32),
    ],
    compiler_params=pltpu.CompilerParams(needs_layout_passes=False),
)
def _deg_sc(row_hbm, out_hbm, dloc, row_v, dsh, red_v, out_v):
    c = lax.axis_index("c")
    s = lax.axis_index("s")
    wid = s * NC + c
    pltpu.sync_copy(row_hbm.at[wid], row_v)
    zv = jnp.zeros((16,), jnp.float32)

    def zbody(i, carry):
        dloc[pl.ds(i * 16, 16)] = zv
        return carry

    lax.fori_loop(0, NP // 16, zbody, 0)

    ones = jnp.ones((16,), jnp.float32)

    def hbody(j, carry):
        for u in range(5):
            plsc.addupdate_scatter(dloc, [row_v[pl.ds((j * 5 + u) * 16, 16)]],
                                   ones)
        return carry

    lax.fori_loop(0, EPW // (16 * 5), hbody, 0)
    pltpu.sync_copy(dloc, dsh.at[s])
    plsc.subcore_barrier()

    for t in range(NS):
        pltpu.sync_copy(dsh.at[t, pl.ds(s * RPT, RPT)],
                        red_v.at[pl.ds(t * RPT, RPT)])

    def rbody(i, carry):
        acc = red_v[pl.ds(i * 16, 16)]
        for t in range(1, NS):
            acc = acc + red_v[pl.ds(t * RPT + i * 16, 16)]
        out_v[pl.ds(i * 16, 16)] = acc
        return carry

    lax.fori_loop(0, RPT // 16, rbody, 0)
    pltpu.sync_copy(out_v, out_hbm.at[c, pl.ds(s * RPT, RPT)])


@functools.partial(
    pl.kernel,
    mesh=_mesh,
    out_type=jax.ShapeDtypeStruct((2 * NP, D), jnp.float32),
    scratch_types=[
        pltpu.VMEM_SHARED((NP, D), jnp.float32),
        pltpu.VMEM((NCH2, KC), jnp.int32),
        pltpu.VMEM((NCH2, KC), jnp.int32),
        pltpu.VMEM((2, KC, D), jnp.float32),
        pltpu.SemaphoreType.DMA,
        pltpu.SemaphoreType.DMA,
        pltpu.SemaphoreType.DMA,
    ],
)
def _prop_sc(h_hbm, row_hbm, col_hbm, zero_hbm, out_hbm,
             acc, row_v, col_v, msg_v, gsem, ssem, zsem):
    c = lax.axis_index("c")
    s = lax.axis_index("s")
    wid = s * NC + c
    zdesc = pltpu.async_copy(zero_hbm, acc.at[pl.ds(s * RPT, RPT)], zsem)
    pltpu.sync_copy(row_hbm.at[wid * NPH], row_v)
    pltpu.sync_copy(col_hbm.at[wid * NPH], col_v)
    pltpu.async_copy(h_hbm.at[row_v.at[0]], msg_v.at[0], gsem)
    zdesc.wait()
    plsc.subcore_barrier()

    for ph in range(NPH):
        if ph > 0:
            pltpu.sync_copy(row_hbm.at[wid * NPH + ph], row_v)
            pltpu.sync_copy(col_hbm.at[wid * NPH + ph], col_v)
            pltpu.async_copy(h_hbm.at[row_v.at[0]], msg_v.at[0], gsem)

        def body(j, carry):
            p = lax.rem(j, 2)
            pltpu.make_async_copy(h_hbm.at[row_v.at[j]], msg_v.at[p],
                                  gsem).wait()

            @pl.when(j >= 1)
            def _():
                pltpu.make_async_copy(msg_v.at[1 - p],
                                      acc.at[col_v.at[j - 1]], ssem).wait()

            @pl.when(j + 1 < NCH2)
            def _():
                pltpu.async_copy(h_hbm.at[row_v.at[j + 1]], msg_v.at[1 - p],
                                 gsem)

            pltpu.async_copy(msg_v.at[p], acc.at[col_v.at[j]], ssem,
                             add=True)
            return carry

        lax.fori_loop(0, NCH2, body, 0)
        pltpu.make_async_copy(msg_v.at[(NCH2 - 1) % 2],
                              acc.at[col_v.at[NCH2 - 1]], ssem).wait()
    plsc.subcore_barrier()
    pltpu.sync_copy(acc.at[pl.ds(s * RPT, RPT)],
                    out_hbm.at[pl.ds(c * NP + s * RPT, RPT)])


BR = 2000


def _scale0_body(d0_ref, d1_ref, x_ref, dvb_ref, xs_ref):
    deg = d0_ref[...] + d1_ref[...]
    dinv = jnp.where(deg > 0, lax.rsqrt(deg), 0.0)
    dvb = jnp.broadcast_to(dinv, (BR, D))
    dvb_ref[...] = dvb
    xs_ref[...] = x_ref[...] * dvb


def _comb_body(p_ref, dvb_ref, o_ref):
    d = dvb_ref[...]
    o_ref[...] = (p_ref[0] + p_ref[1]) * (d * d)


def _dense1_body(p_ref, dvb_ref, w_ref, b_ref, g_ref, be_ref, o_ref):
    d = dvb_ref[:N]
    h = (p_ref[0, :N] + p_ref[1, :N]) * d
    y = jnp.dot(h, w_ref[...], preferred_element_type=jnp.float32) + b_ref[...]
    m = jnp.mean(y, axis=0, keepdims=True)
    cen = y - m
    v = jnp.mean(cen * cen, axis=0, keepdims=True)
    bn = cen * lax.rsqrt(v + EPS) * g_ref[...] + be_ref[...]
    o_ref[...] = bn * d


def _dense2_body(p_ref, dvb_ref, w_ref, b_ref, g_ref, be_ref,
                 w2_ref, b2_ref, o_ref):
    d = dvb_ref[:N]
    h = (p_ref[0, :N] + p_ref[1, :N]) * d
    y = jnp.dot(h, w_ref[...], preferred_element_type=jnp.float32) + b_ref[...]
    m = jnp.mean(y, axis=0, keepdims=True)
    cen = y - m
    v = jnp.mean(cen * cen, axis=0, keepdims=True)
    bn = cen * lax.rsqrt(v + EPS) * g_ref[...] + be_ref[...]
    o_ref[...] = (jnp.dot(bn, w2_ref[...], preferred_element_type=jnp.float32)
                  + b2_ref[...])


_scale0 = pl.pallas_call(
    _scale0_body,
    grid=(N // BR,),
    in_specs=[
        pl.BlockSpec((BR, 1), lambda i: (i, 0)),
        pl.BlockSpec((BR, 1), lambda i: (i, 0)),
        pl.BlockSpec((BR, D), lambda i: (i, 0)),
    ],
    out_specs=[
        pl.BlockSpec((BR, D), lambda i: (i, 0)),
        pl.BlockSpec((BR, D), lambda i: (i, 0)),
    ],
    out_shape=[jax.ShapeDtypeStruct((N, D), jnp.float32)] * 2,
)

_comb = pl.pallas_call(
    _comb_body,
    grid=(N // BR,),
    in_specs=[
        pl.BlockSpec((2, BR, D), lambda i: (0, i, 0)),
        pl.BlockSpec((BR, D), lambda i: (i, 0)),
    ],
    out_specs=pl.BlockSpec((BR, D), lambda i: (i, 0)),
    out_shape=jax.ShapeDtypeStruct((N, D), jnp.float32),
)

_dense1 = pl.pallas_call(
    _dense1_body,
    out_shape=jax.ShapeDtypeStruct((N, D), jnp.float32),
)

_dense2 = pl.pallas_call(
    _dense2_body,
    out_shape=jax.ShapeDtypeStruct((N, O), jnp.float32),
)


def kernel(x, edge_index, W0, b0, g0, be0, W1, b1, g1, be1, W2, b2):
    row2 = edge_index[0].reshape(NW * NPH, NCH2, KC)
    col2 = edge_index[1].reshape(NW * NPH, NCH2, KC)
    zacc = jnp.zeros((RPT, D), jnp.float32)

    rowflat = edge_index[0].reshape(NW, EPW)
    degp = _deg_sc(rowflat)
    d0 = degp[0].reshape(NP, 1)
    d1 = degp[1].reshape(NP, 1)
    dvb, hs = _scale0(d0, d1, x)

    p = _prop_sc(hs, row2, col2, zacc).reshape(2, NP, D)
    hs = _comb(p, dvb)
    p = _prop_sc(hs, row2, col2, zacc).reshape(2, NP, D)
    hs = _dense1(p, dvb, W0, b0.reshape(1, D), g0.reshape(1, D),
                 be0.reshape(1, D))

    p = _prop_sc(hs, row2, col2, zacc).reshape(2, NP, D)
    hs = _comb(p, dvb)
    p = _prop_sc(hs, row2, col2, zacc).reshape(2, NP, D)
    out = _dense2(p, dvb, W1, b1.reshape(1, D), g1.reshape(1, D),
                  be1.reshape(1, D), W2, b2.reshape(1, O))
    return out

# --- scband reference (transcript-rebuilt; emitter-appended) ---
"""Pipeline reference for scband-sgcnet-58016418234783 (READ-ONLY COPY).

The authoritative reference and input builder live on the scoring server;
editing this copy changes nothing except your own understanding.
"""

import jax, jax.numpy as jnp
import numpy as np

N = 10000
E = 320000
D = 128
H = 128
O = 40
K = 2
NUM_LAYERS = 3
EPS = 1e-5


def setup_inputs(seed: int = 0) -> dict:
    key = jax.random.key(seed)
    ks = jax.random.split(key, 16)
    x = jax.random.normal(ks[0], (N, D), dtype=jnp.float32)
    edge_index = jax.random.randint(ks[1], (2, E), 0, N, dtype=jnp.int32)
    s0 = 1.0 / np.sqrt(D)
    s1 = 1.0 / np.sqrt(H)
    W0 = jax.random.uniform(ks[2], (D, H), jnp.float32, -s0, s0)
    b0 = jax.random.uniform(ks[3], (H,), jnp.float32, -s0, s0)
    g0 = jnp.ones((H,), jnp.float32)
    be0 = jnp.zeros((H,), jnp.float32)
    W1 = jax.random.uniform(ks[4], (H, H), jnp.float32, -s1, s1)
    b1 = jax.random.uniform(ks[5], (H,), jnp.float32, -s1, s1)
    g1 = jnp.ones((H,), jnp.float32)
    be1 = jnp.zeros((H,), jnp.float32)
    W2 = jax.random.uniform(ks[6], (H, O), jnp.float32, -s1, s1)
    b2 = jax.random.uniform(ks[7], (O,), jnp.float32, -s1, s1)
    return {"x": x, "edge_index": edge_index, "W0": W0, "b0": b0, "g0": g0, "be0": be0,
            "W1": W1, "b1": b1, "g1": g1, "be1": be1, "W2": W2, "b2": b2}


def _sgc(h, row, col):
    # degree of source index (row), symmetric normalization
    deg = jax.ops.segment_sum(jnp.ones((E,), h.dtype), row, num_segments=N)
    dinv = jnp.where(deg > 0, deg ** -0.5, 0.0)
    norm = dinv[row] * dinv[col]
    for _ in range(K):
        msg = norm[:, None] * h[row]
        h = jax.ops.segment_sum(msg, col, num_segments=N)
    return h


def _bn(h, g, b):
    m = h.mean(axis=0)
    v = h.var(axis=0)
    return (h - m) / jnp.sqrt(v + EPS) * g + b


def reference(x, edge_index, W0, b0, g0, be0, W1, b1, g1, be1, W2, b2):
    row = edge_index[0]
    col = edge_index[1]
    h = x
    Ws = [(W0, b0, g0, be0), (W1, b1, g1, be1)]
    for (Wi, bi, gi, bei) in Ws:
        h = _sgc(h, row, col)
        h = h @ Wi + bi
        h = _bn(h, gi, bei)
        # dropout is identity in eval mode
    out = h @ W2 + b2
    return out

if __name__ == "__main__":
    import jax
    _d = setup_inputs()
    print(jax.jit(kernel)(*tuple(_d.values())))

</pallas_src>

<mosaic_0001>
#map = affine_map<(d0, d1) -> (0, 0)>
module attributes {stable_mosaic.version = 14 : i64} {
  func.func @_deg_sc(%arg0: i32, %arg1: i32, %arg2: memref<32x10000xi32, #tpu.memory_space<hbm>>, %arg3: memref<2x10240xf32, #tpu.memory_space<hbm>>, %arg4: memref<10240xf32, #tpu.memory_space<vmem>>, %arg5: memref<10000xi32, #tpu.memory_space<vmem>>, %arg6: memref<16x10240xf32, #tpu.memory_space<vmem_shared>>, %arg7: memref<10240xf32, #tpu.memory_space<vmem>>, %arg8: memref<640xf32, #tpu.memory_space<vmem>>) attributes {dimension_semantics = [#tpu.dimension_semantics<core_parallel>, #tpu.dimension_semantics<subcore_parallel>], iteration_bounds = array<i64: 2, 16>, scalar_prefetch = 0 : i64, scratch_operands = 5 : i64, tpu.core_type = #tpu.core_type<sc_vector_subcore>, window_params = [{transform_indices = #map}, {transform_indices = #map}]} {
    %mul3A = arith.constant 2 : i32
    %mul3A_0 = arith.muli %arg1, %mul3A : i32
    %add3A = arith.addi %mul3A_0, %arg0 : i32
    "tpu.region"() ({
      %run_scoped3A_70 = tpu.sem_alloc : memref<!tpu.dma_semaphore, #tpu.memory_space<semaphore_mem>>
      %dma_start3A = arith.constant 0 : i32
      %dma_start3A_71 = tpu.memref_slice %arg2[%add3A, %dma_start3A] : memref<32x10000xi32, #tpu.memory_space<hbm>> -> memref<1x10000xi32, #tpu.memory_space<hbm>>
      %dma_start3A_72 = tpu.memref_squeeze %dma_start3A_71 : memref<1x10000xi32, #tpu.memory_space<hbm>> -> memref<10000xi32, #tpu.memory_space<hbm>>
      %dma_start3A_73 = arith.constant 0 : i32
      %dma_start3A_74 = tpu.memref_slice %arg2[%add3A, %dma_start3A_73] : memref<32x10000xi32, #tpu.memory_space<hbm>> -> memref<1x10000xi32, #tpu.memory_space<hbm>>
      %dma_start3A_75 = tpu.memref_squeeze %dma_start3A_74 : memref<1x10000xi32, #tpu.memory_space<hbm>> -> memref<10000xi32, #tpu.memory_space<hbm>>
      tpu.enqueue_dma source(%dma_start3A_75 : memref<10000xi32, #tpu.memory_space<hbm>>) target(%arg5 : memref<10000xi32, #tpu.memory_space<vmem>>) target_semaphore(%run_scoped3A_70 : memref<!tpu.dma_semaphore, #tpu.memory_space<semaphore_mem>>)
      %dma_wait3A = arith.constant 0 : i32
      %dma_wait3A_76 = tpu.memref_slice %arg2[%add3A, %dma_wait3A] : memref<32x10000xi32, #tpu.memory_space<hbm>> -> memref<1x10000xi32, #tpu.memory_space<hbm>>
      %dma_wait3A_77 = tpu.memref_squeeze %dma_wait3A_76 : memref<1x10000xi32, #tpu.memory_space<hbm>> -> memref<10000xi32, #tpu.memory_space<hbm>>
      %dma_wait3A_78 = arith.constant 0 : i32
      %dma_wait3A_79 = tpu.memref_slice %arg2[%add3A, %dma_wait3A_78] : memref<32x10000xi32, #tpu.memory_space<hbm>> -> memref<1x10000xi32, #tpu.memory_space<hbm>>
      %dma_wait3A_80 = tpu.memref_squeeze %dma_wait3A_79 : memref<1x10000xi32, #tpu.memory_space<hbm>> -> memref<10000xi32, #tpu.memory_space<hbm>>
      tpu.wait_dma2 semaphore(%run_scoped3A_70 : memref<!tpu.dma_semaphore, #tpu.memory_space<semaphore_mem>>) src(%dma_wait3A_80 : memref<10000xi32, #tpu.memory_space<hbm>>) dst(%arg5 : memref<10000xi32, #tpu.memory_space<vmem>>)
      tpu.yield
    }) : () -> ()
    %broadcast_in_dim3A = arith.constant 0.000000e+00 : f32
    %broadcast_in_dim3A_1 = vector.broadcast %broadcast_in_dim3A : f32 to vector<16xf32>
    %scan3A = arith.constant 0 : i32
    %scan3A_2 = arith.constant 0 : i32
    %scan3A_3 = arith.constant 640 : i32
    %scan3A_4 = arith.addi %scan3A_2, %scan3A_3 : i32
    %scan3A_5 = arith.constant 1 : i32
    scf.for %scan3A_70 = %scan3A_2 to %scan3A_4 step %scan3A_5  : i32 {
      %mul3A_71 = arith.constant 16 : i32
      %mul3A_72 = arith.muli %scan3A_70, %mul3A_71 : i32
      %swap3A = arith.index_cast %mul3A_72 : i32 to index
      %swap3A_73 = tpu.vector_load %arg4[%swap3A] {strides = array<i32>} : memref<10240xf32, #tpu.memory_space<vmem>>, vector<16xf32>,
      tpu.vector_store %arg4[%swap3A], %broadcast_in_dim3A_1 {strides = array<i32>} : memref<10240xf32, #tpu.memory_space<vmem>>, vector<16xf32>,
    }
    %scan3A_6 = arith.constant 640 : i32
    %broadcast_in_dim3A_7 = arith.constant 1.000000e+00 : f32
    %broadcast_in_dim3A_8 = vector.broadcast %broadcast_in_dim3A_7 : f32 to vector<16xf32>
    %scan3A_9 = arith.constant 0 : i32
    %scan3A_10 = arith.constant 0 : i32
    %scan3A_11 = arith.constant 125 : i32
    %scan3A_12 = arith.addi %scan3A_10, %scan3A_11 : i32
    %scan3A_13 = arith.constant 1 : i32
    scf.for %scan3A_70 = %scan3A_10 to %scan3A_12 step %scan3A_13  : i32 {
      %mul3A_71 = arith.constant 5 : i32
      %mul3A_72 = arith.muli %scan3A_70, %mul3A_71 : i32
      %add3A_73 = arith.constant 0 : i32
      %add3A_74 = arith.addi %mul3A_72, %add3A_73 : i32
      %mul3A_75 = arith.constant 16 : i32
      %mul3A_76 = arith.muli %add3A_74, %mul3A_75 : i32
      %get3A = arith.index_cast %mul3A_76 : i32 to index
      %get3A_77 = tpu.vector_load %arg5[%get3A] {strides = array<i32>} : memref<10000xi32, #tpu.memory_space<vmem>>, vector<16xi32>,
      tpu.vector_store_idx %arg4[%get3A_77], %broadcast_in_dim3A_8 {add = true} : memref<10240xf32, #tpu.memory_space<vmem>>[vector<16xi32>], vector<16xf32>,
      %mul3A_78 = arith.constant 5 : i32
      %mul3A_79 = arith.muli %scan3A_70, %mul3A_78 : i32
      %add3A_80 = arith.constant 1 : i32
      %add3A_81 = arith.addi %mul3A_79, %add3A_80 : i32
      %mul3A_82 = arith.constant 16 : i32
      %mul3A_83 = arith.muli %add3A_81, %mul3A_82 : i32
      %get3A_84 = arith.index_cast %mul3A_83 : i32 to index
      %get3A_85 = tpu.vector_load %arg5[%get3A_84] {strides = array<i32>} : memref<10000xi32, #tpu.memory_space<vmem>>, vector<16xi32>,
      tpu.vector_store_idx %arg4[%get3A_85], %broadcast_in_dim3A_8 {add = true} : memref<10240xf32, #tpu.memory_space<vmem>>[vector<16xi32>], vector<16xf32>,
      %mul3A_86 = arith.constant 5 : i32
      %mul3A_87 = arith.muli %scan3A_70, %mul3A_86 : i32
      %add3A_88 = arith.constant 2 : i32
      %add3A_89 = arith.addi %mul3A_87, %add3A_88 : i32
      %mul3A_90 = arith.constant 16 : i32
      %mul3A_91 = arith.muli %add3A_89, %mul3A_90 : i32
      %get3A_92 = arith.index_cast %mul3A_91 : i32 to index
      %get3A_93 = tpu.vector_load %arg5[%get3A_92] {strides = array<i32>} : memref<10000xi32, #tpu.memory_space<vmem>>, vector<16xi32>,
      tpu.vector_store_idx %arg4[%get3A_93], %broadcast_in_dim3A_8 {add = true} : memref<10240xf32, #tpu.memory_space<vmem>>[vector<16xi32>], vector<16xf32>,
      %mul3A_94 = arith.constant 5 : i32
      %mul3A_95 = arith.muli %scan3A_70, %mul3A_94 : i32
      %add3A_96 = arith.constant 3 : i32
      %add3A_97 = arith.addi %mul3A_95, %add3A_96 : i32
      %mul3A_98 = arith.constant 16 : i32
      %mul3A_99 = arith.muli %add3A_97, %mul3A_98 : i32
      %get3A_100 = arith.index_cast %mul3A_99 : i32 to index
      %get3A_101 = tpu.vector_load %arg5[%get3A_100] {strides = array<i32>} : memref<10000xi32, #tpu.memory_space<vmem>>, vector<16xi32>,
      tpu.vector_store_idx %arg4[%get3A_101], %broadcast_in_dim3A_8 {add = true} : memref<10240xf32, #tpu.memory_space<vmem>>[vector<16xi32>], vector<16xf32>,
      %mul3A_102 = arith.constant 5 : i32
      %mul3A_103 = arith.muli %scan3A_70, %mul3A_102 : i32
      %add3A_104 = arith.constant 4 : i32
      %add3A_105 = arith.addi %mul3A_103, %add3A_104 : i32
      %mul3A_106 = arith.constant 16 : i32
      %mul3A_107 = arith.muli %add3A_105, %mul3A_106 : i32
      %get3A_108 = arith.index_cast %mul3A_107 : i32 to index
      %get3A_109 = tpu.vector_load %arg5[%get3A_108] {strides = array<i32>} : memref<10000xi32, #tpu.memory_space<vmem>>, vector<16xi32>,
      tpu.vector_store_idx %arg4[%get3A_109], %broadcast_in_dim3A_8 {add = true} : memref<10240xf32, #tpu.memory_space<vmem>>[vector<16xi32>], vector<16xf32>,
    }
    %scan3A_14 = arith.constant 125 : i32
    "tpu.region"() ({
      %run_scoped3A_70 = tpu.sem_alloc : memref<!tpu.dma_semaphore, #tpu.memory_space<semaphore_mem>>
      %dma_start3A = arith.constant 0 : i32
      %dma_start3A_71 = tpu.memref_slice %arg6[%arg1, %dma_start3A] : memref<16x10240xf32, #tpu.memory_space<vmem_shared>> -> memref<1x10240xf32, #tpu.memory_space<vmem_shared>>
      %dma_start3A_72 = tpu.memref_squeeze %dma_start3A_71 : memref<1x10240xf32, #tpu.memory_space<vmem_shared>> -> memref<10240xf32, #tpu.memory_space<vmem_shared>>
      %dma_start3A_73 = arith.constant 0 : i32
      %dma_start3A_74 = tpu.memref_slice %arg6[%arg1, %dma_start3A_73] : memref<16x10240xf32, #tpu.memory_space<vmem_shared>> -> memref<1x10240xf32, #tpu.memory_space<vmem_shared>>
      %dma_start3A_75 = tpu.memref_squeeze %dma_start3A_74 : memref<1x10240xf32, #tpu.memory_space<vmem_shared>> -> memref<10240xf32, #tpu.memory_space<vmem_shared>>
      tpu.enqueue_dma source(%arg4 : memref<10240xf32, #tpu.memory_space<vmem>>) target(%dma_start3A_75 : memref<10240xf32, #tpu.memory_space<vmem_shared>>) target_semaphore(%run_scoped3A_70 : memref<!tpu.dma_semaphore, #tpu.memory_space<semaphore_mem>>)
      %dma_wait3A = arith.constant 0 : i32
      %dma_wait3A_76 = tpu.memref_slice %arg6[%arg1, %dma_wait3A] : memref<16x10240xf32, #tpu.memory_space<vmem_shared>> -> memref<1x10240xf32, #tpu.memory_space<vmem_shared>>
      %dma_wait3A_77 = tpu.memref_squeeze %dma_wait3A_76 : memref<1x10240xf32, #tpu.memory_space<vmem_shared>> -> memref<10240xf32, #tpu.memory_space<vmem_shared>>
      %dma_wait3A_78 = arith.constant 0 : i32
      %dma_wait3A_79 = tpu.memref_slice %arg6[%arg1, %dma_wait3A_78] : memref<16x10240xf32, #tpu.memory_space<vmem_shared>> -> memref<1x10240xf32, #tpu.memory_space<vmem_shared>>
      %dma_wait3A_80 = tpu.memref_squeeze %dma_wait3A_79 : memref<1x10240xf32, #tpu.memory_space<vmem_shared>> -> memref<10240xf32, #tpu.memory_space<vmem_shared>>
      tpu.wait_dma2 semaphore(%run_scoped3A_70 : memref<!tpu.dma_semaphore, #tpu.memory_space<semaphore_mem>>) src(%arg4 : memref<10240xf32, #tpu.memory_space<vmem>>) dst(%dma_wait3A_80 : memref<10240xf32, #tpu.memory_space<vmem_shared>>)
      tpu.yield
    }) : () -> ()
    %barrier3A = arith.constant 0 : index
    tpu.barrier barrier_id(%barrier3A)
    %mul3A_15 = arith.constant 640 : i32
    %mul3A_16 = arith.muli %arg1, %mul3A_15 : i32
    %run_scoped3A = arith.constant 0 : i32
    "tpu.region"() ({
      %run_scoped3A_70 = tpu.sem_alloc : memref<!tpu.dma_semaphore, #tpu.memory_space<semaphore_mem>>
      %dma_start3A = arith.constant 0 : i32
      %dma_start3A_71 = tpu.memref_slice %arg7[%dma_start3A] : memref<10240xf32, #tpu.memory_space<vmem>> -> memref<640xf32, #tpu.memory_space<vmem>>
      %dma_start3A_72 = tpu.memref_slice %arg6[%run_scoped3A, %mul3A_16] : memref<16x10240xf32, #tpu.memory_space<vmem_shared>> -> memref<1x640xf32, #tpu.memory_space<vmem_shared>>
      %dma_start3A_73 = tpu.memref_squeeze %dma_start3A_72 : memref<1x640xf32, #tpu.memory_space<vmem_shared>> -> memref<640xf32, #tpu.memory_space<vmem_shared>>
      %dma_start3A_74 = arith.constant 0 : i32
      %dma_start3A_75 = tpu.memref_slice %arg7[%dma_start3A_74] : memref<10240xf32, #tpu.memory_space<vmem>> -> memref<640xf32, #tpu.memory_space<vmem>>
      %dma_start3A_76 = tpu.memref_slice %arg6[%run_scoped3A, %mul3A_16] : memref<16x10240xf32, #tpu.memory_space<vmem_shared>> -> memref<1x640xf32, #tpu.memory_space<vmem_shared>>
      %dma_start3A_77 = tpu.memref_squeeze %dma_start3A_76 : memref<1x640xf32, #tpu.memory_space<vmem_shared>> -> memref<640xf32, #tpu.memory_space<vmem_shared>>
      tpu.enqueue_dma source(%dma_start3A_77 : memref<640xf32, #tpu.memory_space<vmem_shared>>) target(%dma_start3A_75 : memref<640xf32, #tpu.memory_space<vmem>>) target_semaphore(%run_scoped3A_70 : memref<!tpu.dma_semaphore, #tpu.memory_space<semaphore_mem>>)
      %dma_wait3A = arith.constant 0 : i32
      %dma_wait3A_78 = tpu.memref_slice %arg7[%dma_wait3A] : memref<10240xf32, #tpu.memory_space<vmem>> -> memref<640xf32, #tpu.memory_space<vmem>>
      %dma_wait3A_79 = tpu.memref_slice %arg6[%run_scoped3A, %mul3A_16] : memref<16x10240xf32, #tpu.memory_space<vmem_shared>> -> memref<1x640xf32, #tpu.memory_space<vmem_shared>>
      %dma_wait3A_80 = tpu.memref_squeeze %dma_wait3A_79 : memref<1x640xf32, #tpu.memory_space<vmem_shared>> -> memref<640xf32, #tpu.memory_space<vmem_shared>>
      %dma_wait3A_81 = arith.constant 0 : i32
      %dma_wait3A_82 = tpu.memref_slice %arg7[%dma_wait3A_81] : memref<10240xf32, #tpu.memory_space<vmem>> -> memref<640xf32, #tpu.memory_space<vmem>>
      %dma_wait3A_83 = tpu.memref_slice %arg6[%run_scoped3A, %mul3A_16] : memref<16x10240xf32, #tpu.memory_space<vmem_shared>> -> memref<1x640xf32, #tpu.memory_space<vmem_shared>>
      %dma_wait3A_84 = tpu.memref_squeeze %dma_wait3A_83 : memref<1x640xf32, #tpu.memory_space<vmem_shared>> -> memref<640xf32, #tpu.memory_space<vmem_shared>>
      tpu.wait_dma2 semaphore(%run_scoped3A_70 : memref<!tpu.dma_semaphore, #tpu.memory_space<semaphore_mem>>) src(%dma_wait3A_84 : memref<640xf32, #tpu.memory_space<vmem_shared>>) dst(%dma_wait3A_82 : memref<640xf32, #tpu.memory_space<vmem>>)
      tpu.yield
    }) : () -> ()
    %mul3A_17 = arith.constant 640 : i32
    %mul3A_18 = arith.muli %arg1, %mul3A_17 : i32
    %run_scoped3A_19 = arith.constant 1 : i32
    "tpu.region"() ({
      %run_scoped3A_70 = tpu.sem_alloc : memref<!tpu.dma_semaphore, #tpu.memory_space<semaphore_mem>>
      %dma_start3A = arith.constant 640 : i32
      %dma_start3A_71 = tpu.memref_slice %arg7[%dma_start3A] : memref<10240xf32, #tpu.memory_space<vmem>> -> memref<640xf32, #tpu.memory_space<vmem>>
      %dma_start3A_72 = tpu.memref_slice %arg6[%run_scoped3A_19, %mul3A_18] : memref<16x10240xf32, #tpu.memory_space<vmem_shared>> -> memref<1x640xf32, #tpu.memory_space<vmem_shared>>
      %dma_start3A_73 = tpu.memref_squeeze %dma_start3A_72 : memref<1x640xf32, #tpu.memory_space<vmem_shared>> -> memref<640xf32, #tpu.memory_space<vmem_shared>>
      %dma_start3A_74 = arith.constant 640 : i32
      %dma_start3A_75 = tpu.memref_slice %arg7[%dma_start3A_74] : memref<10240xf32, #tpu.memory_space<vmem>> -> memref<640xf32, #tpu.memory_space<vmem>>
      %dma_start3A_76 = tpu.memref_slice %arg6[%run_scoped3A_19, %mul3A_18] : memref<16x10240xf32, #tpu.memory_space<vmem_shared>> -> memref<1x640xf32, #tpu.memory_space<vmem_shared>>
      %dma_start3A_77 = tpu.memref_squeeze %dma_start3A_76 : memref<1x640xf32, #tpu.memory_space<vmem_shared>> -> memref<640xf32, #tpu.memory_space<vmem_shared>>
      tpu.enqueue_dma source(%dma_start3A_77 : memref<640xf32, #tpu.memory_space<vmem_shared>>) target(%dma_start3A_75 : memref<640xf32, #tpu.memory_space<vmem>>) target_semaphore(%run_scoped3A_70 : memref<!tpu.dma_semaphore, #tpu.memory_space<semaphore_mem>>)
      %dma_wait3A = arith.constant 640 : i32
      %dma_wait3A_78 = tpu.memref_slice %arg7[%dma_wait3A] : memref<10240xf32, #tpu.memory_space<vmem>> -> memref<640xf32, #tpu.memory_space<vmem>>
      %dma_wait3A_79 = tpu.memref_slice %arg6[%run_scoped3A_19, %mul3A_18] : memref<16x10240xf32, #tpu.memory_space<vmem_shared>> -> memref<1x640xf32, #tpu.memory_space<vmem_shared>>
      %dma_wait3A_80 = tpu.memref_squeeze %dma_wait3A_79 : memref<1x640xf32, #tpu.memory_space<vmem_shared>> -> memref<640xf32, #tpu.memory_space<vmem_shared>>
      %dma_wait3A_81 = arith.constant 640 : i32
      %dma_wait3A_82 = tpu.memref_slice %arg7[%dma_wait3A_81] : memref<10240xf32, #tpu.memory_space<vmem>> -> memref<640xf32, #tpu.memory_space<vmem>>
      %dma_wait3A_83 = tpu.memref_slice %arg6[%run_scoped3A_19, %mul3A_18] : memref<16x10240xf32, #tpu.memory_space<vmem_shared>> -> memref<1x640xf32, #tpu.memory_space<vmem_shared>>
      %dma_wait3A_84 = tpu.memref_squeeze %dma_wait3A_83 : memref<1x640xf32, #tpu.memory_space<vmem_shared>> -> memref<640xf32, #tpu.memory_space<vmem_shared>>
      tpu.wait_dma2 semaphore(%run_scoped3A_70 : memref<!tpu.dma_semaphore, #tpu.memory_space<semaphore_mem>>) src(%dma_wait3A_84 : memref<640xf32, #tpu.memory_space<vmem_shared>>) dst(%dma_wait3A_82 : memref<640xf32, #tpu.memory_space<vmem>>)
      tpu.yield
    }) : () -> ()
    %mul3A_20 = arith.constant 640 : i32
    %mul3A_21 = arith.muli %arg1, %mul3A_20 : i32
    %run_scoped3A_22 = arith.constant 2 : i32
    "tpu.region"() ({
      %run_scoped3A_70 = tpu.sem_alloc : memref<!tpu.dma_semaphore, #tpu.memory_space<semaphore_mem>>
      %dma_start3A = arith.constant 1280 : i32
      %dma_start3A_71 = tpu.memref_slice %arg7[%dma_start3A] : memref<10240xf32, #tpu.memory_space<vmem>> -> memref<640xf32, #tpu.memory_space<vmem>>
      %dma_start3A_72 = tpu.memref_slice %arg6[%run_scoped3A_22, %mul3A_21] : memref<16x10240xf32, #tpu.memory_space<vmem_shared>> -> memref<1x640xf32, #tpu.memory_space<vmem_shared>>
      %dma_start3A_73 = tpu.memref_squeeze %dma_start3A_72 : memref<1x640xf32, #tpu.memory_space<vmem_shared>> -> memref<640xf32, #tpu.memory_space<vmem_shared>>
      %dma_start3A_74 = arith.constant 1280 : i32
      %dma_start3A_75 = tpu.memref_slice %arg7[%dma_start3A_74] : memref<10240xf32, #tpu.memory_space<vmem>> -> memref<640xf32, #tpu.memory_space<vmem>>
      %dma_start3A_76 = tpu.memref_slice %arg6[%run_scoped3A_22, %mul3A_21] : memref<16x10240xf32, #tpu.memory_space<vmem_shared>> -> memref<1x640xf32, #tpu.memory_space<vmem_shared>>
      %dma_start3A_77 = tpu.memref_squeeze %dma_start3A_76 : memref<1x640xf32, #tpu.memory_space<vmem_shared>> -> memref<640xf32, #tpu.memory_space<vmem_shared>>
      tpu.enqueue_dma source(%dma_start3A_77 : memref<640xf32, #tpu.memory_space<vmem_shared>>) target(%dma_start3A_75 : memref<640xf32, #tpu.memory_space<vmem>>) target_semaphore(%run_scoped3A_70 : memref<!tpu.dma_semaphore, #tpu.memory_space<semaphore_mem>>)
      %dma_wait3A = arith.constant 1280 : i32
      %dma_wait3A_78 = tpu.memref_slice %arg7[%dma_wait3A] : memref<10240xf32, #tpu.memory_space<vmem>> -> memref<640xf32, #tpu.memory_space<vmem>>
      %dma_wait3A_79 = tpu.memref_slice %arg6[%run_scoped3A_22, %mul3A_21] : memref<16x10240xf32, #tpu.memory_space<vmem_shared>> -> memref<1x640xf32, #tpu.memory_space<vmem_shared>>
      %dma_wait3A_80 = tpu.memref_squeeze %dma_wait3A_79 : memref<1x640xf32, #tpu.memory_space<vmem_shared>> -> memref<640xf32, #tpu.memory_space<vmem_shared>>
      %dma_wait3A_81 = arith.constant 1280 : i32
      %dma_wait3A_82 = tpu.memref_slice %arg7[%dma_wait3A_81] : memref<10240xf32, #tpu.memory_space<vmem>> -> memref<640xf32, #tpu.memory_space<vmem>>
      %dma_wait3A_83 = tpu.memref_slice %arg6[%run_scoped3A_22, %mul3A_21] : memref<16x10240xf32, #tpu.memory_space<vmem_shared>> -> memref<1x640xf32, #tpu.memory_space<vmem_shared>>
      %dma_wait3A_84 = tpu.memref_squeeze %dma_wait3A_83 : memref<1x640xf32, #tpu.memory_space<vmem_shared>> -> memref<640xf32, #tpu.memory_space<vmem_shared>>
      tpu.wait_dma2 semaphore(%run_scoped3A_70 : memref<!tpu.dma_semaphore, #tpu.memory_space<semaphore_mem>>) src(%dma_wait3A_84 : memref<640xf32, #tpu.memory_space<vmem_shared>>) dst(%dma_wait3A_82 : memref<640xf32, #tpu.memory_space<vmem>>)
      tpu.yield
    }) : () -> ()
    %mul3A_23 = arith.constant 640 : i32
    %mul3A_24 = arith.muli %arg1, %mul3A_23 : i32
    %run_scoped3A_25 = arith.constant 3 : i32
    "tpu.region"() ({
      %run_scoped3A_70 = tpu.sem_alloc : memref<!tpu.dma_semaphore, #tpu.memory_space<semaphore_mem>>
      %dma_start3A = arith.constant 1920 : i32
      %dma_start3A_71 = tpu.memref_slice %arg7[%dma_start3A] : memref<10240xf32, #tpu.memory_space<vmem>> -> memref<640xf32, #tpu.memory_space<vmem>>
      %dma_start3A_72 = tpu.memref_slice %arg6[%run_scoped3A_25, %mul3A_24] : memref<16x10240xf32, #tpu.memory_space<vmem_shared>> -> memref<1x640xf32, #tpu.memory_space<vmem_shared>>
      %dma_start3A_73 = tpu.memref_squeeze %dma_start3A_72 : memref<1x640xf32, #tpu.memory_space<vmem_shared>> -> memref<640xf32, #tpu.memory_space<vmem_shared>>
      %dma_start3A_74 = arith.constant 1920 : i32
      %dma_start3A_75 = tpu.memref_slice %arg7[%dma_start3A_74] : memref<10240xf32, #tpu.memory_space<vmem>> -> memref<640xf32, #tpu.memory_space<vmem>>
      %dma_start3A_76 = tpu.memref_slice %arg6[%run_scoped3A_25, %mul3A_24] : memref<16x10240xf32, #tpu.memory_space<vmem_shared>> -> memref<1x640xf32, #tpu.memory_space<vmem_shared>>
      %dma_start3A_77 = tpu.memref_squeeze %dma_start3A_76 : memref<1x640xf32, #tpu.memory_space<vmem_shared>> -> memref<640xf32, #tpu.memory_space<vmem_shared>>
      tpu.enqueue_dma source(%dma_start3A_77 : memref<640xf32, #tpu.memory_space<vmem_shared>>) target(%dma_start3A_75 : memref<640xf32, #tpu.memory_space<vmem>>) target_semaphore(%run_scoped3A_70 : memref<!tpu.dma_semaphore, #tpu.memory_space<semaphore_mem>>)
      %dma_wait3A = arith.constant 1920 : i32
      %dma_wait3A_78 = tpu.memref_slice %arg7[%dma_wait3A] : memref<10240xf32, #tpu.memory_space<vmem>> -> memref<640xf32, #tpu.memory_space<vmem>>
      %dma_wait3A_79 = tpu.memref_slice %arg6[%run_scoped3A_25, %mul3A_24] : memref<16x10240xf32, #tpu.memory_space<vmem_shared>> -> memref<1x640xf32, #tpu.memory_space<vmem_shared>>
      %dma_wait3A_80 = tpu.memref_squeeze %dma_wait3A_79 : memref<1x640xf32, #tpu.memory_space<vmem_shared>> -> memref<640xf32, #tpu.memory_space<vmem_shared>>
      %dma_wait3A_81 = arith.constant 1920 : i32
      %dma_wait3A_82 = tpu.memref_slice %arg7[%dma_wait3A_81] : memref<10240xf32, #tpu.memory_space<vmem>> -> memref<640xf32, #tpu.memory_space<vmem>>
      %dma_wait3A_83 = tpu.memref_slice %arg6[%run_scoped3A_25, %mul3A_24] : memref<16x10240xf32, #tpu.memory_space<vmem_shared>> -> memref<1x640xf32, #tpu.memory_space<vmem_shared>>
      %dma_wait3A_84 = tpu.memref_squeeze %dma_wait3A_83 : memref<1x640xf32, #tpu.memory_space<vmem_shared>> -> memref<640xf32, #tpu.memory_space<vmem_shared>>
      tpu.wait_dma2 semaphore(%run_scoped3A_70 : memref<!tpu.dma_semaphore, #tpu.memory_space<semaphore_mem>>) src(%dma_wait3A_84 : memref<640xf32, #tpu.memory_space<vmem_shared>>) dst(%dma_wait3A_82 : memref<640xf32, #tpu.memory_space<vmem>>)
      tpu.yield
    }) : () -> ()
    %mul3A_26 = arith.constant 640 : i32
    %mul3A_27 = arith.muli %arg1, %mul3A_26 : i32
    %run_scoped3A_28 = arith.constant 4 : i32
    "tpu.region"() ({
      %run_scoped3A_70 = tpu.sem_alloc : memref<!tpu.dma_semaphore, #tpu.memory_space<semaphore_mem>>
      %dma_start3A = arith.constant 2560 : i32
      %dma_start3A_71 = tpu.memref_slice %arg7[%dma_start3A] : memref<10240xf32, #tpu.memory_space<vmem>> -> memref<640xf32, #tpu.memory_space<vmem>>
      %dma_start3A_72 = tpu.memref_slice %arg6[%run_scoped3A_28, %mul3A_27] : memref<16x10240xf32, #tpu.memory_space<vmem_shared>> -> memref<1x640xf32, #tpu.memory_space<vmem_shared>>
      %dma_start3A_73 = tpu.memref_squeeze %dma_start3A_72 : memref<1x640xf32, #tpu.memory_space<vmem_shared>> -> memref<640xf32, #tpu.memory_space<vmem_shared>>
      %dma_start3A_74 = arith.constant 2560 : i32
      %dma_start3A_75 = tpu.memref_slice %arg7[%dma_start3A_74] : memref<10240xf32, #tpu.memory_space<vmem>> -> memref<640xf32, #tpu.memory_space<vmem>>
      %dma_start3A_76 = tpu.memref_slice %arg6[%run_scoped3A_28, %mul3A_27] : memref<16x10240xf32, #tpu.memory_space<vmem_shared>> -> memref<1x640xf32, #tpu.memory_space<vmem_shared>>
      %dma_start3A_77 = tpu.memref_squeeze %dma_start3A_76 : memref<1x640xf32, #tpu.memory_space<vmem_shared>> -> memref<640xf32, #tpu.memory_space<vmem_shared>>
      tpu.enqueue_dma source(%dma_start3A_77 : memref<640xf32, #tpu.memory_space<vmem_shared>>) target(%dma_start3A_75 : memref<640xf32, #tpu.memory_space<vmem>>) target_semaphore(%run_scoped3A_70 : memref<!tpu.dma_semaphore, #tpu.memory_space<semaphore_mem>>)
      %dma_wait3A = arith.constant 2560 : i32
      %dma_wait3A_78 = tpu.memref_slice %arg7[%dma_wait3A] : memref<10240xf32, #tpu.memory_space<vmem>> -> memref<640xf32, #tpu.memory_space<vmem>>
      %dma_wait3A_79 = tpu.memref_slice %arg6[%run_scoped3A_28, %mul3A_27] : memref<16x10240xf32, #tpu.memory_space<vmem_shared>> -> memref<1x640xf32, #tpu.memory_space<vmem_shared>>
      %dma_wait3A_80 = tpu.memref_squeeze %dma_wait3A_79 : memref<1x640xf32, #tpu.memory_space<vmem_shared>> -> memref<640xf32, #tpu.memory_space<vmem_shared>>
      %dma_wait3A_81 = arith.constant 2560 : i32
      %dma_wait3A_82 = tpu.memref_slice %arg7[%dma_wait3A_81] : memref<10240xf32, #tpu.memory_space<vmem>> -> memref<640xf32, #tpu.memory_space<vmem>>
      %dma_wait3A_83 = tpu.memref_slice %arg6[%run_scoped3A_28, %mul3A_27] : memref<16x10240xf32, #tpu.memory_space<vmem_shared>> -> memref<1x640xf32, #tpu.memory_space<vmem_shared>>
      %dma_wait3A_84 = tpu.memref_squeeze %dma_wait3A_83 : memref<1x640xf32, #tpu.memory_space<vmem_shared>> -> memref<640xf32, #tpu.memory_space<vmem_shared>>
      tpu.wait_dma2 semaphore(%run_scoped3A_70 : memref<!tpu.dma_semaphore, #tpu.memory_space<semaphore_mem>>) src(%dma_wait3A_84 : memref<640xf32, #tpu.memory_space<vmem_shared>>) dst(%dma_wait3A_82 : memref<640xf32, #tpu.memory_space<vmem>>)
      tpu.yield
    }) : () -> ()
    %mul3A_29 = arith.constant 640 : i32
    %mul3A_30 = arith.muli %arg1, %mul3A_29 : i32
    %run_scoped3A_31 = arith.constant 5 : i32
    "tpu.region"() ({
      %run_scoped3A_70 = tpu.sem_alloc : memref<!tpu.dma_semaphore, #tpu.memory_space<semaphore_mem>>
      %dma_start3A = arith.constant 3200 : i32
      %dma_start3A_71 = tpu.memref_slice %arg7[%dma_start3A] : memref<10240xf32, #tpu.memory_space<vmem>> -> memref<640xf32, #tpu.memory_space<vmem>>
      %dma_start3A_72 = tpu.memref_slice %arg6[%run_scoped3A_31, %mul3A_30] : memref<16x10240xf32, #tpu.memory_space<vmem_shared>> -> memref<1x640xf32, #tpu.memory_space<vmem_shared>>
      %dma_start3A_73 = tpu.memref_squeeze %dma_start3A_72 : memref<1x640xf32, #tpu.memory_space<vmem_shared>> -> memref<640xf32, #tpu.memory_space<vmem_shared>>
      %dma_start3A_74 = arith.constant 3200 : i32
      %dma_start3A_75 = tpu.memref_slice %arg7[%dma_start3A_74] : memref<10240xf32, #tpu.memory_space<vmem>> -> memref<640xf32, #tpu.memory_space<vmem>>
      %dma_start3A_76 = tpu.memref_slice %arg6[%run_scoped3A_31, %mul3A_30] : memref<16x10240xf32, #tpu.memory_space<vmem_shared>> -> memref<1x640xf32, #tpu.memory_space<vmem_shared>>
      %dma_start3A_77 = tpu.memref_squeeze %dma_start3A_76 : memref<1x640xf32, #tpu.memory_space<vmem_shared>> -> memref<640xf32, #tpu.memory_space<vmem_shared>>
      tpu.enqueue_dma source(%dma_start3A_77 : memref<640xf32, #tpu.memory_space<vmem_shared>>) target(%dma_start3A_75 : memref<640xf32, #tpu.memory_space<vmem>>) target_semaphore(%run_scoped3A_70 : memref<!tpu.dma_semaphore, #tpu.memory_space<semaphore_mem>>)
      %dma_wait3A = arith.constant 3200 : i32
      %dma_wait3A_78 = tpu.memref_slice %arg7[%dma_wait3A] : memref<10240xf32, #tpu.memory_space<vmem>> -> memref<640xf32, #tpu.memory_space<vmem>>
      %dma_wait3A_79 = tpu.memref_slice %arg6[%run_scoped3A_31, %mul3A_30] : memref<16x10240xf32, #tpu.memory_space<vmem_shared>> -> memref<1x640xf32, #tpu.memory_space<vmem_shared>>
      %dma_wait3A_80 = tpu.memref_squeeze %dma_wait3A_79 : memref<1x640xf32, #tpu.memory_space<vmem_shared>> -> memref<640xf32, #tpu.memory_space<vmem_shared>>
      %dma_wait3A_81 = arith.constant 3200 : i32
      %dma_wait3A_82 = tpu.memref_slice %arg7[%dma_wait3A_81] : memref<10240xf32, #tpu.memory_space<vmem>> -> memref<640xf32, #tpu.memory_space<vmem>>
      %dma_wait3A_83 = tpu.memref_slice %arg6[%run_scoped3A_31, %mul3A_30] : memref<16x10240xf32, #tpu.memory_space<vmem_shared>> -> memref<1x640xf32, #tpu.memory_space<vmem_shared>>
      %dma_wait3A_84 = tpu.memref_squeeze %dma_wait3A_83 : memref<1x640xf32, #tpu.memory_space<vmem_shared>> -> memref<640xf32, #tpu.memory_space<vmem_shared>>
      tpu.wait_dma2 semaphore(%run_scoped3A_70 : memref<!tpu.dma_semaphore, #tpu.memory_space<semaphore_mem>>) src(%dma_wait3A_84 : memref<640xf32, #tpu.memory_space<vmem_shared>>) dst(%dma_wait3A_82 : memref<640xf32, #tpu.memory_space<vmem>>)
      tpu.yield
    }) : () -> ()
    %mul3A_32 = arith.constant 640 : i32
    %mul3A_33 = arith.muli %arg1, %mul3A_32 : i32
    %run_scoped3A_34 = arith.constant 6 : i32
    "tpu.region"() ({
      %run_scoped3A_70 = tpu.sem_alloc : memref<!tpu.dma_semaphore, #tpu.memory_space<semaphore_mem>>
      %dma_start3A = arith.constant 3840 : i32
      %dma_start3A_71 = tpu.memref_slice %arg7[%dma_start3A] : memref<10240xf32, #tpu.memory_space<vmem>> -> memref<640xf32, #tpu.memory_space<vmem>>
      %dma_start3A_72 = tpu.memref_slice %arg6[%run_scoped3A_34, %mul3A_33] : memref<16x10240xf32, #tpu.memory_space<vmem_shared>> -> memref<1x640xf32, #tpu.memory_space<vmem_shared>>
      %dma_start3A_73 = tpu.memref_squeeze %dma_start3A_72 : memref<1x640xf32, #tpu.memory_space<vmem_shared>> -> memref<640xf32, #tpu.memory_space<vmem_shared>>
      %dma_start3A_74 = arith.constant 3840 : i32
      %dma_start3A_75 = tpu.memref_slice %arg7[%dma_start3A_74] : memref<10240xf32, #tpu.memory_space<vmem>> -> memref<640xf32, #tpu.memory_space<vmem>>
      %dma_start3A_76 = tpu.memref_slice %arg6[%run_scoped3A_34, %mul3A_33] : memref<16x10240xf32, #tpu.memory_space<vmem_shared>> -> memref<1x640xf32, #tpu.memory_space<vmem_shared>>
      %dma_start3A_77 = tpu.memref_squeeze %dma_start3A_76 : memref<1x640xf32, #tpu.memory_space<vmem_shared>> -> memref<640xf32, #tpu.memory_space<vmem_shared>>
      tpu.enqueue_dma source(%dma_start3A_77 : memref<640xf32, #tpu.memory_space<vmem_shared>>) target(%dma_start3A_75 : memref<640xf32, #tpu.memory_space<vmem>>) target_semaphore(%run_scoped3A_70 : memref<!tpu.dma_semaphore, #tpu.memory_space<semaphore_mem>>)
      %dma_wait3A = arith.constant 3840 : i32
      %dma_wait3A_78 = tpu.memref_slice %arg7[%dma_wait3A] : memref<10240xf32, #tpu.memory_space<vmem>> -> memref<640xf32, #tpu.memory_space<vmem>>
      %dma_wait3A_79 = tpu.memref_slice %arg6[%run_scoped3A_34, %mul3A_33] : memref<16x10240xf32, #tpu.memory_space<vmem_shared>> -> memref<1x640xf32, #tpu.memory_space<vmem_shared>>
      %dma_wait3A_80 = tpu.memref_squeeze %dma_wait3A_79 : memref<1x640xf32, #tpu.memory_space<vmem_shared>> -> memref<640xf32, #tpu.memory_space<vmem_shared>>
      %dma_wait3A_81 = arith.constant 3840 : i32
      %dma_wait3A_82 = tpu.memref_slice %arg7[%dma_wait3A_81] : memref<10240xf32, #tpu.memory_space<vmem>> -> memref<640xf32, #tpu.memory_space<vmem>>
      %dma_wait3A_83 = tpu.memref_slice %arg6[%run_scoped3A_34, %mul3A_33] : memref<16x10240xf32, #tpu.memory_space<vmem_shared>> -> memref<1x640xf32, #tpu.memory_space<vmem_shared>>
      %dma_wait3A_84 = tpu.memref_squeeze %dma_wait3A_83 : memref<1x640xf32, #tpu.memory_space<vmem_shared>> -> memref<640xf32, #tpu.memory_space<vmem_shared>>
      tpu.wait_dma2 semaphore(%run_scoped3A_70 : memref<!tpu.dma_semaphore, #tpu.memory_space<semaphore_mem>>) src(%dma_wait3A_84 : memref<640xf32, #tpu.memory_space<vmem_shared>>) dst(%dma_wait3A_82 : memref<640xf32, #tpu.memory_space<vmem>>)
      tpu.yield
    }) : () -> ()
    %mul3A_35 = arith.constant 640 : i32
    %mul3A_36 = arith.muli %arg1, %mul3A_35 : i32
    %run_scoped3A_37 = arith.constant 7 : i32
    "tpu.region"() ({
      %run_scoped3A_70 = tpu.sem_alloc : memref<!tpu.dma_semaphore, #tpu.memory_space<semaphore_mem>>
      %dma_start3A = arith.constant 4480 : i32
      %dma_start3A_71 = tpu.memref_slice %arg7[%dma_start3A] : memref<10240xf32, #tpu.memory_space<vmem>> -> memref<640xf32, #tpu.memory_space<vmem>>
      %dma_start3A_72 = tpu.memref_slice %arg6[%run_scoped3A_37, %mul3A_36] : memref<16x10240xf32, #tpu.memory_space<vmem_shared>> -> memref<1x640xf32, #tpu.memory_space<vmem_shared>>
      %dma_start3A_73 = tpu.memref_squeeze %dma_start3A_72 : memref<1x640xf32, #tpu.memory_space<vmem_shared>> -> memref<640xf32, #tpu.memory_space<vmem_shared>>
      %dma_start3A_74 = arith.constant 4480 : i32
      %dma_start3A_75 = tpu.memref_slice %arg7[%dma_start3A_74] : memref<10240xf32, #tpu.memory_space<vmem>> -> memref<640xf32, #tpu.memory_space<vmem>>
      %dma_start3A_76 = tpu.memref_slice %arg6[%run_scoped3A_37, %mul3A_36] : memref<16x10240xf32, #tpu.memory_space<vmem_shared>> -> memref<1x640xf32, #tpu.memory_space<vmem_shared>>
      %dma_start3A_77 = tpu.memref_squeeze %dma_start3A_76 : memref<1x640xf32, #tpu.memory_space<vmem_shared>> -> memref<640xf32, #tpu.memory_space<vmem_shared>>
      tpu.enqueue_dma source(%dma_start3A_77 : memref<640xf32, #tpu.memory_space<vmem_shared>>) target(%dma_start3A_75 : memref<640xf32, #tpu.memory_space<vmem>>) target_semaphore(%run_scoped3A_70 : memref<!tpu.dma_semaphore, #tpu.memory_space<semaphore_mem>>)
      %dma_wait3A = arith.constant 4480 : i32
      %dma_wait3A_78 = tpu.memref_slice %arg7[%dma_wait3A] : memref<10240xf32, #tpu.memory_space<vmem>> -> memref<640xf32, #tpu.memory_space<vmem>>
      %dma_wait3A_79 = tpu.memref_slice %arg6[%run_scoped3A_37, %mul3A_36] : memref<16x10240xf32, #tpu.memory_space<vmem_shared>> -> memref<1x640xf32, #tpu.memory_space<vmem_shared>>
      %dma_wait3A_80 = tpu.memref_squeeze %dma_wait3A_79 : memref<1x640xf32, #tpu.memory_space<vmem_shared>> -> memref<640xf32, #tpu.memory_space<vmem_shared>>
      %dma_wait3A_81 = arith.constant 4480 : i32
      %dma_wait3A_82 = tpu.memref_slice %arg7[%dma_wait3A_81] : memref<10240xf32, #tpu.memory_space<vmem>> -> memref<640xf32, #tpu.memory_space<vmem>>
      %dma_wait3A_83 = tpu.memref_slice %arg6[%run_scoped3A_37, %mul3A_36] : memref<16x10240xf32, #tpu.memory_space<vmem_shared>> -> memref<1x640xf32, #tpu.memory_space<vmem_shared>>
      %dma_wait3A_84 = tpu.memref_squeeze %dma_wait3A_83 : memref<1x640xf32, #tpu.memory_space<vmem_shared>> -> memref<640xf32, #tpu.memory_space<vmem_shared>>
      tpu.wait_dma2 semaphore(%run_scoped3A_70 : memref<!tpu.dma_semaphore, #tpu.memory_space<semaphore_mem>>) src(%dma_wait3A_84 : memref<640xf32, #tpu.memory_space<vmem_shared>>) dst(%dma_wait3A_82 : memref<640xf32, #tpu.memory_space<vmem>>)
      tpu.yield
    }) : () -> ()
    %mul3A_38 = arith.constant 640 : i32
    %mul3A_39 = arith.muli %arg1, %mul3A_38 : i32
    %run_scoped3A_40 = arith.constant 8 : i32
    "tpu.region"() ({
      %run_scoped3A_70 = tpu.sem_alloc : memref<!tpu.dma_semaphore, #tpu.memory_space<semaphore_mem>>
      %dma_start3A = arith.constant 5120 : i32
      %dma_start3A_71 = tpu.memref_slice %arg7[%dma_start3A] : memref<10240xf32, #tpu.memory_space<vmem>> -> memref<640xf32, #tpu.memory_space<vmem>>
      %dma_start3A_72 = tpu.memref_slice %arg6[%run_scoped3A_40, %mul3A_39] : memref<16x10240xf32, #tpu.memory_space<vmem_shared>> -> memref<1x640xf32, #tpu.memory_space<vmem_shared>>
      %dma_start3A_73 = tpu.memref_squeeze %dma_start3A_72 : memref<1x640xf32, #tpu.memory_space<vmem_shared>> -> memref<640xf32, #tpu.memory_space<vmem_shared>>
      %dma_start3A_74 = arith.constant 5120 : i32
      %dma_start3A_75 = tpu.memref_slice %arg7[%dma_start3A_74] : memref<10240xf32, #tpu.memory_space<vmem>> -> memref<640xf32, #tpu.memory_space<vmem>>
      %dma_start3A_76 = tpu.memref_slice %arg6[%run_scoped3A_40, %mul3A_39] : memref<16x10240xf32, #tpu.memory_space<vmem_shared>> -> memref<1x640xf32, #tpu.memory_space<vmem_shared>>
      %dma_start3A_77 = tpu.memref_squeeze %dma_start3A_76 : memref<1x640xf32, #tpu.memory_space<vmem_shared>> -> memref<640xf32, #tpu.memory_space<vmem_shared>>
      tpu.enqueue_dma source(%dma_start3A_77 : memref<640xf32, #tpu.memory_space<vmem_shared>>) target(%dma_start3A_75 : memref<640xf32, #tpu.memory_space<vmem>>) target_semaphore(%run_scoped3A_70 : memref<!tpu.dma_semaphore, #tpu.memory_space<semaphore_mem>>)
      %dma_wait3A = arith.constant 5120 : i32
      %dma_wait3A_78 = tpu.memref_slice %arg7[%dma_wait3A] : memref<10240xf32, #tpu.memory_space<vmem>> -> memref<640xf32, #tpu.memory_space<vmem>>
      %dma_wait3A_79 = tpu.memref_slice %arg6[%run_scoped3A_40, %mul3A_39] : memref<16x10240xf32, #tpu.memory_space<vmem_shared>> -> memref<1x640xf32, #tpu.memory_space<vmem_shared>>
      %dma_wait3A_80 = tpu.memref_squeeze %dma_wait3A_79 : memref<1x640xf32, #tpu.memory_space<vmem_shared>> -> memref<640xf32, #tpu.memory_space<vmem_shared>>
      %dma_wait3A_81 = arith.constant 5120 : i32
      %dma_wait3A_82 = tpu.memref_slice %arg7[%dma_wait3A_81] : memref<10240xf32, #tpu.memory_space<vmem>> -> memref<640xf32, #tpu.memory_space<vmem>>
      %dma_wait3A_83 = tpu.memref_slice %arg6[%run_scoped3A_40, %mul3A_39] : memref<16x10240xf32, #tpu.memory_space<vmem_shared>> -> memref<1x640xf32, #tpu.memory_space<vmem_shared>>
      %dma_wait3A_84 = tpu.memref_squeeze %dma_wait3A_83 : memref<1x640xf32, #tpu.memory_space<vmem_shared>> -> memref<640xf32, #tpu.memory_space<vmem_shared>>
      tpu.wait_dma2 semaphore(%run_scoped3A_70 : memref<!tpu.dma_semaphore, #tpu.memory_space<semaphore_mem>>) src(%dma_wait3A_84 : memref<640xf32, #tpu.memory_space<vmem_shared>>) dst(%dma_wait3A_82 : memref<640xf32, #tpu.memory_space<vmem>>)
      tpu.yield
    }) : () -> ()
    %mul3A_41 = arith.constant 640 : i32
    %mul3A_42 = arith.muli %arg1, %mul3A_41 : i32
    %run_scoped3A_43 = arith.constant 9 : i32
    "tpu.region"() ({
      %run_scoped3A_70 = tpu.sem_alloc : memref<!tpu.dma_semaphore, #tpu.memory_space<semaphore_mem>>
      %dma_start3A = arith.constant 5760 : i32
      %dma_start3A_71 = tpu.memref_slice %arg7[%dma_start3A] : memref<10240xf32, #tpu.memory_space<vmem>> -> memref<640xf32, #tpu.memory_space<vmem>>
      %dma_start3A_72 = tpu.memref_slice %arg6[%run_scoped3A_43, %mul3A_42] : memref<16x10240xf32, #tpu.memory_space<vmem_shared>> -> memref<1x640xf32, #tpu.memory_space<vmem_shared>>
      %dma_start3A_73 = tpu.memref_squeeze %dma_start3A_72 : memref<1x640xf32, #tpu.memory_space<vmem_shared>> -> memref<640xf32, #tpu.memory_space<vmem_shared>>
      %dma_start3A_74 = arith.constant 5760 : i32
      %dma_start3A_75 = tpu.memref_slice %arg7[%dma_start3A_74] : memref<10240xf32, #tpu.memory_space<vmem>> -> memref<640xf32, #tpu.memory_space<vmem>>
      %dma_start3A_76 = tpu.memref_slice %arg6[%run_scoped3A_43, %mul3A_42] : memref<16x10240xf32, #tpu.memory_space<vmem_shared>> -> memref<1x640xf32, #tpu.memory_space<vmem_shared>>
      %dma_start3A_77 = tpu.memref_squeeze %dma_start3A_76 : memref<1x640xf32, #tpu.memory_space<vmem_shared>> -> memref<640xf32, #tpu.memory_space<vmem_shared>>
      tpu.enqueue_dma source(%dma_start3A_77 : memref<640xf32, #tpu.memory_space<vmem_shared>>) target(%dma_start3A_75 : memref<640xf32, #tpu.memory_space<vmem>>) target_semaphore(%run_scoped3A_70 : memref<!tpu.dma_semaphore, #tpu.memory_space<semaphore_mem>>)
      %dma_wait3A = arith.constant 5760 : i32
      %dma_wait3A_78 = tpu.memref_slice %arg7[%dma_wait3A] : memref<10240xf32, #tpu.memory_space<vmem>> -> memref<640xf32, #tpu.memory_space<vmem>>
      %dma_wait3A_79 = tpu.memref_slice %arg6[%run_scoped3A_43, %mul3A_42] : memref<16x10240xf32, #tpu.memory_space<vmem_shared>> -> memref<1x640xf32, #tpu.memory_space<vmem_shared>>
      %dma_wait3A_80 = tpu.memref_squeeze %dma_wait3A_79 : memref<1x640xf32, #tpu.memory_space<vmem_shared>> -> memref<640xf32, #tpu.memory_space<vmem_shared>>
      %dma_wait3A_81 = arith.constant 5760 : i32
      %dma_wait3A_82 = tpu.memref_slice %arg7[%dma_wait3A_81] : memref<10240xf32, #tpu.memory_space<vmem>> -> memref<640xf32, #tpu.memory_space<vmem>>
      %dma_wait3A_83 = tpu.memref_slice %arg6[%run_scoped3A_43, %mul3A_42] : memref<16x10240xf32, #tpu.memory_space<vmem_shared>> -> memref<1x640xf32, #tpu.memory_space<vmem_shared>>
      %dma_wait3A_84 = tpu.memref_squeeze %dma_wait3A_83 : memref<1x640xf32, #tpu.memory_space<vmem_shared>> -> memref<640xf32, #tpu.memory_space<vmem_shared>>
      tpu.wait_dma2 semaphore(%run_scoped3A_70 : memref<!tpu.dma_semaphore, #tpu.memory_space<semaphore_mem>>) src(%dma_wait3A_84 : memref<640xf32, #tpu.memory_space<vmem_shared>>) dst(%dma_wait3A_82 : memref<640xf32, #tpu.memory_space<vmem>>)
      tpu.yield
    }) : () -> ()
    %mul3A_44 = arith.constant 640 : i32
    %mul3A_45 = arith.muli %arg1, %mul3A_44 : i32
    %run_scoped3A_46 = arith.constant 10 : i32
    "tpu.region"() ({
      %run_scoped3A_70 = tpu.sem_alloc : memref<!tpu.dma_semaphore, #tpu.memory_space<semaphore_mem>>
      %dma_start3A = arith.constant 6400 : i32
      %dma_start3A_71 = tpu.memref_slice %arg7[%dma_start3A] : memref<10240xf32, #tpu.memory_space<vmem>> -> memref<640xf32, #tpu.memory_space<vmem>>
      %dma_start3A_72 = tpu.memref_slice %arg6[%run_scoped3A_46, %mul3A_45] : memref<16x10240xf32, #tpu.memory_space<vmem_shared>> -> memref<1x640xf32, #tpu.memory_space<vmem_shared>>
      %dma_start3A_73 = tpu.memref_squeeze %dma_start3A_72 : memref<1x640xf32, #tpu.memory_space<vmem_shared>> -> memref<640xf32, #tpu.memory_space<vmem_shared>>
      %dma_start3A_74 = arith.constant 6400 : i32
      %dma_start3A_75 = tpu.memref_slice %arg7[%dma_start3A_74] : memref<10240xf32, #tpu.memory_space<vmem>> -> memref<640xf32, #tpu.memory_space<vmem>>
      %dma_start3A_76 = tpu.memref_slice %arg6[%run_scoped3A_46, %mul3A_45] : memref<16x10240xf32, #tpu.memory_space<vmem_shared>> -> memref<1x640xf32, #tpu.memory_space<vmem_shared>>
      %dma_start3A_77 = tpu.memref_squeeze %dma_start3A_76 : memref<1x640xf32, #tpu.memory_space<vmem_shared>> -> memref<640xf32, #tpu.memory_space<vmem_shared>>
      tpu.enqueue_dma source(%dma_start3A_77 : memref<640xf32, #tpu.memory_space<vmem_shared>>) target(%dma_start3A_75 : memref<640xf32, #tpu.memory_space<vmem>>) target_semaphore(%run_scoped3A_70 : memref<!tpu.dma_semaphore, #tpu.memory_space<semaphore_mem>>)
      %dma_wait3A = arith.constant 6400 : i32
      %dma_wait3A_78 = tpu.memref_slice %arg7[%dma_wait3A] : memref<10240xf32, #tpu.memory_space<vmem>> -> memref<640xf32, #tpu.memory_space<vmem>>
      %dma_wait3A_79 = tpu.memref_slice %arg6[%run_scoped3A_46, %mul3A_45] : memref<16x10240xf32, #tpu.memory_space<vmem_shared>> -> memref<1x640xf32, #tpu.memory_space<vmem_shared>>
      %dma_wait3A_80 = tpu.memref_squeeze %dma_wait3A_79 : memref<1x640xf32, #tpu.memory_space<vmem_shared>> -> memref<640xf32, #tpu.memory_space<vmem_shared>>
      %dma_wait3A_81 = arith.constant 6400 : i32
      %dma_wait3A_82 = tpu.memref_slice %arg7[%dma_wait3A_81] : memref<10240xf32, #tpu.memory_space<vmem>> -> memref<640xf32, #tpu.memory_space<vmem>>
      %dma_wait3A_83 = tpu.memref_slice %arg6[%run_scoped3A_46, %mul3A_45] : memref<16x10240xf32, #tpu.memory_space<vmem_shared>> -> memref<1x640xf32, #tpu.memory_space<vmem_shared>>
      %dma_wait3A_84 = tpu.memref_squeeze %dma_wait3A_83 : memref<1x640xf32, #tpu.memory_space<vmem_shared>> -> memref<640xf32, #tpu.memory_space<vmem_shared>>
      tpu.wait_dma2 semaphore(%run_scoped3A_70 : memref<!tpu.dma_semaphore, #tpu.memory_space<semaphore_mem>>) src(%dma_wait3A_84 : memref<640xf32, #tpu.memory_space<vmem_shared>>) dst(%dma_wait3A_82 : memref<640xf32, #tpu.memory_space<vmem>>)
      tpu.yield
    }) : () -> ()
    %mul3A_47 = arith.constant 640 : i32
    %mul3A_48 = arith.muli %arg1, %mul3A_47 : i32
    %run_scoped3A_49 = arith.constant 11 : i32
    "tpu.region"() ({
      %run_scoped3A_70 = tpu.sem_alloc : memref<!tpu.dma_semaphore, #tpu.memory_space<semaphore_mem>>
      %dma_start3A = arith.constant 7040 : i32
      %dma_start3A_71 = tpu.memref_slice %arg7[%dma_start3A] : memref<10240xf32, #tpu.memory_space<vmem>> -> memref<640xf32, #tpu.memory_space<vmem>>
      %dma_start3A_72 = tpu.memref_slice %arg6[%run_scoped3A_49, %mul3A_48] : memref<16x10240xf32, #tpu.memory_space<vmem_shared>> -> memref<1x640xf32, #tpu.memory_space<vmem_shared>>
      %dma_start3A_73 = tpu.memref_squeeze %dma_start3A_72 : memref<1x640xf32, #tpu.memory_space<vmem_shared>> -> memref<640xf32, #tpu.memory_space<vmem_shared>>
      %dma_start3A_74 = arith.constant 7040 : i32
      %dma_start3A_75 = tpu.memref_slice %arg7[%dma_start3A_74] : memref<10240xf32, #tpu.memory_space<vmem>> -> memref<640xf32, #tpu.memory_space<vmem>>
      %dma_start3A_76 = tpu.memref_slice %arg6[%run_scoped3A_49, %mul3A_48] : memref<16x10240xf32, #tpu.memory_space<vmem_shared>> -> memref<1x640xf32, #tpu.memory_space<vmem_shared>>
      %dma_start3A_77 = tpu.memref_squeeze %dma_start3A_76 : memref<1x640xf32, #tpu.memory_space<vmem_shared>> -> memref<640xf32, #tpu.memory_space<vmem_shared>>
      tpu.enqueue_dma source(%dma_start3A_77 : memref<640xf32, #tpu.memory_space<vmem_shared>>) target(%dma_start3A_75 : memref<640xf32, #tpu.memory_space<vmem>>) target_semaphore(%run_scoped3A_70 : memref<!tpu.dma_semaphore, #tpu.memory_space<semaphore_mem>>)
      %dma_wait3A = arith.constant 7040 : i32
      %dma_wait3A_78 = tpu.memref_slice %arg7[%dma_wait3A] : memref<10240xf32, #tpu.memory_space<vmem>> -> memref<640xf32, #tpu.memory_space<vmem>>
      %dma_wait3A_79 = tpu.memref_slice %arg6[%run_scoped3A_49, %mul3A_48] : memref<16x10240xf32, #tpu.memory_space<vmem_shared>> -> memref<1x640xf32, #tpu.memory_space<vmem_shared>>
      %dma_wait3A_80 = tpu.memref_squeeze %dma_wait3A_79 : memref<1x640xf32, #tpu.memory_space<vmem_shared>> -> memref<640xf32, #tpu.memory_space<vmem_shared>>
      %dma_wait3A_81 = arith.constant 7040 : i32
      %dma_wait3A_82 = tpu.memref_slice %arg7[%dma_wait3A_81] : memref<10240xf32, #tpu.memory_space<vmem>> -> memref<640xf32, #tpu.memory_space<vmem>>
      %dma_wait3A_83 = tpu.memref_slice %arg6[%run_scoped3A_49, %mul3A_48] : memref<16x10240xf32, #tpu.memory_space<vmem_shared>> -> memref<1x640xf32, #tpu.memory_space<vmem_shared>>
      %dma_wait3A_84 = tpu.memref_squeeze %dma_wait3A_83 : memref<1x640xf32, #tpu.memory_space<vmem_shared>> -> memref<640xf32, #tpu.memory_space<vmem_shared>>
      tpu.wait_dma2 semaphore(%run_scoped3A_70 : memref<!tpu.dma_semaphore, #tpu.memory_space<semaphore_mem>>) src(%dma_wait3A_84 : memref<640xf32, #tpu.memory_space<vmem_shared>>) dst(%dma_wait3A_82 : memref<640xf32, #tpu.memory_space<vmem>>)
      tpu.yield
    }) : () -> ()
    %mul3A_50 = arith.constant 640 : i32
    %mul3A_51 = arith.muli %arg1, %mul3A_50 : i32
    %run_scoped3A_52 = arith.constant 12 : i32
    "tpu.region"() ({
      %run_scoped3A_70 = tpu.sem_alloc : memref<!tpu.dma_semaphore, #tpu.memory_space<semaphore_mem>>
      %dma_start3A = arith.constant 7680 : i32
      %dma_start3A_71 = tpu.memref_slice %arg7[%dma_start3A] : memref<10240xf32, #tpu.memory_space<vmem>> -> memref<640xf32, #tpu.memory_space<vmem>>
      %dma_start3A_72 = tpu.memref_slice %arg6[%run_scoped3A_52, %mul3A_51] : memref<16x10240xf32, #tpu.memory_space<vmem_shared>> -> memref<1x640xf32, #tpu.memory_space<vmem_shared>>
      %dma_start3A_73 = tpu.memref_squeeze %dma_start3A_72 : memref<1x640xf32, #tpu.memory_space<vmem_shared>> -> memref<640xf32, #tpu.memory_space<vmem_shared>>
      %dma_start3A_74 = arith.constant 7680 : i32
      %dma_start3A_75 = tpu.memref_slice %arg7[%dma_start3A_74] : memref<10240xf32, #tpu.memory_space<vmem>> -> memref<640xf32, #tpu.memory_space<vmem>>
      %dma_start3A_76 = tpu.memref_slice %arg6[%run_scoped3A_52, %mul3A_51] : memref<16x10240xf32, #tpu.memory_space<vmem_shared>> -> memref<1x640xf32, #tpu.memory_space<vmem_shared>>
      %dma_start3A_77 = tpu.memref_squeeze %dma_start3A_76 : memref<1x640xf32, #tpu.memory_space<vmem_shared>> -> memref<640xf32, #tpu.memory_space<vmem_shared>>
      tpu.enqueue_dma source(%dma_start3A_77 : memref<640xf32, #tpu.memory_space<vmem_shared>>) target(%dma_start3A_75 : memref<640xf32, #tpu.memory_space<vmem>>) target_semaphore(%run_scoped3A_70 : memref<!tpu.dma_semaphore, #tpu.memory_space<semaphore_mem>>)
      %dma_wait3A = arith.constant 7680 : i32
      %dma_wait3A_78 = tpu.memref_slice %arg7[%dma_wait3A] : memref<10240xf32, #tpu.memory_space<vmem>> -> memref<640xf32, #tpu.memory_space<vmem>>
      %dma_wait3A_79 = tpu.memref_slice %arg6[%run_scoped3A_52, %mul3A_51] : memref<16x10240xf32, #tpu.memory_space<vmem_shared>> -> memref<1x640xf32, #tpu.memory_space<vmem_shared>>
      %dma_wait3A_80 = tpu.memref_squeeze %dma_wait3A_79 : memref<1x640xf32, #tpu.memory_space<vmem_shared>> -> memref<640xf32, #tpu.memory_space<vmem_shared>>
      %dma_wait3A_81 = arith.constant 7680 : i32
      %dma_wait3A_82 = tpu.memref_slice %arg7[%dma_wait3A_81] : memref<10240xf32, #tpu.memory_space<vmem>> -> memref<640xf32, #tpu.memory_space<vmem>>
      %dma_wait3A_83 = tpu.memref_slice %arg6[%run_scoped3A_52, %mul3A_51] : memref<16x10240xf32, #tpu.memory_space<vmem_shared>> -> memref<1x640xf32, #tpu.memory_space<vmem_shared>>
      %dma_wait3A_84 = tpu.memref_squeeze %dma_wait3A_83 : memref<1x640xf32, #tpu.memory_space<vmem_shared>> -> memref<640xf32, #tpu.memory_space<vmem_shared>>
      tpu.wait_dma2 semaphore(%run_scoped3A_70 : memref<!tpu.dma_semaphore, #tpu.memory_space<semaphore_mem>>) src(%dma_wait3A_84 : memref<640xf32, #tpu.memory_space<vmem_shared>>) dst(%dma_wait3A_82 : memref<640xf32, #tpu.memory_space<vmem>>)
      tpu.yield
    }) : () -> ()
    %mul3A_53 = arith.constant 640 : i32
    %mul3A_54 = arith.muli %arg1, %mul3A_53 : i32
    %run_scoped3A_55 = arith.constant 13 : i32
    "tpu.region"() ({
      %run_scoped3A_70 = tpu.sem_alloc : memref<!tpu.dma_semaphore, #tpu.memory_space<semaphore_mem>>
      %dma_start3A = arith.constant 8320 : i32
      %dma_start3A_71 = tpu.memref_slice %arg7[%dma_start3A] : memref<10240xf32, #tpu.memory_space<vmem>> -> memref<640xf32, #tpu.memory_space<vmem>>
      %dma_start3A_72 = tpu.memref_slice %arg6[%run_scoped3A_55, %mul3A_54] : memref<16x10240xf32, #tpu.memory_space<vmem_shared>> -> memref<1x640xf32, #tpu.memory_space<vmem_shared>>
      %dma_start3A_73 = tpu.memref_squeeze %dma_start3A_72 : memref<1x640xf32, #tpu.memory_space<vmem_shared>> -> memref<640xf32, #tpu.memory_space<vmem_shared>>
      %dma_start3A_74 = arith.constant 8320 : i32
      %dma_start3A_75 = tpu.memref_slice %arg7[%dma_start3A_74] : memref<10240xf32, #tpu.memory_space<vmem>> -> memref<640xf32, #tpu.memory_space<vmem>>
      %dma_start3A_76 = tpu.memref_slice %arg6[%run_scoped3A_55, %mul3A_54] : memref<16x10240xf32, #tpu.memory_space<vmem_shared>> -> memref<1x640xf32, #tpu.memory_space<vmem_shared>>
      %dma_start3A_77 = tpu.memref_squeeze %dma_start3A_76 : memref<1x640xf32, #tpu.memory_space<vmem_shared>> -> memref<640xf32, #tpu.memory_space<vmem_shared>>
      tpu.enqueue_dma source(%dma_start3A_77 : memref<640xf32, #tpu.memory_space<vmem_shared>>) target(%dma_start3A_75 : memref<640xf32, #tpu.memory_space<vmem>>) target_semaphore(%run_scoped3A_70 : memref<!tpu.dma_semaphore, #tpu.memory_space<semaphore_mem>>)
      %dma_wait3A = arith.constant 8320 : i32
      %dma_wait3A_78 = tpu.memref_slice %arg7[%dma_wait3A] : memref<10240xf32, #tpu.memory_space<vmem>> -> memref<640xf32, #tpu.memory_space<vmem>>
      %dma_wait3A_79 = tpu.memref_slice %arg6[%run_scoped3A_55, %mul3A_54] : memref<16x10240xf32, #tpu.memory_space<vmem_shared>> -> memref<1x640xf32, #tpu.memory_space<vmem_shared>>
      %dma_wait3A_80 = tpu.memref_squeeze %dma_wait3A_79 : memref<1x640xf32, #tpu.memory_space<vmem_shared>> -> memref<640xf32, #tpu.memory_space<vmem_shared>>
      %dma_wait3A_81 = arith.constant 8320 : i32
      %dma_wait3A_82 = tpu.memref_slice %arg7[%dma_wait3A_81] : memref<10240xf32, #tpu.memory_space<vmem>> -> memref<640xf32, #tpu.memory_space<vmem>>
      %dma_wait3A_83 = tpu.memref_slice %arg6[%run_scoped3A_55, %mul3A_54] : memref<16x10240xf32, #tpu.memory_space<vmem_shared>> -> memref<1x640xf32, #tpu.memory_space<vmem_shared>>
      %dma_wait3A_84 = tpu.memref_squeeze %dma_wait3A_83 : memref<1x640xf32, #tpu.memory_space<vmem_shared>> -> memref<640xf32, #tpu.memory_space<vmem_shared>>
      tpu.wait_dma2 semaphore(%run_scoped3A_70 : memref<!tpu.dma_semaphore, #tpu.memory_space<semaphore_mem>>) src(%dma_wait3A_84 : memref<640xf32, #tpu.memory_space<vmem_shared>>) dst(%dma_wait3A_82 : memref<640xf32, #tpu.memory_space<vmem>>)
      tpu.yield
    }) : () -> ()
    %mul3A_56 = arith.constant 640 : i32
    %mul3A_57 = arith.muli %arg1, %mul3A_56 : i32
    %run_scoped3A_58 = arith.constant 14 : i32
    "tpu.region"() ({
      %run_scoped3A_70 = tpu.sem_alloc : memref<!tpu.dma_semaphore, #tpu.memory_space<semaphore_mem>>
      %dma_start3A = arith.constant 8960 : i32
      %dma_start3A_71 = tpu.memref_slice %arg7[%dma_start3A] : memref<10240xf32, #tpu.memory_space<vmem>> -> memref<640xf32, #tpu.memory_space<vmem>>
      %dma_start3A_72 = tpu.memref_slice %arg6[%run_scoped3A_58, %mul3A_57] : memref<16x10240xf32, #tpu.memory_space<vmem_shared>> -> memref<1x640xf32, #tpu.memory_space<vmem_shared>>
      %dma_start3A_73 = tpu.memref_squeeze %dma_start3A_72 : memref<1x640xf32, #tpu.memory_space<vmem_shared>> -> memref<640xf32, #tpu.memory_space<vmem_shared>>
      %dma_start3A_74 = arith.constant 8960 : i32
      %dma_start3A_75 = tpu.memref_slice %arg7[%dma_start3A_74] : memref<10240xf32, #tpu.memory_space<vmem>> -> memref<640xf32, #tpu.memory_space<vmem>>
      %dma_start3A_76 = tpu.memref_slice %arg6[%run_scoped3A_58, %mul3A_57] : memref<16x10240xf32, #tpu.memory_space<vmem_shared>> -> memref<1x640xf32, #tpu.memory_space<vmem_shared>>
      %dma_start3A_77 = tpu.memref_squeeze %dma_start3A_76 : memref<1x640xf32, #tpu.memory_space<vmem_shared>> -> memref<640xf32, #tpu.memory_space<vmem_shared>>
      tpu.enqueue_dma source(%dma_start3A_77 : memref<640xf32, #tpu.memory_space<vmem_shared>>) target(%dma_start3A_75 : memref<640xf32, #tpu.memory_space<vmem>>) target_semaphore(%run_scoped3A_70 : memref<!tpu.dma_semaphore, #tpu.memory_space<semaphore_mem>>)
      %dma_wait3A = arith.constant 8960 : i32
      %dma_wait3A_78 = tpu.memref_slice %arg7[%dma_wait3A] : memref<10240xf32, #tpu.memory_space<vmem>> -> memref<640xf32, #tpu.memory_space<vmem>>
      %dma_wait3A_79 = tpu.memref_slice %arg6[%run_scoped3A_58, %mul3A_57] : memref<16x10240xf32, #tpu.memory_space<vmem_shared>> -> memref<1x640xf32, #tpu.memory_space<vmem_shared>>
      %dma_wait3A_80 = tpu.memref_squeeze %dma_wait3A_79 : memref<1x640xf32, #tpu.memory_space<vmem_shared>> -> memref<640xf32, #tpu.memory_space<vmem_shared>>
      %dma_wait3A_81 = arith.constant 8960 : i32
      %dma_wait3A_82 = tpu.memref_slice %arg7[%dma_wait3A_81] : memref<10240xf32, #tpu.memory_space<vmem>> -> memref<640xf32, #tpu.memory_space<vmem>>
      %dma_wait3A_83 = tpu.memref_slice %arg6[%run_scoped3A_58, %mul3A_57] : memref<16x10240xf32, #tpu.memory_space<vmem_shared>> -> memref<1x640xf32, #tpu.memory_space<vmem_shared>>
      %dma_wait3A_84 = tpu.memref_squeeze %dma_wait3A_83 : memref<1x640xf32, #tpu.memory_space<vmem_shared>> -> memref<640xf32, #tpu.memory_space<vmem_shared>>
      tpu.wait_dma2 semaphore(%run_scoped3A_70 : memref<!tpu.dma_semaphore, #tpu.memory_space<semaphore_mem>>) src(%dma_wait3A_84 : memref<640xf32, #tpu.memory_space<vmem_shared>>) dst(%dma_wait3A_82 : memref<640xf32, #tpu.memory_space<vmem>>)
      tpu.yield
    }) : () -> ()
    %mul3A_59 = arith.constant 640 : i32
    %mul3A_60 = arith.muli %arg1, %mul3A_59 : i32
    %run_scoped3A_61 = arith.constant 15 : i32
    "tpu.region"() ({
      %run_scoped3A_70 = tpu.sem_alloc : memref<!tpu.dma_semaphore, #tpu.memory_space<semaphore_mem>>
      %dma_start3A = arith.constant 9600 : i32
      %dma_start3A_71 = tpu.memref_slice %arg7[%dma_start3A] : memref<10240xf32, #tpu.memory_space<vmem>> -> memref<640xf32, #tpu.memory_space<vmem>>
      %dma_start3A_72 = tpu.memref_slice %arg6[%run_scoped3A_61, %mul3A_60] : memref<16x10240xf32, #tpu.memory_space<vmem_shared>> -> memref<1x640xf32, #tpu.memory_space<vmem_shared>>
      %dma_start3A_73 = tpu.memref_squeeze %dma_start3A_72 : memref<1x640xf32, #tpu.memory_space<vmem_shared>> -> memref<640xf32, #tpu.memory_space<vmem_shared>>
      %dma_start3A_74 = arith.constant 9600 : i32
      %dma_start3A_75 = tpu.memref_slice %arg7[%dma_start3A_74] : memref<10240xf32, #tpu.memory_space<vmem>> -> memref<640xf32, #tpu.memory_space<vmem>>
      %dma_start3A_76 = tpu.memref_slice %arg6[%run_scoped3A_61, %mul3A_60] : memref<16x10240xf32, #tpu.memory_space<vmem_shared>> -> memref<1x640xf32, #tpu.memory_space<vmem_shared>>
      %dma_start3A_77 = tpu.memref_squeeze %dma_start3A_76 : memref<1x640xf32, #tpu.memory_space<vmem_shared>> -> memref<640xf32, #tpu.memory_space<vmem_shared>>
      tpu.enqueue_dma source(%dma_start3A_77 : memref<640xf32, #tpu.memory_space<vmem_shared>>) target(%dma_start3A_75 : memref<640xf32, #tpu.memory_space<vmem>>) target_semaphore(%run_scoped3A_70 : memref<!tpu.dma_semaphore, #tpu.memory_space<semaphore_mem>>)
      %dma_wait3A = arith.constant 9600 : i32
      %dma_wait3A_78 = tpu.memref_slice %arg7[%dma_wait3A] : memref<10240xf32, #tpu.memory_space<vmem>> -> memref<640xf32, #tpu.memory_space<vmem>>
      %dma_wait3A_79 = tpu.memref_slice %arg6[%run_scoped3A_61, %mul3A_60] : memref<16x10240xf32, #tpu.memory_space<vmem_shared>> -> memref<1x640xf32, #tpu.memory_space<vmem_shared>>
      %dma_wait3A_80 = tpu.memref_squeeze %dma_wait3A_79 : memref<1x640xf32, #tpu.memory_space<vmem_shared>> -> memref<640xf32, #tpu.memory_space<vmem_shared>>
      %dma_wait3A_81 = arith.constant 9600 : i32
      %dma_wait3A_82 = tpu.memref_slice %arg7[%dma_wait3A_81] : memref<10240xf32, #tpu.memory_space<vmem>> -> memref<640xf32, #tpu.memory_space<vmem>>
      %dma_wait3A_83 = tpu.memref_slice %arg6[%run_scoped3A_61, %mul3A_60] : memref<16x10240xf32, #tpu.memory_space<vmem_shared>> -> memref<1x640xf32, #tpu.memory_space<vmem_shared>>
      %dma_wait3A_84 = tpu.memref_squeeze %dma_wait3A_83 : memref<1x640xf32, #tpu.memory_space<vmem_shared>> -> memref<640xf32, #tpu.memory_space<vmem_shared>>
      tpu.wait_dma2 semaphore(%run_scoped3A_70 : memref<!tpu.dma_semaphore, #tpu.memory_space<semaphore_mem>>) src(%dma_wait3A_84 : memref<640xf32, #tpu.memory_space<vmem_shared>>) dst(%dma_wait3A_82 : memref<640xf32, #tpu.memory_space<vmem>>)
      tpu.yield
    }) : () -> ()
    %scan3A_62 = arith.constant 0 : i32
    %scan3A_63 = arith.constant 0 : i32
    %scan3A_64 = arith.constant 40 : i32
    %scan3A_65 = arith.addi %scan3A_63, %scan3A_64 : i32
    %scan3A_66 = arith.constant 1 : i32
    scf.for %scan3A_70 = %scan3A_63 to %scan3A_65 step %scan3A_66  : i32 {
      %mul3A_71 = arith.constant 16 : i32
      %mul3A_72 = arith.muli %scan3A_70, %mul3A_71 : i32
      %get3A = arith.index_cast %mul3A_72 : i32 to index
      %get3A_73 = tpu.vector_load %arg7[%get3A] {strides = array<i32>} : memref<10240xf32, #tpu.memory_space<vmem>>, vector<16xf32>,
      %mul3A_74 = arith.constant 16 : i32
      %mul3A_75 = arith.muli %scan3A_70, %mul3A_74 : i32
      %add3A_76 = arith.constant 640 : i32
      %add3A_77 = arith.addi %add3A_76, %mul3A_75 : i32
      %get3A_78 = arith.index_cast %add3A_77 : i32 to index
      %get3A_79 = tpu.vector_load %arg7[%get3A_78] {strides = array<i32>} : memref<10240xf32, #tpu.memory_space<vmem>>, vector<16xf32>,
      %add3A_80 = arith.addf %get3A_73, %get3A_79 : vector<16xf32>
      %mul3A_81 = arith.constant 16 : i32
      %mul3A_82 = arith.muli %scan3A_70, %mul3A_81 : i32
      %add3A_83 = arith.constant 1280 : i32
      %add3A_84 = arith.addi %add3A_83, %mul3A_82 : i32
      %get3A_85 = arith.index_cast %add3A_84 : i32 to index
      %get3A_86 = tpu.vector_load %arg7[%get3A_85] {strides = array<i32>} : memref<10240xf32, #tpu.memory_space<vmem>>, vector<16xf32>,
      %add3A_87 = arith.addf %add3A_80, %get3A_86 : vector<16xf32>
      %mul3A_88 = arith.constant 16 : i32
      %mul3A_89 = arith.muli %scan3A_70, %mul3A_88 : i32
      %add3A_90 = arith.constant 1920 : i32
      %add3A_91 = arith.addi %add3A_90, %mul3A_89 : i32
      %get3A_92 = arith.index_cast %add3A_91 : i32 to index
      %get3A_93 = tpu.vector_load %arg7[%get3A_92] {strides = array<i32>} : memref<10240xf32, #tpu.memory_space<vmem>>, vector<16xf32>,
      %add3A_94 = arith.addf %add3A_87, %get3A_93 : vector<16xf32>
      %mul3A_95 = arith.constant 16 : i32
      %mul3A_96 = arith.muli %scan3A_70, %mul3A_95 : i32
      %add3A_97 = arith.constant 2560 : i32
      %add3A_98 = arith.addi %add3A_97, %mul3A_96 : i32
      %get3A_99 = arith.index_cast %add3A_98 : i32 to index
      %get3A_100 = tpu.vector_load %arg7[%get3A_99] {strides = array<i32>} : memref<10240xf32, #tpu.memory_space<vmem>>, vector<16xf32>,
      %add3A_101 = arith.addf %add3A_94, %get3A_100 : vector<16xf32>
      %mul3A_102 = arith.constant 16 : i32
      %mul3A_103 = arith.muli %scan3A_70, %mul3A_102 : i32
      %add3A_104 = arith.constant 3200 : i32
      %add3A_105 = arith.addi %add3A_104, %mul3A_103 : i32
      %get3A_106 = arith.index_cast %add3A_105 : i32 to index
      %get3A_107 = tpu.vector_load %arg7[%get3A_106] {strides = array<i32>} : memref<10240xf32, #tpu.memory_space<vmem>>, vector<16xf32>,
      %add3A_108 = arith.addf %add3A_101, %get3A_107 : vector<16xf32>
      %mul3A_109 = arith.constant 16 : i32
      %mul3A_110 = arith.muli %scan3A_70, %mul3A_109 : i32
      %add3A_111 = arith.constant 3840 : i32
      %add3A_112 = arith.addi %add3A_111, %mul3A_110 : i32
      %get3A_113 = arith.index_cast %add3A_112 : i32 to index
      %get3A_114 = tpu.vector_load %arg7[%get3A_113] {strides = array<i32>} : memref<10240xf32, #tpu.memory_space<vmem>>, vector<16xf32>,
      %add3A_115 = arith.addf %add3A_108, %get3A_114 : vector<16xf32>
      %mul3A_116 = arith.constant 16 : i32
      %mul3A_117 = arith.muli %scan3A_70, %mul3A_116 : i32
      %add3A_118 = arith.constant 4480 : i32
      %add3A_119 = arith.addi %add3A_118, %mul3A_117 : i32
      %get3A_120 = arith.index_cast %add3A_119 : i32 to index
      %get3A_121 = tpu.vector_load %arg7[%get3A_120] {strides = array<i32>} : memref<10240xf32, #tpu.memory_space<vmem>>, vector<16xf32>,
      %add3A_122 = arith.addf %add3A_115, %get3A_121 : vector<16xf32>
      %mul3A_123 = arith.constant 16 : i32
      %mul3A_124 = arith.muli %scan3A_70, %mul3A_123 : i32
      %add3A_125 = arith.constant 5120 : i32
      %add3A_126 = arith.addi %add3A_125, %mul3A_124 : i32
      %get3A_127 = arith.index_cast %add3A_126 : i32 to index
      %get3A_128 = tpu.vector_load %arg7[%get3A_127] {strides = array<i32>} : memref<10240xf32, #tpu.memory_space<vmem>>, vector<16xf32>,
      %add3A_129 = arith.addf %add3A_122, %get3A_128 : vector<16xf32>
      %mul3A_130 = arith.constant 16 : i32
      %mul3A_131 = arith.muli %scan3A_70, %mul3A_130 : i32
      %add3A_132 = arith.constant 5760 : i32
      %add3A_133 = arith.addi %add3A_132, %mul3A_131 : i32
      %get3A_134 = arith.index_cast %add3A_133 : i32 to index
      %get3A_135 = tpu.vector_load %arg7[%get3A_134] {strides = array<i32>} : memref<10240xf32, #tpu.memory_space<vmem>>, vector<16xf32>,
      %add3A_136 = arith.addf %add3A_129, %get3A_135 : vector<16xf32>
      %mul3A_137 = arith.constant 16 : i32
      %mul3A_138 = arith.muli %scan3A_70, %mul3A_137 : i32
      %add3A_139 = arith.constant 6400 : i32
      %add3A_140 = arith.addi %add3A_139, %mul3A_138 : i32
      %get3A_141 = arith.index_cast %add3A_140 : i32 to index
      %get3A_142 = tpu.vector_load %arg7[%get3A_141] {strides = array<i32>} : memref<10240xf32, #tpu.memory_space<vmem>>, vector<16xf32>,
      %add3A_143 = arith.addf %add3A_136, %get3A_142 : vector<16xf32>
      %mul3A_144 = arith.constant 16 : i32
      %mul3A_145 = arith.muli %scan3A_70, %mul3A_144 : i32
      %add3A_146 = arith.constant 7040 : i32
      %add3A_147 = arith.addi %add3A_146, %mul3A_145 : i32
      %get3A_148 = arith.index_cast %add3A_147 : i32 to index
      %get3A_149 = tpu.vector_load %arg7[%get3A_148] {strides = array<i32>} : memref<10240xf32, #tpu.memory_space<vmem>>, vector<16xf32>,
      %add3A_150 = arith.addf %add3A_143, %get3A_149 : vector<16xf32>
      %mul3A_151 = arith.constant 16 : i32
      %mul3A_152 = arith.muli %scan3A_70, %mul3A_151 : i32
      %add3A_153 = arith.constant 7680 : i32
      %add3A_154 = arith.addi %add3A_153, %mul3A_152 : i32
      %get3A_155 = arith.index_cast %add3A_154 : i32 to index
      %get3A_156 = tpu.vector_load %arg7[%get3A_155] {strides = array<i32>} : memref<10240xf32, #tpu.memory_space<vmem>>, vector<16xf32>,
      %add3A_157 = arith.addf %add3A_150, %get3A_156 : vector<16xf32>
      %mul3A_158 = arith.constant 16 : i32
      %mul3A_159 = arith.muli %scan3A_70, %mul3A_158 : i32
      %add3A_160 = arith.constant 8320 : i32
      %add3A_161 = arith.addi %add3A_160, %mul3A_159 : i32
      %get3A_162 = arith.index_cast %add3A_161 : i32 to index
      %get3A_163 = tpu.vector_load %arg7[%get3A_162] {strides = array<i32>} : memref<10240xf32, #tpu.memory_space<vmem>>, vector<16xf32>,
      %add3A_164 = arith.addf %add3A_157, %get3A_163 : vector<16xf32>
      %mul3A_165 = arith.constant 16 : i32
      %mul3A_166 = arith.muli %scan3A_70, %mul3A_165 : i32
      %add3A_167 = arith.constant 8960 : i32
      %add3A_168 = arith.addi %add3A_167, %mul3A_166 : i32
      %get3A_169 = arith.index_cast %add3A_168 : i32 to index
      %get3A_170 = tpu.vector_load %arg7[%get3A_169] {strides = array<i32>} : memref<10240xf32, #tpu.memory_space<vmem>>, vector<16xf32>,
      %add3A_171 = arith.addf %add3A_164, %get3A_170 : vector<16xf32>
      %mul3A_172 = arith.constant 16 : i32
      %mul3A_173 = arith.muli %scan3A_70, %mul3A_172 : i32
      %add3A_174 = arith.constant 9600 : i32
      %add3A_175 = arith.addi %add3A_174, %mul3A_173 : i32
      %get3A_176 = arith.index_cast %add3A_175 : i32 to index
      %get3A_177 = tpu.vector_load %arg7[%get3A_176] {strides = array<i32>} : memref<10240xf32, #tpu.memory_space<vmem>>, vector<16xf32>,
      %add3A_178 = arith.addf %add3A_171, %get3A_177 : vector<16xf32>
      %mul3A_179 = arith.constant 16 : i32
      %mul3A_180 = arith.muli %scan3A_70, %mul3A_179 : i32
      %swap3A = arith.index_cast %mul3A_180 : i32 to index
      %swap3A_181 = tpu.vector_load %arg8[%swap3A] {strides = array<i32>} : memref<640xf32, #tpu.memory_space<vmem>>, vector<16xf32>,
      tpu.vector_store %arg8[%swap3A], %add3A_178 {strides = array<i32>} : memref<640xf32, #tpu.memory_space<vmem>>, vector<16xf32>,
    }
    %scan3A_67 = arith.constant 40 : i32
    %mul3A_68 = arith.constant 640 : i32
    %mul3A_69 = arith.muli %arg1, %mul3A_68 : i32
    "tpu.region"() ({
      %run_scoped3A_70 = tpu.sem_alloc : memref<!tpu.dma_semaphore, #tpu.memory_space<semaphore_mem>>
      %dma_start3A = tpu.memref_slice %arg3[%arg0, %mul3A_69] : memref<2x10240xf32, #tpu.memory_space<hbm>> -> memref<1x640xf32, #tpu.memory_space<hbm>>
      %dma_start3A_71 = tpu.memref_squeeze %dma_start3A : memref<1x640xf32, #tpu.memory_space<hbm>> -> memref<640xf32, #tpu.memory_space<hbm>>
      %dma_start3A_72 = tpu.memref_slice %arg3[%arg0, %mul3A_69] : memref<2x10240xf32, #tpu.memory_space<hbm>> -> memref<1x640xf32, #tpu.memory_space<hbm>>
      %dma_start3A_73 = tpu.memref_squeeze %dma_start3A_72 : memref<1x640xf32, #tpu.memory_space<hbm>> -> memref<640xf32, #tpu.memory_space<hbm>>
      tpu.enqueue_dma source(%arg8 : memref<640xf32, #tpu.memory_space<vmem>>) target(%dma_start3A_73 : memref<640xf32, #tpu.memory_space<hbm>>) target_semaphore(%run_scoped3A_70 : memref<!tpu.dma_semaphore, #tpu.memory_space<semaphore_mem>>)
      %dma_wait3A = tpu.memref_slice %arg3[%arg0, %mul3A_69] : memref<2x10240xf32, #tpu.memory_space<hbm>> -> memref<1x640xf32, #tpu.memory_space<hbm>>
      %dma_wait3A_74 = tpu.memref_squeeze %dma_wait3A : memref<1x640xf32, #tpu.memory_space<hbm>> -> memref<640xf32, #tpu.memory_space<hbm>>
      %dma_wait3A_75 = tpu.memref_slice %arg3[%arg0, %mul3A_69] : memref<2x10240xf32, #tpu.memory_space<hbm>> -> memref<1x640xf32, #tpu.memory_space<hbm>>
      %dma_wait3A_76 = tpu.memref_squeeze %dma_wait3A_75 : memref<1x640xf32, #tpu.memory_space<hbm>> -> memref<640xf32, #tpu.memory_space<hbm>>
      tpu.wait_dma2 semaphore(%run_scoped3A_70 : memref<!tpu.dma_semaphore, #tpu.memory_space<semaphore_mem>>) src(%arg8 : memref<640xf32, #tpu.memory_space<vmem>>) dst(%dma_wait3A_76 : memref<640xf32, #tpu.memory_space<hbm>>)
      tpu.yield
    }) : () -> ()
    return
  }
}

#map = affine_map<(d0, d1) -> (0, 0)>
#map1 = affine_map<(d0, d1) -> (0, 0, 0)>
module attributes {stable_mosaic.version = 14 : i64} {
  func.func @_prop_sc(%arg0: i32, %arg1: i32, %arg2: memref<10000x128xf32, #tpu.memory_space<hbm>>, %arg3: memref<64x50x100xi32, #tpu.memory_space<hbm>>, %arg4: memref<64x50x100xi32, #tpu.memory_space<hbm>>, %arg5: memref<640x128xf32, #tpu.memory_space<hbm>>, %arg6: memref<20480x128xf32, #tpu.memory_space<hbm>>, %arg7: memref<10240x128xf32, #tpu.memory_space<vmem_shared>>, %arg8: memref<50x100xi32, #tpu.memory_space<vmem>>, %arg9: memref<50x100xi32, #tpu.memory_space<vmem>>, %arg10: memref<2x100x128xf32, #tpu.memory_space<vmem>>, %arg11: memref<!tpu.dma_semaphore, #tpu.memory_space<semaphore_mem>>, %arg12: memref<!tpu.dma_semaphore, #tpu.memory_space<semaphore_mem>>, %arg13: memref<!tpu.dma_semaphore, #tpu.memory_space<semaphore_mem>>) attributes {dimension_semantics = [#tpu.dimension_semantics<core_parallel>, #tpu.dimension_semantics<subcore_parallel>], iteration_bounds = array<i64: 2, 16>, scalar_prefetch = 0 : i64, scratch_operands = 7 : i64, tpu.core_type = #tpu.core_type<sc_vector_subcore>, window_params = [{transform_indices = #map}, {transform_indices = #map1}, {transform_indices = #map1}, {transform_indices = #map}, {transform_indices = #map}]} {
    %mul3A = arith.constant 2 : i32
    %mul3A_0 = arith.muli %arg1, %mul3A : i32
    %add3A = arith.addi %mul3A_0, %arg0 : i32
    %mul3A_1 = arith.constant 640 : i32
    %mul3A_2 = arith.muli %arg1, %mul3A_1 : i32
    %dma_start3A = arith.constant 0 : i32
    %dma_start3A_3 = tpu.memref_slice %arg7[%mul3A_2, %dma_start3A] : memref<10240x128xf32, #tpu.memory_space<vmem_shared>> -> memref<640x128xf32, #tpu.memory_space<vmem_shared>>
    tpu.enqueue_dma source(%arg5 : memref<640x128xf32, #tpu.memory_space<hbm>>) target(%dma_start3A_3 : memref<640x128xf32, #tpu.memory_space<vmem_shared>>) target_semaphore(%arg13 : memref<!tpu.dma_semaphore, #tpu.memory_space<semaphore_mem>>)
    %mul3A_4 = arith.constant 2 : i32
    %mul3A_5 = arith.muli %add3A, %mul3A_4 : i32
    "tpu.region"() ({
      %run_scoped3A = tpu.sem_alloc : memref<!tpu.dma_semaphore, #tpu.memory_space<semaphore_mem>>
      %dma_start3A_84 = arith.constant 0 : i32
      %dma_start3A_85 = arith.constant 0 : i32
      %dma_start3A_86 = tpu.memref_slice %arg3[%mul3A_5, %dma_start3A_84, %dma_start3A_85] : memref<64x50x100xi32, #tpu.memory_space<hbm>> -> memref<1x50x100xi32, #tpu.memory_space<hbm>>
      %dma_start3A_87 = tpu.memref_squeeze %dma_start3A_86 : memref<1x50x100xi32, #tpu.memory_space<hbm>> -> memref<50x100xi32, #tpu.memory_space<hbm>>
      %dma_start3A_88 = arith.constant 0 : i32
      %dma_start3A_89 = arith.constant 0 : i32
      %dma_start3A_90 = tpu.memref_slice %arg3[%mul3A_5, %dma_start3A_88, %dma_start3A_89] : memref<64x50x100xi32, #tpu.memory_space<hbm>> -> memref<1x50x100xi32, #tpu.memory_space<hbm>>
      %dma_start3A_91 = tpu.memref_squeeze %dma_start3A_90 : memref<1x50x100xi32, #tpu.memory_space<hbm>> -> memref<50x100xi32, #tpu.memory_space<hbm>>
      tpu.enqueue_dma source(%dma_start3A_91 : memref<50x100xi32, #tpu.memory_space<hbm>>) target(%arg8 : memref<50x100xi32, #tpu.memory_space<vmem>>) target_semaphore(%run_scoped3A : memref<!tpu.dma_semaphore, #tpu.memory_space<semaphore_mem>>)
      %dma_wait3A_92 = arith.constant 0 : i32
      %dma_wait3A_93 = arith.constant 0 : i32
      %dma_wait3A_94 = tpu.memref_slice %arg3[%mul3A_5, %dma_wait3A_92, %dma_wait3A_93] : memref<64x50x100xi32, #tpu.memory_space<hbm>> -> memref<1x50x100xi32, #tpu.memory_space<hbm>>
      %dma_wait3A_95 = tpu.memref_squeeze %dma_wait3A_94 : memref<1x50x100xi32, #tpu.memory_space<hbm>> -> memref<50x100xi32, #tpu.memory_space<hbm>>
      %dma_wait3A_96 = arith.constant 0 : i32
      %dma_wait3A_97 = arith.constant 0 : i32
      %dma_wait3A_98 = tpu.memref_slice %arg3[%mul3A_5, %dma_wait3A_96, %dma_wait3A_97] : memref<64x50x100xi32, #tpu.memory_space<hbm>> -> memref<1x50x100xi32, #tpu.memory_space<hbm>>
      %dma_wait3A_99 = tpu.memref_squeeze %dma_wait3A_98 : memref<1x50x100xi32, #tpu.memory_space<hbm>> -> memref<50x100xi32, #tpu.memory_space<hbm>>
      tpu.wait_dma2 semaphore(%run_scoped3A : memref<!tpu.dma_semaphore, #tpu.memory_space<semaphore_mem>>) src(%dma_wait3A_99 : memref<50x100xi32, #tpu.memory_space<hbm>>) dst(%arg8 : memref<50x100xi32, #tpu.memory_space<vmem>>)
      tpu.yield
    }) : () -> ()
    %mul3A_6 = arith.constant 2 : i32
    %mul3A_7 = arith.muli %add3A, %mul3A_6 : i32
    "tpu.region"() ({
      %run_scoped3A = tpu.sem_alloc : memref<!tpu.dma_semaphore, #tpu.memory_space<semaphore_mem>>
      %dma_start3A_84 = arith.constant 0 : i32
      %dma_start3A_85 = arith.constant 0 : i32
      %dma_start3A_86 = tpu.memref_slice %arg4[%mul3A_7, %dma_start3A_84, %dma_start3A_85] : memref<64x50x100xi32, #tpu.memory_space<hbm>> -> memref<1x50x100xi32, #tpu.memory_space<hbm>>
      %dma_start3A_87 = tpu.memref_squeeze %dma_start3A_86 : memref<1x50x100xi32, #tpu.memory_space<hbm>> -> memref<50x100xi32, #tpu.memory_space<hbm>>
      %dma_start3A_88 = arith.constant 0 : i32
      %dma_start3A_89 = arith.constant 0 : i32
      %dma_start3A_90 = tpu.memref_slice %arg4[%mul3A_7, %dma_start3A_88, %dma_start3A_89] : memref<64x50x100xi32, #tpu.memory_space<hbm>> -> memref<1x50x100xi32, #tpu.memory_space<hbm>>
      %dma_start3A_91 = tpu.memref_squeeze %dma_start3A_90 : memref<1x50x100xi32, #tpu.memory_space<hbm>> -> memref<50x100xi32, #tpu.memory_space<hbm>>
      tpu.enqueue_dma source(%dma_start3A_91 : memref<50x100xi32, #tpu.memory_space<hbm>>) target(%arg9 : memref<50x100xi32, #tpu.memory_space<vmem>>) target_semaphore(%run_scoped3A : memref<!tpu.dma_semaphore, #tpu.memory_space<semaphore_mem>>)
      %dma_wait3A_92 = arith.constant 0 : i32
      %dma_wait3A_93 = arith.constant 0 : i32
      %dma_wait3A_94 = tpu.memref_slice %arg4[%mul3A_7, %dma_wait3A_92, %dma_wait3A_93] : memref<64x50x100xi32, #tpu.memory_space<hbm>> -> memref<1x50x100xi32, #tpu.memory_space<hbm>>
      %dma_wait3A_95 = tpu.memref_squeeze %dma_wait3A_94 : memref<1x50x100xi32, #tpu.memory_space<hbm>> -> memref<50x100xi32, #tpu.memory_space<hbm>>
      %dma_wait3A_96 = arith.constant 0 : i32
      %dma_wait3A_97 = arith.constant 0 : i32
      %dma_wait3A_98 = tpu.memref_slice %arg4[%mul3A_7, %dma_wait3A_96, %dma_wait3A_97] : memref<64x50x100xi32, #tpu.memory_space<hbm>> -> memref<1x50x100xi32, #tpu.memory_space<hbm>>
      %dma_wait3A_99 = tpu.memref_squeeze %dma_wait3A_98 : memref<1x50x100xi32, #tpu.memory_space<hbm>> -> memref<50x100xi32, #tpu.memory_space<hbm>>
      tpu.wait_dma2 semaphore(%run_scoped3A : memref<!tpu.dma_semaphore, #tpu.memory_space<semaphore_mem>>) src(%dma_wait3A_99 : memref<50x100xi32, #tpu.memory_space<hbm>>) dst(%arg9 : memref<50x100xi32, #tpu.memory_space<vmem>>)
      tpu.yield
    }) : () -> ()
    %dma_start3A_8 = arith.constant 0 : i32
    %dma_start3A_9 = arith.constant 0 : i32
    %dma_start3A_10 = arith.constant 0 : i32
    %dma_start3A_11 = arith.constant 0 : i32
    %dma_start3A_12 = tpu.memref_slice %arg10[%dma_start3A_9, %dma_start3A_10, %dma_start3A_11] : memref<2x100x128xf32, #tpu.memory_space<vmem>> -> memref<1x100x128xf32, #tpu.memory_space<vmem>>
    %dma_start3A_13 = tpu.memref_squeeze %dma_start3A_12 : memref<1x100x128xf32, #tpu.memory_space<vmem>> -> memref<100x128xf32, #tpu.memory_space<vmem>>
    %dma_start3A_14 = arith.constant 0 : i32
    %dma_start3A_15 = tpu.memref_slice %arg8[%dma_start3A_8, %dma_start3A_14] : memref<50x100xi32, #tpu.memory_space<vmem>> -> memref<1x100xi32, #tpu.memory_space<vmem>>
    %dma_start3A_16 = tpu.memref_squeeze %dma_start3A_15 : memref<1x100xi32, #tpu.memory_space<vmem>> -> memref<100xi32, #tpu.memory_space<vmem>>
    %dma_start3A_17 = arith.constant 0 : i32
    %dma_start3A_18 = arith.constant 0 : i32
    %dma_start3A_19 = tpu.memref_slice %arg2[%dma_start3A_17, %dma_start3A_18] : memref<10000x128xf32, #tpu.memory_space<hbm>> -> memref<10000x128xf32, #tpu.memory_space<hbm>>
    tpu.enqueue_indirect_dma source(%dma_start3A_19 : memref<10000x128xf32, #tpu.memory_space<hbm>>) target(%dma_start3A_13 : memref<100x128xf32, #tpu.memory_space<vmem>>) offsets(%dma_start3A_16 : memref<100xi32, #tpu.memory_space<vmem>>) semaphore(%arg11 : memref<!tpu.dma_semaphore, #tpu.memory_space<semaphore_mem>>)
    %dma_wait3A = arith.constant 0 : i32
    %dma_wait3A_20 = tpu.memref_slice %arg7[%mul3A_2, %dma_wait3A] : memref<10240x128xf32, #tpu.memory_space<vmem_shared>> -> memref<640x128xf32, #tpu.memory_space<vmem_shared>>
    tpu.wait_dma2 semaphore(%arg13 : memref<!tpu.dma_semaphore, #tpu.memory_space<semaphore_mem>>) src(%arg5 : memref<640x128xf32, #tpu.memory_space<hbm>>) dst(%dma_wait3A_20 : memref<640x128xf32, #tpu.memory_space<vmem_shared>>)
    %barrier3A = arith.constant 0 : index
    tpu.barrier barrier_id(%barrier3A)
    %scan3A = arith.constant 0 : i32
    %scan3A_21 = arith.constant 0 : i32
    %scan3A_22 = arith.constant 50 : i32
    %scan3A_23 = arith.addi %scan3A_21, %scan3A_22 : i32
    %scan3A_24 = arith.constant 1 : i32
    scf.for %scan3A_84 = %scan3A_21 to %scan3A_23 step %scan3A_24  : i32 {
      %rem3A = arith.constant 2 : i32
      %rem3A_85 = arith.remsi %scan3A_84, %rem3A : i32
      %dma_wait3A_86 = arith.constant 0 : i32
      %dma_wait3A_87 = arith.constant 0 : i32
      %dma_wait3A_88 = tpu.memref_slice %arg10[%rem3A_85, %dma_wait3A_86, %dma_wait3A_87] : memref<2x100x128xf32, #tpu.memory_space<vmem>> -> memref<1x100x128xf32, #tpu.memory_space<vmem>>
      %dma_wait3A_89 = tpu.memref_squeeze %dma_wait3A_88 : memref<1x100x128xf32, #tpu.memory_space<vmem>> -> memref<100x128xf32, #tpu.memory_space<vmem>>
      %dma_wait3A_90 = arith.constant 0 : i32
      %dma_wait3A_91 = tpu.memref_slice %arg8[%scan3A_84, %dma_wait3A_90] : memref<50x100xi32, #tpu.memory_space<vmem>> -> memref<1x100xi32, #tpu.memory_space<vmem>>
      %dma_wait3A_92 = tpu.memref_squeeze %dma_wait3A_91 : memref<1x100xi32, #tpu.memory_space<vmem>> -> memref<100xi32, #tpu.memory_space<vmem>>
      %dma_wait3A_93 = arith.constant 0 : i32
      %dma_wait3A_94 = arith.constant 0 : i32
      %dma_wait3A_95 = tpu.memref_slice %arg2[%dma_wait3A_93, %dma_wait3A_94] : memref<10000x128xf32, #tpu.memory_space<hbm>> -> memref<10000x128xf32, #tpu.memory_space<hbm>>
      tpu.wait_indirect_dma semaphore(%arg11 : memref<!tpu.dma_semaphore, #tpu.memory_space<semaphore_mem>>) src(%dma_wait3A_95 : memref<10000x128xf32, #tpu.memory_space<hbm>>) dst(%dma_wait3A_89 : memref<100x128xf32, #tpu.memory_space<vmem>>)
      %ge3A = arith.constant 1 : i32
      %ge3A_96 = arith.cmpi sge, %scan3A_84, %ge3A : i32
      %convert_element_type3A = arith.extui %ge3A_96 : i1 to i32
      %cond3A = arith.constant 0 : i32
      %cond3A_97 = arith.cmpi ne, %convert_element_type3A, %cond3A : i32
      scf.if %cond3A_97 {
        %sub3A = arith.constant 1 : i32
        %sub3A_114 = arith.subi %sub3A, %rem3A_85 : i32
        %sub3A_115 = arith.constant 1 : i32
        %sub3A_116 = arith.subi %scan3A_84, %sub3A_115 : i32
        %dma_wait3A_117 = arith.constant 0 : i32
        %dma_wait3A_118 = arith.constant 0 : i32
        %dma_wait3A_119 = tpu.memref_slice %arg10[%sub3A_114, %dma_wait3A_117, %dma_wait3A_118] : memref<2x100x128xf32, #tpu.memory_space<vmem>> -> memref<1x100x128xf32, #tpu.memory_space<vmem>>
        %dma_wait3A_120 = tpu.memref_squeeze %dma_wait3A_119 : memref<1x100x128xf32, #tpu.memory_space<vmem>> -> memref<100x128xf32, #tpu.memory_space<vmem>>
        %dma_wait3A_121 = arith.constant 0 : i32
        %dma_wait3A_122 = tpu.memref_slice %arg9[%sub3A_116, %dma_wait3A_121] : memref<50x100xi32, #tpu.memory_space<vmem>> -> memref<1x100xi32, #tpu.memory_space<vmem>>
        %dma_wait3A_123 = tpu.memref_squeeze %dma_wait3A_122 : memref<1x100xi32, #tpu.memory_space<vmem>> -> memref<100xi32, #tpu.memory_space<vmem>>
        %dma_wait3A_124 = arith.constant 0 : i32
        %dma_wait3A_125 = arith.constant 0 : i32
        %dma_wait3A_126 = tpu.memref_slice %arg7[%dma_wait3A_124, %dma_wait3A_125] : memref<10240x128xf32, #tpu.memory_space<vmem_shared>> -> memref<10240x128xf32, #tpu.memory_space<vmem_shared>>
        tpu.wait_indirect_dma semaphore(%arg12 : memref<!tpu.dma_semaphore, #tpu.memory_space<semaphore_mem>>) src(%dma_wait3A_120 : memref<100x128xf32, #tpu.memory_space<vmem>>) dst(%dma_wait3A_126 : memref<10240x128xf32, #tpu.memory_space<vmem_shared>>)
      } else {
      }
      %add3A_98 = arith.constant 1 : i32
      %add3A_99 = arith.addi %scan3A_84, %add3A_98 : i32
      %lt3A = arith.constant 50 : i32
      %lt3A_100 = arith.cmpi slt, %add3A_99, %lt3A : i32
      %convert_element_type3A_101 = arith.extui %lt3A_100 : i1 to i32
      %cond3A_102 = arith.constant 0 : i32
      %cond3A_103 = arith.cmpi ne, %convert_element_type3A_101, %cond3A_102 : i32
      scf.if %cond3A_103 {
        %add3A_114 = arith.constant 1 : i32
        %add3A_115 = arith.addi %scan3A_84, %add3A_114 : i32
        %sub3A = arith.constant 1 : i32
        %sub3A_116 = arith.subi %sub3A, %rem3A_85 : i32
        %dma_start3A_117 = arith.constant 0 : i32
        %dma_start3A_118 = arith.constant 0 : i32
        %dma_start3A_119 = tpu.memref_slice %arg10[%sub3A_116, %dma_start3A_117, %dma_start3A_118] : memref<2x100x128xf32, #tpu.memory_space<vmem>> -> memref<1x100x128xf32, #tpu.memory_space<vmem>>
        %dma_start3A_120 = tpu.memref_squeeze %dma_start3A_119 : memref<1x100x128xf32, #tpu.memory_space<vmem>> -> memref<100x128xf32, #tpu.memory_space<vmem>>
        %dma_start3A_121 = arith.constant 0 : i32
        %dma_start3A_122 = tpu.memref_slice %arg8[%add3A_115, %dma_start3A_121] : memref<50x100xi32, #tpu.memory_space<vmem>> -> memref<1x100xi32, #tpu.memory_space<vmem>>
        %dma_start3A_123 = tpu.memref_squeeze %dma_start3A_122 : memref<1x100xi32, #tpu.memory_space<vmem>> -> memref<100xi32, #tpu.memory_space<vmem>>
        %dma_start3A_124 = arith.constant 0 : i32
        %dma_start3A_125 = arith.constant 0 : i32
        %dma_start3A_126 = tpu.memref_slice %arg2[%dma_start3A_124, %dma_start3A_125] : memref<10000x128xf32, #tpu.memory_space<hbm>> -> memref<10000x128xf32, #tpu.memory_space<hbm>>
        tpu.enqueue_indirect_dma source(%dma_start3A_126 : memref<10000x128xf32, #tpu.memory_space<hbm>>) target(%dma_start3A_120 : memref<100x128xf32, #tpu.memory_space<vmem>>) offsets(%dma_start3A_123 : memref<100xi32, #tpu.memory_space<vmem>>) semaphore(%arg11 : memref<!tpu.dma_semaphore, #tpu.memory_space<semaphore_mem>>)
      } else {
      }
      %dma_start3A_104 = arith.constant 0 : i32
      %dma_start3A_105 = arith.constant 0 : i32
      %dma_start3A_106 = tpu.memref_slice %arg10[%rem3A_85, %dma_start3A_104, %dma_start3A_105] : memref<2x100x128xf32, #tpu.memory_space<vmem>> -> memref<1x100x128xf32, #tpu.memory_space<vmem>>
      %dma_start3A_107 = tpu.memref_squeeze %dma_start3A_106 : memref<1x100x128xf32, #tpu.memory_space<vmem>> -> memref<100x128xf32, #tpu.memory_space<vmem>>
      %dma_start3A_108 = arith.constant 0 : i32
      %dma_start3A_109 = tpu.memref_slice %arg9[%scan3A_84, %dma_start3A_108] : memref<50x100xi32, #tpu.memory_space<vmem>> -> memref<1x100xi32, #tpu.memory_space<vmem>>
      %dma_start3A_110 = tpu.memref_squeeze %dma_start3A_109 : memref<1x100xi32, #tpu.memory_space<vmem>> -> memref<100xi32, #tpu.memory_space<vmem>>
      %dma_start3A_111 = arith.constant 0 : i32
      %dma_start3A_112 = arith.constant 0 : i32
      %dma_start3A_113 = tpu.memref_slice %arg7[%dma_start3A_111, %dma_start3A_112] : memref<10240x128xf32, #tpu.memory_space<vmem_shared>> -> memref<10240x128xf32, #tpu.memory_space<vmem_shared>>
      tpu.enqueue_indirect_dma source(%dma_start3A_107 : memref<100x128xf32, #tpu.memory_space<vmem>>) target(%dma_start3A_113 : memref<10240x128xf32, #tpu.memory_space<vmem_shared>>) offsets(%dma_start3A_110 : memref<100xi32, #tpu.memory_space<vmem>>) semaphore(%arg12 : memref<!tpu.dma_semaphore, #tpu.memory_space<semaphore_mem>>) {add = true}
    }
    %scan3A_25 = arith.constant 50 : i32
    %dma_wait3A_26 = arith.constant 1 : i32
    %dma_wait3A_27 = arith.constant 49 : i32
    %dma_wait3A_28 = arith.constant 0 : i32
    %dma_wait3A_29 = arith.constant 0 : i32
    %dma_wait3A_30 = tpu.memref_slice %arg10[%dma_wait3A_26, %dma_wait3A_28, %dma_wait3A_29] : memref<2x100x128xf32, #tpu.memory_space<vmem>> -> memref<1x100x128xf32, #tpu.memory_space<vmem>>
    %dma_wait3A_31 = tpu.memref_squeeze %dma_wait3A_30 : memref<1x100x128xf32, #tpu.memory_space<vmem>> -> memref<100x128xf32, #tpu.memory_space<vmem>>
    %dma_wait3A_32 = arith.constant 0 : i32
    %dma_wait3A_33 = tpu.memref_slice %arg9[%dma_wait3A_27, %dma_wait3A_32] : memref<50x100xi32, #tpu.memory_space<vmem>> -> memref<1x100xi32, #tpu.memory_space<vmem>>
    %dma_wait3A_34 = tpu.memref_squeeze %dma_wait3A_33 : memref<1x100xi32, #tpu.memory_space<vmem>> -> memref<100xi32, #tpu.memory_space<vmem>>
    %dma_wait3A_35 = arith.constant 0 : i32
    %dma_wait3A_36 = arith.constant 0 : i32
    %dma_wait3A_37 = tpu.memref_slice %arg7[%dma_wait3A_35, %dma_wait3A_36] : memref<10240x128xf32, #tpu.memory_space<vmem_shared>> -> memref<10240x128xf32, #tpu.memory_space<vmem_shared>>
    tpu.wait_indirect_dma semaphore(%arg12 : memref<!tpu.dma_semaphore, #tpu.memory_space<semaphore_mem>>) src(%dma_wait3A_31 : memref<100x128xf32, #tpu.memory_space<vmem>>) dst(%dma_wait3A_37 : memref<10240x128xf32, #tpu.memory_space<vmem_shared>>)
    %mul3A_38 = arith.constant 2 : i32
    %mul3A_39 = arith.muli %add3A, %mul3A_38 : i32
    %add3A_40 = arith.constant 1 : i32
    %add3A_41 = arith.addi %mul3A_39, %add3A_40 : i32
    "tpu.region"() ({
      %run_scoped3A = tpu.sem_alloc : memref<!tpu.dma_semaphore, #tpu.memory_space<semaphore_mem>>
      %dma_start3A_84 = arith.constant 0 : i32
      %dma_start3A_85 = arith.constant 0 : i32
      %dma_start3A_86 = tpu.memref_slice %arg3[%add3A_41, %dma_start3A_84, %dma_start3A_85] : memref<64x50x100xi32, #tpu.memory_space<hbm>> -> memref<1x50x100xi32, #tpu.memory_space<hbm>>
      %dma_start3A_87 = tpu.memref_squeeze %dma_start3A_86 : memref<1x50x100xi32, #tpu.memory_space<hbm>> -> memref<50x100xi32, #tpu.memory_space<hbm>>
      %dma_start3A_88 = arith.constant 0 : i32
      %dma_start3A_89 = arith.constant 0 : i32
      %dma_start3A_90 = tpu.memref_slice %arg3[%add3A_41, %dma_start3A_88, %dma_start3A_89] : memref<64x50x100xi32, #tpu.memory_space<hbm>> -> memref<1x50x100xi32, #tpu.memory_space<hbm>>
      %dma_start3A_91 = tpu.memref_squeeze %dma_start3A_90 : memref<1x50x100xi32, #tpu.memory_space<hbm>> -> memref<50x100xi32, #tpu.memory_space<hbm>>
      tpu.enqueue_dma source(%dma_start3A_91 : memref<50x100xi32, #tpu.memory_space<hbm>>) target(%arg8 : memref<50x100xi32, #tpu.memory_space<vmem>>) target_semaphore(%run_scoped3A : memref<!tpu.dma_semaphore, #tpu.memory_space<semaphore_mem>>)
      %dma_wait3A_92 = arith.constant 0 : i32
      %dma_wait3A_93 = arith.constant 0 : i32
      %dma_wait3A_94 = tpu.memref_slice %arg3[%add3A_41, %dma_wait3A_92, %dma_wait3A_93] : memref<64x50x100xi32, #tpu.memory_space<hbm>> -> memref<1x50x100xi32, #tpu.memory_space<hbm>>
      %dma_wait3A_95 = tpu.memref_squeeze %dma_wait3A_94 : memref<1x50x100xi32, #tpu.memory_space<hbm>> -> memref<50x100xi32, #tpu.memory_space<hbm>>
      %dma_wait3A_96 = arith.constant 0 : i32
      %dma_wait3A_97 = arith.constant 0 : i32
      %dma_wait3A_98 = tpu.memref_slice %arg3[%add3A_41, %dma_wait3A_96, %dma_wait3A_97] : memref<64x50x100xi32, #tpu.memory_space<hbm>> -> memref<1x50x100xi32, #tpu.memory_space<hbm>>
      %dma_wait3A_99 = tpu.memref_squeeze %dma_wait3A_98 : memref<1x50x100xi32, #tpu.memory_space<hbm>> -> memref<50x100xi32, #tpu.memory_space<hbm>>
      tpu.wait_dma2 semaphore(%run_scoped3A : memref<!tpu.dma_semaphore, #tpu.memory_space<semaphore_mem>>) src(%dma_wait3A_99 : memref<50x100xi32, #tpu.memory_space<hbm>>) dst(%arg8 : memref<50x100xi32, #tpu.memory_space<vmem>>)
      tpu.yield
    }) : () -> ()
    %mul3A_42 = arith.constant 2 : i32
    %mul3A_43 = arith.muli %add3A, %mul3A_42 : i32
    %add3A_44 = arith.constant 1 : i32
    %add3A_45 = arith.addi %mul3A_43, %add3A_44 : i32
    "tpu.region"() ({
      %run_scoped3A = tpu.sem_alloc : memref<!tpu.dma_semaphore, #tpu.memory_space<semaphore_mem>>
      %dma_start3A_84 = arith.constant 0 : i32
      %dma_start3A_85 = arith.constant 0 : i32
      %dma_start3A_86 = tpu.memref_slice %arg4[%add3A_45, %dma_start3A_84, %dma_start3A_85] : memref<64x50x100xi32, #tpu.memory_space<hbm>> -> memref<1x50x100xi32, #tpu.memory_space<hbm>>
      %dma_start3A_87 = tpu.memref_squeeze %dma_start3A_86 : memref<1x50x100xi32, #tpu.memory_space<hbm>> -> memref<50x100xi32, #tpu.memory_space<hbm>>
      %dma_start3A_88 = arith.constant 0 : i32
      %dma_start3A_89 = arith.constant 0 : i32
      %dma_start3A_90 = tpu.memref_slice %arg4[%add3A_45, %dma_start3A_88, %dma_start3A_89] : memref<64x50x100xi32, #tpu.memory_space<hbm>> -> memref<1x50x100xi32, #tpu.memory_space<hbm>>
      %dma_start3A_91 = tpu.memref_squeeze %dma_start3A_90 : memref<1x50x100xi32, #tpu.memory_space<hbm>> -> memref<50x100xi32, #tpu.memory_space<hbm>>
      tpu.enqueue_dma source(%dma_start3A_91 : memref<50x100xi32, #tpu.memory_space<hbm>>) target(%arg9 : memref<50x100xi32, #tpu.memory_space<vmem>>) target_semaphore(%run_scoped3A : memref<!tpu.dma_semaphore, #tpu.memory_space<semaphore_mem>>)
      %dma_wait3A_92 = arith.constant 0 : i32
      %dma_wait3A_93 = arith.constant 0 : i32
      %dma_wait3A_94 = tpu.memref_slice %arg4[%add3A_45, %dma_wait3A_92, %dma_wait3A_93] : memref<64x50x100xi32, #tpu.memory_space<hbm>> -> memref<1x50x100xi32, #tpu.memory_space<hbm>>
      %dma_wait3A_95 = tpu.memref_squeeze %dma_wait3A_94 : memref<1x50x100xi32, #tpu.memory_space<hbm>> -> memref<50x100xi32, #tpu.memory_space<hbm>>
      %dma_wait3A_96 = arith.constant 0 : i32
      %dma_wait3A_97 = arith.constant 0 : i32
      %dma_wait3A_98 = tpu.memref_slice %arg4[%add3A_45, %dma_wait3A_96, %dma_wait3A_97] : memref<64x50x100xi32, #tpu.memory_space<hbm>> -> memref<1x50x100xi32, #tpu.memory_space<hbm>>
      %dma_wait3A_99 = tpu.memref_squeeze %dma_wait3A_98 : memref<1x50x100xi32, #tpu.memory_space<hbm>> -> memref<50x100xi32, #tpu.memory_space<hbm>>
      tpu.wait_dma2 semaphore(%run_scoped3A : memref<!tpu.dma_semaphore, #tpu.memory_space<semaphore_mem>>) src(%dma_wait3A_99 : memref<50x100xi32, #tpu.memory_space<hbm>>) dst(%arg9 : memref<50x100xi32, #tpu.memory_space<vmem>>)
      tpu.yield
    }) : () -> ()
    %dma_start3A_46 = arith.constant 0 : i32
    %dma_start3A_47 = arith.constant 0 : i32
    %dma_start3A_48 = arith.constant 0 : i32
    %dma_start3A_49 = arith.constant 0 : i32
    %dma_start3A_50 = tpu.memref_slice %arg10[%dma_start3A_47, %dma_start3A_48, %dma_start3A_49] : memref<2x100x128xf32, #tpu.memory_space<vmem>> -> memref<1x100x128xf32, #tpu.memory_space<vmem>>
    %dma_start3A_51 = tpu.memref_squeeze %dma_start3A_50 : memref<1x100x128xf32, #tpu.memory_space<vmem>> -> memref<100x128xf32, #tpu.memory_space<vmem>>
    %dma_start3A_52 = arith.constant 0 : i32
    %dma_start3A_53 = tpu.memref_slice %arg8[%dma_start3A_46, %dma_start3A_52] : memref<50x100xi32, #tpu.memory_space<vmem>> -> memref<1x100xi32, #tpu.memory_space<vmem>>
    %dma_start3A_54 = tpu.memref_squeeze %dma_start3A_53 : memref<1x100xi32, #tpu.memory_space<vmem>> -> memref<100xi32, #tpu.memory_space<vmem>>
    %dma_start3A_55 = arith.constant 0 : i32
    %dma_start3A_56 = arith.constant 0 : i32
    %dma_start3A_57 = tpu.memref_slice %arg2[%dma_start3A_55, %dma_start3A_56] : memref<10000x128xf32, #tpu.memory_space<hbm>> -> memref<10000x128xf32, #tpu.memory_space<hbm>>
    tpu.enqueue_indirect_dma source(%dma_start3A_57 : memref<10000x128xf32, #tpu.memory_space<hbm>>) target(%dma_start3A_51 : memref<100x128xf32, #tpu.memory_space<vmem>>) offsets(%dma_start3A_54 : memref<100xi32, #tpu.memory_space<vmem>>) semaphore(%arg11 : memref<!tpu.dma_semaphore, #tpu.memory_space<semaphore_mem>>)
    %scan3A_58 = arith.constant 0 : i32
    %scan3A_59 = arith.constant 0 : i32
    %scan3A_60 = arith.constant 50 : i32
    %scan3A_61 = arith.addi %scan3A_59, %scan3A_60 : i32
    %scan3A_62 = arith.constant 1 : i32
    scf.for %scan3A_84 = %scan3A_59 to %scan3A_61 step %scan3A_62  : i32 {
      %rem3A = arith.constant 2 : i32
      %rem3A_85 = arith.remsi %scan3A_84, %rem3A : i32
      %dma_wait3A_86 = arith.constant 0 : i32
      %dma_wait3A_87 = arith.constant 0 : i32
      %dma_wait3A_88 = tpu.memref_slice %arg10[%rem3A_85, %dma_wait3A_86, %dma_wait3A_87] : memref<2x100x128xf32, #tpu.memory_space<vmem>> -> memref<1x100x128xf32, #tpu.memory_space<vmem>>
      %dma_wait3A_89 = tpu.memref_squeeze %dma_wait3A_88 : memref<1x100x128xf32, #tpu.memory_space<vmem>> -> memref<100x128xf32, #tpu.memory_space<vmem>>
      %dma_wait3A_90 = arith.constant 0 : i32
      %dma_wait3A_91 = tpu.memref_slice %arg8[%scan3A_84, %dma_wait3A_90] : memref<50x100xi32, #tpu.memory_space<vmem>> -> memref<1x100xi32, #tpu.memory_space<vmem>>
      %dma_wait3A_92 = tpu.memref_squeeze %dma_wait3A_91 : memref<1x100xi32, #tpu.memory_space<vmem>> -> memref<100xi32, #tpu.memory_space<vmem>>
      %dma_wait3A_93 = arith.constant 0 : i32
      %dma_wait3A_94 = arith.constant 0 : i32
      %dma_wait3A_95 = tpu.memref_slice %arg2[%dma_wait3A_93, %dma_wait3A_94] : memref<10000x128xf32, #tpu.memory_space<hbm>> -> memref<10000x128xf32, #tpu.memory_space<hbm>>
      tpu.wait_indirect_dma semaphore(%arg11 : memref<!tpu.dma_semaphore, #tpu.memory_space<semaphore_mem>>) src(%dma_wait3A_95 : memref<10000x128xf32, #tpu.memory_space<hbm>>) dst(%dma_wait3A_89 : memref<100x128xf32, #tpu.memory_space<vmem>>)
      %ge3A = arith.constant 1 : i32
      %ge3A_96 = arith.cmpi sge, %scan3A_84, %ge3A : i32
      %convert_element_type3A = arith.extui %ge3A_96 : i1 to i32
      %cond3A = arith.constant 0 : i32
      %cond3A_97 = arith.cmpi ne, %convert_element_type3A, %cond3A : i32
      scf.if %cond3A_97 {
        %sub3A = arith.constant 1 : i32
        %sub3A_114 = arith.subi %sub3A, %rem3A_85 : i32
        %sub3A_115 = arith.constant 1 : i32
        %sub3A_116 = arith.subi %scan3A_84, %sub3A_115 : i32
        %dma_wait3A_117 = arith.constant 0 : i32
        %dma_wait3A_118 = arith.constant 0 : i32
        %dma_wait3A_119 = tpu.memref_slice %arg10[%sub3A_114, %dma_wait3A_117, %dma_wait3A_118] : memref<2x100x128xf32, #tpu.memory_space<vmem>> -> memref<1x100x128xf32, #tpu.memory_space<vmem>>
        %dma_wait3A_120 = tpu.memref_squeeze %dma_wait3A_119 : memref<1x100x128xf32, #tpu.memory_space<vmem>> -> memref<100x128xf32, #tpu.memory_space<vmem>>
        %dma_wait3A_121 = arith.constant 0 : i32
        %dma_wait3A_122 = tpu.memref_slice %arg9[%sub3A_116, %dma_wait3A_121] : memref<50x100xi32, #tpu.memory_space<vmem>> -> memref<1x100xi32, #tpu.memory_space<vmem>>
        %dma_wait3A_123 = tpu.memref_squeeze %dma_wait3A_122 : memref<1x100xi32, #tpu.memory_space<vmem>> -> memref<100xi32, #tpu.memory_space<vmem>>
        %dma_wait3A_124 = arith.constant 0 : i32
        %dma_wait3A_125 = arith.constant 0 : i32
        %dma_wait3A_126 = tpu.memref_slice %arg7[%dma_wait3A_124, %dma_wait3A_125] : memref<10240x128xf32, #tpu.memory_space<vmem_shared>> -> memref<10240x128xf32, #tpu.memory_space<vmem_shared>>
        tpu.wait_indirect_dma semaphore(%arg12 : memref<!tpu.dma_semaphore, #tpu.memory_space<semaphore_mem>>) src(%dma_wait3A_120 : memref<100x128xf32, #tpu.memory_space<vmem>>) dst(%dma_wait3A_126 : memref<10240x128xf32, #tpu.memory_space<vmem_shared>>)
      } else {
      }
      %add3A_98 = arith.constant 1 : i32
      %add3A_99 = arith.addi %scan3A_84, %add3A_98 : i32
      %lt3A = arith.constant 50 : i32
      %lt3A_100 = arith.cmpi slt, %add3A_99, %lt3A : i32
      %convert_element_type3A_101 = arith.extui %lt3A_100 : i1 to i32
      %cond3A_102 = arith.constant 0 : i32
      %cond3A_103 = arith.cmpi ne, %convert_element_type3A_101, %cond3A_102 : i32
      scf.if %cond3A_103 {
        %add3A_114 = arith.constant 1 : i32
        %add3A_115 = arith.addi %scan3A_84, %add3A_114 : i32
        %sub3A = arith.constant 1 : i32
        %sub3A_116 = arith.subi %sub3A, %rem3A_85 : i32
        %dma_start3A_117 = arith.constant 0 : i32
        %dma_start3A_118 = arith.constant 0 : i32
        %dma_start3A_119 = tpu.memref_slice %arg10[%sub3A_116, %dma_start3A_117, %dma_start3A_118] : memref<2x100x128xf32, #tpu.memory_space<vmem>> -> memref<1x100x128xf32, #tpu.memory_space<vmem>>
        %dma_start3A_120 = tpu.memref_squeeze %dma_start3A_119 : memref<1x100x128xf32, #tpu.memory_space<vmem>> -> memref<100x128xf32, #tpu.memory_space<vmem>>
        %dma_start3A_121 = arith.constant 0 : i32
        %dma_start3A_122 = tpu.memref_slice %arg8[%add3A_115, %dma_start3A_121] : memref<50x100xi32, #tpu.memory_space<vmem>> -> memref<1x100xi32, #tpu.memory_space<vmem>>
        %dma_start3A_123 = tpu.memref_squeeze %dma_start3A_122 : memref<1x100xi32, #tpu.memory_space<vmem>> -> memref<100xi32, #tpu.memory_space<vmem>>
        %dma_start3A_124 = arith.constant 0 : i32
        %dma_start3A_125 = arith.constant 0 : i32
        %dma_start3A_126 = tpu.memref_slice %arg2[%dma_start3A_124, %dma_start3A_125] : memref<10000x128xf32, #tpu.memory_space<hbm>> -> memref<10000x128xf32, #tpu.memory_space<hbm>>
        tpu.enqueue_indirect_dma source(%dma_start3A_126 : memref<10000x128xf32, #tpu.memory_space<hbm>>) target(%dma_start3A_120 : memref<100x128xf32, #tpu.memory_space<vmem>>) offsets(%dma_start3A_123 : memref<100xi32, #tpu.memory_space<vmem>>) semaphore(%arg11 : memref<!tpu.dma_semaphore, #tpu.memory_space<semaphore_mem>>)
      } else {
      }
      %dma_start3A_104 = arith.constant 0 : i32
      %dma_start3A_105 = arith.constant 0 : i32
      %dma_start3A_106 = tpu.memref_slice %arg10[%rem3A_85, %dma_start3A_104, %dma_start3A_105] : memref<2x100x128xf32, #tpu.memory_space<vmem>> -> memref<1x100x128xf32, #tpu.memory_space<vmem>>
      %dma_start3A_107 = tpu.memref_squeeze %dma_start3A_106 : memref<1x100x128xf32, #tpu.memory_space<vmem>> -> memref<100x128xf32, #tpu.memory_space<vmem>>
      %dma_start3A_108 = arith.constant 0 : i32
      %dma_start3A_109 = tpu.memref_slice %arg9[%scan3A_84, %dma_start3A_108] : memref<50x100xi32, #tpu.memory_space<vmem>> -> memref<1x100xi32, #tpu.memory_space<vmem>>
      %dma_start3A_110 = tpu.memref_squeeze %dma_start3A_109 : memref<1x100xi32, #tpu.memory_space<vmem>> -> memref<100xi32, #tpu.memory_space<vmem>>
      %dma_start3A_111 = arith.constant 0 : i32
      %dma_start3A_112 = arith.constant 0 : i32
      %dma_start3A_113 = tpu.memref_slice %arg7[%dma_start3A_111, %dma_start3A_112] : memref<10240x128xf32, #tpu.memory_space<vmem_shared>> -> memref<10240x128xf32, #tpu.memory_space<vmem_shared>>
      tpu.enqueue_indirect_dma source(%dma_start3A_107 : memref<100x128xf32, #tpu.memory_space<vmem>>) target(%dma_start3A_113 : memref<10240x128xf32, #tpu.memory_space<vmem_shared>>) offsets(%dma_start3A_110 : memref<100xi32, #tpu.memory_space<vmem>>) semaphore(%arg12 : memref<!tpu.dma_semaphore, #tpu.memory_space<semaphore_mem>>) {add = true}
    }
    %scan3A_63 = arith.constant 50 : i32
    %dma_wait3A_64 = arith.constant 1 : i32
    %dma_wait3A_65 = arith.constant 49 : i32
    %dma_wait3A_66 = arith.constant 0 : i32
    %dma_wait3A_67 = arith.constant 0 : i32
    %dma_wait3A_68 = tpu.memref_slice %arg10[%dma_wait3A_64, %dma_wait3A_66, %dma_wait3A_67] : memref<2x100x128xf32, #tpu.memory_space<vmem>> -> memref<1x100x128xf32, #tpu.memory_space<vmem>>
    %dma_wait3A_69 = tpu.memref_squeeze %dma_wait3A_68 : memref<1x100x128xf32, #tpu.memory_space<vmem>> -> memref<100x128xf32, #tpu.memory_space<vmem>>
    %dma_wait3A_70 = arith.constant 0 : i32
    %dma_wait3A_71 = tpu.memref_slice %arg9[%dma_wait3A_65, %dma_wait3A_70] : memref<50x100xi32, #tpu.memory_space<vmem>> -> memref<1x100xi32, #tpu.memory_space<vmem>>
    %dma_wait3A_72 = tpu.memref_squeeze %dma_wait3A_71 : memref<1x100xi32, #tpu.memory_space<vmem>> -> memref<100xi32, #tpu.memory_space<vmem>>
    %dma_wait3A_73 = arith.constant 0 : i32
    %dma_wait3A_74 = arith.constant 0 : i32
    %dma_wait3A_75 = tpu.memref_slice %arg7[%dma_wait3A_73, %dma_wait3A_74] : memref<10240x128xf32, #tpu.memory_space<vmem_shared>> -> memref<10240x128xf32, #tpu.memory_space<vmem_shared>>
    tpu.wait_indirect_dma semaphore(%arg12 : memref<!tpu.dma_semaphore, #tpu.memory_space<semaphore_mem>>) src(%dma_wait3A_69 : memref<100x128xf32, #tpu.memory_space<vmem>>) dst(%dma_wait3A_75 : memref<10240x128xf32, #tpu.memory_space<vmem_shared>>)
    %barrier3A_76 = arith.constant 0 : index
    tpu.barrier barrier_id(%barrier3A_76)
    %mul3A_77 = arith.constant 640 : i32
    %mul3A_78 = arith.muli %arg1, %mul3A_77 : i32
    %mul3A_79 = arith.constant 10240 : i32
    %mul3A_80 = arith.muli %arg0, %mul3A_79 : i32
    %mul3A_81 = arith.constant 640 : i32
    %mul3A_82 = arith.muli %arg1, %mul3A_81 : i32
    %add3A_83 = arith.addi %mul3A_80, %mul3A_82 : i32
    "tpu.region"() ({
      %run_scoped3A = tpu.sem_alloc : memref<!tpu.dma_semaphore, #tpu.memory_space<semaphore_mem>>
      %dma_start3A_84 = arith.constant 0 : i32
      %dma_start3A_85 = tpu.memref_slice %arg6[%add3A_83, %dma_start3A_84] : memref<20480x128xf32, #tpu.memory_space<hbm>> -> memref<640x128xf32, #tpu.memory_space<hbm>>
      %dma_start3A_86 = arith.constant 0 : i32
      %dma_start3A_87 = tpu.memref_slice %arg7[%mul3A_78, %dma_start3A_86] : memref<10240x128xf32, #tpu.memory_space<vmem_shared>> -> memref<640x128xf32, #tpu.memory_space<vmem_shared>>
      tpu.enqueue_dma source(%dma_start3A_87 : memref<640x128xf32, #tpu.memory_space<vmem_shared>>) target(%dma_start3A_85 : memref<640x128xf32, #tpu.memory_space<hbm>>) target_semaphore(%run_scoped3A : memref<!tpu.dma_semaphore, #tpu.memory_space<semaphore_mem>>)
      %dma_wait3A_88 = arith.constant 0 : i32
      %dma_wait3A_89 = tpu.memref_slice %arg6[%add3A_83, %dma_wait3A_88] : memref<20480x128xf32, #tpu.memory_space<hbm>> -> memref<640x128xf32, #tpu.memory_space<hbm>>
      %dma_wait3A_90 = arith.constant 0 : i32
      %dma_wait3A_91 = tpu.memref_slice %arg7[%mul3A_78, %dma_wait3A_90] : memref<10240x128xf32, #tpu.memory_space<vmem_shared>> -> memref<640x128xf32, #tpu.memory_space<vmem_shared>>
      tpu.wait_dma2 semaphore(%run_scoped3A : memref<!tpu.dma_semaphore, #tpu.memory_space<semaphore_mem>>) src(%dma_wait3A_91 : memref<640x128xf32, #tpu.memory_space<vmem_shared>>) dst(%dma_wait3A_89 : memref<640x128xf32, #tpu.memory_space<hbm>>)
      tpu.yield
    }) : () -> ()
    return
  }
}

#map = affine_map<(d0, d1) -> (0, 0)>
#map1 = affine_map<(d0, d1) -> (0, 0, 0)>
module attributes {stable_mosaic.version = 14 : i64} {
  func.func @_prop_sc(%arg0: i32, %arg1: i32, %arg2: memref<10000x128xf32, #tpu.memory_space<hbm>>, %arg3: memref<64x50x100xi32, #tpu.memory_space<hbm>>, %arg4: memref<64x50x100xi32, #tpu.memory_space<hbm>>, %arg5: memref<640x128xf32, #tpu.memory_space<hbm>>, %arg6: memref<20480x128xf32, #tpu.memory_space<hbm>>, %arg7: memref<10240x128xf32, #tpu.memory_space<vmem_shared>>, %arg8: memref<50x100xi32, #tpu.memory_space<vmem>>, %arg9: memref<50x100xi32, #tpu.memory_space<vmem>>, %arg10: memref<2x100x128xf32, #tpu.memory_space<vmem>>, %arg11: memref<!tpu.dma_semaphore, #tpu.memory_space<semaphore_mem>>, %arg12: memref<!tpu.dma_semaphore, #tpu.memory_space<semaphore_mem>>, %arg13: memref<!tpu.dma_semaphore, #tpu.memory_space<semaphore_mem>>) attributes {dimension_semantics = [#tpu.dimension_semantics<core_parallel>, #tpu.dimension_semantics<subcore_parallel>], iteration_bounds = array<i64: 2, 16>, scalar_prefetch = 0 : i64, scratch_operands = 7 : i64, tpu.core_type = #tpu.core_type<sc_vector_subcore>, window_params = [{transform_indices = #map}, {transform_indices = #map1}, {transform_indices = #map1}, {transform_indices = #map}, {transform_indices = #map}]} {
    %mul3A = arith.constant 2 : i32
    %mul3A_0 = arith.muli %arg1, %mul3A : i32
    %add3A = arith.addi %mul3A_0, %arg0 : i32
    %mul3A_1 = arith.constant 640 : i32
    %mul3A_2 = arith.muli %arg1, %mul3A_1 : i32
    %dma_start3A = arith.constant 0 : i32
    %dma_start3A_3 = tpu.memref_slice %arg7[%mul3A_2, %dma_start3A] : memref<10240x128xf32, #tpu.memory_space<vmem_shared>> -> memref<640x128xf32, #tpu.memory_space<vmem_shared>>
    tpu.enqueue_dma source(%arg5 : memref<640x128xf32, #tpu.memory_space<hbm>>) target(%dma_start3A_3 : memref<640x128xf32, #tpu.memory_space<vmem_shared>>) target_semaphore(%arg13 : memref<!tpu.dma_semaphore, #tpu.memory_space<semaphore_mem>>)
    %mul3A_4 = arith.constant 2 : i32
    %mul3A_5 = arith.muli %add3A, %mul3A_4 : i32
    "tpu.region"() ({
      %run_scoped3A = tpu.sem_alloc : memref<!tpu.dma_semaphore, #tpu.memory_space<semaphore_mem>>
      %dma_start3A_84 = arith.constant 0 : i32
      %dma_start3A_85 = arith.constant 0 : i32
      %dma_start3A_86 = tpu.memref_slice %arg3[%mul3A_5, %dma_start3A_84, %dma_start3A_85] : memref<64x50x100xi32, #tpu.memory_space<hbm>> -> memref<1x50x100xi32, #tpu.memory_space<hbm>>
      %dma_start3A_87 = tpu.memref_squeeze %dma_start3A_86 : memref<1x50x100xi32, #tpu.memory_space<hbm>> -> memref<50x100xi32, #tpu.memory_space<hbm>>
      %dma_start3A_88 = arith.constant 0 : i32
      %dma_start3A_89 = arith.constant 0 : i32
      %dma_start3A_90 = tpu.memref_slice %arg3[%mul3A_5, %dma_start3A_88, %dma_start3A_89] : memref<64x50x100xi32, #tpu.memory_space<hbm>> -> memref<1x50x100xi32, #tpu.memory_space<hbm>>
      %dma_start3A_91 = tpu.memref_squeeze %dma_start3A_90 : memref<1x50x100xi32, #tpu.memory_space<hbm>> -> memref<50x100xi32, #tpu.memory_space<hbm>>
      tpu.enqueue_dma source(%dma_start3A_91 : memref<50x100xi32, #tpu.memory_space<hbm>>) target(%arg8 : memref<50x100xi32, #tpu.memory_space<vmem>>) target_semaphore(%run_scoped3A : memref<!tpu.dma_semaphore, #tpu.memory_space<semaphore_mem>>)
      %dma_wait3A_92 = arith.constant 0 : i32
      %dma_wait3A_93 = arith.constant 0 : i32
      %dma_wait3A_94 = tpu.memref_slice %arg3[%mul3A_5, %dma_wait3A_92, %dma_wait3A_93] : memref<64x50x100xi32, #tpu.memory_space<hbm>> -> memref<1x50x100xi32, #tpu.memory_space<hbm>>
      %dma_wait3A_95 = tpu.memref_squeeze %dma_wait3A_94 : memref<1x50x100xi32, #tpu.memory_space<hbm>> -> memref<50x100xi32, #tpu.memory_space<hbm>>
      %dma_wait3A_96 = arith.constant 0 : i32
      %dma_wait3A_97 = arith.constant 0 : i32
      %dma_wait3A_98 = tpu.memref_slice %arg3[%mul3A_5, %dma_wait3A_96, %dma_wait3A_97] : memref<64x50x100xi32, #tpu.memory_space<hbm>> -> memref<1x50x100xi32, #tpu.memory_space<hbm>>
      %dma_wait3A_99 = tpu.memref_squeeze %dma_wait3A_98 : memref<1x50x100xi32, #tpu.memory_space<hbm>> -> memref<50x100xi32, #tpu.memory_space<hbm>>
      tpu.wait_dma2 semaphore(%run_scoped3A : memref<!tpu.dma_semaphore, #tpu.memory_space<semaphore_mem>>) src(%dma_wait3A_99 : memref<50x100xi32, #tpu.memory_space<hbm>>) dst(%arg8 : memref<50x100xi32, #tpu.memory_space<vmem>>)
      tpu.yield
    }) : () -> ()
    %mul3A_6 = arith.constant 2 : i32
    %mul3A_7 = arith.muli %add3A, %mul3A_6 : i32
    "tpu.region"() ({
      %run_scoped3A = tpu.sem_alloc : memref<!tpu.dma_semaphore, #tpu.memory_space<semaphore_mem>>
      %dma_start3A_84 = arith.constant 0 : i32
      %dma_start3A_85 = arith.constant 0 : i32
      %dma_start3A_86 = tpu.memref_slice %arg4[%mul3A_7, %dma_start3A_84, %dma_start3A_85] : memref<64x50x100xi32, #tpu.memory_space<hbm>> -> memref<1x50x100xi32, #tpu.memory_space<hbm>>
      %dma_start3A_87 = tpu.memref_squeeze %dma_start3A_86 : memref<1x50x100xi32, #tpu.memory_space<hbm>> -> memref<50x100xi32, #tpu.memory_space<hbm>>
      %dma_start3A_88 = arith.constant 0 : i32
      %dma_start3A_89 = arith.constant 0 : i32
      %dma_start3A_90 = tpu.memref_slice %arg4[%mul3A_7, %dma_start3A_88, %dma_start3A_89] : memref<64x50x100xi32, #tpu.memory_space<hbm>> -> memref<1x50x100xi32, #tpu.memory_space<hbm>>
      %dma_start3A_91 = tpu.memref_squeeze %dma_start3A_90 : memref<1x50x100xi32, #tpu.memory_space<hbm>> -> memref<50x100xi32, #tpu.memory_space<hbm>>
      tpu.enqueue_dma source(%dma_start3A_91 : memref<50x100xi32, #tpu.memory_space<hbm>>) target(%arg9 : memref<50x100xi32, #tpu.memory_space<vmem>>) target_semaphore(%run_scoped3A : memref<!tpu.dma_semaphore, #tpu.memory_space<semaphore_mem>>)
      %dma_wait3A_92 = arith.constant 0 : i32
      %dma_wait3A_93 = arith.constant 0 : i32
      %dma_wait3A_94 = tpu.memref_slice %arg4[%mul3A_7, %dma_wait3A_92, %dma_wait3A_93] : memref<64x50x100xi32, #tpu.memory_space<hbm>> -> memref<1x50x100xi32, #tpu.memory_space<hbm>>
      %dma_wait3A_95 = tpu.memref_squeeze %dma_wait3A_94 : memref<1x50x100xi32, #tpu.memory_space<hbm>> -> memref<50x100xi32, #tpu.memory_space<hbm>>
      %dma_wait3A_96 = arith.constant 0 : i32
      %dma_wait3A_97 = arith.constant 0 : i32
      %dma_wait3A_98 = tpu.memref_slice %arg4[%mul3A_7, %dma_wait3A_96, %dma_wait3A_97] : memref<64x50x100xi32, #tpu.memory_space<hbm>> -> memref<1x50x100xi32, #tpu.memory_space<hbm>>
      %dma_wait3A_99 = tpu.memref_squeeze %dma_wait3A_98 : memref<1x50x100xi32, #tpu.memory_space<hbm>> -> memref<50x100xi32, #tpu.memory_space<hbm>>
      tpu.wait_dma2 semaphore(%run_scoped3A : memref<!tpu.dma_semaphore, #tpu.memory_space<semaphore_mem>>) src(%dma_wait3A_99 : memref<50x100xi32, #tpu.memory_space<hbm>>) dst(%arg9 : memref<50x100xi32, #tpu.memory_space<vmem>>)
      tpu.yield
    }) : () -> ()
    %dma_start3A_8 = arith.constant 0 : i32
    %dma_start3A_9 = arith.constant 0 : i32
    %dma_start3A_10 = arith.constant 0 : i32
    %dma_start3A_11 = arith.constant 0 : i32
    %dma_start3A_12 = tpu.memref_slice %arg10[%dma_start3A_9, %dma_start3A_10, %dma_start3A_11] : memref<2x100x128xf32, #tpu.memory_space<vmem>> -> memref<1x100x128xf32, #tpu.memory_space<vmem>>
    %dma_start3A_13 = tpu.memref_squeeze %dma_start3A_12 : memref<1x100x128xf32, #tpu.memory_space<vmem>> -> memref<100x128xf32, #tpu.memory_space<vmem>>
    %dma_start3A_14 = arith.constant 0 : i32
    %dma_start3A_15 = tpu.memref_slice %arg8[%dma_start3A_8, %dma_start3A_14] : memref<50x100xi32, #tpu.memory_space<vmem>> -> memref<1x100xi32, #tpu.memory_space<vmem>>
    %dma_start3A_16 = tpu.memref_squeeze %dma_start3A_15 : memref<1x100xi32, #tpu.memory_space<vmem>> -> memref<100xi32, #tpu.memory_space<vmem>>
    %dma_start3A_17 = arith.constant 0 : i32
    %dma_start3A_18 = arith.constant 0 : i32
    %dma_start3A_19 = tpu.memref_slice %arg2[%dma_start3A_17, %dma_start3A_18] : memref<10000x128xf32, #tpu.memory_space<hbm>> -> memref<10000x128xf32, #tpu.memory_space<hbm>>
    tpu.enqueue_indirect_dma source(%dma_start3A_19 : memref<10000x128xf32, #tpu.memory_space<hbm>>) target(%dma_start3A_13 : memref<100x128xf32, #tpu.memory_space<vmem>>) offsets(%dma_start3A_16 : memref<100xi32, #tpu.memory_space<vmem>>) semaphore(%arg11 : memref<!tpu.dma_semaphore, #tpu.memory_space<semaphore_mem>>)
    %dma_wait3A = arith.constant 0 : i32
    %dma_wait3A_20 = tpu.memref_slice %arg7[%mul3A_2, %dma_wait3A] : memref<10240x128xf32, #tpu.memory_space<vmem_shared>> -> memref<640x128xf32, #tpu.memory_space<vmem_shared>>
    tpu.wait_dma2 semaphore(%arg13 : memref<!tpu.dma_semaphore, #tpu.memory_space<semaphore_mem>>) src(%arg5 : memref<640x128xf32, #tpu.memory_space<hbm>>) dst(%dma_wait3A_20 : memref<640x128xf32, #tpu.memory_space<vmem_shared>>)
    %barrier3A = arith.constant 0 : index
    tpu.barrier barrier_id(%barrier3A)
    %scan3A = arith.constant 0 : i32
    %scan3A_21 = arith.constant 0 : i32
    %scan3A_22 = arith.constant 50 : i32
    %scan3A_23 = arith.addi %scan3A_21, %scan3A_22 : i32
    %scan3A_24 = arith.constant 1 : i32
    scf.for %scan3A_84 = %scan3A_21 to %scan3A_23 step %scan3A_24  : i32 {
      %rem3A = arith.constant 2 : i32
      %rem3A_85 = arith.remsi %scan3A_84, %rem3A : i32
      %dma_wait3A_86 = arith.constant 0 : i32
      %dma_wait3A_87 = arith.constant 0 : i32
      %dma_wait3A_88 = tpu.memref_slice %arg10[%rem3A_85, %dma_wait3A_86, %dma_wait3A_87] : memref<2x100x128xf32, #tpu.memory_space<vmem>> -> memref<1x100x128xf32, #tpu.memory_space<vmem>>
      %dma_wait3A_89 = tpu.memref_squeeze %dma_wait3A_88 : memref<1x100x128xf32, #tpu.memory_space<vmem>> -> memref<100x128xf32, #tpu.memory_space<vmem>>
      %dma_wait3A_90 = arith.constant 0 : i32
      %dma_wait3A_91 = tpu.memref_slice %arg8[%scan3A_84, %dma_wait3A_90] : memref<50x100xi32, #tpu.memory_space<vmem>> -> memref<1x100xi32, #tpu.memory_space<vmem>>
      %dma_wait3A_92 = tpu.memref_squeeze %dma_wait3A_91 : memref<1x100xi32, #tpu.memory_space<vmem>> -> memref<100xi32, #tpu.memory_space<vmem>>
      %dma_wait3A_93 = arith.constant 0 : i32
      %dma_wait3A_94 = arith.constant 0 : i32
      %dma_wait3A_95 = tpu.memref_slice %arg2[%dma_wait3A_93, %dma_wait3A_94] : memref<10000x128xf32, #tpu.memory_space<hbm>> -> memref<10000x128xf32, #tpu.memory_space<hbm>>
      tpu.wait_indirect_dma semaphore(%arg11 : memref<!tpu.dma_semaphore, #tpu.memory_space<semaphore_mem>>) src(%dma_wait3A_95 : memref<10000x128xf32, #tpu.memory_space<hbm>>) dst(%dma_wait3A_89 : memref<100x128xf32, #tpu.memory_space<vmem>>)
      %ge3A = arith.constant 1 : i32
      %ge3A_96 = arith.cmpi sge, %scan3A_84, %ge3A : i32
      %convert_element_type3A = arith.extui %ge3A_96 : i1 to i32
      %cond3A = arith.constant 0 : i32
      %cond3A_97 = arith.cmpi ne, %convert_element_type3A, %cond3A : i32
      scf.if %cond3A_97 {
        %sub3A = arith.constant 1 : i32
        %sub3A_114 = arith.subi %sub3A, %rem3A_85 : i32
        %sub3A_115 = arith.constant 1 : i32
        %sub3A_116 = arith.subi %scan3A_84, %sub3A_115 : i32
        %dma_wait3A_117 = arith.constant 0 : i32
        %dma_wait3A_118 = arith.constant 0 : i32
        %dma_wait3A_119 = tpu.memref_slice %arg10[%sub3A_114, %dma_wait3A_117, %dma_wait3A_118] : memref<2x100x128xf32, #tpu.memory_space<vmem>> -> memref<1x100x128xf32, #tpu.memory_space<vmem>>
        %dma_wait3A_120 = tpu.memref_squeeze %dma_wait3A_119 : memref<1x100x128xf32, #tpu.memory_space<vmem>> -> memref<100x128xf32, #tpu.memory_space<vmem>>
        %dma_wait3A_121 = arith.constant 0 : i32
        %dma_wait3A_122 = tpu.memref_slice %arg9[%sub3A_116, %dma_wait3A_121] : memref<50x100xi32, #tpu.memory_space<vmem>> -> memref<1x100xi32, #tpu.memory_space<vmem>>
        %dma_wait3A_123 = tpu.memref_squeeze %dma_wait3A_122 : memref<1x100xi32, #tpu.memory_space<vmem>> -> memref<100xi32, #tpu.memory_space<vmem>>
        %dma_wait3A_124 = arith.constant 0 : i32
        %dma_wait3A_125 = arith.constant 0 : i32
        %dma_wait3A_126 = tpu.memref_slice %arg7[%dma_wait3A_124, %dma_wait3A_125] : memref<10240x128xf32, #tpu.memory_space<vmem_shared>> -> memref<10240x128xf32, #tpu.memory_space<vmem_shared>>
        tpu.wait_indirect_dma semaphore(%arg12 : memref<!tpu.dma_semaphore, #tpu.memory_space<semaphore_mem>>) src(%dma_wait3A_120 : memref<100x128xf32, #tpu.memory_space<vmem>>) dst(%dma_wait3A_126 : memref<10240x128xf32, #tpu.memory_space<vmem_shared>>)
      } else {
      }
      %add3A_98 = arith.constant 1 : i32
      %add3A_99 = arith.addi %scan3A_84, %add3A_98 : i32
      %lt3A = arith.constant 50 : i32
      %lt3A_100 = arith.cmpi slt, %add3A_99, %lt3A : i32
      %convert_element_type3A_101 = arith.extui %lt3A_100 : i1 to i32
      %cond3A_102 = arith.constant 0 : i32
      %cond3A_103 = arith.cmpi ne, %convert_element_type3A_101, %cond3A_102 : i32
      scf.if %cond3A_103 {
        %add3A_114 = arith.constant 1 : i32
        %add3A_115 = arith.addi %scan3A_84, %add3A_114 : i32
        %sub3A = arith.constant 1 : i32
        %sub3A_116 = arith.subi %sub3A, %rem3A_85 : i32
        %dma_start3A_117 = arith.constant 0 : i32
        %dma_start3A_118 = arith.constant 0 : i32
        %dma_start3A_119 = tpu.memref_slice %arg10[%sub3A_116, %dma_start3A_117, %dma_start3A_118] : memref<2x100x128xf32, #tpu.memory_space<vmem>> -> memref<1x100x128xf32, #tpu.memory_space<vmem>>
        %dma_start3A_120 = tpu.memref_squeeze %dma_start3A_119 : memref<1x100x128xf32, #tpu.memory_space<vmem>> -> memref<100x128xf32, #tpu.memory_space<vmem>>
        %dma_start3A_121 = arith.constant 0 : i32
        %dma_start3A_122 = tpu.memref_slice %arg8[%add3A_115, %dma_start3A_121] : memref<50x100xi32, #tpu.memory_space<vmem>> -> memref<1x100xi32, #tpu.memory_space<vmem>>
        %dma_start3A_123 = tpu.memref_squeeze %dma_start3A_122 : memref<1x100xi32, #tpu.memory_space<vmem>> -> memref<100xi32, #tpu.memory_space<vmem>>
        %dma_start3A_124 = arith.constant 0 : i32
        %dma_start3A_125 = arith.constant 0 : i32
        %dma_start3A_126 = tpu.memref_slice %arg2[%dma_start3A_124, %dma_start3A_125] : memref<10000x128xf32, #tpu.memory_space<hbm>> -> memref<10000x128xf32, #tpu.memory_space<hbm>>
        tpu.enqueue_indirect_dma source(%dma_start3A_126 : memref<10000x128xf32, #tpu.memory_space<hbm>>) target(%dma_start3A_120 : memref<100x128xf32, #tpu.memory_space<vmem>>) offsets(%dma_start3A_123 : memref<100xi32, #tpu.memory_space<vmem>>) semaphore(%arg11 : memref<!tpu.dma_semaphore, #tpu.memory_space<semaphore_mem>>)
      } else {
      }
      %dma_start3A_104 = arith.constant 0 : i32
      %dma_start3A_105 = arith.constant 0 : i32
      %dma_start3A_106 = tpu.memref_slice %arg10[%rem3A_85, %dma_start3A_104, %dma_start3A_105] : memref<2x100x128xf32, #tpu.memory_space<vmem>> -> memref<1x100x128xf32, #tpu.memory_space<vmem>>
      %dma_start3A_107 = tpu.memref_squeeze %dma_start3A_106 : memref<1x100x128xf32, #tpu.memory_space<vmem>> -> memref<100x128xf32, #tpu.memory_space<vmem>>
      %dma_start3A_108 = arith.constant 0 : i32
      %dma_start3A_109 = tpu.memref_slice %arg9[%scan3A_84, %dma_start3A_108] : memref<50x100xi32, #tpu.memory_space<vmem>> -> memref<1x100xi32, #tpu.memory_space<vmem>>
      %dma_start3A_110 = tpu.memref_squeeze %dma_start3A_109 : memref<1x100xi32, #tpu.memory_space<vmem>> -> memref<100xi32, #tpu.memory_space<vmem>>
      %dma_start3A_111 = arith.constant 0 : i32
      %dma_start3A_112 = arith.constant 0 : i32
      %dma_start3A_113 = tpu.memref_slice %arg7[%dma_start3A_111, %dma_start3A_112] : memref<10240x128xf32, #tpu.memory_space<vmem_shared>> -> memref<10240x128xf32, #tpu.memory_space<vmem_shared>>
      tpu.enqueue_indirect_dma source(%dma_start3A_107 : memref<100x128xf32, #tpu.memory_space<vmem>>) target(%dma_start3A_113 : memref<10240x128xf32, #tpu.memory_space<vmem_shared>>) offsets(%dma_start3A_110 : memref<100xi32, #tpu.memory_space<vmem>>) semaphore(%arg12 : memref<!tpu.dma_semaphore, #tpu.memory_space<semaphore_mem>>) {add = true}
    }
    %scan3A_25 = arith.constant 50 : i32
    %dma_wait3A_26 = arith.constant 1 : i32
    %dma_wait3A_27 = arith.constant 49 : i32
    %dma_wait3A_28 = arith.constant 0 : i32
    %dma_wait3A_29 = arith.constant 0 : i32
    %dma_wait3A_30 = tpu.memref_slice %arg10[%dma_wait3A_26, %dma_wait3A_28, %dma_wait3A_29] : memref<2x100x128xf32, #tpu.memory_space<vmem>> -> memref<1x100x128xf32, #tpu.memory_space<vmem>>
    %dma_wait3A_31 = tpu.memref_squeeze %dma_wait3A_30 : memref<1x100x128xf32, #tpu.memory_space<vmem>> -> memref<100x128xf32, #tpu.memory_space<vmem>>
    %dma_wait3A_32 = arith.constant 0 : i32
    %dma_wait3A_33 = tpu.memref_slice %arg9[%dma_wait3A_27, %dma_wait3A_32] : memref<50x100xi32, #tpu.memory_space<vmem>> -> memref<1x100xi32, #tpu.memory_space<vmem>>
    %dma_wait3A_34 = tpu.memref_squeeze %dma_wait3A_33 : memref<1x100xi32, #tpu.memory_space<vmem>> -> memref<100xi32, #tpu.memory_space<vmem>>
    %dma_wait3A_35 = arith.constant 0 : i32
    %dma_wait3A_36 = arith.constant 0 : i32
    %dma_wait3A_37 = tpu.memref_slice %arg7[%dma_wait3A_35, %dma_wait3A_36] : memref<10240x128xf32, #tpu.memory_space<vmem_shared>> -> memref<10240x128xf32, #tpu.memory_space<vmem_shared>>
    tpu.wait_indirect_dma semaphore(%arg12 : memref<!tpu.dma_semaphore, #tpu.memory_space<semaphore_mem>>) src(%dma_wait3A_31 : memref<100x128xf32, #tpu.memory_space<vmem>>) dst(%dma_wait3A_37 : memref<10240x128xf32, #tpu.memory_space<vmem_shared>>)
    %mul3A_38 = arith.constant 2 : i32
    %mul3A_39 = arith.muli %add3A, %mul3A_38 : i32
    %add3A_40 = arith.constant 1 : i32
    %add3A_41 = arith.addi %mul3A_39, %add3A_40 : i32
    "tpu.region"() ({
      %run_scoped3A = tpu.sem_alloc : memref<!tpu.dma_semaphore, #tpu.memory_space<semaphore_mem>>
      %dma_start3A_84 = arith.constant 0 : i32
      %dma_start3A_85 = arith.constant 0 : i32
      %dma_start3A_86 = tpu.memref_slice %arg3[%add3A_41, %dma_start3A_84, %dma_start3A_85] : memref<64x50x100xi32, #tpu.memory_space<hbm>> -> memref<1x50x100xi32, #tpu.memory_space<hbm>>
      %dma_start3A_87 = tpu.memref_squeeze %dma_start3A_86 : memref<1x50x100xi32, #tpu.memory_space<hbm>> -> memref<50x100xi32, #tpu.memory_space<hbm>>
      %dma_start3A_88 = arith.constant 0 : i32
      %dma_start3A_89 = arith.constant 0 : i32
      %dma_start3A_90 = tpu.memref_slice %arg3[%add3A_41, %dma_start3A_88, %dma_start3A_89] : memref<64x50x100xi32, #tpu.memory_space<hbm>> -> memref<1x50x100xi32, #tpu.memory_space<hbm>>
      %dma_start3A_91 = tpu.memref_squeeze %dma_start3A_90 : memref<1x50x100xi32, #tpu.memory_space<hbm>> -> memref<50x100xi32, #tpu.memory_space<hbm>>
      tpu.enqueue_dma source(%dma_start3A_91 : memref<50x100xi32, #tpu.memory_space<hbm>>) target(%arg8 : memref<50x100xi32, #tpu.memory_space<vmem>>) target_semaphore(%run_scoped3A : memref<!tpu.dma_semaphore, #tpu.memory_space<semaphore_mem>>)
      %dma_wait3A_92 = arith.constant 0 : i32
      %dma_wait3A_93 = arith.constant 0 : i32
      %dma_wait3A_94 = tpu.memref_slice %arg3[%add3A_41, %dma_wait3A_92, %dma_wait3A_93] : memref<64x50x100xi32, #tpu.memory_space<hbm>> -> memref<1x50x100xi32, #tpu.memory_space<hbm>>
      %dma_wait3A_95 = tpu.memref_squeeze %dma_wait3A_94 : memref<1x50x100xi32, #tpu.memory_space<hbm>> -> memref<50x100xi32, #tpu.memory_space<hbm>>
      %dma_wait3A_96 = arith.constant 0 : i32
      %dma_wait3A_97 = arith.constant 0 : i32
      %dma_wait3A_98 = tpu.memref_slice %arg3[%add3A_41, %dma_wait3A_96, %dma_wait3A_97] : memref<64x50x100xi32, #tpu.memory_space<hbm>> -> memref<1x50x100xi32, #tpu.memory_space<hbm>>
      %dma_wait3A_99 = tpu.memref_squeeze %dma_wait3A_98 : memref<1x50x100xi32, #tpu.memory_space<hbm>> -> memref<50x100xi32, #tpu.memory_space<hbm>>
      tpu.wait_dma2 semaphore(%run_scoped3A : memref<!tpu.dma_semaphore, #tpu.memory_space<semaphore_mem>>) src(%dma_wait3A_99 : memref<50x100xi32, #tpu.memory_space<hbm>>) dst(%arg8 : memref<50x100xi32, #tpu.memory_space<vmem>>)
      tpu.yield
    }) : () -> ()
    %mul3A_42 = arith.constant 2 : i32
    %mul3A_43 = arith.muli %add3A, %mul3A_42 : i32
    %add3A_44 = arith.constant 1 : i32
    %add3A_45 = arith.addi %mul3A_43, %add3A_44 : i32
    "tpu.region"() ({
      %run_scoped3A = tpu.sem_alloc : memref<!tpu.dma_semaphore, #tpu.memory_space<semaphore_mem>>
      %dma_start3A_84 = arith.constant 0 : i32
      %dma_start3A_85 = arith.constant 0 : i32
      %dma_start3A_86 = tpu.memref_slice %arg4[%add3A_45, %dma_start3A_84, %dma_start3A_85] : memref<64x50x100xi32, #tpu.memory_space<hbm>> -> memref<1x50x100xi32, #tpu.memory_space<hbm>>
      %dma_start3A_87 = tpu.memref_squeeze %dma_start3A_86 : memref<1x50x100xi32, #tpu.memory_space<hbm>> -> memref<50x100xi32, #tpu.memory_space<hbm>>
      %dma_start3A_88 = arith.constant 0 : i32
      %dma_start3A_89 = arith.constant 0 : i32
      %dma_start3A_90 = tpu.memref_slice %arg4[%add3A_45, %dma_start3A_88, %dma_start3A_89] : memref<64x50x100xi32, #tpu.memory_space<hbm>> -> memref<1x50x100xi32, #tpu.memory_space<hbm>>
      %dma_start3A_91 = tpu.memref_squeeze %dma_start3A_90 : memref<1x50x100xi32, #tpu.memory_space<hbm>> -> memref<50x100xi32, #tpu.memory_space<hbm>>
      tpu.enqueue_dma source(%dma_start3A_91 : memref<50x100xi32, #tpu.memory_space<hbm>>) target(%arg9 : memref<50x100xi32, #tpu.memory_space<vmem>>) target_semaphore(%run_scoped3A : memref<!tpu.dma_semaphore, #tpu.memory_space<semaphore_mem>>)
      %dma_wait3A_92 = arith.constant 0 : i32
      %dma_wait3A_93 = arith.constant 0 : i32
      %dma_wait3A_94 = tpu.memref_slice %arg4[%add3A_45, %dma_wait3A_92, %dma_wait3A_93] : memref<64x50x100xi32, #tpu.memory_space<hbm>> -> memref<1x50x100xi32, #tpu.memory_space<hbm>>
      %dma_wait3A_95 = tpu.memref_squeeze %dma_wait3A_94 : memref<1x50x100xi32, #tpu.memory_space<hbm>> -> memref<50x100xi32, #tpu.memory_space<hbm>>
      %dma_wait3A_96 = arith.constant 0 : i32
      %dma_wait3A_97 = arith.constant 0 : i32
      %dma_wait3A_98 = tpu.memref_slice %arg4[%add3A_45, %dma_wait3A_96, %dma_wait3A_97] : memref<64x50x100xi32, #tpu.memory_space<hbm>> -> memref<1x50x100xi32, #tpu.memory_space<hbm>>
      %dma_wait3A_99 = tpu.memref_squeeze %dma_wait3A_98 : memref<1x50x100xi32, #tpu.memory_space<hbm>> -> memref<50x100xi32, #tpu.memory_space<hbm>>
      tpu.wait_dma2 semaphore(%run_scoped3A : memref<!tpu.dma_semaphore, #tpu.memory_space<semaphore_mem>>) src(%dma_wait3A_99 : memref<50x100xi32, #tpu.memory_space<hbm>>) dst(%arg9 : memref<50x100xi32, #tpu.memory_space<vmem>>)
      tpu.yield
    }) : () -> ()
    %dma_start3A_46 = arith.constant 0 : i32
    %dma_start3A_47 = arith.constant 0 : i32
    %dma_start3A_48 = arith.constant 0 : i32
    %dma_start3A_49 = arith.constant 0 : i32
    %dma_start3A_50 = tpu.memref_slice %arg10[%dma_start3A_47, %dma_start3A_48, %dma_start3A_49] : memref<2x100x128xf32, #tpu.memory_space<vmem>> -> memref<1x100x128xf32, #tpu.memory_space<vmem>>
    %dma_start3A_51 = tpu.memref_squeeze %dma_start3A_50 : memref<1x100x128xf32, #tpu.memory_space<vmem>> -> memref<100x128xf32, #tpu.memory_space<vmem>>
    %dma_start3A_52 = arith.constant 0 : i32
    %dma_start3A_53 = tpu.memref_slice %arg8[%dma_start3A_46, %dma_start3A_52] : memref<50x100xi32, #tpu.memory_space<vmem>> -> memref<1x100xi32, #tpu.memory_space<vmem>>
    %dma_start3A_54 = tpu.memref_squeeze %dma_start3A_53 : memref<1x100xi32, #tpu.memory_space<vmem>> -> memref<100xi32, #tpu.memory_space<vmem>>
    %dma_start3A_55 = arith.constant 0 : i32
    %dma_start3A_56 = arith.constant 0 : i32
    %dma_start3A_57 = tpu.memref_slice %arg2[%dma_start3A_55, %dma_start3A_56] : memref<10000x128xf32, #tpu.memory_space<hbm>> -> memref<10000x128xf32, #tpu.memory_space<hbm>>
    tpu.enqueue_indirect_dma source(%dma_start3A_57 : memref<10000x128xf32, #tpu.memory_space<hbm>>) target(%dma_start3A_51 : memref<100x128xf32, #tpu.memory_space<vmem>>) offsets(%dma_start3A_54 : memref<100xi32, #tpu.memory_space<vmem>>) semaphore(%arg11 : memref<!tpu.dma_semaphore, #tpu.memory_space<semaphore_mem>>)
    %scan3A_58 = arith.constant 0 : i32
    %scan3A_59 = arith.constant 0 : i32
    %scan3A_60 = arith.constant 50 : i32
    %scan3A_61 = arith.addi %scan3A_59, %scan3A_60 : i32
    %scan3A_62 = arith.constant 1 : i32
    scf.for %scan3A_84 = %scan3A_59 to %scan3A_61 step %scan3A_62  : i32 {
      %rem3A = arith.constant 2 : i32
      %rem3A_85 = arith.remsi %scan3A_84, %rem3A : i32
      %dma_wait3A_86 = arith.constant 0 : i32
      %dma_wait3A_87 = arith.constant 0 : i32
      %dma_wait3A_88 = tpu.memref_slice %arg10[%rem3A_85, %dma_wait3A_86, %dma_wait3A_87] : memref<2x100x128xf32, #tpu.memory_space<vmem>> -> memref<1x100x128xf32, #tpu.memory_space<vmem>>
      %dma_wait3A_89 = tpu.memref_squeeze %dma_wait3A_88 : memref<1x100x128xf32, #tpu.memory_space<vmem>> -> memref<100x128xf32, #tpu.memory_space<vmem>>
      %dma_wait3A_90 = arith.constant 0 : i32
      %dma_wait3A_91 = tpu.memref_slice %arg8[%scan3A_84, %dma_wait3A_90] : memref<50x100xi32, #tpu.memory_space<vmem>> -> memref<1x100xi32, #tpu.memory_space<vmem>>
      %dma_wait3A_92 = tpu.memref_squeeze %dma_wait3A_91 : memref<1x100xi32, #tpu.memory_space<vmem>> -> memref<100xi32, #tpu.memory_space<vmem>>
      %dma_wait3A_93 = arith.constant 0 : i32
      %dma_wait3A_94 = arith.constant 0 : i32
      %dma_wait3A_95 = tpu.memref_slice %arg2[%dma_wait3A_93, %dma_wait3A_94] : memref<10000x128xf32, #tpu.memory_space<hbm>> -> memref<10000x128xf32, #tpu.memory_space<hbm>>
      tpu.wait_indirect_dma semaphore(%arg11 : memref<!tpu.dma_semaphore, #tpu.memory_space<semaphore_mem>>) src(%dma_wait3A_95 : memref<10000x128xf32, #tpu.memory_space<hbm>>) dst(%dma_wait3A_89 : memref<100x128xf32, #tpu.memory_space<vmem>>)
      %ge3A = arith.constant 1 : i32
      %ge3A_96 = arith.cmpi sge, %scan3A_84, %ge3A : i32
      %convert_element_type3A = arith.extui %ge3A_96 : i1 to i32
      %cond3A = arith.constant 0 : i32
      %cond3A_97 = arith.cmpi ne, %convert_element_type3A, %cond3A : i32
      scf.if %cond3A_97 {
        %sub3A = arith.constant 1 : i32
        %sub3A_114 = arith.subi %sub3A, %rem3A_85 : i32
        %sub3A_115 = arith.constant 1 : i32
        %sub3A_116 = arith.subi %scan3A_84, %sub3A_115 : i32
        %dma_wait3A_117 = arith.constant 0 : i32
        %dma_wait3A_118 = arith.constant 0 : i32
        %dma_wait3A_119 = tpu.memref_slice %arg10[%sub3A_114, %dma_wait3A_117, %dma_wait3A_118] : memref<2x100x128xf32, #tpu.memory_space<vmem>> -> memref<1x100x128xf32, #tpu.memory_space<vmem>>
        %dma_wait3A_120 = tpu.memref_squeeze %dma_wait3A_119 : memref<1x100x128xf32, #tpu.memory_space<vmem>> -> memref<100x128xf32, #tpu.memory_space<vmem>>
        %dma_wait3A_121 = arith.constant 0 : i32
        %dma_wait3A_122 = tpu.memref_slice %arg9[%sub3A_116, %dma_wait3A_121] : memref<50x100xi32, #tpu.memory_space<vmem>> -> memref<1x100xi32, #tpu.memory_space<vmem>>
        %dma_wait3A_123 = tpu.memref_squeeze %dma_wait3A_122 : memref<1x100xi32, #tpu.memory_space<vmem>> -> memref<100xi32, #tpu.memory_space<vmem>>
        %dma_wait3A_124 = arith.constant 0 : i32
        %dma_wait3A_125 = arith.constant 0 : i32
        %dma_wait3A_126 = tpu.memref_slice %arg7[%dma_wait3A_124, %dma_wait3A_125] : memref<10240x128xf32, #tpu.memory_space<vmem_shared>> -> memref<10240x128xf32, #tpu.memory_space<vmem_shared>>
        tpu.wait_indirect_dma semaphore(%arg12 : memref<!tpu.dma_semaphore, #tpu.memory_space<semaphore_mem>>) src(%dma_wait3A_120 : memref<100x128xf32, #tpu.memory_space<vmem>>) dst(%dma_wait3A_126 : memref<10240x128xf32, #tpu.memory_space<vmem_shared>>)
      } else {
      }
      %add3A_98 = arith.constant 1 : i32
      %add3A_99 = arith.addi %scan3A_84, %add3A_98 : i32
      %lt3A = arith.constant 50 : i32
      %lt3A_100 = arith.cmpi slt, %add3A_99, %lt3A : i32
      %convert_element_type3A_101 = arith.extui %lt3A_100 : i1 to i32
      %cond3A_102 = arith.constant 0 : i32
      %cond3A_103 = arith.cmpi ne, %convert_element_type3A_101, %cond3A_102 : i32
      scf.if %cond3A_103 {
        %add3A_114 = arith.constant 1 : i32
        %add3A_115 = arith.addi %scan3A_84, %add3A_114 : i32
        %sub3A = arith.constant 1 : i32
        %sub3A_116 = arith.subi %sub3A, %rem3A_85 : i32
        %dma_start3A_117 = arith.constant 0 : i32
        %dma_start3A_118 = arith.constant 0 : i32
        %dma_start3A_119 = tpu.memref_slice %arg10[%sub3A_116, %dma_start3A_117, %dma_start3A_118] : memref<2x100x128xf32, #tpu.memory_space<vmem>> -> memref<1x100x128xf32, #tpu.memory_space<vmem>>
        %dma_start3A_120 = tpu.memref_squeeze %dma_start3A_119 : memref<1x100x128xf32, #tpu.memory_space<vmem>> -> memref<100x128xf32, #tpu.memory_space<vmem>>
        %dma_start3A_121 = arith.constant 0 : i32
        %dma_start3A_122 = tpu.memref_slice %arg8[%add3A_115, %dma_start3A_121] : memref<50x100xi32, #tpu.memory_space<vmem>> -> memref<1x100xi32, #tpu.memory_space<vmem>>
        %dma_start3A_123 = tpu.memref_squeeze %dma_start3A_122 : memref<1x100xi32, #tpu.memory_space<vmem>> -> memref<100xi32, #tpu.memory_space<vmem>>
        %dma_start3A_124 = arith.constant 0 : i32
        %dma_start3A_125 = arith.constant 0 : i32
        %dma_start3A_126 = tpu.memref_slice %arg2[%dma_start3A_124, %dma_start3A_125] : memref<10000x128xf32, #tpu.memory_space<hbm>> -> memref<10000x128xf32, #tpu.memory_space<hbm>>
        tpu.enqueue_indirect_dma source(%dma_start3A_126 : memref<10000x128xf32, #tpu.memory_space<hbm>>) target(%dma_start3A_120 : memref<100x128xf32, #tpu.memory_space<vmem>>) offsets(%dma_start3A_123 : memref<100xi32, #tpu.memory_space<vmem>>) semaphore(%arg11 : memref<!tpu.dma_semaphore, #tpu.memory_space<semaphore_mem>>)
      } else {
      }
      %dma_start3A_104 = arith.constant 0 : i32
      %dma_start3A_105 = arith.constant 0 : i32
      %dma_start3A_106 = tpu.memref_slice %arg10[%rem3A_85, %dma_start3A_104, %dma_start3A_105] : memref<2x100x128xf32, #tpu.memory_space<vmem>> -> memref<1x100x128xf32, #tpu.memory_space<vmem>>
      %dma_start3A_107 = tpu.memref_squeeze %dma_start3A_106 : memref<1x100x128xf32, #tpu.memory_space<vmem>> -> memref<100x128xf32, #tpu.memory_space<vmem>>
      %dma_start3A_108 = arith.constant 0 : i32
      %dma_start3A_109 = tpu.memref_slice %arg9[%scan3A_84, %dma_start3A_108] : memref<50x100xi32, #tpu.memory_space<vmem>> -> memref<1x100xi32, #tpu.memory_space<vmem>>
      %dma_start3A_110 = tpu.memref_squeeze %dma_start3A_109 : memref<1x100xi32, #tpu.memory_space<vmem>> -> memref<100xi32, #tpu.memory_space<vmem>>
      %dma_start3A_111 = arith.constant 0 : i32
      %dma_start3A_112 = arith.constant 0 : i32
      %dma_start3A_113 = tpu.memref_slice %arg7[%dma_start3A_111, %dma_start3A_112] : memref<10240x128xf32, #tpu.memory_space<vmem_shared>> -> memref<10240x128xf32, #tpu.memory_space<vmem_shared>>
      tpu.enqueue_indirect_dma source(%dma_start3A_107 : memref<100x128xf32, #tpu.memory_space<vmem>>) target(%dma_start3A_113 : memref<10240x128xf32, #tpu.memory_space<vmem_shared>>) offsets(%dma_start3A_110 : memref<100xi32, #tpu.memory_space<vmem>>) semaphore(%arg12 : memref<!tpu.dma_semaphore, #tpu.memory_space<semaphore_mem>>) {add = true}
    }
    %scan3A_63 = arith.constant 50 : i32
    %dma_wait3A_64 = arith.constant 1 : i32
    %dma_wait3A_65 = arith.constant 49 : i32
    %dma_wait3A_66 = arith.constant 0 : i32
    %dma_wait3A_67 = arith.constant 0 : i32
    %dma_wait3A_68 = tpu.memref_slice %arg10[%dma_wait3A_64, %dma_wait3A_66, %dma_wait3A_67] : memref<2x100x128xf32, #tpu.memory_space<vmem>> -> memref<1x100x128xf32, #tpu.memory_space<vmem>>
    %dma_wait3A_69 = tpu.memref_squeeze %dma_wait3A_68 : memref<1x100x128xf32, #tpu.memory_space<vmem>> -> memref<100x128xf32, #tpu.memory_space<vmem>>
    %dma_wait3A_70 = arith.constant 0 : i32
    %dma_wait3A_71 = tpu.memref_slice %arg9[%dma_wait3A_65, %dma_wait3A_70] : memref<50x100xi32, #tpu.memory_space<vmem>> -> memref<1x100xi32, #tpu.memory_space<vmem>>
    %dma_wait3A_72 = tpu.memref_squeeze %dma_wait3A_71 : memref<1x100xi32, #tpu.memory_space<vmem>> -> memref<100xi32, #tpu.memory_space<vmem>>
    %dma_wait3A_73 = arith.constant 0 : i32
    %dma_wait3A_74 = arith.constant 0 : i32
    %dma_wait3A_75 = tpu.memref_slice %arg7[%dma_wait3A_73, %dma_wait3A_74] : memref<10240x128xf32, #tpu.memory_space<vmem_shared>> -> memref<10240x128xf32, #tpu.memory_space<vmem_shared>>
    tpu.wait_indirect_dma semaphore(%arg12 : memref<!tpu.dma_semaphore, #tpu.memory_space<semaphore_mem>>) src(%dma_wait3A_69 : memref<100x128xf32, #tpu.memory_space<vmem>>) dst(%dma_wait3A_75 : memref<10240x128xf32, #tpu.memory_space<vmem_shared>>)
    %barrier3A_76 = arith.constant 0 : index
    tpu.barrier barrier_id(%barrier3A_76)
    %mul3A_77 = arith.constant 640 : i32
    %mul3A_78 = arith.muli %arg1, %mul3A_77 : i32
    %mul3A_79 = arith.constant 10240 : i32
    %mul3A_80 = arith.muli %arg0, %mul3A_79 : i32
    %mul3A_81 = arith.constant 640 : i32
    %mul3A_82 = arith.muli %arg1, %mul3A_81 : i32
    %add3A_83 = arith.addi %mul3A_80, %mul3A_82 : i32
    "tpu.region"() ({
      %run_scoped3A = tpu.sem_alloc : memref<!tpu.dma_semaphore, #tpu.memory_space<semaphore_mem>>
      %dma_start3A_84 = arith.constant 0 : i32
      %dma_start3A_85 = tpu.memref_slice %arg6[%add3A_83, %dma_start3A_84] : memref<20480x128xf32, #tpu.memory_space<hbm>> -> memref<640x128xf32, #tpu.memory_space<hbm>>
      %dma_start3A_86 = arith.constant 0 : i32
      %dma_start3A_87 = tpu.memref_slice %arg7[%mul3A_78, %dma_start3A_86] : memref<10240x128xf32, #tpu.memory_space<vmem_shared>> -> memref<640x128xf32, #tpu.memory_space<vmem_shared>>
      tpu.enqueue_dma source(%dma_start3A_87 : memref<640x128xf32, #tpu.memory_space<vmem_shared>>) target(%dma_start3A_85 : memref<640x128xf32, #tpu.memory_space<hbm>>) target_semaphore(%run_scoped3A : memref<!tpu.dma_semaphore, #tpu.memory_space<semaphore_mem>>)
      %dma_wait3A_88 = arith.constant 0 : i32
      %dma_wait3A_89 = tpu.memref_slice %arg6[%add3A_83, %dma_wait3A_88] : memref<20480x128xf32, #tpu.memory_space<hbm>> -> memref<640x128xf32, #tpu.memory_space<hbm>>
      %dma_wait3A_90 = arith.constant 0 : i32
      %dma_wait3A_91 = tpu.memref_slice %arg7[%mul3A_78, %dma_wait3A_90] : memref<10240x128xf32, #tpu.memory_space<vmem_shared>> -> memref<640x128xf32, #tpu.memory_space<vmem_shared>>
      tpu.wait_dma2 semaphore(%run_scoped3A : memref<!tpu.dma_semaphore, #tpu.memory_space<semaphore_mem>>) src(%dma_wait3A_91 : memref<640x128xf32, #tpu.memory_space<vmem_shared>>) dst(%dma_wait3A_89 : memref<640x128xf32, #tpu.memory_space<hbm>>)
      tpu.yield
    }) : () -> ()
    return
  }
}

#map = affine_map<(d0, d1) -> (0, 0)>
#map1 = affine_map<(d0, d1) -> (0, 0, 0)>
module attributes {stable_mosaic.version = 14 : i64} {
  func.func @_prop_sc(%arg0: i32, %arg1: i32, %arg2: memref<10000x128xf32, #tpu.memory_space<hbm>>, %arg3: memref<64x50x100xi32, #tpu.memory_space<hbm>>, %arg4: memref<64x50x100xi32, #tpu.memory_space<hbm>>, %arg5: memref<640x128xf32, #tpu.memory_space<hbm>>, %arg6: memref<20480x128xf32, #tpu.memory_space<hbm>>, %arg7: memref<10240x128xf32, #tpu.memory_space<vmem_shared>>, %arg8: memref<50x100xi32, #tpu.memory_space<vmem>>, %arg9: memref<50x100xi32, #tpu.memory_space<vmem>>, %arg10: memref<2x100x128xf32, #tpu.memory_space<vmem>>, %arg11: memref<!tpu.dma_semaphore, #tpu.memory_space<semaphore_mem>>, %arg12: memref<!tpu.dma_semaphore, #tpu.memory_space<semaphore_mem>>, %arg13: memref<!tpu.dma_semaphore, #tpu.memory_space<semaphore_mem>>) attributes {dimension_semantics = [#tpu.dimension_semantics<core_parallel>, #tpu.dimension_semantics<subcore_parallel>], iteration_bounds = array<i64: 2, 16>, scalar_prefetch = 0 : i64, scratch_operands = 7 : i64, tpu.core_type = #tpu.core_type<sc_vector_subcore>, window_params = [{transform_indices = #map}, {transform_indices = #map1}, {transform_indices = #map1}, {transform_indices = #map}, {transform_indices = #map}]} {
    %mul3A = arith.constant 2 : i32
    %mul3A_0 = arith.muli %arg1, %mul3A : i32
    %add3A = arith.addi %mul3A_0, %arg0 : i32
    %mul3A_1 = arith.constant 640 : i32
    %mul3A_2 = arith.muli %arg1, %mul3A_1 : i32
    %dma_start3A = arith.constant 0 : i32
    %dma_start3A_3 = tpu.memref_slice %arg7[%mul3A_2, %dma_start3A] : memref<10240x128xf32, #tpu.memory_space<vmem_shared>> -> memref<640x128xf32, #tpu.memory_space<vmem_shared>>
    tpu.enqueue_dma source(%arg5 : memref<640x128xf32, #tpu.memory_space<hbm>>) target(%dma_start3A_3 : memref<640x128xf32, #tpu.memory_space<vmem_shared>>) target_semaphore(%arg13 : memref<!tpu.dma_semaphore, #tpu.memory_space<semaphore_mem>>)
    %mul3A_4 = arith.constant 2 : i32
    %mul3A_5 = arith.muli %add3A, %mul3A_4 : i32
    "tpu.region"() ({
      %run_scoped3A = tpu.sem_alloc : memref<!tpu.dma_semaphore, #tpu.memory_space<semaphore_mem>>
      %dma_start3A_84 = arith.constant 0 : i32
      %dma_start3A_85 = arith.constant 0 : i32
      %dma_start3A_86 = tpu.memref_slice %arg3[%mul3A_5, %dma_start3A_84, %dma_start3A_85] : memref<64x50x100xi32, #tpu.memory_space<hbm>> -> memref<1x50x100xi32, #tpu.memory_space<hbm>>
      %dma_start3A_87 = tpu.memref_squeeze %dma_start3A_86 : memref<1x50x100xi32, #tpu.memory_space<hbm>> -> memref<50x100xi32, #tpu.memory_space<hbm>>
      %dma_start3A_88 = arith.constant 0 : i32
      %dma_start3A_89 = arith.constant 0 : i32
      %dma_start3A_90 = tpu.memref_slice %arg3[%mul3A_5, %dma_start3A_88, %dma_start3A_89] : memref<64x50x100xi32, #tpu.memory_space<hbm>> -> memref<1x50x100xi32, #tpu.memory_space<hbm>>
      %dma_start3A_91 = tpu.memref_squeeze %dma_start3A_90 : memref<1x50x100xi32, #tpu.memory_space<hbm>> -> memref<50x100xi32, #tpu.memory_space<hbm>>
      tpu.enqueue_dma source(%dma_start3A_91 : memref<50x100xi32, #tpu.memory_space<hbm>>) target(%arg8 : memref<50x100xi32, #tpu.memory_space<vmem>>) target_semaphore(%run_scoped3A : memref<!tpu.dma_semaphore, #tpu.memory_space<semaphore_mem>>)
      %dma_wait3A_92 = arith.constant 0 : i32
      %dma_wait3A_93 = arith.constant 0 : i32
      %dma_wait3A_94 = tpu.memref_slice %arg3[%mul3A_5, %dma_wait3A_92, %dma_wait3A_93] : memref<64x50x100xi32, #tpu.memory_space<hbm>> -> memref<1x50x100xi32, #tpu.memory_space<hbm>>
      %dma_wait3A_95 = tpu.memref_squeeze %dma_wait3A_94 : memref<1x50x100xi32, #tpu.memory_space<hbm>> -> memref<50x100xi32, #tpu.memory_space<hbm>>
      %dma_wait3A_96 = arith.constant 0 : i32
      %dma_wait3A_97 = arith.constant 0 : i32
      %dma_wait3A_98 = tpu.memref_slice %arg3[%mul3A_5, %dma_wait3A_96, %dma_wait3A_97] : memref<64x50x100xi32, #tpu.memory_space<hbm>> -> memref<1x50x100xi32, #tpu.memory_space<hbm>>
      %dma_wait3A_99 = tpu.memref_squeeze %dma_wait3A_98 : memref<1x50x100xi32, #tpu.memory_space<hbm>> -> memref<50x100xi32, #tpu.memory_space<hbm>>
      tpu.wait_dma2 semaphore(%run_scoped3A : memref<!tpu.dma_semaphore, #tpu.memory_space<semaphore_mem>>) src(%dma_wait3A_99 : memref<50x100xi32, #tpu.memory_space<hbm>>) dst(%arg8 : memref<50x100xi32, #tpu.memory_space<vmem>>)
      tpu.yield
    }) : () -> ()
    %mul3A_6 = arith.constant 2 : i32
    %mul3A_7 = arith.muli %add3A, %mul3A_6 : i32
    "tpu.region"() ({
      %run_scoped3A = tpu.sem_alloc : memref<!tpu.dma_semaphore, #tpu.memory_space<semaphore_mem>>
      %dma_start3A_84 = arith.constant 0 : i32
      %dma_start3A_85 = arith.constant 0 : i32
      %dma_start3A_86 = tpu.memref_slice %arg4[%mul3A_7, %dma_start3A_84, %dma_start3A_85] : memref<64x50x100xi32, #tpu.memory_space<hbm>> -> memref<1x50x100xi32, #tpu.memory_space<hbm>>
      %dma_start3A_87 = tpu.memref_squeeze %dma_start3A_86 : memref<1x50x100xi32, #tpu.memory_space<hbm>> -> memref<50x100xi32, #tpu.memory_space<hbm>>
      %dma_start3A_88 = arith.constant 0 : i32
      %dma_start3A_89 = arith.constant 0 : i32
      %dma_start3A_90 = tpu.memref_slice %arg4[%mul3A_7, %dma_start3A_88, %dma_start3A_89] : memref<64x50x100xi32, #tpu.memory_space<hbm>> -> memref<1x50x100xi32, #tpu.memory_space<hbm>>
      %dma_start3A_91 = tpu.memref_squeeze %dma_start3A_90 : memref<1x50x100xi32, #tpu.memory_space<hbm>> -> memref<50x100xi32, #tpu.memory_space<hbm>>
      tpu.enqueue_dma source(%dma_start3A_91 : memref<50x100xi32, #tpu.memory_space<hbm>>) target(%arg9 : memref<50x100xi32, #tpu.memory_space<vmem>>) target_semaphore(%run_scoped3A : memref<!tpu.dma_semaphore, #tpu.memory_space<semaphore_mem>>)
      %dma_wait3A_92 = arith.constant 0 : i32
      %dma_wait3A_93 = arith.constant 0 : i32
      %dma_wait3A_94 = tpu.memref_slice %arg4[%mul3A_7, %dma_wait3A_92, %dma_wait3A_93] : memref<64x50x100xi32, #tpu.memory_space<hbm>> -> memref<1x50x100xi32, #tpu.memory_space<hbm>>
      %dma_wait3A_95 = tpu.memref_squeeze %dma_wait3A_94 : memref<1x50x100xi32, #tpu.memory_space<hbm>> -> memref<50x100xi32, #tpu.memory_space<hbm>>
      %dma_wait3A_96 = arith.constant 0 : i32
      %dma_wait3A_97 = arith.constant 0 : i32
      %dma_wait3A_98 = tpu.memref_slice %arg4[%mul3A_7, %dma_wait3A_96, %dma_wait3A_97] : memref<64x50x100xi32, #tpu.memory_space<hbm>> -> memref<1x50x100xi32, #tpu.memory_space<hbm>>
      %dma_wait3A_99 = tpu.memref_squeeze %dma_wait3A_98 : memref<1x50x100xi32, #tpu.memory_space<hbm>> -> memref<50x100xi32, #tpu.memory_space<hbm>>
      tpu.wait_dma2 semaphore(%run_scoped3A : memref<!tpu.dma_semaphore, #tpu.memory_space<semaphore_mem>>) src(%dma_wait3A_99 : memref<50x100xi32, #tpu.memory_space<hbm>>) dst(%arg9 : memref<50x100xi32, #tpu.memory_space<vmem>>)
      tpu.yield
    }) : () -> ()
    %dma_start3A_8 = arith.constant 0 : i32
    %dma_start3A_9 = arith.constant 0 : i32
    %dma_start3A_10 = arith.constant 0 : i32
    %dma_start3A_11 = arith.constant 0 : i32
    %dma_start3A_12 = tpu.memref_slice %arg10[%dma_start3A_9, %dma_start3A_10, %dma_start3A_11] : memref<2x100x128xf32, #tpu.memory_space<vmem>> -> memref<1x100x128xf32, #tpu.memory_space<vmem>>
    %dma_start3A_13 = tpu.memref_squeeze %dma_start3A_12 : memref<1x100x128xf32, #tpu.memory_space<vmem>> -> memref<100x128xf32, #tpu.memory_space<vmem>>
    %dma_start3A_14 = arith.constant 0 : i32
    %dma_start3A_15 = tpu.memref_slice %arg8[%dma_start3A_8, %dma_start3A_14] : memref<50x100xi32, #tpu.memory_space<vmem>> -> memref<1x100xi32, #tpu.memory_space<vmem>>
    %dma_start3A_16 = tpu.memref_squeeze %dma_start3A_15 : memref<1x100xi32, #tpu.memory_space<vmem>> -> memref<100xi32, #tpu.memory_space<vmem>>
    %dma_start3A_17 = arith.constant 0 : i32
    %dma_start3A_18 = arith.constant 0 : i32
    %dma_start3A_19 = tpu.memref_slice %arg2[%dma_start3A_17, %dma_start3A_18] : memref<10000x128xf32, #tpu.memory_space<hbm>> -> memref<10000x128xf32, #tpu.memory_space<hbm>>
    tpu.enqueue_indirect_dma source(%dma_start3A_19 : memref<10000x128xf32, #tpu.memory_space<hbm>>) target(%dma_start3A_13 : memref<100x128xf32, #tpu.memory_space<vmem>>) offsets(%dma_start3A_16 : memref<100xi32, #tpu.memory_space<vmem>>) semaphore(%arg11 : memref<!tpu.dma_semaphore, #tpu.memory_space<semaphore_mem>>)
    %dma_wait3A = arith.constant 0 : i32
    %dma_wait3A_20 = tpu.memref_slice %arg7[%mul3A_2, %dma_wait3A] : memref<10240x128xf32, #tpu.memory_space<vmem_shared>> -> memref<640x128xf32, #tpu.memory_space<vmem_shared>>
    tpu.wait_dma2 semaphore(%arg13 : memref<!tpu.dma_semaphore, #tpu.memory_space<semaphore_mem>>) src(%arg5 : memref<640x128xf32, #tpu.memory_space<hbm>>) dst(%dma_wait3A_20 : memref<640x128xf32, #tpu.memory_space<vmem_shared>>)
    %barrier3A = arith.constant 0 : index
    tpu.barrier barrier_id(%barrier3A)
    %scan3A = arith.constant 0 : i32
    %scan3A_21 = arith.constant 0 : i32
    %scan3A_22 = arith.constant 50 : i32
    %scan3A_23 = arith.addi %scan3A_21, %scan3A_22 : i32
    %scan3A_24 = arith.constant 1 : i32
    scf.for %scan3A_84 = %scan3A_21 to %scan3A_23 step %scan3A_24  : i32 {
      %rem3A = arith.constant 2 : i32
      %rem3A_85 = arith.remsi %scan3A_84, %rem3A : i32
      %dma_wait3A_86 = arith.constant 0 : i32
      %dma_wait3A_87 = arith.constant 0 : i32
      %dma_wait3A_88 = tpu.memref_slice %arg10[%rem3A_85, %dma_wait3A_86, %dma_wait3A_87] : memref<2x100x128xf32, #tpu.memory_space<vmem>> -> memref<1x100x128xf32, #tpu.memory_space<vmem>>
      %dma_wait3A_89 = tpu.memref_squeeze %dma_wait3A_88 : memref<1x100x128xf32, #tpu.memory_space<vmem>> -> memref<100x128xf32, #tpu.memory_space<vmem>>
      %dma_wait3A_90 = arith.constant 0 : i32
      %dma_wait3A_91 = tpu.memref_slice %arg8[%scan3A_84, %dma_wait3A_90] : memref<50x100xi32, #tpu.memory_space<vmem>> -> memref<1x100xi32, #tpu.memory_space<vmem>>
      %dma_wait3A_92 = tpu.memref_squeeze %dma_wait3A_91 : memref<1x100xi32, #tpu.memory_space<vmem>> -> memref<100xi32, #tpu.memory_space<vmem>>
      %dma_wait3A_93 = arith.constant 0 : i32
      %dma_wait3A_94 = arith.constant 0 : i32
      %dma_wait3A_95 = tpu.memref_slice %arg2[%dma_wait3A_93, %dma_wait3A_94] : memref<10000x128xf32, #tpu.memory_space<hbm>> -> memref<10000x128xf32, #tpu.memory_space<hbm>>
      tpu.wait_indirect_dma semaphore(%arg11 : memref<!tpu.dma_semaphore, #tpu.memory_space<semaphore_mem>>) src(%dma_wait3A_95 : memref<10000x128xf32, #tpu.memory_space<hbm>>) dst(%dma_wait3A_89 : memref<100x128xf32, #tpu.memory_space<vmem>>)
      %ge3A = arith.constant 1 : i32
      %ge3A_96 = arith.cmpi sge, %scan3A_84, %ge3A : i32
      %convert_element_type3A = arith.extui %ge3A_96 : i1 to i32
      %cond3A = arith.constant 0 : i32
      %cond3A_97 = arith.cmpi ne, %convert_element_type3A, %cond3A : i32
      scf.if %cond3A_97 {
        %sub3A = arith.constant 1 : i32
        %sub3A_114 = arith.subi %sub3A, %rem3A_85 : i32
        %sub3A_115 = arith.constant 1 : i32
        %sub3A_116 = arith.subi %scan3A_84, %sub3A_115 : i32
        %dma_wait3A_117 = arith.constant 0 : i32
        %dma_wait3A_118 = arith.constant 0 : i32
        %dma_wait3A_119 = tpu.memref_slice %arg10[%sub3A_114, %dma_wait3A_117, %dma_wait3A_118] : memref<2x100x128xf32, #tpu.memory_space<vmem>> -> memref<1x100x128xf32, #tpu.memory_space<vmem>>
        %dma_wait3A_120 = tpu.memref_squeeze %dma_wait3A_119 : memref<1x100x128xf32, #tpu.memory_space<vmem>> -> memref<100x128xf32, #tpu.memory_space<vmem>>
        %dma_wait3A_121 = arith.constant 0 : i32
        %dma_wait3A_122 = tpu.memref_slice %arg9[%sub3A_116, %dma_wait3A_121] : memref<50x100xi32, #tpu.memory_space<vmem>> -> memref<1x100xi32, #tpu.memory_space<vmem>>
        %dma_wait3A_123 = tpu.memref_squeeze %dma_wait3A_122 : memref<1x100xi32, #tpu.memory_space<vmem>> -> memref<100xi32, #tpu.memory_space<vmem>>
        %dma_wait3A_124 = arith.constant 0 : i32
        %dma_wait3A_125 = arith.constant 0 : i32
        %dma_wait3A_126 = tpu.memref_slice %arg7[%dma_wait3A_124, %dma_wait3A_125] : memref<10240x128xf32, #tpu.memory_space<vmem_shared>> -> memref<10240x128xf32, #tpu.memory_space<vmem_shared>>
        tpu.wait_indirect_dma semaphore(%arg12 : memref<!tpu.dma_semaphore, #tpu.memory_space<semaphore_mem>>) src(%dma_wait3A_120 : memref<100x128xf32, #tpu.memory_space<vmem>>) dst(%dma_wait3A_126 : memref<10240x128xf32, #tpu.memory_space<vmem_shared>>)
      } else {
      }
      %add3A_98 = arith.constant 1 : i32
      %add3A_99 = arith.addi %scan3A_84, %add3A_98 : i32
      %lt3A = arith.constant 50 : i32
      %lt3A_100 = arith.cmpi slt, %add3A_99, %lt3A : i32
      %convert_element_type3A_101 = arith.extui %lt3A_100 : i1 to i32
      %cond3A_102 = arith.constant 0 : i32
      %cond3A_103 = arith.cmpi ne, %convert_element_type3A_101, %cond3A_102 : i32
      scf.if %cond3A_103 {
        %add3A_114 = arith.constant 1 : i32
        %add3A_115 = arith.addi %scan3A_84, %add3A_114 : i32
        %sub3A = arith.constant 1 : i32
        %sub3A_116 = arith.subi %sub3A, %rem3A_85 : i32
        %dma_start3A_117 = arith.constant 0 : i32
        %dma_start3A_118 = arith.constant 0 : i32
        %dma_start3A_119 = tpu.memref_slice %arg10[%sub3A_116, %dma_start3A_117, %dma_start3A_118] : memref<2x100x128xf32, #tpu.memory_space<vmem>> -> memref<1x100x128xf32, #tpu.memory_space<vmem>>
        %dma_start3A_120 = tpu.memref_squeeze %dma_start3A_119 : memref<1x100x128xf32, #tpu.memory_space<vmem>> -> memref<100x128xf32, #tpu.memory_space<vmem>>
        %dma_start3A_121 = arith.constant 0 : i32
        %dma_start3A_122 = tpu.memref_slice %arg8[%add3A_115, %dma_start3A_121] : memref<50x100xi32, #tpu.memory_space<vmem>> -> memref<1x100xi32, #tpu.memory_space<vmem>>
        %dma_start3A_123 = tpu.memref_squeeze %dma_start3A_122 : memref<1x100xi32, #tpu.memory_space<vmem>> -> memref<100xi32, #tpu.memory_space<vmem>>
        %dma_start3A_124 = arith.constant 0 : i32
        %dma_start3A_125 = arith.constant 0 : i32
        %dma_start3A_126 = tpu.memref_slice %arg2[%dma_start3A_124, %dma_start3A_125] : memref<10000x128xf32, #tpu.memory_space<hbm>> -> memref<10000x128xf32, #tpu.memory_space<hbm>>
        tpu.enqueue_indirect_dma source(%dma_start3A_126 : memref<10000x128xf32, #tpu.memory_space<hbm>>) target(%dma_start3A_120 : memref<100x128xf32, #tpu.memory_space<vmem>>) offsets(%dma_start3A_123 : memref<100xi32, #tpu.memory_space<vmem>>) semaphore(%arg11 : memref<!tpu.dma_semaphore, #tpu.memory_space<semaphore_mem>>)
      } else {
      }
      %dma_start3A_104 = arith.constant 0 : i32
      %dma_start3A_105 = arith.constant 0 : i32
      %dma_start3A_106 = tpu.memref_slice %arg10[%rem3A_85, %dma_start3A_104, %dma_start3A_105] : memref<2x100x128xf32, #tpu.memory_space<vmem>> -> memref<1x100x128xf32, #tpu.memory_space<vmem>>
      %dma_start3A_107 = tpu.memref_squeeze %dma_start3A_106 : memref<1x100x128xf32, #tpu.memory_space<vmem>> -> memref<100x128xf32, #tpu.memory_space<vmem>>
      %dma_start3A_108 = arith.constant 0 : i32
      %dma_start3A_109 = tpu.memref_slice %arg9[%scan3A_84, %dma_start3A_108] : memref<50x100xi32, #tpu.memory_space<vmem>> -> memref<1x100xi32, #tpu.memory_space<vmem>>
      %dma_start3A_110 = tpu.memref_squeeze %dma_start3A_109 : memref<1x100xi32, #tpu.memory_space<vmem>> -> memref<100xi32, #tpu.memory_space<vmem>>
      %dma_start3A_111 = arith.constant 0 : i32
      %dma_start3A_112 = arith.constant 0 : i32
      %dma_start3A_113 = tpu.memref_slice %arg7[%dma_start3A_111, %dma_start3A_112] : memref<10240x128xf32, #tpu.memory_space<vmem_shared>> -> memref<10240x128xf32, #tpu.memory_space<vmem_shared>>
      tpu.enqueue_indirect_dma source(%dma_start3A_107 : memref<100x128xf32, #tpu.memory_space<vmem>>) target(%dma_start3A_113 : memref<10240x128xf32, #tpu.memory_space<vmem_shared>>) offsets(%dma_start3A_110 : memref<100xi32, #tpu.memory_space<vmem>>) semaphore(%arg12 : memref<!tpu.dma_semaphore, #tpu.memory_space<semaphore_mem>>) {add = true}
    }
    %scan3A_25 = arith.constant 50 : i32
    %dma_wait3A_26 = arith.constant 1 : i32
    %dma_wait3A_27 = arith.constant 49 : i32
    %dma_wait3A_28 = arith.constant 0 : i32
    %dma_wait3A_29 = arith.constant 0 : i32
    %dma_wait3A_30 = tpu.memref_slice %arg10[%dma_wait3A_26, %dma_wait3A_28, %dma_wait3A_29] : memref<2x100x128xf32, #tpu.memory_space<vmem>> -> memref<1x100x128xf32, #tpu.memory_space<vmem>>
    %dma_wait3A_31 = tpu.memref_squeeze %dma_wait3A_30 : memref<1x100x128xf32, #tpu.memory_space<vmem>> -> memref<100x128xf32, #tpu.memory_space<vmem>>
    %dma_wait3A_32 = arith.constant 0 : i32
    %dma_wait3A_33 = tpu.memref_slice %arg9[%dma_wait3A_27, %dma_wait3A_32] : memref<50x100xi32, #tpu.memory_space<vmem>> -> memref<1x100xi32, #tpu.memory_space<vmem>>
    %dma_wait3A_34 = tpu.memref_squeeze %dma_wait3A_33 : memref<1x100xi32, #tpu.memory_space<vmem>> -> memref<100xi32, #tpu.memory_space<vmem>>
    %dma_wait3A_35 = arith.constant 0 : i32
    %dma_wait3A_36 = arith.constant 0 : i32
    %dma_wait3A_37 = tpu.memref_slice %arg7[%dma_wait3A_35, %dma_wait3A_36] : memref<10240x128xf32, #tpu.memory_space<vmem_shared>> -> memref<10240x128xf32, #tpu.memory_space<vmem_shared>>
    tpu.wait_indirect_dma semaphore(%arg12 : memref<!tpu.dma_semaphore, #tpu.memory_space<semaphore_mem>>) src(%dma_wait3A_31 : memref<100x128xf32, #tpu.memory_space<vmem>>) dst(%dma_wait3A_37 : memref<10240x128xf32, #tpu.memory_space<vmem_shared>>)
    %mul3A_38 = arith.constant 2 : i32
    %mul3A_39 = arith.muli %add3A, %mul3A_38 : i32
    %add3A_40 = arith.constant 1 : i32
    %add3A_41 = arith.addi %mul3A_39, %add3A_40 : i32
    "tpu.region"() ({
      %run_scoped3A = tpu.sem_alloc : memref<!tpu.dma_semaphore, #tpu.memory_space<semaphore_mem>>
      %dma_start3A_84 = arith.constant 0 : i32
      %dma_start3A_85 = arith.constant 0 : i32
      %dma_start3A_86 = tpu.memref_slice %arg3[%add3A_41, %dma_start3A_84, %dma_start3A_85] : memref<64x50x100xi32, #tpu.memory_space<hbm>> -> memref<1x50x100xi32, #tpu.memory_space<hbm>>
      %dma_start3A_87 = tpu.memref_squeeze %dma_start3A_86 : memref<1x50x100xi32, #tpu.memory_space<hbm>> -> memref<50x100xi32, #tpu.memory_space<hbm>>
      %dma_start3A_88 = arith.constant 0 : i32
      %dma_start3A_89 = arith.constant 0 : i32
      %dma_start3A_90 = tpu.memref_slice %arg3[%add3A_41, %dma_start3A_88, %dma_start3A_89] : memref<64x50x100xi32, #tpu.memory_space<hbm>> -> memref<1x50x100xi32, #tpu.memory_space<hbm>>
      %dma_start3A_91 = tpu.memref_squeeze %dma_start3A_90 : memref<1x50x100xi32, #tpu.memory_space<hbm>> -> memref<50x100xi32, #tpu.memory_space<hbm>>
      tpu.enqueue_dma source(%dma_start3A_91 : memref<50x100xi32, #tpu.memory_space<hbm>>) target(%arg8 : memref<50x100xi32, #tpu.memory_space<vmem>>) target_semaphore(%run_scoped3A : memref<!tpu.dma_semaphore, #tpu.memory_space<semaphore_mem>>)
      %dma_wait3A_92 = arith.constant 0 : i32
      %dma_wait3A_93 = arith.constant 0 : i32
      %dma_wait3A_94 = tpu.memref_slice %arg3[%add3A_41, %dma_wait3A_92, %dma_wait3A_93] : memref<64x50x100xi32, #tpu.memory_space<hbm>> -> memref<1x50x100xi32, #tpu.memory_space<hbm>>
      %dma_wait3A_95 = tpu.memref_squeeze %dma_wait3A_94 : memref<1x50x100xi32, #tpu.memory_space<hbm>> -> memref<50x100xi32, #tpu.memory_space<hbm>>
      %dma_wait3A_96 = arith.constant 0 : i32
      %dma_wait3A_97 = arith.constant 0 : i32
      %dma_wait3A_98 = tpu.memref_slice %arg3[%add3A_41, %dma_wait3A_96, %dma_wait3A_97] : memref<64x50x100xi32, #tpu.memory_space<hbm>> -> memref<1x50x100xi32, #tpu.memory_space<hbm>>
      %dma_wait3A_99 = tpu.memref_squeeze %dma_wait3A_98 : memref<1x50x100xi32, #tpu.memory_space<hbm>> -> memref<50x100xi32, #tpu.memory_space<hbm>>
      tpu.wait_dma2 semaphore(%run_scoped3A : memref<!tpu.dma_semaphore, #tpu.memory_space<semaphore_mem>>) src(%dma_wait3A_99 : memref<50x100xi32, #tpu.memory_space<hbm>>) dst(%arg8 : memref<50x100xi32, #tpu.memory_space<vmem>>)
      tpu.yield
    }) : () -> ()
    %mul3A_42 = arith.constant 2 : i32
    %mul3A_43 = arith.muli %add3A, %mul3A_42 : i32
    %add3A_44 = arith.constant 1 : i32
    %add3A_45 = arith.addi %mul3A_43, %add3A_44 : i32
    "tpu.region"() ({
      %run_scoped3A = tpu.sem_alloc : memref<!tpu.dma_semaphore, #tpu.memory_space<semaphore_mem>>
      %dma_start3A_84 = arith.constant 0 : i32
      %dma_start3A_85 = arith.constant 0 : i32
      %dma_start3A_86 = tpu.memref_slice %arg4[%add3A_45, %dma_start3A_84, %dma_start3A_85] : memref<64x50x100xi32, #tpu.memory_space<hbm>> -> memref<1x50x100xi32, #tpu.memory_space<hbm>>
      %dma_start3A_87 = tpu.memref_squeeze %dma_start3A_86 : memref<1x50x100xi32, #tpu.memory_space<hbm>> -> memref<50x100xi32, #tpu.memory_space<hbm>>
      %dma_start3A_88 = arith.constant 0 : i32
      %dma_start3A_89 = arith.constant 0 : i32
      %dma_start3A_90 = tpu.memref_slice %arg4[%add3A_45, %dma_start3A_88, %dma_start3A_89] : memref<64x50x100xi32, #tpu.memory_space<hbm>> -> memref<1x50x100xi32, #tpu.memory_space<hbm>>
      %dma_start3A_91 = tpu.memref_squeeze %dma_start3A_90 : memref<1x50x100xi32, #tpu.memory_space<hbm>> -> memref<50x100xi32, #tpu.memory_space<hbm>>
      tpu.enqueue_dma source(%dma_start3A_91 : memref<50x100xi32, #tpu.memory_space<hbm>>) target(%arg9 : memref<50x100xi32, #tpu.memory_space<vmem>>) target_semaphore(%run_scoped3A : memref<!tpu.dma_semaphore, #tpu.memory_space<semaphore_mem>>)
      %dma_wait3A_92 = arith.constant 0 : i32
      %dma_wait3A_93 = arith.constant 0 : i32
      %dma_wait3A_94 = tpu.memref_slice %arg4[%add3A_45, %dma_wait3A_92, %dma_wait3A_93] : memref<64x50x100xi32, #tpu.memory_space<hbm>> -> memref<1x50x100xi32, #tpu.memory_space<hbm>>
      %dma_wait3A_95 = tpu.memref_squeeze %dma_wait3A_94 : memref<1x50x100xi32, #tpu.memory_space<hbm>> -> memref<50x100xi32, #tpu.memory_space<hbm>>
      %dma_wait3A_96 = arith.constant 0 : i32
      %dma_wait3A_97 = arith.constant 0 : i32
      %dma_wait3A_98 = tpu.memref_slice %arg4[%add3A_45, %dma_wait3A_96, %dma_wait3A_97] : memref<64x50x100xi32, #tpu.memory_space<hbm>> -> memref<1x50x100xi32, #tpu.memory_space<hbm>>
      %dma_wait3A_99 = tpu.memref_squeeze %dma_wait3A_98 : memref<1x50x100xi32, #tpu.memory_space<hbm>> -> memref<50x100xi32, #tpu.memory_space<hbm>>
      tpu.wait_dma2 semaphore(%run_scoped3A : memref<!tpu.dma_semaphore, #tpu.memory_space<semaphore_mem>>) src(%dma_wait3A_99 : memref<50x100xi32, #tpu.memory_space<hbm>>) dst(%arg9 : memref<50x100xi32, #tpu.memory_space<vmem>>)
      tpu.yield
    }) : () -> ()
    %dma_start3A_46 = arith.constant 0 : i32
    %dma_start3A_47 = arith.constant 0 : i32
    %dma_start3A_48 = arith.constant 0 : i32
    %dma_start3A_49 = arith.constant 0 : i32
    %dma_start3A_50 = tpu.memref_slice %arg10[%dma_start3A_47, %dma_start3A_48, %dma_start3A_49] : memref<2x100x128xf32, #tpu.memory_space<vmem>> -> memref<1x100x128xf32, #tpu.memory_space<vmem>>
    %dma_start3A_51 = tpu.memref_squeeze %dma_start3A_50 : memref<1x100x128xf32, #tpu.memory_space<vmem>> -> memref<100x128xf32, #tpu.memory_space<vmem>>
    %dma_start3A_52 = arith.constant 0 : i32
    %dma_start3A_53 = tpu.memref_slice %arg8[%dma_start3A_46, %dma_start3A_52] : memref<50x100xi32, #tpu.memory_space<vmem>> -> memref<1x100xi32, #tpu.memory_space<vmem>>
    %dma_start3A_54 = tpu.memref_squeeze %dma_start3A_53 : memref<1x100xi32, #tpu.memory_space<vmem>> -> memref<100xi32, #tpu.memory_space<vmem>>
    %dma_start3A_55 = arith.constant 0 : i32
    %dma_start3A_56 = arith.constant 0 : i32
    %dma_start3A_57 = tpu.memref_slice %arg2[%dma_start3A_55, %dma_start3A_56] : memref<10000x128xf32, #tpu.memory_space<hbm>> -> memref<10000x128xf32, #tpu.memory_space<hbm>>
    tpu.enqueue_indirect_dma source(%dma_start3A_57 : memref<10000x128xf32, #tpu.memory_space<hbm>>) target(%dma_start3A_51 : memref<100x128xf32, #tpu.memory_space<vmem>>) offsets(%dma_start3A_54 : memref<100xi32, #tpu.memory_space<vmem>>) semaphore(%arg11 : memref<!tpu.dma_semaphore, #tpu.memory_space<semaphore_mem>>)
    %scan3A_58 = arith.constant 0 : i32
    %scan3A_59 = arith.constant 0 : i32
    %scan3A_60 = arith.constant 50 : i32
    %scan3A_61 = arith.addi %scan3A_59, %scan3A_60 : i32
    %scan3A_62 = arith.constant 1 : i32
    scf.for %scan3A_84 = %scan3A_59 to %scan3A_61 step %scan3A_62  : i32 {
      %rem3A = arith.constant 2 : i32
      %rem3A_85 = arith.remsi %scan3A_84, %rem3A : i32
      %dma_wait3A_86 = arith.constant 0 : i32
      %dma_wait3A_87 = arith.constant 0 : i32
      %dma_wait3A_88 = tpu.memref_slice %arg10[%rem3A_85, %dma_wait3A_86, %dma_wait3A_87] : memref<2x100x128xf32, #tpu.memory_space<vmem>> -> memref<1x100x128xf32, #tpu.memory_space<vmem>>
      %dma_wait3A_89 = tpu.memref_squeeze %dma_wait3A_88 : memref<1x100x128xf32, #tpu.memory_space<vmem>> -> memref<100x128xf32, #tpu.memory_space<vmem>>
      %dma_wait3A_90 = arith.constant 0 : i32
      %dma_wait3A_91 = tpu.memref_slice %arg8[%scan3A_84, %dma_wait3A_90] : memref<50x100xi32, #tpu.memory_space<vmem>> -> memref<1x100xi32, #tpu.memory_space<vmem>>
      %dma_wait3A_92 = tpu.memref_squeeze %dma_wait3A_91 : memref<1x100xi32, #tpu.memory_space<vmem>> -> memref<100xi32, #tpu.memory_space<vmem>>
      %dma_wait3A_93 = arith.constant 0 : i32
      %dma_wait3A_94 = arith.constant 0 : i32
      %dma_wait3A_95 = tpu.memref_slice %arg2[%dma_wait3A_93, %dma_wait3A_94] : memref<10000x128xf32, #tpu.memory_space<hbm>> -> memref<10000x128xf32, #tpu.memory_space<hbm>>
      tpu.wait_indirect_dma semaphore(%arg11 : memref<!tpu.dma_semaphore, #tpu.memory_space<semaphore_mem>>) src(%dma_wait3A_95 : memref<10000x128xf32, #tpu.memory_space<hbm>>) dst(%dma_wait3A_89 : memref<100x128xf32, #tpu.memory_space<vmem>>)
      %ge3A = arith.constant 1 : i32
      %ge3A_96 = arith.cmpi sge, %scan3A_84, %ge3A : i32
      %convert_element_type3A = arith.extui %ge3A_96 : i1 to i32
      %cond3A = arith.constant 0 : i32
      %cond3A_97 = arith.cmpi ne, %convert_element_type3A, %cond3A : i32
      scf.if %cond3A_97 {
        %sub3A = arith.constant 1 : i32
        %sub3A_114 = arith.subi %sub3A, %rem3A_85 : i32
        %sub3A_115 = arith.constant 1 : i32
        %sub3A_116 = arith.subi %scan3A_84, %sub3A_115 : i32
        %dma_wait3A_117 = arith.constant 0 : i32
        %dma_wait3A_118 = arith.constant 0 : i32
        %dma_wait3A_119 = tpu.memref_slice %arg10[%sub3A_114, %dma_wait3A_117, %dma_wait3A_118] : memref<2x100x128xf32, #tpu.memory_space<vmem>> -> memref<1x100x128xf32, #tpu.memory_space<vmem>>
        %dma_wait3A_120 = tpu.memref_squeeze %dma_wait3A_119 : memref<1x100x128xf32, #tpu.memory_space<vmem>> -> memref<100x128xf32, #tpu.memory_space<vmem>>
        %dma_wait3A_121 = arith.constant 0 : i32
        %dma_wait3A_122 = tpu.memref_slice %arg9[%sub3A_116, %dma_wait3A_121] : memref<50x100xi32, #tpu.memory_space<vmem>> -> memref<1x100xi32, #tpu.memory_space<vmem>>
        %dma_wait3A_123 = tpu.memref_squeeze %dma_wait3A_122 : memref<1x100xi32, #tpu.memory_space<vmem>> -> memref<100xi32, #tpu.memory_space<vmem>>
        %dma_wait3A_124 = arith.constant 0 : i32
        %dma_wait3A_125 = arith.constant 0 : i32
        %dma_wait3A_126 = tpu.memref_slice %arg7[%dma_wait3A_124, %dma_wait3A_125] : memref<10240x128xf32, #tpu.memory_space<vmem_shared>> -> memref<10240x128xf32, #tpu.memory_space<vmem_shared>>
        tpu.wait_indirect_dma semaphore(%arg12 : memref<!tpu.dma_semaphore, #tpu.memory_space<semaphore_mem>>) src(%dma_wait3A_120 : memref<100x128xf32, #tpu.memory_space<vmem>>) dst(%dma_wait3A_126 : memref<10240x128xf32, #tpu.memory_space<vmem_shared>>)
      } else {
      }
      %add3A_98 = arith.constant 1 : i32
      %add3A_99 = arith.addi %scan3A_84, %add3A_98 : i32
      %lt3A = arith.constant 50 : i32
      %lt3A_100 = arith.cmpi slt, %add3A_99, %lt3A : i32
      %convert_element_type3A_101 = arith.extui %lt3A_100 : i1 to i32
      %cond3A_102 = arith.constant 0 : i32
      %cond3A_103 = arith.cmpi ne, %convert_element_type3A_101, %cond3A_102 : i32
      scf.if %cond3A_103 {
        %add3A_114 = arith.constant 1 : i32
        %add3A_115 = arith.addi %scan3A_84, %add3A_114 : i32
        %sub3A = arith.constant 1 : i32
        %sub3A_116 = arith.subi %sub3A, %rem3A_85 : i32
        %dma_start3A_117 = arith.constant 0 : i32
        %dma_start3A_118 = arith.constant 0 : i32
        %dma_start3A_119 = tpu.memref_slice %arg10[%sub3A_116, %dma_start3A_117, %dma_start3A_118] : memref<2x100x128xf32, #tpu.memory_space<vmem>> -> memref<1x100x128xf32, #tpu.memory_space<vmem>>
        %dma_start3A_120 = tpu.memref_squeeze %dma_start3A_119 : memref<1x100x128xf32, #tpu.memory_space<vmem>> -> memref<100x128xf32, #tpu.memory_space<vmem>>
        %dma_start3A_121 = arith.constant 0 : i32
        %dma_start3A_122 = tpu.memref_slice %arg8[%add3A_115, %dma_start3A_121] : memref<50x100xi32, #tpu.memory_space<vmem>> -> memref<1x100xi32, #tpu.memory_space<vmem>>
        %dma_start3A_123 = tpu.memref_squeeze %dma_start3A_122 : memref<1x100xi32, #tpu.memory_space<vmem>> -> memref<100xi32, #tpu.memory_space<vmem>>
        %dma_start3A_124 = arith.constant 0 : i32
        %dma_start3A_125 = arith.constant 0 : i32
        %dma_start3A_126 = tpu.memref_slice %arg2[%dma_start3A_124, %dma_start3A_125] : memref<10000x128xf32, #tpu.memory_space<hbm>> -> memref<10000x128xf32, #tpu.memory_space<hbm>>
        tpu.enqueue_indirect_dma source(%dma_start3A_126 : memref<10000x128xf32, #tpu.memory_space<hbm>>) target(%dma_start3A_120 : memref<100x128xf32, #tpu.memory_space<vmem>>) offsets(%dma_start3A_123 : memref<100xi32, #tpu.memory_space<vmem>>) semaphore(%arg11 : memref<!tpu.dma_semaphore, #tpu.memory_space<semaphore_mem>>)
      } else {
      }
      %dma_start3A_104 = arith.constant 0 : i32
      %dma_start3A_105 = arith.constant 0 : i32
      %dma_start3A_106 = tpu.memref_slice %arg10[%rem3A_85, %dma_start3A_104, %dma_start3A_105] : memref<2x100x128xf32, #tpu.memory_space<vmem>> -> memref<1x100x128xf32, #tpu.memory_space<vmem>>
      %dma_start3A_107 = tpu.memref_squeeze %dma_start3A_106 : memref<1x100x128xf32, #tpu.memory_space<vmem>> -> memref<100x128xf32, #tpu.memory_space<vmem>>
      %dma_start3A_108 = arith.constant 0 : i32
      %dma_start3A_109 = tpu.memref_slice %arg9[%scan3A_84, %dma_start3A_108] : memref<50x100xi32, #tpu.memory_space<vmem>> -> memref<1x100xi32, #tpu.memory_space<vmem>>
      %dma_start3A_110 = tpu.memref_squeeze %dma_start3A_109 : memref<1x100xi32, #tpu.memory_space<vmem>> -> memref<100xi32, #tpu.memory_space<vmem>>
      %dma_start3A_111 = arith.constant 0 : i32
      %dma_start3A_112 = arith.constant 0 : i32
      %dma_start3A_113 = tpu.memref_slice %arg7[%dma_start3A_111, %dma_start3A_112] : memref<10240x128xf32, #tpu.memory_space<vmem_shared>> -> memref<10240x128xf32, #tpu.memory_space<vmem_shared>>
      tpu.enqueue_indirect_dma source(%dma_start3A_107 : memref<100x128xf32, #tpu.memory_space<vmem>>) target(%dma_start3A_113 : memref<10240x128xf32, #tpu.memory_space<vmem_shared>>) offsets(%dma_start3A_110 : memref<100xi32, #tpu.memory_space<vmem>>) semaphore(%arg12 : memref<!tpu.dma_semaphore, #tpu.memory_space<semaphore_mem>>) {add = true}
    }
    %scan3A_63 = arith.constant 50 : i32
    %dma_wait3A_64 = arith.constant 1 : i32
    %dma_wait3A_65 = arith.constant 49 : i32
    %dma_wait3A_66 = arith.constant 0 : i32
    %dma_wait3A_67 = arith.constant 0 : i32
    %dma_wait3A_68 = tpu.memref_slice %arg10[%dma_wait3A_64, %dma_wait3A_66, %dma_wait3A_67] : memref<2x100x128xf32, #tpu.memory_space<vmem>> -> memref<1x100x128xf32, #tpu.memory_space<vmem>>
    %dma_wait3A_69 = tpu.memref_squeeze %dma_wait3A_68 : memref<1x100x128xf32, #tpu.memory_space<vmem>> -> memref<100x128xf32, #tpu.memory_space<vmem>>
    %dma_wait3A_70 = arith.constant 0 : i32
    %dma_wait3A_71 = tpu.memref_slice %arg9[%dma_wait3A_65, %dma_wait3A_70] : memref<50x100xi32, #tpu.memory_space<vmem>> -> memref<1x100xi32, #tpu.memory_space<vmem>>
    %dma_wait3A_72 = tpu.memref_squeeze %dma_wait3A_71 : memref<1x100xi32, #tpu.memory_space<vmem>> -> memref<100xi32, #tpu.memory_space<vmem>>
    %dma_wait3A_73 = arith.constant 0 : i32
    %dma_wait3A_74 = arith.constant 0 : i32
    %dma_wait3A_75 = tpu.memref_slice %arg7[%dma_wait3A_73, %dma_wait3A_74] : memref<10240x128xf32, #tpu.memory_space<vmem_shared>> -> memref<10240x128xf32, #tpu.memory_space<vmem_shared>>
    tpu.wait_indirect_dma semaphore(%arg12 : memref<!tpu.dma_semaphore, #tpu.memory_space<semaphore_mem>>) src(%dma_wait3A_69 : memref<100x128xf32, #tpu.memory_space<vmem>>) dst(%dma_wait3A_75 : memref<10240x128xf32, #tpu.memory_space<vmem_shared>>)
    %barrier3A_76 = arith.constant 0 : index
    tpu.barrier barrier_id(%barrier3A_76)
    %mul3A_77 = arith.constant 640 : i32
    %mul3A_78 = arith.muli %arg1, %mul3A_77 : i32
    %mul3A_79 = arith.constant 10240 : i32
    %mul3A_80 = arith.muli %arg0, %mul3A_79 : i32
    %mul3A_81 = arith.constant 640 : i32
    %mul3A_82 = arith.muli %arg1, %mul3A_81 : i32
    %add3A_83 = arith.addi %mul3A_80, %mul3A_82 : i32
    "tpu.region"() ({
      %run_scoped3A = tpu.sem_alloc : memref<!tpu.dma_semaphore, #tpu.memory_space<semaphore_mem>>
      %dma_start3A_84 = arith.constant 0 : i32
      %dma_start3A_85 = tpu.memref_slice %arg6[%add3A_83, %dma_start3A_84] : memref<20480x128xf32, #tpu.memory_space<hbm>> -> memref<640x128xf32, #tpu.memory_space<hbm>>
      %dma_start3A_86 = arith.constant 0 : i32
      %dma_start3A_87 = tpu.memref_slice %arg7[%mul3A_78, %dma_start3A_86] : memref<10240x128xf32, #tpu.memory_space<vmem_shared>> -> memref<640x128xf32, #tpu.memory_space<vmem_shared>>
      tpu.enqueue_dma source(%dma_start3A_87 : memref<640x128xf32, #tpu.memory_space<vmem_shared>>) target(%dma_start3A_85 : memref<640x128xf32, #tpu.memory_space<hbm>>) target_semaphore(%run_scoped3A : memref<!tpu.dma_semaphore, #tpu.memory_space<semaphore_mem>>)
      %dma_wait3A_88 = arith.constant 0 : i32
      %dma_wait3A_89 = tpu.memref_slice %arg6[%add3A_83, %dma_wait3A_88] : memref<20480x128xf32, #tpu.memory_space<hbm>> -> memref<640x128xf32, #tpu.memory_space<hbm>>
      %dma_wait3A_90 = arith.constant 0 : i32
      %dma_wait3A_91 = tpu.memref_slice %arg7[%mul3A_78, %dma_wait3A_90] : memref<10240x128xf32, #tpu.memory_space<vmem_shared>> -> memref<640x128xf32, #tpu.memory_space<vmem_shared>>
      tpu.wait_dma2 semaphore(%run_scoped3A : memref<!tpu.dma_semaphore, #tpu.memory_space<semaphore_mem>>) src(%dma_wait3A_91 : memref<640x128xf32, #tpu.memory_space<vmem_shared>>) dst(%dma_wait3A_89 : memref<640x128xf32, #tpu.memory_space<hbm>>)
      tpu.yield
    }) : () -> ()
    return
  }
}

#map = affine_map<(d0, d1) -> (0, 0)>
#map1 = affine_map<(d0, d1) -> (0, 0, 0)>
module attributes {stable_mosaic.version = 14 : i64} {
  func.func @_prop_sc(%arg0: i32, %arg1: i32, %arg2: memref<10000x128xf32, #tpu.memory_space<hbm>>, %arg3: memref<64x50x100xi32, #tpu.memory_space<hbm>>, %arg4: memref<64x50x100xi32, #tpu.memory_space<hbm>>, %arg5: memref<640x128xf32, #tpu.memory_space<hbm>>, %arg6: memref<20480x128xf32, #tpu.memory_space<hbm>>, %arg7: memref<10240x128xf32, #tpu.memory_space<vmem_shared>>, %arg8: memref<50x100xi32, #tpu.memory_space<vmem>>, %arg9: memref<50x100xi32, #tpu.memory_space<vmem>>, %arg10: memref<2x100x128xf32, #tpu.memory_space<vmem>>, %arg11: memref<!tpu.dma_semaphore, #tpu.memory_space<semaphore_mem>>, %arg12: memref<!tpu.dma_semaphore, #tpu.memory_space<semaphore_mem>>, %arg13: memref<!tpu.dma_semaphore, #tpu.memory_space<semaphore_mem>>) attributes {dimension_semantics = [#tpu.dimension_semantics<core_parallel>, #tpu.dimension_semantics<subcore_parallel>], iteration_bounds = array<i64: 2, 16>, scalar_prefetch = 0 : i64, scratch_operands = 7 : i64, tpu.core_type = #tpu.core_type<sc_vector_subcore>, window_params = [{transform_indices = #map}, {transform_indices = #map1}, {transform_indices = #map1}, {transform_indices = #map}, {transform_indices = #map}]} {
    %mul3A = arith.constant 2 : i32
    %mul3A_0 = arith.muli %arg1, %mul3A : i32
    %add3A = arith.addi %mul3A_0, %arg0 : i32
    %mul3A_1 = arith.constant 640 : i32
    %mul3A_2 = arith.muli %arg1, %mul3A_1 : i32
    %dma_start3A = arith.constant 0 : i32
    %dma_start3A_3 = tpu.memref_slice %arg7[%mul3A_2, %dma_start3A] : memref<10240x128xf32, #tpu.memory_space<vmem_shared>> -> memref<640x128xf32, #tpu.memory_space<vmem_shared>>
    tpu.enqueue_dma source(%arg5 : memref<640x128xf32, #tpu.memory_space<hbm>>) target(%dma_start3A_3 : memref<640x128xf32, #tpu.memory_space<vmem_shared>>) target_semaphore(%arg13 : memref<!tpu.dma_semaphore, #tpu.memory_space<semaphore_mem>>)
    %mul3A_4 = arith.constant 2 : i32
    %mul3A_5 = arith.muli %add3A, %mul3A_4 : i32
    "tpu.region"() ({
      %run_scoped3A = tpu.sem_alloc : memref<!tpu.dma_semaphore, #tpu.memory_space<semaphore_mem>>
      %dma_start3A_84 = arith.constant 0 : i32
      %dma_start3A_85 = arith.constant 0 : i32
      %dma_start3A_86 = tpu.memref_slice %arg3[%mul3A_5, %dma_start3A_84, %dma_start3A_85] : memref<64x50x100xi32, #tpu.memory_space<hbm>> -> memref<1x50x100xi32, #tpu.memory_space<hbm>>
      %dma_start3A_87 = tpu.memref_squeeze %dma_start3A_86 : memref<1x50x100xi32, #tpu.memory_space<hbm>> -> memref<50x100xi32, #tpu.memory_space<hbm>>
      %dma_start3A_88 = arith.constant 0 : i32
      %dma_start3A_89 = arith.constant 0 : i32
      %dma_start3A_90 = tpu.memref_slice %arg3[%mul3A_5, %dma_start3A_88, %dma_start3A_89] : memref<64x50x100xi32, #tpu.memory_space<hbm>> -> memref<1x50x100xi32, #tpu.memory_space<hbm>>
      %dma_start3A_91 = tpu.memref_squeeze %dma_start3A_90 : memref<1x50x100xi32, #tpu.memory_space<hbm>> -> memref<50x100xi32, #tpu.memory_space<hbm>>
      tpu.enqueue_dma source(%dma_start3A_91 : memref<50x100xi32, #tpu.memory_space<hbm>>) target(%arg8 : memref<50x100xi32, #tpu.memory_space<vmem>>) target_semaphore(%run_scoped3A : memref<!tpu.dma_semaphore, #tpu.memory_space<semaphore_mem>>)
      %dma_wait3A_92 = arith.constant 0 : i32
      %dma_wait3A_93 = arith.constant 0 : i32
      %dma_wait3A_94 = tpu.memref_slice %arg3[%mul3A_5, %dma_wait3A_92, %dma_wait3A_93] : memref<64x50x100xi32, #tpu.memory_space<hbm>> -> memref<1x50x100xi32, #tpu.memory_space<hbm>>
      %dma_wait3A_95 = tpu.memref_squeeze %dma_wait3A_94 : memref<1x50x100xi32, #tpu.memory_space<hbm>> -> memref<50x100xi32, #tpu.memory_space<hbm>>
      %dma_wait3A_96 = arith.constant 0 : i32
      %dma_wait3A_97 = arith.constant 0 : i32
      %dma_wait3A_98 = tpu.memref_slice %arg3[%mul3A_5, %dma_wait3A_96, %dma_wait3A_97] : memref<64x50x100xi32, #tpu.memory_space<hbm>> -> memref<1x50x100xi32, #tpu.memory_space<hbm>>
      %dma_wait3A_99 = tpu.memref_squeeze %dma_wait3A_98 : memref<1x50x100xi32, #tpu.memory_space<hbm>> -> memref<50x100xi32, #tpu.memory_space<hbm>>
      tpu.wait_dma2 semaphore(%run_scoped3A : memref<!tpu.dma_semaphore, #tpu.memory_space<semaphore_mem>>) src(%dma_wait3A_99 : memref<50x100xi32, #tpu.memory_space<hbm>>) dst(%arg8 : memref<50x100xi32, #tpu.memory_space<vmem>>)
      tpu.yield
    }) : () -> ()
    %mul3A_6 = arith.constant 2 : i32
    %mul3A_7 = arith.muli %add3A, %mul3A_6 : i32
    "tpu.region"() ({
      %run_scoped3A = tpu.sem_alloc : memref<!tpu.dma_semaphore, #tpu.memory_space<semaphore_mem>>
      %dma_start3A_84 = arith.constant 0 : i32
      %dma_start3A_85 = arith.constant 0 : i32
      %dma_start3A_86 = tpu.memref_slice %arg4[%mul3A_7, %dma_start3A_84, %dma_start3A_85] : memref<64x50x100xi32, #tpu.memory_space<hbm>> -> memref<1x50x100xi32, #tpu.memory_space<hbm>>
      %dma_start3A_87 = tpu.memref_squeeze %dma_start3A_86 : memref<1x50x100xi32, #tpu.memory_space<hbm>> -> memref<50x100xi32, #tpu.memory_space<hbm>>
      %dma_start3A_88 = arith.constant 0 : i32
      %dma_start3A_89 = arith.constant 0 : i32
      %dma_start3A_90 = tpu.memref_slice %arg4[%mul3A_7, %dma_start3A_88, %dma_start3A_89] : memref<64x50x100xi32, #tpu.memory_space<hbm>> -> memref<1x50x100xi32, #tpu.memory_space<hbm>>
      %dma_start3A_91 = tpu.memref_squeeze %dma_start3A_90 : memref<1x50x100xi32, #tpu.memory_space<hbm>> -> memref<50x100xi32, #tpu.memory_space<hbm>>
      tpu.enqueue_dma source(%dma_start3A_91 : memref<50x100xi32, #tpu.memory_space<hbm>>) target(%arg9 : memref<50x100xi32, #tpu.memory_space<vmem>>) target_semaphore(%run_scoped3A : memref<!tpu.dma_semaphore, #tpu.memory_space<semaphore_mem>>)
      %dma_wait3A_92 = arith.constant 0 : i32
      %dma_wait3A_93 = arith.constant 0 : i32
      %dma_wait3A_94 = tpu.memref_slice %arg4[%mul3A_7, %dma_wait3A_92, %dma_wait3A_93] : memref<64x50x100xi32, #tpu.memory_space<hbm>> -> memref<1x50x100xi32, #tpu.memory_space<hbm>>
      %dma_wait3A_95 = tpu.memref_squeeze %dma_wait3A_94 : memref<1x50x100xi32, #tpu.memory_space<hbm>> -> memref<50x100xi32, #tpu.memory_space<hbm>>
      %dma_wait3A_96 = arith.constant 0 : i32
      %dma_wait3A_97 = arith.constant 0 : i32
      %dma_wait3A_98 = tpu.memref_slice %arg4[%mul3A_7, %dma_wait3A_96, %dma_wait3A_97] : memref<64x50x100xi32, #tpu.memory_space<hbm>> -> memref<1x50x100xi32, #tpu.memory_space<hbm>>
      %dma_wait3A_99 = tpu.memref_squeeze %dma_wait3A_98 : memref<1x50x100xi32, #tpu.memory_space<hbm>> -> memref<50x100xi32, #tpu.memory_space<hbm>>
      tpu.wait_dma2 semaphore(%run_scoped3A : memref<!tpu.dma_semaphore, #tpu.memory_space<semaphore_mem>>) src(%dma_wait3A_99 : memref<50x100xi32, #tpu.memory_space<hbm>>) dst(%arg9 : memref<50x100xi32, #tpu.memory_space<vmem>>)
      tpu.yield
    }) : () -> ()
    %dma_start3A_8 = arith.constant 0 : i32
    %dma_start3A_9 = arith.constant 0 : i32
    %dma_start3A_10 = arith.constant 0 : i32
    %dma_start3A_11 = arith.constant 0 : i32
    %dma_start3A_12 = tpu.memref_slice %arg10[%dma_start3A_9, %dma_start3A_10, %dma_start3A_11] : memref<2x100x128xf32, #tpu.memory_space<vmem>> -> memref<1x100x128xf32, #tpu.memory_space<vmem>>
    %dma_start3A_13 = tpu.memref_squeeze %dma_start3A_12 : memref<1x100x128xf32, #tpu.memory_space<vmem>> -> memref<100x128xf32, #tpu.memory_space<vmem>>
    %dma_start3A_14 = arith.constant 0 : i32
    %dma_start3A_15 = tpu.memref_slice %arg8[%dma_start3A_8, %dma_start3A_14] : memref<50x100xi32, #tpu.memory_space<vmem>> -> memref<1x100xi32, #tpu.memory_space<vmem>>
    %dma_start3A_16 = tpu.memref_squeeze %dma_start3A_15 : memref<1x100xi32, #tpu.memory_space<vmem>> -> memref<100xi32, #tpu.memory_space<vmem>>
    %dma_start3A_17 = arith.constant 0 : i32
    %dma_start3A_18 = arith.constant 0 : i32
    %dma_start3A_19 = tpu.memref_slice %arg2[%dma_start3A_17, %dma_start3A_18] : memref<10000x128xf32, #tpu.memory_space<hbm>> -> memref<10000x128xf32, #tpu.memory_space<hbm>>
    tpu.enqueue_indirect_dma source(%dma_start3A_19 : memref<10000x128xf32, #tpu.memory_space<hbm>>) target(%dma_start3A_13 : memref<100x128xf32, #tpu.memory_space<vmem>>) offsets(%dma_start3A_16 : memref<100xi32, #tpu.memory_space<vmem>>) semaphore(%arg11 : memref<!tpu.dma_semaphore, #tpu.memory_space<semaphore_mem>>)
    %dma_wait3A = arith.constant 0 : i32
    %dma_wait3A_20 = tpu.memref_slice %arg7[%mul3A_2, %dma_wait3A] : memref<10240x128xf32, #tpu.memory_space<vmem_shared>> -> memref<640x128xf32, #tpu.memory_space<vmem_shared>>
    tpu.wait_dma2 semaphore(%arg13 : memref<!tpu.dma_semaphore, #tpu.memory_space<semaphore_mem>>) src(%arg5 : memref<640x128xf32, #tpu.memory_space<hbm>>) dst(%dma_wait3A_20 : memref<640x128xf32, #tpu.memory_space<vmem_shared>>)
    %barrier3A = arith.constant 0 : index
    tpu.barrier barrier_id(%barrier3A)
    %scan3A = arith.constant 0 : i32
    %scan3A_21 = arith.constant 0 : i32
    %scan3A_22 = arith.constant 50 : i32
    %scan3A_23 = arith.addi %scan3A_21, %scan3A_22 : i32
    %scan3A_24 = arith.constant 1 : i32
    scf.for %scan3A_84 = %scan3A_21 to %scan3A_23 step %scan3A_24  : i32 {
      %rem3A = arith.constant 2 : i32
      %rem3A_85 = arith.remsi %scan3A_84, %rem3A : i32
      %dma_wait3A_86 = arith.constant 0 : i32
      %dma_wait3A_87 = arith.constant 0 : i32
      %dma_wait3A_88 = tpu.memref_slice %arg10[%rem3A_85, %dma_wait3A_86, %dma_wait3A_87] : memref<2x100x128xf32, #tpu.memory_space<vmem>> -> memref<1x100x128xf32, #tpu.memory_space<vmem>>
      %dma_wait3A_89 = tpu.memref_squeeze %dma_wait3A_88 : memref<1x100x128xf32, #tpu.memory_space<vmem>> -> memref<100x128xf32, #tpu.memory_space<vmem>>
      %dma_wait3A_90 = arith.constant 0 : i32
      %dma_wait3A_91 = tpu.memref_slice %arg8[%scan3A_84, %dma_wait3A_90] : memref<50x100xi32, #tpu.memory_space<vmem>> -> memref<1x100xi32, #tpu.memory_space<vmem>>
      %dma_wait3A_92 = tpu.memref_squeeze %dma_wait3A_91 : memref<1x100xi32, #tpu.memory_space<vmem>> -> memref<100xi32, #tpu.memory_space<vmem>>
      %dma_wait3A_93 = arith.constant 0 : i32
      %dma_wait3A_94 = arith.constant 0 : i32
      %dma_wait3A_95 = tpu.memref_slice %arg2[%dma_wait3A_93, %dma_wait3A_94] : memref<10000x128xf32, #tpu.memory_space<hbm>> -> memref<10000x128xf32, #tpu.memory_space<hbm>>
      tpu.wait_indirect_dma semaphore(%arg11 : memref<!tpu.dma_semaphore, #tpu.memory_space<semaphore_mem>>) src(%dma_wait3A_95 : memref<10000x128xf32, #tpu.memory_space<hbm>>) dst(%dma_wait3A_89 : memref<100x128xf32, #tpu.memory_space<vmem>>)
      %ge3A = arith.constant 1 : i32
      %ge3A_96 = arith.cmpi sge, %scan3A_84, %ge3A : i32
      %convert_element_type3A = arith.extui %ge3A_96 : i1 to i32
      %cond3A = arith.constant 0 : i32
      %cond3A_97 = arith.cmpi ne, %convert_element_type3A, %cond3A : i32
      scf.if %cond3A_97 {
        %sub3A = arith.constant 1 : i32
        %sub3A_114 = arith.subi %sub3A, %rem3A_85 : i32
        %sub3A_115 = arith.constant 1 : i32
        %sub3A_116 = arith.subi %scan3A_84, %sub3A_115 : i32
        %dma_wait3A_117 = arith.constant 0 : i32
        %dma_wait3A_118 = arith.constant 0 : i32
        %dma_wait3A_119 = tpu.memref_slice %arg10[%sub3A_114, %dma_wait3A_117, %dma_wait3A_118] : memref<2x100x128xf32, #tpu.memory_space<vmem>> -> memref<1x100x128xf32, #tpu.memory_space<vmem>>
        %dma_wait3A_120 = tpu.memref_squeeze %dma_wait3A_119 : memref<1x100x128xf32, #tpu.memory_space<vmem>> -> memref<100x128xf32, #tpu.memory_space<vmem>>
        %dma_wait3A_121 = arith.constant 0 : i32
        %dma_wait3A_122 = tpu.memref_slice %arg9[%sub3A_116, %dma_wait3A_121] : memref<50x100xi32, #tpu.memory_space<vmem>> -> memref<1x100xi32, #tpu.memory_space<vmem>>
        %dma_wait3A_123 = tpu.memref_squeeze %dma_wait3A_122 : memref<1x100xi32, #tpu.memory_space<vmem>> -> memref<100xi32, #tpu.memory_space<vmem>>
        %dma_wait3A_124 = arith.constant 0 : i32
        %dma_wait3A_125 = arith.constant 0 : i32
        %dma_wait3A_126 = tpu.memref_slice %arg7[%dma_wait3A_124, %dma_wait3A_125] : memref<10240x128xf32, #tpu.memory_space<vmem_shared>> -> memref<10240x128xf32, #tpu.memory_space<vmem_shared>>
        tpu.wait_indirect_dma semaphore(%arg12 : memref<!tpu.dma_semaphore, #tpu.memory_space<semaphore_mem>>) src(%dma_wait3A_120 : memref<100x128xf32, #tpu.memory_space<vmem>>) dst(%dma_wait3A_126 : memref<10240x128xf32, #tpu.memory_space<vmem_shared>>)
      } else {
      }
      %add3A_98 = arith.constant 1 : i32
      %add3A_99 = arith.addi %scan3A_84, %add3A_98 : i32
      %lt3A = arith.constant 50 : i32
      %lt3A_100 = arith.cmpi slt, %add3A_99, %lt3A : i32
      %convert_element_type3A_101 = arith.extui %lt3A_100 : i1 to i32
      %cond3A_102 = arith.constant 0 : i32
      %cond3A_103 = arith.cmpi ne, %convert_element_type3A_101, %cond3A_102 : i32
      scf.if %cond3A_103 {
        %add3A_114 = arith.constant 1 : i32
        %add3A_115 = arith.addi %scan3A_84, %add3A_114 : i32
        %sub3A = arith.constant 1 : i32
        %sub3A_116 = arith.subi %sub3A, %rem3A_85 : i32
        %dma_start3A_117 = arith.constant 0 : i32
        %dma_start3A_118 = arith.constant 0 : i32
        %dma_start3A_119 = tpu.memref_slice %arg10[%sub3A_116, %dma_start3A_117, %dma_start3A_118] : memref<2x100x128xf32, #tpu.memory_space<vmem>> -> memref<1x100x128xf32, #tpu.memory_space<vmem>>
        %dma_start3A_120 = tpu.memref_squeeze %dma_start3A_119 : memref<1x100x128xf32, #tpu.memory_space<vmem>> -> memref<100x128xf32, #tpu.memory_space<vmem>>
        %dma_start3A_121 = arith.constant 0 : i32
        %dma_start3A_122 = tpu.memref_slice %arg8[%add3A_115, %dma_start3A_121] : memref<50x100xi32, #tpu.memory_space<vmem>> -> memref<1x100xi32, #tpu.memory_space<vmem>>
        %dma_start3A_123 = tpu.memref_squeeze %dma_start3A_122 : memref<1x100xi32, #tpu.memory_space<vmem>> -> memref<100xi32, #tpu.memory_space<vmem>>
        %dma_start3A_124 = arith.constant 0 : i32
        %dma_start3A_125 = arith.constant 0 : i32
        %dma_start3A_126 = tpu.memref_slice %arg2[%dma_start3A_124, %dma_start3A_125] : memref<10000x128xf32, #tpu.memory_space<hbm>> -> memref<10000x128xf32, #tpu.memory_space<hbm>>
        tpu.enqueue_indirect_dma source(%dma_start3A_126 : memref<10000x128xf32, #tpu.memory_space<hbm>>) target(%dma_start3A_120 : memref<100x128xf32, #tpu.memory_space<vmem>>) offsets(%dma_start3A_123 : memref<100xi32, #tpu.memory_space<vmem>>) semaphore(%arg11 : memref<!tpu.dma_semaphore, #tpu.memory_space<semaphore_mem>>)
      } else {
      }
      %dma_start3A_104 = arith.constant 0 : i32
      %dma_start3A_105 = arith.constant 0 : i32
      %dma_start3A_106 = tpu.memref_slice %arg10[%rem3A_85, %dma_start3A_104, %dma_start3A_105] : memref<2x100x128xf32, #tpu.memory_space<vmem>> -> memref<1x100x128xf32, #tpu.memory_space<vmem>>
      %dma_start3A_107 = tpu.memref_squeeze %dma_start3A_106 : memref<1x100x128xf32, #tpu.memory_space<vmem>> -> memref<100x128xf32, #tpu.memory_space<vmem>>
      %dma_start3A_108 = arith.constant 0 : i32
      %dma_start3A_109 = tpu.memref_slice %arg9[%scan3A_84, %dma_start3A_108] : memref<50x100xi32, #tpu.memory_space<vmem>> -> memref<1x100xi32, #tpu.memory_space<vmem>>
      %dma_start3A_110 = tpu.memref_squeeze %dma_start3A_109 : memref<1x100xi32, #tpu.memory_space<vmem>> -> memref<100xi32, #tpu.memory_space<vmem>>
      %dma_start3A_111 = arith.constant 0 : i32
      %dma_start3A_112 = arith.constant 0 : i32
      %dma_start3A_113 = tpu.memref_slice %arg7[%dma_start3A_111, %dma_start3A_112] : memref<10240x128xf32, #tpu.memory_space<vmem_shared>> -> memref<10240x128xf32, #tpu.memory_space<vmem_shared>>
      tpu.enqueue_indirect_dma source(%dma_start3A_107 : memref<100x128xf32, #tpu.memory_space<vmem>>) target(%dma_start3A_113 : memref<10240x128xf32, #tpu.memory_space<vmem_shared>>) offsets(%dma_start3A_110 : memref<100xi32, #tpu.memory_space<vmem>>) semaphore(%arg12 : memref<!tpu.dma_semaphore, #tpu.memory_space<semaphore_mem>>) {add = true}
    }
    %scan3A_25 = arith.constant 50 : i32
    %dma_wait3A_26 = arith.constant 1 : i32
    %dma_wait3A_27 = arith.constant 49 : i32
    %dma_wait3A_28 = arith.constant 0 : i32
    %dma_wait3A_29 = arith.constant 0 : i32
    %dma_wait3A_30 = tpu.memref_slice %arg10[%dma_wait3A_26, %dma_wait3A_28, %dma_wait3A_29] : memref<2x100x128xf32, #tpu.memory_space<vmem>> -> memref<1x100x128xf32, #tpu.memory_space<vmem>>
    %dma_wait3A_31 = tpu.memref_squeeze %dma_wait3A_30 : memref<1x100x128xf32, #tpu.memory_space<vmem>> -> memref<100x128xf32, #tpu.memory_space<vmem>>
    %dma_wait3A_32 = arith.constant 0 : i32
    %dma_wait3A_33 = tpu.memref_slice %arg9[%dma_wait3A_27, %dma_wait3A_32] : memref<50x100xi32, #tpu.memory_space<vmem>> -> memref<1x100xi32, #tpu.memory_space<vmem>>
    %dma_wait3A_34 = tpu.memref_squeeze %dma_wait3A_33 : memref<1x100xi32, #tpu.memory_space<vmem>> -> memref<100xi32, #tpu.memory_space<vmem>>
    %dma_wait3A_35 = arith.constant 0 : i32
    %dma_wait3A_36 = arith.constant 0 : i32
    %dma_wait3A_37 = tpu.memref_slice %arg7[%dma_wait3A_35, %dma_wait3A_36] : memref<10240x128xf32, #tpu.memory_space<vmem_shared>> -> memref<10240x128xf32, #tpu.memory_space<vmem_shared>>
    tpu.wait_indirect_dma semaphore(%arg12 : memref<!tpu.dma_semaphore, #tpu.memory_space<semaphore_mem>>) src(%dma_wait3A_31 : memref<100x128xf32, #tpu.memory_space<vmem>>) dst(%dma_wait3A_37 : memref<10240x128xf32, #tpu.memory_space<vmem_shared>>)
    %mul3A_38 = arith.constant 2 : i32
    %mul3A_39 = arith.muli %add3A, %mul3A_38 : i32
    %add3A_40 = arith.constant 1 : i32
    %add3A_41 = arith.addi %mul3A_39, %add3A_40 : i32
    "tpu.region"() ({
      %run_scoped3A = tpu.sem_alloc : memref<!tpu.dma_semaphore, #tpu.memory_space<semaphore_mem>>
      %dma_start3A_84 = arith.constant 0 : i32
      %dma_start3A_85 = arith.constant 0 : i32
      %dma_start3A_86 = tpu.memref_slice %arg3[%add3A_41, %dma_start3A_84, %dma_start3A_85] : memref<64x50x100xi32, #tpu.memory_space<hbm>> -> memref<1x50x100xi32, #tpu.memory_space<hbm>>
      %dma_start3A_87 = tpu.memref_squeeze %dma_start3A_86 : memref<1x50x100xi32, #tpu.memory_space<hbm>> -> memref<50x100xi32, #tpu.memory_space<hbm>>
      %dma_start3A_88 = arith.constant 0 : i32
      %dma_start3A_89 = arith.constant 0 : i32
      %dma_start3A_90 = tpu.memref_slice %arg3[%add3A_41, %dma_start3A_88, %dma_start3A_89] : memref<64x50x100xi32, #tpu.memory_space<hbm>> -> memref<1x50x100xi32, #tpu.memory_space<hbm>>
      %dma_start3A_91 = tpu.memref_squeeze %dma_start3A_90 : memref<1x50x100xi32, #tpu.memory_space<hbm>> -> memref<50x100xi32, #tpu.memory_space<hbm>>
      tpu.enqueue_dma source(%dma_start3A_91 : memref<50x100xi32, #tpu.memory_space<hbm>>) target(%arg8 : memref<50x100xi32, #tpu.memory_space<vmem>>) target_semaphore(%run_scoped3A : memref<!tpu.dma_semaphore, #tpu.memory_space<semaphore_mem>>)
      %dma_wait3A_92 = arith.constant 0 : i32
      %dma_wait3A_93 = arith.constant 0 : i32
      %dma_wait3A_94 = tpu.memref_slice %arg3[%add3A_41, %dma_wait3A_92, %dma_wait3A_93] : memref<64x50x100xi32, #tpu.memory_space<hbm>> -> memref<1x50x100xi32, #tpu.memory_space<hbm>>
      %dma_wait3A_95 = tpu.memref_squeeze %dma_wait3A_94 : memref<1x50x100xi32, #tpu.memory_space<hbm>> -> memref<50x100xi32, #tpu.memory_space<hbm>>
      %dma_wait3A_96 = arith.constant 0 : i32
      %dma_wait3A_97 = arith.constant 0 : i32
      %dma_wait3A_98 = tpu.memref_slice %arg3[%add3A_41, %dma_wait3A_96, %dma_wait3A_97] : memref<64x50x100xi32, #tpu.memory_space<hbm>> -> memref<1x50x100xi32, #tpu.memory_space<hbm>>
      %dma_wait3A_99 = tpu.memref_squeeze %dma_wait3A_98 : memref<1x50x100xi32, #tpu.memory_space<hbm>> -> memref<50x100xi32, #tpu.memory_space<hbm>>
      tpu.wait_dma2 semaphore(%run_scoped3A : memref<!tpu.dma_semaphore, #tpu.memory_space<semaphore_mem>>) src(%dma_wait3A_99 : memref<50x100xi32, #tpu.memory_space<hbm>>) dst(%arg8 : memref<50x100xi32, #tpu.memory_space<vmem>>)
      tpu.yield
    }) : () -> ()
    %mul3A_42 = arith.constant 2 : i32
    %mul3A_43 = arith.muli %add3A, %mul3A_42 : i32
    %add3A_44 = arith.constant 1 : i32
    %add3A_45 = arith.addi %mul3A_43, %add3A_44 : i32
    "tpu.region"() ({
      %run_scoped3A = tpu.sem_alloc : memref<!tpu.dma_semaphore, #tpu.memory_space<semaphore_mem>>
      %dma_start3A_84 = arith.constant 0 : i32
      %dma_start3A_85 = arith.constant 0 : i32
      %dma_start3A_86 = tpu.memref_slice %arg4[%add3A_45, %dma_start3A_84, %dma_start3A_85] : memref<64x50x100xi32, #tpu.memory_space<hbm>> -> memref<1x50x100xi32, #tpu.memory_space<hbm>>
      %dma_start3A_87 = tpu.memref_squeeze %dma_start3A_86 : memref<1x50x100xi32, #tpu.memory_space<hbm>> -> memref<50x100xi32, #tpu.memory_space<hbm>>
      %dma_start3A_88 = arith.constant 0 : i32
      %dma_start3A_89 = arith.constant 0 : i32
      %dma_start3A_90 = tpu.memref_slice %arg4[%add3A_45, %dma_start3A_88, %dma_start3A_89] : memref<64x50x100xi32, #tpu.memory_space<hbm>> -> memref<1x50x100xi32, #tpu.memory_space<hbm>>
      %dma_start3A_91 = tpu.memref_squeeze %dma_start3A_90 : memref<1x50x100xi32, #tpu.memory_space<hbm>> -> memref<50x100xi32, #tpu.memory_space<hbm>>
      tpu.enqueue_dma source(%dma_start3A_91 : memref<50x100xi32, #tpu.memory_space<hbm>>) target(%arg9 : memref<50x100xi32, #tpu.memory_space<vmem>>) target_semaphore(%run_scoped3A : memref<!tpu.dma_semaphore, #tpu.memory_space<semaphore_mem>>)
      %dma_wait3A_92 = arith.constant 0 : i32
      %dma_wait3A_93 = arith.constant 0 : i32
      %dma_wait3A_94 = tpu.memref_slice %arg4[%add3A_45, %dma_wait3A_92, %dma_wait3A_93] : memref<64x50x100xi32, #tpu.memory_space<hbm>> -> memref<1x50x100xi32, #tpu.memory_space<hbm>>
      %dma_wait3A_95 = tpu.memref_squeeze %dma_wait3A_94 : memref<1x50x100xi32, #tpu.memory_space<hbm>> -> memref<50x100xi32, #tpu.memory_space<hbm>>
      %dma_wait3A_96 = arith.constant 0 : i32
      %dma_wait3A_97 = arith.constant 0 : i32
      %dma_wait3A_98 = tpu.memref_slice %arg4[%add3A_45, %dma_wait3A_96, %dma_wait3A_97] : memref<64x50x100xi32, #tpu.memory_space<hbm>> -> memref<1x50x100xi32, #tpu.memory_space<hbm>>
      %dma_wait3A_99 = tpu.memref_squeeze %dma_wait3A_98 : memref<1x50x100xi32, #tpu.memory_space<hbm>> -> memref<50x100xi32, #tpu.memory_space<hbm>>
      tpu.wait_dma2 semaphore(%run_scoped3A : memref<!tpu.dma_semaphore, #tpu.memory_space<semaphore_mem>>) src(%dma_wait3A_99 : memref<50x100xi32, #tpu.memory_space<hbm>>) dst(%arg9 : memref<50x100xi32, #tpu.memory_space<vmem>>)
      tpu.yield
    }) : () -> ()
    %dma_start3A_46 = arith.constant 0 : i32
    %dma_start3A_47 = arith.constant 0 : i32
    %dma_start3A_48 = arith.constant 0 : i32
    %dma_start3A_49 = arith.constant 0 : i32
    %dma_start3A_50 = tpu.memref_slice %arg10[%dma_start3A_47, %dma_start3A_48, %dma_start3A_49] : memref<2x100x128xf32, #tpu.memory_space<vmem>> -> memref<1x100x128xf32, #tpu.memory_space<vmem>>
    %dma_start3A_51 = tpu.memref_squeeze %dma_start3A_50 : memref<1x100x128xf32, #tpu.memory_space<vmem>> -> memref<100x128xf32, #tpu.memory_space<vmem>>
    %dma_start3A_52 = arith.constant 0 : i32
    %dma_start3A_53 = tpu.memref_slice %arg8[%dma_start3A_46, %dma_start3A_52] : memref<50x100xi32, #tpu.memory_space<vmem>> -> memref<1x100xi32, #tpu.memory_space<vmem>>
    %dma_start3A_54 = tpu.memref_squeeze %dma_start3A_53 : memref<1x100xi32, #tpu.memory_space<vmem>> -> memref<100xi32, #tpu.memory_space<vmem>>
    %dma_start3A_55 = arith.constant 0 : i32
    %dma_start3A_56 = arith.constant 0 : i32
    %dma_start3A_57 = tpu.memref_slice %arg2[%dma_start3A_55, %dma_start3A_56] : memref<10000x128xf32, #tpu.memory_space<hbm>> -> memref<10000x128xf32, #tpu.memory_space<hbm>>
    tpu.enqueue_indirect_dma source(%dma_start3A_57 : memref<10000x128xf32, #tpu.memory_space<hbm>>) target(%dma_start3A_51 : memref<100x128xf32, #tpu.memory_space<vmem>>) offsets(%dma_start3A_54 : memref<100xi32, #tpu.memory_space<vmem>>) semaphore(%arg11 : memref<!tpu.dma_semaphore, #tpu.memory_space<semaphore_mem>>)
    %scan3A_58 = arith.constant 0 : i32
    %scan3A_59 = arith.constant 0 : i32
    %scan3A_60 = arith.constant 50 : i32
    %scan3A_61 = arith.addi %scan3A_59, %scan3A_60 : i32
    %scan3A_62 = arith.constant 1 : i32
    scf.for %scan3A_84 = %scan3A_59 to %scan3A_61 step %scan3A_62  : i32 {
      %rem3A = arith.constant 2 : i32
      %rem3A_85 = arith.remsi %scan3A_84, %rem3A : i32
      %dma_wait3A_86 = arith.constant 0 : i32
      %dma_wait3A_87 = arith.constant 0 : i32
      %dma_wait3A_88 = tpu.memref_slice %arg10[%rem3A_85, %dma_wait3A_86, %dma_wait3A_87] : memref<2x100x128xf32, #tpu.memory_space<vmem>> -> memref<1x100x128xf32, #tpu.memory_space<vmem>>
      %dma_wait3A_89 = tpu.memref_squeeze %dma_wait3A_88 : memref<1x100x128xf32, #tpu.memory_space<vmem>> -> memref<100x128xf32, #tpu.memory_space<vmem>>
      %dma_wait3A_90 = arith.constant 0 : i32
      %dma_wait3A_91 = tpu.memref_slice %arg8[%scan3A_84, %dma_wait3A_90] : memref<50x100xi32, #tpu.memory_space<vmem>> -> memref<1x100xi32, #tpu.memory_space<vmem>>
      %dma_wait3A_92 = tpu.memref_squeeze %dma_wait3A_91 : memref<1x100xi32, #tpu.memory_space<vmem>> -> memref<100xi32, #tpu.memory_space<vmem>>
      %dma_wait3A_93 = arith.constant 0 : i32
      %dma_wait3A_94 = arith.constant 0 : i32
      %dma_wait3A_95 = tpu.memref_slice %arg2[%dma_wait3A_93, %dma_wait3A_94] : memref<10000x128xf32, #tpu.memory_space<hbm>> -> memref<10000x128xf32, #tpu.memory_space<hbm>>
      tpu.wait_indirect_dma semaphore(%arg11 : memref<!tpu.dma_semaphore, #tpu.memory_space<semaphore_mem>>) src(%dma_wait3A_95 : memref<10000x128xf32, #tpu.memory_space<hbm>>) dst(%dma_wait3A_89 : memref<100x128xf32, #tpu.memory_space<vmem>>)
      %ge3A = arith.constant 1 : i32
      %ge3A_96 = arith.cmpi sge, %scan3A_84, %ge3A : i32
      %convert_element_type3A = arith.extui %ge3A_96 : i1 to i32
      %cond3A = arith.constant 0 : i32
      %cond3A_97 = arith.cmpi ne, %convert_element_type3A, %cond3A : i32
      scf.if %cond3A_97 {
        %sub3A = arith.constant 1 : i32
        %sub3A_114 = arith.subi %sub3A, %rem3A_85 : i32
        %sub3A_115 = arith.constant 1 : i32
        %sub3A_116 = arith.subi %scan3A_84, %sub3A_115 : i32
        %dma_wait3A_117 = arith.constant 0 : i32
        %dma_wait3A_118 = arith.constant 0 : i32
        %dma_wait3A_119 = tpu.memref_slice %arg10[%sub3A_114, %dma_wait3A_117, %dma_wait3A_118] : memref<2x100x128xf32, #tpu.memory_space<vmem>> -> memref<1x100x128xf32, #tpu.memory_space<vmem>>
        %dma_wait3A_120 = tpu.memref_squeeze %dma_wait3A_119 : memref<1x100x128xf32, #tpu.memory_space<vmem>> -> memref<100x128xf32, #tpu.memory_space<vmem>>
        %dma_wait3A_121 = arith.constant 0 : i32
        %dma_wait3A_122 = tpu.memref_slice %arg9[%sub3A_116, %dma_wait3A_121] : memref<50x100xi32, #tpu.memory_space<vmem>> -> memref<1x100xi32, #tpu.memory_space<vmem>>
        %dma_wait3A_123 = tpu.memref_squeeze %dma_wait3A_122 : memref<1x100xi32, #tpu.memory_space<vmem>> -> memref<100xi32, #tpu.memory_space<vmem>>
        %dma_wait3A_124 = arith.constant 0 : i32
        %dma_wait3A_125 = arith.constant 0 : i32
        %dma_wait3A_126 = tpu.memref_slice %arg7[%dma_wait3A_124, %dma_wait3A_125] : memref<10240x128xf32, #tpu.memory_space<vmem_shared>> -> memref<10240x128xf32, #tpu.memory_space<vmem_shared>>
        tpu.wait_indirect_dma semaphore(%arg12 : memref<!tpu.dma_semaphore, #tpu.memory_space<semaphore_mem>>) src(%dma_wait3A_120 : memref<100x128xf32, #tpu.memory_space<vmem>>) dst(%dma_wait3A_126 : memref<10240x128xf32, #tpu.memory_space<vmem_shared>>)
      } else {
      }
      %add3A_98 = arith.constant 1 : i32
      %add3A_99 = arith.addi %scan3A_84, %add3A_98 : i32
      %lt3A = arith.constant 50 : i32
      %lt3A_100 = arith.cmpi slt, %add3A_99, %lt3A : i32
      %convert_element_type3A_101 = arith.extui %lt3A_100 : i1 to i32
      %cond3A_102 = arith.constant 0 : i32
      %cond3A_103 = arith.cmpi ne, %convert_element_type3A_101, %cond3A_102 : i32
      scf.if %cond3A_103 {
        %add3A_114 = arith.constant 1 : i32
        %add3A_115 = arith.addi %scan3A_84, %add3A_114 : i32
        %sub3A = arith.constant 1 : i32
        %sub3A_116 = arith.subi %sub3A, %rem3A_85 : i32
        %dma_start3A_117 = arith.constant 0 : i32
        %dma_start3A_118 = arith.constant 0 : i32
        %dma_start3A_119 = tpu.memref_slice %arg10[%sub3A_116, %dma_start3A_117, %dma_start3A_118] : memref<2x100x128xf32, #tpu.memory_space<vmem>> -> memref<1x100x128xf32, #tpu.memory_space<vmem>>
        %dma_start3A_120 = tpu.memref_squeeze %dma_start3A_119 : memref<1x100x128xf32, #tpu.memory_space<vmem>> -> memref<100x128xf32, #tpu.memory_space<vmem>>
        %dma_start3A_121 = arith.constant 0 : i32
        %dma_start3A_122 = tpu.memref_slice %arg8[%add3A_115, %dma_start3A_121] : memref<50x100xi32, #tpu.memory_space<vmem>> -> memref<1x100xi32, #tpu.memory_space<vmem>>
        %dma_start3A_123 = tpu.memref_squeeze %dma_start3A_122 : memref<1x100xi32, #tpu.memory_space<vmem>> -> memref<100xi32, #tpu.memory_space<vmem>>
        %dma_start3A_124 = arith.constant 0 : i32
        %dma_start3A_125 = arith.constant 0 : i32
        %dma_start3A_126 = tpu.memref_slice %arg2[%dma_start3A_124, %dma_start3A_125] : memref<10000x128xf32, #tpu.memory_space<hbm>> -> memref<10000x128xf32, #tpu.memory_space<hbm>>
        tpu.enqueue_indirect_dma source(%dma_start3A_126 : memref<10000x128xf32, #tpu.memory_space<hbm>>) target(%dma_start3A_120 : memref<100x128xf32, #tpu.memory_space<vmem>>) offsets(%dma_start3A_123 : memref<100xi32, #tpu.memory_space<vmem>>) semaphore(%arg11 : memref<!tpu.dma_semaphore, #tpu.memory_space<semaphore_mem>>)
      } else {
      }
      %dma_start3A_104 = arith.constant 0 : i32
      %dma_start3A_105 = arith.constant 0 : i32
      %dma_start3A_106 = tpu.memref_slice %arg10[%rem3A_85, %dma_start3A_104, %dma_start3A_105] : memref<2x100x128xf32, #tpu.memory_space<vmem>> -> memref<1x100x128xf32, #tpu.memory_space<vmem>>
      %dma_start3A_107 = tpu.memref_squeeze %dma_start3A_106 : memref<1x100x128xf32, #tpu.memory_space<vmem>> -> memref<100x128xf32, #tpu.memory_space<vmem>>
      %dma_start3A_108 = arith.constant 0 : i32
      %dma_start3A_109 = tpu.memref_slice %arg9[%scan3A_84, %dma_start3A_108] : memref<50x100xi32, #tpu.memory_space<vmem>> -> memref<1x100xi32, #tpu.memory_space<vmem>>
      %dma_start3A_110 = tpu.memref_squeeze %dma_start3A_109 : memref<1x100xi32, #tpu.memory_space<vmem>> -> memref<100xi32, #tpu.memory_space<vmem>>
      %dma_start3A_111 = arith.constant 0 : i32
      %dma_start3A_112 = arith.constant 0 : i32
      %dma_start3A_113 = tpu.memref_slice %arg7[%dma_start3A_111, %dma_start3A_112] : memref<10240x128xf32, #tpu.memory_space<vmem_shared>> -> memref<10240x128xf32, #tpu.memory_space<vmem_shared>>
      tpu.enqueue_indirect_dma source(%dma_start3A_107 : memref<100x128xf32, #tpu.memory_space<vmem>>) target(%dma_start3A_113 : memref<10240x128xf32, #tpu.memory_space<vmem_shared>>) offsets(%dma_start3A_110 : memref<100xi32, #tpu.memory_space<vmem>>) semaphore(%arg12 : memref<!tpu.dma_semaphore, #tpu.memory_space<semaphore_mem>>) {add = true}
    }
    %scan3A_63 = arith.constant 50 : i32
    %dma_wait3A_64 = arith.constant 1 : i32
    %dma_wait3A_65 = arith.constant 49 : i32
    %dma_wait3A_66 = arith.constant 0 : i32
    %dma_wait3A_67 = arith.constant 0 : i32
    %dma_wait3A_68 = tpu.memref_slice %arg10[%dma_wait3A_64, %dma_wait3A_66, %dma_wait3A_67] : memref<2x100x128xf32, #tpu.memory_space<vmem>> -> memref<1x100x128xf32, #tpu.memory_space<vmem>>
    %dma_wait3A_69 = tpu.memref_squeeze %dma_wait3A_68 : memref<1x100x128xf32, #tpu.memory_space<vmem>> -> memref<100x128xf32, #tpu.memory_space<vmem>>
    %dma_wait3A_70 = arith.constant 0 : i32
    %dma_wait3A_71 = tpu.memref_slice %arg9[%dma_wait3A_65, %dma_wait3A_70] : memref<50x100xi32, #tpu.memory_space<vmem>> -> memref<1x100xi32, #tpu.memory_space<vmem>>
    %dma_wait3A_72 = tpu.memref_squeeze %dma_wait3A_71 : memref<1x100xi32, #tpu.memory_space<vmem>> -> memref<100xi32, #tpu.memory_space<vmem>>
    %dma_wait3A_73 = arith.constant 0 : i32
    %dma_wait3A_74 = arith.constant 0 : i32
    %dma_wait3A_75 = tpu.memref_slice %arg7[%dma_wait3A_73, %dma_wait3A_74] : memref<10240x128xf32, #tpu.memory_space<vmem_shared>> -> memref<10240x128xf32, #tpu.memory_space<vmem_shared>>
    tpu.wait_indirect_dma semaphore(%arg12 : memref<!tpu.dma_semaphore, #tpu.memory_space<semaphore_mem>>) src(%dma_wait3A_69 : memref<100x128xf32, #tpu.memory_space<vmem>>) dst(%dma_wait3A_75 : memref<10240x128xf32, #tpu.memory_space<vmem_shared>>)
    %barrier3A_76 = arith.constant 0 : index
    tpu.barrier barrier_id(%barrier3A_76)
    %mul3A_77 = arith.constant 640 : i32
    %mul3A_78 = arith.muli %arg1, %mul3A_77 : i32
    %mul3A_79 = arith.constant 10240 : i32
    %mul3A_80 = arith.muli %arg0, %mul3A_79 : i32
    %mul3A_81 = arith.constant 640 : i32
    %mul3A_82 = arith.muli %arg1, %mul3A_81 : i32
    %add3A_83 = arith.addi %mul3A_80, %mul3A_82 : i32
    "tpu.region"() ({
      %run_scoped3A = tpu.sem_alloc : memref<!tpu.dma_semaphore, #tpu.memory_space<semaphore_mem>>
      %dma_start3A_84 = arith.constant 0 : i32
      %dma_start3A_85 = tpu.memref_slice %arg6[%add3A_83, %dma_start3A_84] : memref<20480x128xf32, #tpu.memory_space<hbm>> -> memref<640x128xf32, #tpu.memory_space<hbm>>
      %dma_start3A_86 = arith.constant 0 : i32
      %dma_start3A_87 = tpu.memref_slice %arg7[%mul3A_78, %dma_start3A_86] : memref<10240x128xf32, #tpu.memory_space<vmem_shared>> -> memref<640x128xf32, #tpu.memory_space<vmem_shared>>
      tpu.enqueue_dma source(%dma_start3A_87 : memref<640x128xf32, #tpu.memory_space<vmem_shared>>) target(%dma_start3A_85 : memref<640x128xf32, #tpu.memory_space<hbm>>) target_semaphore(%run_scoped3A : memref<!tpu.dma_semaphore, #tpu.memory_space<semaphore_mem>>)
      %dma_wait3A_88 = arith.constant 0 : i32
      %dma_wait3A_89 = tpu.memref_slice %arg6[%add3A_83, %dma_wait3A_88] : memref<20480x128xf32, #tpu.memory_space<hbm>> -> memref<640x128xf32, #tpu.memory_space<hbm>>
      %dma_wait3A_90 = arith.constant 0 : i32
      %dma_wait3A_91 = tpu.memref_slice %arg7[%mul3A_78, %dma_wait3A_90] : memref<10240x128xf32, #tpu.memory_space<vmem_shared>> -> memref<640x128xf32, #tpu.memory_space<vmem_shared>>
      tpu.wait_dma2 semaphore(%run_scoped3A : memref<!tpu.dma_semaphore, #tpu.memory_space<semaphore_mem>>) src(%dma_wait3A_91 : memref<640x128xf32, #tpu.memory_space<vmem_shared>>) dst(%dma_wait3A_89 : memref<640x128xf32, #tpu.memory_space<hbm>>)
      tpu.yield
    }) : () -> ()
    return
  }
}

module attributes {stable_mosaic.version = 14 : i64} {
  func.func @_scale0_body(%arg0: i32, %arg1: memref<2000x1xf32, #tpu.memory_space<vmem>>, %arg2: memref<2000x1xf32, #tpu.memory_space<vmem>>, %arg3: memref<2000x128xf32, #tpu.memory_space<vmem>>, %arg4: memref<2000x128xf32, #tpu.memory_space<vmem>>, %arg5: memref<2000x128xf32, #tpu.memory_space<vmem>>) attributes {dimension_semantics = [#tpu.dimension_semantics<arbitrary>], iteration_bounds = array<i64: 5>, scalar_prefetch = 0 : i64, scratch_operands = 0 : i64, tpu.core_type = #tpu.core_type<tc>, window_params = [{transform_indices = @transform_0, window_bounds = array<i64: 2000, 1>}, {transform_indices = @transform_1, window_bounds = array<i64: 2000, 1>}, {transform_indices = @transform_2, window_bounds = array<i64: 2000, 128>}, {transform_indices = @transform_3, window_bounds = array<i64: 2000, 128>}, {transform_indices = @transform_4, window_bounds = array<i64: 2000, 128>}]} {
    %get3A = arith.constant 0 : index
    %get3A_0 = arith.constant 0 : index
    %get3A_1 = vector.load %arg1[%get3A, %get3A_0] : memref<2000x1xf32, #tpu.memory_space<vmem>>, vector<2000x1xf32>
    %get3A_2 = arith.constant 0 : index
    %get3A_3 = arith.constant 0 : index
    %get3A_4 = vector.load %arg2[%get3A_2, %get3A_3] : memref<2000x1xf32, #tpu.memory_space<vmem>>, vector<2000x1xf32>
    %add3A = arith.addf %get3A_1, %get3A_4 : vector<2000x1xf32>
    %gt3A = arith.constant 0.000000e+00 : f32
    %gt3A_5 = vector.broadcast %gt3A : f32 to vector<2000x1xf32>
    %gt3A_6 = arith.cmpf ogt, %add3A, %gt3A_5 : vector<2000x1xf32>
    %rsqrt3A = math.rsqrt %add3A : vector<2000x1xf32>
    %jit3A = arith.constant 0.000000e+00 : f32
    %broadcast_in_dim3A = vector.broadcast %jit3A : f32 to vector<2000x1xf32>
    %select_n3A = arith.select %gt3A_6, %rsqrt3A, %broadcast_in_dim3A : vector<2000x1xi1>, vector<2000x1xf32>
    %broadcast_in_dim3A_7 = vector.shape_cast %select_n3A : vector<2000x1xf32> to vector<2000x1xf32>
    %broadcast_in_dim3A_8 = vector.broadcast %broadcast_in_dim3A_7 : vector<2000x1xf32> to vector<2000x128xf32>
    %swap3A = arith.constant 0 : index
    %swap3A_9 = arith.constant 0 : index
    %swap3A_10 = vector.load %arg4[%swap3A, %swap3A_9] : memref<2000x128xf32, #tpu.memory_space<vmem>>, vector<2000x128xf32>
    tpu.vector_store %arg4[%swap3A, %swap3A_9], %broadcast_in_dim3A_8 {strides = array<i32>} : memref<2000x128xf32, #tpu.memory_space<vmem>>, vector<2000x128xf32>,
    %get3A_11 = arith.constant 0 : index
    %get3A_12 = arith.constant 0 : index
    %get3A_13 = vector.load %arg3[%get3A_11, %get3A_12] : memref<2000x128xf32, #tpu.memory_space<vmem>>, vector<2000x128xf32>
    %mul3A = arith.mulf %get3A_13, %broadcast_in_dim3A_8 : vector<2000x128xf32>
    %swap3A_14 = arith.constant 0 : index
    %swap3A_15 = arith.constant 0 : index
    %swap3A_16 = vector.load %arg5[%swap3A_14, %swap3A_15] : memref<2000x128xf32, #tpu.memory_space<vmem>>, vector<2000x128xf32>
    tpu.vector_store %arg5[%swap3A_14, %swap3A_15], %mul3A {strides = array<i32>} : memref<2000x128xf32, #tpu.memory_space<vmem>>, vector<2000x128xf32>,
    return
  }
  func.func @transform_0(%arg0: i32) -> (i32, i32) {
    %c0_i32 = arith.constant 0 : i32
    %c0_i32_0 = arith.constant 0 : i32
    return %arg0, %c0_i32 : i32, i32
  }
  func.func @transform_1(%arg0: i32) -> (i32, i32) {
    %c0_i32 = arith.constant 0 : i32
    %c0_i32_0 = arith.constant 0 : i32
    return %arg0, %c0_i32 : i32, i32
  }
  func.func @transform_2(%arg0: i32) -> (i32, i32) {
    %c0_i32 = arith.constant 0 : i32
    %c0_i32_0 = arith.constant 0 : i32
    return %arg0, %c0_i32 : i32, i32
  }
  func.func @transform_3(%arg0: i32) -> (i32, i32) {
    %c0_i32 = arith.constant 0 : i32
    %c0_i32_0 = arith.constant 0 : i32
    return %arg0, %c0_i32 : i32, i32
  }
  func.func @transform_4(%arg0: i32) -> (i32, i32) {
    %c0_i32 = arith.constant 0 : i32
    %c0_i32_0 = arith.constant 0 : i32
    return %arg0, %c0_i32 : i32, i32
  }
}

module attributes {stable_mosaic.version = 14 : i64} {
  func.func @_comb_body(%arg0: i32, %arg1: memref<2x2000x128xf32, #tpu.memory_space<vmem>>, %arg2: memref<2000x128xf32, #tpu.memory_space<vmem>>, %arg3: memref<2000x128xf32, #tpu.memory_space<vmem>>) attributes {dimension_semantics = [#tpu.dimension_semantics<arbitrary>], iteration_bounds = array<i64: 5>, scalar_prefetch = 0 : i64, scratch_operands = 0 : i64, tpu.core_type = #tpu.core_type<tc>, window_params = [{transform_indices = @transform_0, window_bounds = array<i64: 2, 2000, 128>}, {transform_indices = @transform_1, window_bounds = array<i64: 2000, 128>}, {transform_indices = @transform_2, window_bounds = array<i64: 2000, 128>}]} {
    %get3A = arith.constant 0 : index
    %get3A_0 = arith.constant 0 : index
    %get3A_1 = vector.load %arg2[%get3A, %get3A_0] : memref<2000x128xf32, #tpu.memory_space<vmem>>, vector<2000x128xf32>
    %get3A_2 = arith.constant 0 : index
    %get3A_3 = arith.constant 0 : index
    %get3A_4 = arith.constant 0 : index
    %get3A_5 = vector.load %arg1[%get3A_2, %get3A_3, %get3A_4] : memref<2x2000x128xf32, #tpu.memory_space<vmem>>, vector<1x2000x128xf32>
    %get3A_6 = vector.shape_cast %get3A_5 : vector<1x2000x128xf32> to vector<2000x128xf32>
    %get3A_7 = arith.constant 1 : index
    %get3A_8 = arith.constant 0 : index
    %get3A_9 = arith.constant 0 : index
    %get3A_10 = vector.load %arg1[%get3A_7, %get3A_8, %get3A_9] : memref<2x2000x128xf32, #tpu.memory_space<vmem>>, vector<1x2000x128xf32>
    %get3A_11 = vector.shape_cast %get3A_10 : vector<1x2000x128xf32> to vector<2000x128xf32>
    %add3A = arith.addf %get3A_6, %get3A_11 : vector<2000x128xf32>
    %mul3A = arith.mulf %get3A_1, %get3A_1 : vector<2000x128xf32>
    %mul3A_12 = arith.mulf %add3A, %mul3A : vector<2000x128xf32>
    %swap3A = arith.constant 0 : index
    %swap3A_13 = arith.constant 0 : index
    %swap3A_14 = vector.load %arg3[%swap3A, %swap3A_13] : memref<2000x128xf32, #tpu.memory_space<vmem>>, vector<2000x128xf32>
    tpu.vector_store %arg3[%swap3A, %swap3A_13], %mul3A_12 {strides = array<i32>} : memref<2000x128xf32, #tpu.memory_space<vmem>>, vector<2000x128xf32>,
    return
  }
  func.func @transform_0(%arg0: i32) -> (i32, i32, i32) {
    %c0_i32 = arith.constant 0 : i32
    %c0_i32_0 = arith.constant 0 : i32
    %c0_i32_1 = arith.constant 0 : i32
    return %c0_i32, %arg0, %c0_i32_0 : i32, i32, i32
  }
  func.func @transform_1(%arg0: i32) -> (i32, i32) {
    %c0_i32 = arith.constant 0 : i32
    %c0_i32_0 = arith.constant 0 : i32
    return %arg0, %c0_i32 : i32, i32
  }
  func.func @transform_2(%arg0: i32) -> (i32, i32) {
    %c0_i32 = arith.constant 0 : i32
    %c0_i32_0 = arith.constant 0 : i32
    return %arg0, %c0_i32 : i32, i32
  }
}

module attributes {stable_mosaic.version = 14 : i64} {
  func.func @_dense1_body(%arg0: memref<2x10240x128xf32, #tpu.memory_space<vmem>>, %arg1: memref<10000x128xf32, #tpu.memory_space<vmem>>, %arg2: memref<128x128xf32, #tpu.memory_space<vmem>>, %arg3: memref<1x128xf32, #tpu.memory_space<vmem>>, %arg4: memref<1x128xf32, #tpu.memory_space<vmem>>, %arg5: memref<1x128xf32, #tpu.memory_space<vmem>>, %arg6: memref<10000x128xf32, #tpu.memory_space<vmem>>) attributes {dimension_semantics = [], scalar_prefetch = 0 : i64, scratch_operands = 0 : i64, tpu.core_type = #tpu.core_type<tc>} {
    %get3A = arith.constant 0 : index
    %get3A_0 = arith.constant 0 : index
    %get3A_1 = vector.load %arg1[%get3A, %get3A_0] : memref<10000x128xf32, #tpu.memory_space<vmem>>, vector<10000x128xf32>
    %get3A_2 = arith.constant 0 : index
    %get3A_3 = arith.constant 0 : index
    %get3A_4 = arith.constant 0 : index
    %get3A_5 = vector.load %arg0[%get3A_2, %get3A_3, %get3A_4] : memref<2x10240x128xf32, #tpu.memory_space<vmem>>, vector<1x10000x128xf32>
    %get3A_6 = vector.shape_cast %get3A_5 : vector<1x10000x128xf32> to vector<10000x128xf32>
    %get3A_7 = arith.constant 1 : index
    %get3A_8 = arith.constant 0 : index
    %get3A_9 = arith.constant 0 : index
    %get3A_10 = vector.load %arg0[%get3A_7, %get3A_8, %get3A_9] : memref<2x10240x128xf32, #tpu.memory_space<vmem>>, vector<1x10000x128xf32>
    %get3A_11 = vector.shape_cast %get3A_10 : vector<1x10000x128xf32> to vector<10000x128xf32>
    %add3A = arith.addf %get3A_6, %get3A_11 : vector<10000x128xf32>
    %mul3A = arith.mulf %add3A, %get3A_1 : vector<10000x128xf32>
    %get3A_12 = arith.constant 0 : index
    %get3A_13 = arith.constant 0 : index
    %get3A_14 = vector.load %arg2[%get3A_12, %get3A_13] : memref<128x128xf32, #tpu.memory_space<vmem>>, vector<128x128xf32>
    %dot_general3A = arith.constant dense<0.000000e+00> : vector<10000x128xf32>
    %dot_general3A_15 = tpu.matmul %mul3A, %get3A_14, %dot_general3A {dimension_numbers = #tpu.dot_dimension_numbers<[1], [0], [0], [1], [0, 0, 1, 1], [], []>, transpose_lhs_hint = false} : vector<10000x128xf32>, vector<128x128xf32>, vector<10000x128xf32> -> vector<10000x128xf32>
    %get3A_16 = arith.constant 0 : index
    %get3A_17 = arith.constant 0 : index
    %get3A_18 = vector.load %arg3[%get3A_16, %get3A_17] : memref<1x128xf32, #tpu.memory_space<vmem>>, vector<1x128xf32>
    %add3A_19 = vector.broadcast %get3A_18 : vector<1x128xf32> to vector<10000x128xf32>
    %add3A_20 = arith.addf %dot_general3A_15, %add3A_19 : vector<10000x128xf32>
    %reduce_sum3A = arith.constant dense<0.000000e+00> : vector<128xf32>
    %reduce_sum3A_21 = vector.multi_reduction <add>, %add3A_20, %reduce_sum3A [0] : vector<10000x128xf32> to vector<128xf32>
    %broadcast_in_dim3A = vector.shape_cast %reduce_sum3A_21 : vector<128xf32> to vector<1x128xf32>
    %div3A = arith.constant 1.000000e+04 : f32
    %div3A_22 = vector.broadcast %div3A : f32 to vector<1x128xf32>
    %div3A_23 = arith.divf %broadcast_in_dim3A, %div3A_22 : vector<1x128xf32>
    %sub3A = vector.broadcast %div3A_23 : vector<1x128xf32> to vector<10000x128xf32>
    %sub3A_24 = arith.subf %add3A_20, %sub3A : vector<10000x128xf32>
    %mul3A_25 = arith.mulf %sub3A_24, %sub3A_24 : vector<10000x128xf32>
    %reduce_sum3A_26 = arith.constant dense<0.000000e+00> : vector<128xf32>
    %reduce_sum3A_27 = vector.multi_reduction <add>, %mul3A_25, %reduce_sum3A_26 [0] : vector<10000x128xf32> to vector<128xf32>
    %broadcast_in_dim3A_28 = vector.shape_cast %reduce_sum3A_27 : vector<128xf32> to vector<1x128xf32>
    %div3A_29 = arith.constant 1.000000e+04 : f32
    %div3A_30 = vector.broadcast %div3A_29 : f32 to vector<1x128xf32>
    %div3A_31 = arith.divf %broadcast_in_dim3A_28, %div3A_30 : vector<1x128xf32>
    %add3A_32 = arith.constant 9.99999974E-6 : f32
    %add3A_33 = vector.broadcast %add3A_32 : f32 to vector<1x128xf32>
    %add3A_34 = arith.addf %div3A_31, %add3A_33 : vector<1x128xf32>
    %rsqrt3A = math.rsqrt %add3A_34 : vector<1x128xf32>
    %mul3A_35 = vector.broadcast %rsqrt3A : vector<1x128xf32> to vector<10000x128xf32>
    %mul3A_36 = arith.mulf %sub3A_24, %mul3A_35 : vector<10000x128xf32>
    %get3A_37 = arith.constant 0 : index
    %get3A_38 = arith.constant 0 : index
    %get3A_39 = vector.load %arg4[%get3A_37, %get3A_38] : memref<1x128xf32, #tpu.memory_space<vmem>>, vector<1x128xf32>
    %mul3A_40 = vector.broadcast %get3A_39 : vector<1x128xf32> to vector<10000x128xf32>
    %mul3A_41 = arith.mulf %mul3A_36, %mul3A_40 : vector<10000x128xf32>
    %get3A_42 = arith.constant 0 : index
    %get3A_43 = arith.constant 0 : index
    %get3A_44 = vector.load %arg5[%get3A_42, %get3A_43] : memref<1x128xf32, #tpu.memory_space<vmem>>, vector<1x128xf32>
    %add3A_45 = vector.broadcast %get3A_44 : vector<1x128xf32> to vector<10000x128xf32>
    %add3A_46 = arith.addf %mul3A_41, %add3A_45 : vector<10000x128xf32>
    %mul3A_47 = arith.mulf %add3A_46, %get3A_1 : vector<10000x128xf32>
    %swap3A = arith.constant 0 : index
    %swap3A_48 = arith.constant 0 : index
    %swap3A_49 = vector.load %arg6[%swap3A, %swap3A_48] : memref<10000x128xf32, #tpu.memory_space<vmem>>, vector<10000x128xf32>
    tpu.vector_store %arg6[%swap3A, %swap3A_48], %mul3A_47 {strides = array<i32>} : memref<10000x128xf32, #tpu.memory_space<vmem>>, vector<10000x128xf32>,
    return
  }
}

module attributes {stable_mosaic.version = 14 : i64} {
  func.func @_dense2_body(%arg0: memref<2x10240x128xf32, #tpu.memory_space<vmem>>, %arg1: memref<10000x128xf32, #tpu.memory_space<vmem>>, %arg2: memref<128x128xf32, #tpu.memory_space<vmem>>, %arg3: memref<1x128xf32, #tpu.memory_space<vmem>>, %arg4: memref<1x128xf32, #tpu.memory_space<vmem>>, %arg5: memref<1x128xf32, #tpu.memory_space<vmem>>, %arg6: memref<128x40xf32, #tpu.memory_space<vmem>>, %arg7: memref<1x40xf32, #tpu.memory_space<vmem>>, %arg8: memref<10000x40xf32, #tpu.memory_space<vmem>>) attributes {dimension_semantics = [], scalar_prefetch = 0 : i64, scratch_operands = 0 : i64, tpu.core_type = #tpu.core_type<tc>} {
    %get3A = arith.constant 0 : index
    %get3A_0 = arith.constant 0 : index
    %get3A_1 = vector.load %arg1[%get3A, %get3A_0] : memref<10000x128xf32, #tpu.memory_space<vmem>>, vector<10000x128xf32>
    %get3A_2 = arith.constant 0 : index
    %get3A_3 = arith.constant 0 : index
    %get3A_4 = arith.constant 0 : index
    %get3A_5 = vector.load %arg0[%get3A_2, %get3A_3, %get3A_4] : memref<2x10240x128xf32, #tpu.memory_space<vmem>>, vector<1x10000x128xf32>
    %get3A_6 = vector.shape_cast %get3A_5 : vector<1x10000x128xf32> to vector<10000x128xf32>
    %get3A_7 = arith.constant 1 : index
    %get3A_8 = arith.constant 0 : index
    %get3A_9 = arith.constant 0 : index
    %get3A_10 = vector.load %arg0[%get3A_7, %get3A_8, %get3A_9] : memref<2x10240x128xf32, #tpu.memory_space<vmem>>, vector<1x10000x128xf32>
    %get3A_11 = vector.shape_cast %get3A_10 : vector<1x10000x128xf32> to vector<10000x128xf32>
    %add3A = arith.addf %get3A_6, %get3A_11 : vector<10000x128xf32>
    %mul3A = arith.mulf %add3A, %get3A_1 : vector<10000x128xf32>
    %get3A_12 = arith.constant 0 : index
    %get3A_13 = arith.constant 0 : index
    %get3A_14 = vector.load %arg2[%get3A_12, %get3A_13] : memref<128x128xf32, #tpu.memory_space<vmem>>, vector<128x128xf32>
    %dot_general3A = arith.constant dense<0.000000e+00> : vector<10000x128xf32>
    %dot_general3A_15 = tpu.matmul %mul3A, %get3A_14, %dot_general3A {dimension_numbers = #tpu.dot_dimension_numbers<[1], [0], [0], [1], [0, 0, 1, 1], [], []>, transpose_lhs_hint = false} : vector<10000x128xf32>, vector<128x128xf32>, vector<10000x128xf32> -> vector<10000x128xf32>
    %get3A_16 = arith.constant 0 : index
    %get3A_17 = arith.constant 0 : index
    %get3A_18 = vector.load %arg3[%get3A_16, %get3A_17] : memref<1x128xf32, #tpu.memory_space<vmem>>, vector<1x128xf32>
    %add3A_19 = vector.broadcast %get3A_18 : vector<1x128xf32> to vector<10000x128xf32>
    %add3A_20 = arith.addf %dot_general3A_15, %add3A_19 : vector<10000x128xf32>
    %reduce_sum3A = arith.constant dense<0.000000e+00> : vector<128xf32>
    %reduce_sum3A_21 = vector.multi_reduction <add>, %add3A_20, %reduce_sum3A [0] : vector<10000x128xf32> to vector<128xf32>
    %broadcast_in_dim3A = vector.shape_cast %reduce_sum3A_21 : vector<128xf32> to vector<1x128xf32>
    %div3A = arith.constant 1.000000e+04 : f32
    %div3A_22 = vector.broadcast %div3A : f32 to vector<1x128xf32>
    %div3A_23 = arith.divf %broadcast_in_dim3A, %div3A_22 : vector<1x128xf32>
    %sub3A = vector.broadcast %div3A_23 : vector<1x128xf32> to vector<10000x128xf32>
    %sub3A_24 = arith.subf %add3A_20, %sub3A : vector<10000x128xf32>
    %mul3A_25 = arith.mulf %sub3A_24, %sub3A_24 : vector<10000x128xf32>
    %reduce_sum3A_26 = arith.constant dense<0.000000e+00> : vector<128xf32>
    %reduce_sum3A_27 = vector.multi_reduction <add>, %mul3A_25, %reduce_sum3A_26 [0] : vector<10000x128xf32> to vector<128xf32>
    %broadcast_in_dim3A_28 = vector.shape_cast %reduce_sum3A_27 : vector<128xf32> to vector<1x128xf32>
    %div3A_29 = arith.constant 1.000000e+04 : f32
    %div3A_30 = vector.broadcast %div3A_29 : f32 to vector<1x128xf32>
    %div3A_31 = arith.divf %broadcast_in_dim3A_28, %div3A_30 : vector<1x128xf32>
    %add3A_32 = arith.constant 9.99999974E-6 : f32
    %add3A_33 = vector.broadcast %add3A_32 : f32 to vector<1x128xf32>
    %add3A_34 = arith.addf %div3A_31, %add3A_33 : vector<1x128xf32>
    %rsqrt3A = math.rsqrt %add3A_34 : vector<1x128xf32>
    %mul3A_35 = vector.broadcast %rsqrt3A : vector<1x128xf32> to vector<10000x128xf32>
    %mul3A_36 = arith.mulf %sub3A_24, %mul3A_35 : vector<10000x128xf32>
    %get3A_37 = arith.constant 0 : index
    %get3A_38 = arith.constant 0 : index
    %get3A_39 = vector.load %arg4[%get3A_37, %get3A_38] : memref<1x128xf32, #tpu.memory_space<vmem>>, vector<1x128xf32>
    %mul3A_40 = vector.broadcast %get3A_39 : vector<1x128xf32> to vector<10000x128xf32>
    %mul3A_41 = arith.mulf %mul3A_36, %mul3A_40 : vector<10000x128xf32>
    %get3A_42 = arith.constant 0 : index
    %get3A_43 = arith.constant 0 : index
    %get3A_44 = vector.load %arg5[%get3A_42, %get3A_43] : memref<1x128xf32, #tpu.memory_space<vmem>>, vector<1x128xf32>
    %add3A_45 = vector.broadcast %get3A_44 : vector<1x128xf32> to vector<10000x128xf32>
    %add3A_46 = arith.addf %mul3A_41, %add3A_45 : vector<10000x128xf32>
    %get3A_47 = arith.constant 0 : index
    %get3A_48 = arith.constant 0 : index
    %get3A_49 = vector.load %arg6[%get3A_47, %get3A_48] : memref<128x40xf32, #tpu.memory_space<vmem>>, vector<128x40xf32>
    %dot_general3A_50 = arith.constant dense<0.000000e+00> : vector<10000x40xf32>
    %dot_general3A_51 = tpu.matmul %add3A_46, %get3A_49, %dot_general3A_50 {dimension_numbers = #tpu.dot_dimension_numbers<[1], [0], [0], [1], [0, 0, 1, 1], [], []>, transpose_lhs_hint = false} : vector<10000x128xf32>, vector<128x40xf32>, vector<10000x40xf32> -> vector<10000x40xf32>
    %get3A_52 = arith.constant 0 : index
    %get3A_53 = arith.constant 0 : index
    %get3A_54 = vector.load %arg7[%get3A_52, %get3A_53] : memref<1x40xf32, #tpu.memory_space<vmem>>, vector<1x40xf32>
    %add3A_55 = vector.broadcast %get3A_54 : vector<1x40xf32> to vector<10000x40xf32>
    %add3A_56 = arith.addf %dot_general3A_51, %add3A_55 : vector<10000x40xf32>
    %swap3A = arith.constant 0 : index
    %swap3A_57 = arith.constant 0 : index
    %swap3A_58 = vector.load %arg8[%swap3A, %swap3A_57] : memref<10000x40xf32, #tpu.memory_space<vmem>>, vector<10000x40xf32>
    tpu.vector_store %arg8[%swap3A, %swap3A_57], %add3A_56 {strides = array<i32>} : memref<10000x40xf32, #tpu.memory_space<vmem>>, vector<10000x40xf32>,
    return
  }
}

</mosaic_0001>

<sc_bundles>
// kernel: kernel.12.cloned.1.call-start
scs
__scs_entry_jumppad:
0x0: {  	(pc) =	sbr.rel $0x88, $3  }
0x1: {  	(tag) =	ssettag $0x0;
	lr =	simm.s32 $0x1  }
0x2: {  	[smem:$0x3F95] =	sst lr;
	_ =	strace $0xD0000000  }
0x3: {  	_ = 	snop  }
0x4: {  	_ = 	snop  }
0x5: {  	_ = 	snop  }
0x6: {  	_ = 	snop  }
0x7: {  	_ = 	snop  }
__scs_overlays_trampoline_lowered:
0x8: {  	[smem:$0x3FA4] =	sst s0  }
0x9: {  	[smem:$0x3FA5] =	sst s1  }
0xa: {  	[smem:$0x3FA6] =	sst s2  }
0xb: {  	[smem:$0x3FA7] =	sst s3  }
0xc: {  	[smem:$0x3FA8] =	sst s4  }
0xd: {  	[smem:$0x3FA9] =	sst s5  }
0xe: {  	[smem:$0x3FAA] =	sst s6  }
0xf: {  	[smem:$0x3FAB] =	sst s7  }
0x10: {  	[smem:$0x3FAC] =	sst s8  }
0x11: {  	[smem:$0x3FAD] =	sst s9;
	s0 =	simm.s32 @!p0 $0x0  }
0x12: {  	s1 =	sld [smem:$0x3F93];
	s0 =	simm.s32 @p0 $0x1  }
0x13: {  	[smem:$0x3FAE] =	sst s0;
	s0 =	simm.s32 @!p1 $0x0  }
0x14: {  	s2 =	sld [smem:$0x3F92];
	s0 =	simm.s32 @p1 $0x1  }
0x15: {  	[smem:$0x3FAF] =	sst s0;
	s0 =	simm.s32 @!p2 $0x0  }
0x16: {  	s3 =	sld [smem:$0x3FDB];
	s0 =	simm.s32 @p2 $0x1  }
0x17: {  	s4 =	simm.s32 $0x1BF5;
	[smem:$0x3FB1] =	sst s0  }
0x18: {  	s0 =	sld [smem:$0x3F94];
	_ =	swait.ge [sflag:s4], $0x0  }
0x19: {  	s7 =	sld [smem:$0x3F95]  }
0x1a: {  	s8 =	sadd.s32 $0xFFFFE003, lr  }
0x1b: {  	s9 =	sadd.s32 $0xFFFFFEF7, lr;
	s5 =	simm.s32 $0xFFFFFFFF;
	p2 =	slt.u32 s8, $0xFFFFF086  }
0x1c: {  	p1 =	slt.u32 s9, $0xF7A;
	s5 =	simm.s32 @!p2 $0x0  }
0x1d: {  	s5 =	simm.s32 @p1 $0x1;
	p0 =	seq.s32 s7, s2  }
0x1e: {  	s7 =	smul.u32 @!p0 $0xF7A, s2;
	p2 =	seq.s32 @!p0 s5, $0x0  }
0x1f: {  	s9 =	smul.u32 $0xF7A, s1;
	s8 =	simm.s32 @!p0 $0x1BF5;
	p2 =	por !p2, p0  }
0x20: {  	[sflag:s8] =	ssyncset.s32 @!p0 $0xFFFFF086;
	s6 =	sadd.s32 @!p0 s3, s7;
	s7 =	simm.s32 @!p0 $0x108  }
0x21: {  	s3 =	sadd.s32 s3, s9;
	s6 =	sadd.s32 @!p0 $0x88, s6;
	s7 =	simm.s32 @p2 $0x1082  }
0x22: {  	[simem:s7], [sflag:s8] =	dma.local @!p0 [hbm:s6], $0xF7A  }
0x23: {  	s9 =	sor.u32 $0xD0000000, s2;
	s6 =	simm.s32 $0x108;
	_ =	swait.ge @!p0 [sflag:s8], $0x0  }
0x24: {  	s3 =	sadd.s32 $0x88, s3;
	s6 =	simm.s32 @!p1 $0x1082;
	[sflag:s4] =	ssyncset.s32 $0xFFFFF086  }
0x25: {  	[simem:s6], [sflag:s4] =	dma.local [hbm:s3], $0xF7A  }
0x26: {  	[smem:$0x3F95] =	sst s1;
	(tag) =	ssettag s2;
	_ =	strace s9  }
0x27: {  	s1 =	sld [smem:$0x3FA5]  }
0x28: {  	s2 =	sld [smem:$0x3FA6]  }
0x29: {  	s4 =	sld [smem:$0x3FA8]  }
0x2a: {  	p0 =	seq.s32 s5, $0x0;
	s5 =	sld [smem:$0x3FA9]  }
0x2b: {  	s6 =	sld [smem:$0x3FAA]  }
0x2c: {  	s7 =	sld [smem:$0x3FAB]  }
0x2d: {  	s3 =	simm.s32 $0x108;
	s8 =	sld [smem:$0x3FAC]  }
0x2e: {  	s3 =	simm.s32 @!p0 $0x1082;
	s9 =	sld [smem:$0x3FAD]  }
0x2f: {  	lr =	sadd.s32 s0, s3;
	s0 =	sld [smem:$0x3FA4]  }
0x30: {  	s3 =	sld [smem:$0x3FA7]  }
0x31: {  	[smem:$0x3FB0] =	sst s10  }
0x32: {  	s10 =	sld [smem:$0x3FAE];
	_ =	sdelay $0x3  }
0x33: {  	p0 =	seq.s32 s10, $0x1;
	s10 =	sld [smem:$0x3FB0];
	_ =	sdelay $0x3  }
0x34: {  	[smem:$0x3FB0] =	sst s10  }
0x35: {  	s10 =	sld [smem:$0x3FAF];
	_ =	sdelay $0x3  }
0x36: {  	p1 =	seq.s32 s10, $0x1;
	s10 =	sld [smem:$0x3FB0];
	_ =	sdelay $0x3  }
0x37: {  	[smem:$0x3FB0] =	sst s10  }
0x38: {  	s10 =	sld [smem:$0x3FB1]  }
0x39: {  	_ = 	snop;
	(pc) =	sbr.ind lr, $3  }
0x3a: {  	_ = 	snop  }
0x3b: {  	_ = 	snop  }
0x3c: {  	p2 =	seq.s32 s10, $0x1;
	s10 =	sld [smem:$0x3FB0]  }
0x3d: {  	_ =	shalt  }
0x3e: {  	_ =	shalt  }
0x3f: {  	_ =	shalt  }
0x40: {  	_ =	shalt  }
0x41: {  	_ =	shalt  }
0x42: {  	_ =	shalt  }
0x43: {  	_ =	shalt  }
0x44: {  	_ =	shalt  }
0x45: {  	_ =	shalt  }
0x46: {  	_ =	shalt  }
0x47: {  	_ =	shalt  }
0x48: {  	_ =	shalt  }
0x49: {  	_ =	shalt  }
0x4a: {  	_ =	shalt  }
0x4b: {  	_ =	shalt  }
0x4c: {  	_ =	shalt  }
0x4d: {  	_ =	shalt  }
0x4e: {  	_ =	shalt  }
0x4f: {  	_ =	shalt  }
0x50: {  	_ =	shalt  }
0x51: {  	_ =	shalt  }
0x52: {  	_ =	shalt  }
0x53: {  	_ =	shalt  }
0x54: {  	_ =	shalt  }
0x55: {  	_ =	shalt  }
0x56: {  	_ =	shalt  }
0x57: {  	_ =	shalt  }
0x58: {  	_ =	shalt  }
0x59: {  	_ =	shalt  }
0x5a: {  	_ =	shalt  }
0x5b: {  	_ =	shalt  }
0x5c: {  	_ =	shalt  }
0x5d: {  	_ =	shalt  }
0x5e: {  	_ =	shalt  }
0x5f: {  	_ =	shalt  }
0x60: {  	_ =	shalt  }
0x61: {  	_ =	shalt  }
0x62: {  	_ =	shalt  }
0x63: {  	_ =	shalt  }
0x64: {  	_ =	shalt  }
0x65: {  	_ =	shalt  }
0x66: {  	_ =	shalt  }
0x67: {  	_ =	shalt  }
0x68: {  	_ =	shalt  }
0x69: {  	_ =	shalt  }
0x6a: {  	_ =	shalt  }
0x6b: {  	_ =	shalt  }
0x6c: {  	_ =	shalt  }
0x6d: {  	_ =	shalt  }
0x6e: {  	_ =	shalt  }
0x6f: {  	_ =	shalt  }
0x70: {  	_ =	shalt  }
0x71: {  	_ =	shalt  }
0x72: {  	_ =	shalt  }
0x73: {  	_ =	shalt  }
0x74: {  	_ =	shalt  }
0x75: {  	_ =	shalt  }
0x76: {  	_ =	shalt  }
0x77: {  	_ =	shalt  }
0x78: {  	_ =	shalt  }
0x79: {  	_ =	shalt  }
0x7a: {  	_ =	shalt  }
0x7b: {  	_ =	shalt  }
0x7c: {  	_ =	shalt  }
0x7d: {  	_ =	shalt  }
0x7e: {  	_ =	shalt  }
0x7f: {  	_ =	shalt  }
0x80: {  	_ =	shalt  }
0x81: {  	_ =	shalt  }
0x82: {  	_ =	shalt  }
0x83: {  	_ =	shalt  }
0x84: {  	_ =	shalt  }
0x85: {  	_ =	shalt  }
0x86: {  	_ =	shalt  }
0x87: {  	_ =	shalt  }
.Lfunc_end0:
.L_simem_size_0:
called_computation_lowered:
.L_overlay_start_0:
0x88: {  	s2 =	sld [smem:$0x3FD9]  }
0x89: {  	s3 =	sld [smem:$0x3FFE];
	_ =	sdelay $0x1  }
0x8a: {  	s1 =	srdreg.scid  }
0x8b: {  	s0 =	sand.u32 $0x1, s1  }
0x8c: {  	s17 =	sshll.u32 s0, $0xA;
	s2 =	sadd.s32 s3, s2  }
0x8d: {  	s2 =	sadd.s32 s2, s17  }
0x8e: {  	[smem:$0x3FBC] =	sst s2  }
0x8f: {  	_ = 	snop  }
0x90: {  	s2 =	sld [smem:$0x3FD0];
	(tm) =	ssettm $0x1  }
0x91: {  	s18 =	sld [smem:$0x3FFB];
	_ =	sdelay $0x3  }
0x92: {  	_ =	strace s18  }
0x93: {  	s3 =	sld [smem:$0x3FFC];
	_ =	sdelay $0x3  }
0x94: {  	_ =	strace s3  }
0x95: {  	s3 =	sld [smem:$0x3FFD];
	_ =	sdelay $0x3  }
0x96: {  	_ =	strace s3  }
0x97: {  	_ =	strace $0x8FFFFFFF  }
0x98: {  	s19 =	sld [smem:$0x3FDB];
	_ =	sdelay $0x1  }
0x99: {  	s4 =	simm.s32 $_scs_section_size  }
0x9a: {  	s5 =	simm.s32 $_size__tile_overlayer_lowered;
	s6 =	simm.s32 $_tile_overlayer_lowered  }
0x9b: {  	s22 =	simm.s32 $0x1BFF;
	s21 =	sshll.u32 s6, $0x1;
	s3 =	sadd.s32 s4, s19  }
0x9c: {  	s7 =	simm.s32 $0x0;
	s20 =	sshll.u32 s5, $0x1;
	s5 =	sadd.s32 s21, s3  }
0x9d: {  	[timem:s7], [sflag:s22] =	dma.local [hbm:s5], s20  }
0x9e: {  	_ =	swait.ge [sflag:s22], s20  }
0x9f: {  	s4 =	ssub.s32 $0x0, s20;
	[sflag:s22] =	ssyncset.done $0x0  }
0xa0: {  	[sflag:s22] =	ssyncadd.s32 s4;
	_ =	sdelay $0x1  }
0xa1: {  	s23 =	simm.s32 $0x1B8B  }
0xa2: {  	_ =	swait.ge [sflag:s23], $0x1  }
0xa3: {  	[sflag:s23] =	ssyncset.done $0x0  }
0xa4: {  	s25 =	simm.s32 $0x1B8E;
	s24 =	sld [smem:$0x3FFE];
	[sflag:s23] =	ssyncadd.s32 $0xFFFFFFFF  }
0xa5: {  	s26 =	simm.s32 $execute0_lowered;
	[smem:$0x3FD2] =	sst s25  }
0xa6: {  	s5 =	sshll.u32 s26, $0x1;
	_ =	strace $0x80000046;
	[dreg:$0x1] =	wrdreg $0xFFFFFFFF  }
0xa7: {  	s28 =	simm.s32 $_size_execute0_lowered;
	s3 =	sadd.s32 s3, s5;
	[dreg:$0x0] =	wrdreg $0x0  }
0xa8: {  	s5 =	sshll.u32 s28, $0x1;
	[dreg:$0x2] =	wrdreg s3  }
0xa9: {  	[dreg:$0x3] =	wrdreg s5  }
0xaa: {  	[dreg:$0x4] =	wrdreg $0xC0  }
0xab: {  	_ =	task [dreg:s7], $0x5FFFF  }
0xac: {  	[dreg:$0x1] =	wrdreg $0xFFFFFFFF  }
0xad: {  	[dreg:$0x0] =	wrdreg $0x60  }
0xae: {  	[dreg:$0x2] =	wrdreg s2  }
0xaf: {  	[dreg:$0x3] =	wrdreg s24  }
0xb0: {  	[dreg:$0x4] =	wrdreg $0x4F800  }
0xb1: {  	[dreg:$0x5] =	wrdreg $0x9  }
0xb2: {  	_ =	task.clear_ibuf [dreg:s7], $0x6FFFF;
	_ =	strace $0x90000046  }
0xb3: {  	s29 =	simm.s32 $0x9;
	_ =	strace $0x80000048  }
0xb4: {  	_ =	swait.ge [sflag:s29], $0x1  }
0xb5: {  	[sflag:s29] =	ssyncadd.s32 $0xFFFFFFFF  }
0xb6: {  	_ =	strace $0x90000048  }
0xb7: {  	_ =	sfence  }
0xb8: {  	s30 =	sld [smem:$0x0];
	_ =	sdelay $0x2  }
0xb9: {  	s31 =	sshll.u32 s1, $0xD;
	s1 =	sshrl.u32 s1, $0x2  }
0xba: {  	s3 =	sand.u32 $0x4000, s31;
	s1 =	sadd.s32 s1, s30  }
0xbb: {  	s0 =	sor.u32 s3, s0;
	s1 =	sshll.u32 s1, $0x11  }
0xbc: {  	s0 =	sor.u32 s1, s0  }
0xbd: {  	s0 =	sadd.s32 $0x8F2B, s0  }
0xbe: {  	[sflag:s0] =	ssyncadd.remote.s32 $0x1  }
0xbf: {  	_ =	sfence.sel $0xFFFF  }
0xc0: {  	[dreg:$0x0] =	wrdreg $0xFFFFFFFF;
	(pc) =	sbr.abs _section_cstart, $3  }
0xc1: {  	[dreg:$0x1] =	wrdreg $0xFFFFFFFF  }
0xc2: {  	_ =	task.clear_ibuf [dreg:s7], $0x2FFFF;
	_ =	strace $0x9FFFFFFF  }
0xc3: {  	(tm) =	ssettm $0x7FFFFFFF  }
tec
execute0_lowered:
.L_overlay_start_1:
0x0: {  	(tag) =	ssettag $0x1  }
0x1: {  	s0 =	rddreg [dreg:$0x0]  }
0x2: {  	s1 =	rddreg [dreg:$0x1]  }
0x3: {  	s2 =	srdreg.scid;
	s10 =	stileid.u32  }
0x4: {  	s5 =	rddreg [dreg:$0x2];
	s29 =	simm.s32 $0x100;
	s30 =	simm.s32 $0x9F80  }
0x5: {  	s31 =	simm.s32 $0x0;
	s3 =	sand.u32 $0x1, s2;
	s4 =	smul.u32 $0x500, s10  }
0x6: {  	s2 =	simm.s32 $0x0;
	s7 =	sshrl.u32 s10, $0x2;
	s22 =	sshll.u32 s10, $0x8  }
0x7: {  	s8 =	sshrl.u32 s10, $0x3;
	s25 =	smul.u32 $0x5000, s10;
	s26 =	sshll.u32 s10, $0x7  }
0x8: {  	s6 =	sshll.u32 s3, $0x7;
	[smem:$0x7FF] =	sst s2;
	s21 =	smul.u32 $0x13C00, s7  }
0x9: {  	s3 =	ssub.s32 $0x2, s3;
	s7 =	sand.u32 $0x300, s22;
	s23 =	smul.u32 $0x50000, s8  }
0xa: {  	s4 =	sor.u32 s6, s4;
	_ =	strace $0x80000047;
	s9 =	sshrl.u32 s3, $0x1  }
0xb: {  	s28 =	sshrl.u32 s25, $0x2;
	s4 =	sshrl.u32 s4, $0x3;
	s22 =	ssub.s32 s3, s9  }
0xc: {  	s1 =	sadd.s32 s4, s1;
	s4 =	sor.u32 s21, s7;
	s7 =	sshrl.u32 s23, $0x2  }
0xd: {  	s22 =	smax.u32 s22, $0x1;
	s23 =	simm.s32 $0x80;
	s24 =	sor.u32 s6, s4  }
0xe: {  	s6 =	sand.u32 $0x380, s26;
	s7 =	sadd.s32 s7, s5;
	s5 =	sadd.s32 s28, s5  }
0xf: {  	s21 =	sadd.s32 $0x3C00, s1;
	s26 =	simm.s32 $0x1;
	s3 =	sshrl.u32 s24, $0x3  }
0x10: {  	s4 =	sadd.s32 s6, s7;
	s6 =	sadd.s32 $0x80, s5;
	s7 =	sadd.s32 $0x100, s5  }
0x11: {  	s8 =	sadd.s32 $0x180, s5;
	s9 =	sadd.s32 $0x200, s5;
	s10 =	sadd.s32 $0x280, s5  }
0x12: {  	s11 =	sadd.s32 $0x300, s5;
	s12 =	sadd.s32 $0x380, s5;
	s13 =	sadd.s32 $0x14000, s5  }
0x13: {  	s14 =	sadd.s32 $0x14080, s5;
	s15 =	sadd.s32 $0x14100, s5;
	s16 =	sadd.s32 $0x14180, s5  }
0x14: {  	s17 =	sadd.s32 $0x14200, s5;
	s18 =	sadd.s32 $0x14280, s5;
	s19 =	sadd.s32 $0x14300, s5  }
0x15: {  	v0 =	vimm.f32 $0.0e+00;
	v1 =	vimm.f32 $1.000000000e+00;
	s20 =	sadd.s32 $0x14380, s5;
	s24 =	simm.s32 $0x400;
	s3 =	sadd.s32 s0, s3  }
.LBB2_1:
0x16: {  	s0 =	simm.s32 $0x2800  }
0x17: {  	[tilespmem:s0], [sflag:$0x1] =	stream.strided.gather [hbm4b:s3+s23], $0x2780, s24, s23, $0x38;
	[tilespmem:$0xA200] =	vst v63  }
0x18: {  	_ =	swait.ge [sflag:s26], $0x2780  }
0x19: {  	[sflag:s26] =	ssyncset.done $0x0  }
0x1a: {  	s0 =	simm.s32 $0x0;
	[sflag:s26] =	ssyncadd.s32 $0xFFFFD880  }
.LBB2_2:
0x1b: {  	p0 =	sne.s32 s0, $0x9FC0  }
.Ltmp0:
0x1c: {  	_ = 	snop;
	(pc) =	sbr.rel @p0 .LBB2_2-.Ltmp0, $3  }
0x1d: {  	_ =	sdelay $0x1  }
0x1e: {  	s1 =	sshra.s32 s0, $0x2  }
0x1f: {  	s0 =	sadd.s32 $0x40, s0;
	[tilespmem:s1+$0x0] =	vst v0  }
0x20: {  	s0 =	simm.s32 $0x0  }
.LBB2_4:
0x21: {  	s1 =	sshra.s32 s0, $0x2  }
0x22: {  	v2 =	vld [tilespmem:s1+$0x2800];
	_ =	sdelay $0x7  }
0x23: {  	[tilespmem:v2+s2+$0x0] =	vst.idx.add.f32.msk $0xffff, v1  }
0x24: {  	v2 =	vld [tilespmem:s1+$0x2810];
	_ =	sdelay $0x7  }
0x25: {  	[tilespmem:v2+s2+$0x0] =	vst.idx.add.f32.msk $0xffff, v1  }
0x26: {  	v2 =	vld [tilespmem:s1+$0x2820];
	_ =	sdelay $0x7  }
0x27: {  	[tilespmem:v2+s2+$0x0] =	vst.idx.add.f32.msk $0xffff, v1  }
0x28: {  	v2 =	vld [tilespmem:s1+$0x2830];
	_ =	sdelay $0x7  }
0x29: {  	[tilespmem:v2+s2+$0x0] =	vst.idx.add.f32.msk $0xffff, v1  }
0x2a: {  	v2 =	vld [tilespmem:s1+$0x2840];
	_ =	sdelay $0x2  }
0x2b: {  	p0 =	sne.s32 s0, $0x9B00  }
.Ltmp1:
0x2c: {  	_ = 	snop;
	(pc) =	sbr.rel @p0 .LBB2_4-.Ltmp1, $2  }
0x2d: {  	_ =	sdelay $0x2  }
0x2e: {  	s0 =	sadd.s32 $0x140, s0;
	[tilespmem:v2+s2+$0x0] =	vst.idx.add.f32.msk $0xffff, v1  }
0x2f: {  	s0 =	simm.s32 $0x0  }
0x30: {  	[spmem:s4] =	stream.strided.scatter [tilespmem:s0], [sflag:$0x1], $0x2800, s24, s23, $0x38;
	[tilespmem:$0xA200] =	vst v63  }
0x31: {  	_ =	swait.ge [sflag:s26], $0x2800  }
0x32: {  	[sflag:s26] =	ssyncset.done $0x0  }
0x33: {  	[sflag:s26] =	ssyncadd.s32 $0xFFFFD800  }
0x34: {  	s1 =	simm.s32 $0x7780;
	[bflag:$0x0] =	sbarrier.arrive $0xFFFF  }
0x35: {  	[tilespmem:s1], [sflag:$0x1] =	stream.strided.gather [spmem:s5], $0x280, s24, s23, $0x38;
	[tilespmem:$0xA200] =	vst v63  }
0x36: {  	_ =	swait.ge [sflag:s26], $0x280  }
0x37: {  	[sflag:s26] =	ssyncset.done $0x0  }
0x38: {  	s25 =	simm.s32 $0x7A00;
	[sflag:s26] =	ssyncadd.s32 $0xFFFFFD80  }
0x39: {  	[tilespmem:s25], [sflag:$0x1] =	stream.strided.gather [spmem:s6], $0x280, s24, s23, $0x38;
	[tilespmem:$0xA200] =	vst v63  }
0x3a: {  	_ =	swait.ge [sflag:s26], $0x280  }
0x3b: {  	[sflag:s26] =	ssyncset.done $0x0  }
0x3c: {  	s25 =	simm.s32 $0x7C80;
	[sflag:s26] =	ssyncadd.s32 $0xFFFFFD80  }
0x3d: {  	[tilespmem:s25], [sflag:$0x1] =	stream.strided.gather [spmem:s7], $0x280, s24, s23, $0x38;
	[tilespmem:$0xA200] =	vst v63  }
0x3e: {  	_ =	swait.ge [sflag:s26], $0x280  }
0x3f: {  	[sflag:s26] =	ssyncset.done $0x0  }
0x40: {  	s25 =	simm.s32 $0x7F00;
	[sflag:s26] =	ssyncadd.s32 $0xFFFFFD80  }
0x41: {  	[tilespmem:s25], [sflag:$0x1] =	stream.strided.gather [spmem:s8], $0x280, s24, s23, $0x38;
	[tilespmem:$0xA200] =	vst v63  }
0x42: {  	_ =	swait.ge [sflag:s26], $0x280  }
0x43: {  	[sflag:s26] =	ssyncset.done $0x0  }
0x44: {  	s25 =	simm.s32 $0x8180;
	[sflag:s26] =	ssyncadd.s32 $0xFFFFFD80  }
0x45: {  	[tilespmem:s25], [sflag:$0x1] =	stream.strided.gather [spmem:s9], $0x280, s24, s23, $0x38;
	[tilespmem:$0xA200] =	vst v63  }
0x46: {  	_ =	swait.ge [sflag:s26], $0x280  }
0x47: {  	[sflag:s26] =	ssyncset.done $0x0  }
0x48: {  	s25 =	simm.s32 $0x8400;
	[sflag:s26] =	ssyncadd.s32 $0xFFFFFD80  }
0x49: {  	[tilespmem:s25], [sflag:$0x1] =	stream.strided.gather [spmem:s10], $0x280, s24, s23, $0x38;
	[tilespmem:$0xA200] =	vst v63  }
0x4a: {  	_ =	swait.ge [sflag:s26], $0x280  }
0x4b: {  	[sflag:s26] =	ssyncset.done $0x0  }
0x4c: {  	s25 =	simm.s32 $0x8680;
	[sflag:s26] =	ssyncadd.s32 $0xFFFFFD80  }
0x4d: {  	[tilespmem:s25], [sflag:$0x1] =	stream.strided.gather [spmem:s11], $0x280, s24, s23, $0x38;
	[tilespmem:$0xA200] =	vst v63  }
0x4e: {  	_ =	swait.ge [sflag:s26], $0x280  }
0x4f: {  	[sflag:s26] =	ssyncset.done $0x0  }
0x50: {  	s25 =	simm.s32 $0x8900;
	[sflag:s26] =	ssyncadd.s32 $0xFFFFFD80  }
0x51: {  	[tilespmem:s25], [sflag:$0x1] =	stream.strided.gather [spmem:s12], $0x280, s24, s23, $0x38;
	[tilespmem:$0xA200] =	vst v63  }
0x52: {  	_ =	swait.ge [sflag:s26], $0x280  }
0x53: {  	[sflag:s26] =	ssyncset.done $0x0  }
0x54: {  	s25 =	simm.s32 $0x8B80;
	[sflag:s26] =	ssyncadd.s32 $0xFFFFFD80  }
0x55: {  	[tilespmem:s25], [sflag:$0x1] =	stream.strided.gather [spmem:s13], $0x280, s24, s23, $0x38;
	[tilespmem:$0xA200] =	vst v63  }
0x56: {  	_ =	swait.ge [sflag:s26], $0x280  }
0x57: {  	[sflag:s26] =	ssyncset.done $0x0  }
0x58: {  	s25 =	simm.s32 $0x8E00;
	[sflag:s26] =	ssyncadd.s32 $0xFFFFFD80  }
0x59: {  	[tilespmem:s25], [sflag:$0x1] =	stream.strided.gather [spmem:s14], $0x280, s24, s23, $0x38;
	[tilespmem:$0xA200] =	vst v63  }
0x5a: {  	_ =	swait.ge [sflag:s26], $0x280  }
0x5b: {  	[sflag:s26] =	ssyncset.done $0x0  }
0x5c: {  	s25 =	simm.s32 $0x9080;
	[sflag:s26] =	ssyncadd.s32 $0xFFFFFD80  }
0x5d: {  	[tilespmem:s25], [sflag:$0x1] =	stream.strided.gather [spmem:s15], $0x280, s24, s23, $0x38;
	[tilespmem:$0xA200] =	vst v63  }
0x5e: {  	_ =	swait.ge [sflag:s26], $0x280  }
0x5f: {  	[sflag:s26] =	ssyncset.done $0x0  }
0x60: {  	s25 =	simm.s32 $0x9300;
	[sflag:s26] =	ssyncadd.s32 $0xFFFFFD80  }
0x61: {  	[tilespmem:s25], [sflag:$0x1] =	stream.strided.gather [spmem:s16], $0x280, s24, s23, $0x38;
	[tilespmem:$0xA200] =	vst v63  }
0x62: {  	_ =	swait.ge [sflag:s26], $0x280  }
0x63: {  	[sflag:s26] =	ssyncset.done $0x0  }
0x64: {  	s25 =	simm.s32 $0x9580;
	[sflag:s26] =	ssyncadd.s32 $0xFFFFFD80  }
0x65: {  	[tilespmem:s25], [sflag:$0x1] =	stream.strided.gather [spmem:s17], $0x280, s24, s23, $0x38;
	[tilespmem:$0xA200] =	vst v63  }
0x66: {  	_ =	swait.ge [sflag:s26], $0x280  }
0x67: {  	[sflag:s26] =	ssyncset.done $0x0  }
0x68: {  	s25 =	simm.s32 $0x9800;
	[sflag:s26] =	ssyncadd.s32 $0xFFFFFD80  }
0x69: {  	[tilespmem:s25], [sflag:$0x1] =	stream.strided.gather [spmem:s18], $0x280, s24, s23, $0x38;
	[tilespmem:$0xA200] =	vst v63  }
0x6a: {  	_ =	swait.ge [sflag:s26], $0x280  }
0x6b: {  	[sflag:s26] =	ssyncset.done $0x0  }
0x6c: {  	s25 =	simm.s32 $0x9A80;
	[sflag:s26] =	ssyncadd.s32 $0xFFFFFD80  }
0x6d: {  	[tilespmem:s25], [sflag:$0x1] =	stream.strided.gather [spmem:s19], $0x280, s24, s23, $0x38;
	[tilespmem:$0xA200] =	vst v63  }
0x6e: {  	_ =	swait.ge [sflag:s26], $0x280  }
0x6f: {  	[sflag:s26] =	ssyncset.done $0x0  }
0x70: {  	s25 =	simm.s32 $0x9D00;
	[sflag:s26] =	ssyncadd.s32 $0xFFFFFD80  }
0x71: {  	[tilespmem:s25], [sflag:$0x1] =	stream.strided.gather [spmem:s20], $0x280, s24, s23, $0x38;
	[tilespmem:$0xA200] =	vst v63  }
0x72: {  	_ =	swait.ge [sflag:s26], $0x280  }
0x73: {  	[sflag:s26] =	ssyncset.done $0x0  }
0x74: {  	s0 =	sand.u32 $0x3F0, s0;
	[sflag:s26] =	ssyncadd.s32 $0xFFFFFD80  }
0x75: {  	v2 =	vld [tilespmem:s0+$0x7A00]  }
0x76: {  	v3 =	vld [tilespmem:s1+$0x0];
	_ =	sdelay $0x1  }
0x77: {  	v4 =	vld [tilespmem:s0+$0x7C80];
	_ =	sdelay $0x1  }
0x78: {  	v5 =	vld [tilespmem:s0+$0x7F00]  }
0x79: {  	v2 =	vadd.f32 v2, v3  }
0x7a: {  	v3 =	vld [tilespmem:s0+$0x8180]  }
0x7b: {  	v2 =	vadd.f32 v4, v2  }
0x7c: {  	v56 =	vld [tilespmem:s0+$0x8400]  }
0x7d: {  	v2 =	vadd.f32 v5, v2  }
0x7e: {  	v57 =	vld [tilespmem:s0+$0x8680]  }
0x7f: {  	v2 =	vadd.f32 v3, v2  }
0x80: {  	v3 =	vld [tilespmem:s0+$0x8900]  }
0x81: {  	v2 =	vadd.f32 v56, v2  }
0x82: {  	v58 =	vld [tilespmem:s0+$0x8B80]  }
0x83: {  	v2 =	vadd.f32 v57, v2  }
0x84: {  	v59 =	vld [tilespmem:s0+$0x8E00]  }
0x85: {  	v2 =	vadd.f32 v3, v2  }
0x86: {  	v3 =	vld [tilespmem:s0+$0x9080]  }
0x87: {  	v2 =	vadd.f32 v58, v2  }
0x88: {  	v60 =	vld [tilespmem:s0+$0x9300]  }
0x89: {  	v2 =	vadd.f32 v59, v2  }
0x8a: {  	v61 =	vld [tilespmem:s0+$0x9580]  }
0x8b: {  	v2 =	vadd.f32 v3, v2  }
0x8c: {  	v3 =	vld [tilespmem:s0+$0x9800]  }
0x8d: {  	v2 =	vadd.f32 v60, v2  }
0x8e: {  	v62 =	vld [tilespmem:s0+$0x9A80]  }
0x8f: {  	v2 =	vadd.f32 v61, v2  }
0x90: {  	v63 =	vld [tilespmem:s0+$0x9D00]  }
0x91: {  	v2 =	vadd.f32 v3, v2;
	_ =	sdelay $0x1  }
0x92: {  	v2 =	vadd.f32 v62, v2;
	_ =	sdelay $0x1  }
0x93: {  	v2 =	vadd.f32 v63, v2  }
0x94: {  	s25 =	simm.s32 $0x10;
	s1 =	simm.s32 $0x9F80  }
0x95: {  	s0 =	sand.u32 $0x3F0, s25;
	[tilespmem:s1+$0x0] =	vst v2  }
0x96: {  	s28 =	simm.s32 $0x20;
	s25 =	simm.s32 $0x7790;
	v2 =	vld [tilespmem:s0+$0x7A00]  }
.LBB2_6:
0x97: {  	p0 =	sne.s32 s28, $0x270;
	v3 =	vld [tilespmem:s25+$0x0];
	_ =	sdelay $0x1  }
0x98: {  	v4 =	vld [tilespmem:s0+$0x7C80];
	_ =	sdelay $0x1  }
0x99: {  	v5 =	vld [tilespmem:s0+$0x7F00]  }
0x9a: {  	v2 =	vadd.f32 v2, v3  }
0x9b: {  	v3 =	vld [tilespmem:s0+$0x8180]  }
0x9c: {  	v2 =	vadd.f32 v4, v2  }
0x9d: {  	v4 =	vld [tilespmem:s0+$0x8400]  }
0x9e: {  	v2 =	vadd.f32 v5, v2  }
0x9f: {  	v5 =	vld [tilespmem:s0+$0x8680]  }
0xa0: {  	v2 =	vadd.f32 v3, v2  }
0xa1: {  	v3 =	vld [tilespmem:s0+$0x8900]  }
0xa2: {  	v2 =	vadd.f32 v4, v2  }
0xa3: {  	v4 =	vld [tilespmem:s0+$0x8B80]  }
0xa4: {  	v2 =	vadd.f32 v5, v2  }
0xa5: {  	v5 =	vld [tilespmem:s0+$0x8E00]  }
0xa6: {  	v2 =	vadd.f32 v3, v2  }
0xa7: {  	v3 =	vld [tilespmem:s0+$0x9080]  }
0xa8: {  	v2 =	vadd.f32 v4, v2  }
0xa9: {  	v4 =	vld [tilespmem:s0+$0x9300]  }
0xaa: {  	v2 =	vadd.f32 v5, v2  }
0xab: {  	v5 =	vld [tilespmem:s0+$0x9580]  }
0xac: {  	v2 =	vadd.f32 v3, v2  }
0xad: {  	v3 =	vld [tilespmem:s0+$0x9800]  }
0xae: {  	v2 =	vadd.f32 v4, v2  }
0xaf: {  	v4 =	vld [tilespmem:s0+$0x9A80]  }
0xb0: {  	v2 =	vadd.f32 v5, v2  }
0xb1: {  	v5 =	vld [tilespmem:s0+$0x9D00]  }
0xb2: {  	v2 =	vadd.f32 v3, v2;
	_ =	sdelay $0x1  }
0xb3: {  	v2 =	vadd.f32 v4, v2  }
.Ltmp2:
0xb4: {  	(pc) =	sbr.rel @p0 .LBB2_6-.Ltmp2, $4  }
0xb5: {  	v2 =	vadd.f32 v5, v2  }
0xb6: {  	s1 =	sadd.s32 $0x10, s1  }
0xb7: {  	s0 =	sand.u32 $0x3F0, s28;
	[tilespmem:s1+$0x0] =	vst v2  }
0xb8: {  	s25 =	sadd.s32 $0x10, s25;
	s28 =	sadd.s32 $0x10, s28;
	v2 =	vld [tilespmem:s0+$0x7A00]  }
0xb9: {  	v3 =	vld [tilespmem:s25+$0x0];
	_ =	sdelay $0x1  }
0xba: {  	v4 =	vld [tilespmem:s0+$0x7C80];
	_ =	sdelay $0x1  }
0xbb: {  	v5 =	vld [tilespmem:s0+$0x7F00]  }
0xbc: {  	v2 =	vadd.f32 v2, v3  }
0xbd: {  	v3 =	vld [tilespmem:s0+$0x8180]  }
0xbe: {  	v2 =	vadd.f32 v4, v2  }
0xbf: {  	v56 =	vld [tilespmem:s0+$0x8400]  }
0xc0: {  	v2 =	vadd.f32 v5, v2  }
0xc1: {  	v57 =	vld [tilespmem:s0+$0x8680]  }
0xc2: {  	v2 =	vadd.f32 v3, v2  }
0xc3: {  	v3 =	vld [tilespmem:s0+$0x8900]  }
0xc4: {  	v2 =	vadd.f32 v56, v2  }
0xc5: {  	v58 =	vld [tilespmem:s0+$0x8B80]  }
0xc6: {  	v2 =	vadd.f32 v57, v2  }
0xc7: {  	v59 =	vld [tilespmem:s0+$0x8E00]  }
0xc8: {  	v2 =	vadd.f32 v3, v2  }
0xc9: {  	v3 =	vld [tilespmem:s0+$0x9080]  }
0xca: {  	v2 =	vadd.f32 v58, v2  }
0xcb: {  	v60 =	vld [tilespmem:s0+$0x9300]  }
0xcc: {  	v2 =	vadd.f32 v59, v2  }
0xcd: {  	v61 =	vld [tilespmem:s0+$0x9580]  }
0xce: {  	v2 =	vadd.f32 v3, v2  }
0xcf: {  	v3 =	vld [tilespmem:s0+$0x9800]  }
0xd0: {  	v2 =	vadd.f32 v60, v2  }
0xd1: {  	v62 =	vld [tilespmem:s0+$0x9A80]  }
0xd2: {  	v2 =	vadd.f32 v61, v2  }
0xd3: {  	v63 =	vld [tilespmem:s0+$0x9D00]  }
0xd4: {  	v2 =	vadd.f32 v3, v2;
	_ =	sdelay $0x1  }
0xd5: {  	v2 =	vadd.f32 v62, v2;
	_ =	sdelay $0x1  }
0xd6: {  	s31 =	sadd.s32 $0x1, s31;
	v2 =	vadd.f32 v63, v2  }
0xd7: {  	s28 =	sadd.s32 $0x10, s1;
	p0 =	sne.s32 s31, s22  }
.Ltmp3:
0xd8: {  	[tilespmem:s28+$0x0] =	vst v2;
	(pc) =	sbr.rel @p0 .LBB2_1-.Ltmp3, $4  }
0xd9: {  	[hbm4b:s21+s23] =	stream.strided.scatter [tilespmem:s30], [sflag:$0x1], $0x280, s29, s23, $0x38;
	[tilespmem:$0xA200] =	vst v63  }
0xda: {  	_ =	swait.ge [sflag:s26], $0x280  }
0xdb: {  	[sflag:s26] =	ssyncset.done $0x0  }
0xdc: {  	[sflag:s26] =	ssyncadd.s32 $0xFFFFFD80  }
0xdd: {  	_ =	sfence.sel $0x180000  }
0xde: {  	[bflag:$0x0] =	sbarrier.arrive $0xFFFF  }
0xdf: {  	_ =	strace $0x90000047  }
0xe0: {  	s0 =	stileid.u32;
	[bflag:$0x2] =	sbarrier.arrive $0xFFFF  }
0xe1: {  	p0 =	sne.s32 s0, $0x0;
	s0 =	rddreg [dreg:$0x3]  }
0xe2: {  	s0 =	sadd.s32 @!p0 $0x100000, s0  }
0xe3: {  	[sflag:s0] =	ssyncadd.tile.s32 @!p0 $0x1;
	_ =	shalt  }
.Lfunc_end2:
_tile_overlayer_lowered:
.L_overlay_start_2:
0xe4: {  	(tag) =	ssettag $0x2  }
0xe5: {  	s0 =	rddreg [dreg:$0x0];
	s2 =	stileid.u32  }
0xe6: {  	s1 =	rddreg [dreg:$0x1];
	p0 =	sne.s32 s2, $0x0  }
0xe7: {  	s3 =	rddreg [dreg:$0x2];
	[bflag:$0x3] =	sbarrier.arrive $0xFFFF;
	s2 =	simm.s32 @!p0 $0x1C01  }
0xe8: {  	[timem:s3], [sflag:s2] =	dma.local @!p0 [hbm:s0], s1  }
0xe9: {  	s0 =	simm.s32 @!p0 $0x1  }
0xea: {  	_ =	swait.ge @!p0 [sflag:s0], s1  }
0xeb: {  	s1 =	ssub.s32 @!p0 $0x0, s1;
	[sflag:s0] =	ssyncset.done @!p0 $0x0  }
0xec: {  	[sflag:s0] =	ssyncadd.s32 @!p0 s1  }
0xed: {  	[bflag:$0x3] =	sbarrier.arrive $0xFFFF  }
0xee: {  	_ =	shalt  }

// kernel: kernel.15.cloned.1.call-start
scs
__scs_entry_jumppad:
0x0: {  	(pc) =	sbr.rel $0x88, $3  }
0x1: {  	(tag) =	ssettag $0x0;
	lr =	simm.s32 $0x1  }
0x2: {  	[smem:$0x3F95] =	sst lr;
	_ =	strace $0xD0000000  }
0x3: {  	_ = 	snop  }
0x4: {  	_ = 	snop  }
0x5: {  	_ = 	snop  }
0x6: {  	_ = 	snop  }
0x7: {  	_ = 	snop  }
__scs_overlays_trampoline_lowered:
0x8: {  	[smem:$0x3FA4] =	sst s0  }
0x9: {  	[smem:$0x3FA5] =	sst s1  }
0xa: {  	[smem:$0x3FA6] =	sst s2  }
0xb: {  	[smem:$0x3FA7] =	sst s3  }
0xc: {  	[smem:$0x3FA8] =	sst s4  }
0xd: {  	[smem:$0x3FA9] =	sst s5  }
0xe: {  	[smem:$0x3FAA] =	sst s6  }
0xf: {  	[smem:$0x3FAB] =	sst s7  }
0x10: {  	[smem:$0x3FAC] =	sst s8  }
0x11: {  	[smem:$0x3FAD] =	sst s9;
	s0 =	simm.s32 @!p0 $0x0  }
0x12: {  	s1 =	sld [smem:$0x3F93];
	s0 =	simm.s32 @p0 $0x1  }
0x13: {  	[smem:$0x3FAE] =	sst s0;
	s0 =	simm.s32 @!p1 $0x0  }
0x14: {  	s2 =	sld [smem:$0x3F92];
	s0 =	simm.s32 @p1 $0x1  }
0x15: {  	[smem:$0x3FAF] =	sst s0;
	s0 =	simm.s32 @!p2 $0x0  }
0x16: {  	s3 =	sld [smem:$0x3FDB];
	s0 =	simm.s32 @p2 $0x1  }
0x17: {  	s4 =	simm.s32 $0x1BF5;
	[smem:$0x3FB1] =	sst s0  }
0x18: {  	s0 =	sld [smem:$0x3F94];
	_ =	swait.ge [sflag:s4], $0x0  }
0x19: {  	s7 =	sld [smem:$0x3F95]  }
0x1a: {  	s8 =	sadd.s32 $0xFFFFE003, lr  }
0x1b: {  	s9 =	sadd.s32 $0xFFFFFEF7, lr;
	s5 =	simm.s32 $0xFFFFFFFF;
	p2 =	slt.u32 s8, $0xFFFFF086  }
0x1c: {  	p1 =	slt.u32 s9, $0xF7A;
	s5 =	simm.s32 @!p2 $0x0  }
0x1d: {  	s5 =	simm.s32 @p1 $0x1;
	p0 =	seq.s32 s7, s2  }
0x1e: {  	s7 =	smul.u32 @!p0 $0xF7A, s2;
	p2 =	seq.s32 @!p0 s5, $0x0  }
0x1f: {  	s9 =	smul.u32 $0xF7A, s1;
	s8 =	simm.s32 @!p0 $0x1BF5;
	p2 =	por !p2, p0  }
0x20: {  	[sflag:s8] =	ssyncset.s32 @!p0 $0xFFFFF086;
	s6 =	sadd.s32 @!p0 s3, s7;
	s7 =	simm.s32 @!p0 $0x108  }
0x21: {  	s3 =	sadd.s32 s3, s9;
	s6 =	sadd.s32 @!p0 $0x88, s6;
	s7 =	simm.s32 @p2 $0x1082  }
0x22: {  	[simem:s7], [sflag:s8] =	dma.local @!p0 [hbm:s6], $0xF7A  }
0x23: {  	s9 =	sor.u32 $0xD0000000, s2;
	s6 =	simm.s32 $0x108;
	_ =	swait.ge @!p0 [sflag:s8], $0x0  }
0x24: {  	s3 =	sadd.s32 $0x88, s3;
	s6 =	simm.s32 @!p1 $0x1082;
	[sflag:s4] =	ssyncset.s32 $0xFFFFF086  }
0x25: {  	[simem:s6], [sflag:s4] =	dma.local [hbm:s3], $0xF7A  }
0x26: {  	[smem:$0x3F95] =	sst s1;
	(tag) =	ssettag s2;
	_ =	strace s9  }
0x27: {  	s1 =	sld [smem:$0x3FA5]  }
0x28: {  	s2 =	sld [smem:$0x3FA6]  }
0x29: {  	s4 =	sld [smem:$0x3FA8]  }
0x2a: {  	p0 =	seq.s32 s5, $0x0;
	s5 =	sld [smem:$0x3FA9]  }
0x2b: {  	s6 =	sld [smem:$0x3FAA]  }
0x2c: {  	s7 =	sld [smem:$0x3FAB]  }
0x2d: {  	s3 =	simm.s32 $0x108;
	s8 =	sld [smem:$0x3FAC]  }
0x2e: {  	s3 =	simm.s32 @!p0 $0x1082;
	s9 =	sld [smem:$0x3FAD]  }
0x2f: {  	lr =	sadd.s32 s0, s3;
	s0 =	sld [smem:$0x3FA4]  }
0x30: {  	s3 =	sld [smem:$0x3FA7]  }
0x31: {  	[smem:$0x3FB0] =	sst s10  }
0x32: {  	s10 =	sld [smem:$0x3FAE];
	_ =	sdelay $0x3  }
0x33: {  	p0 =	seq.s32 s10, $0x1;
	s10 =	sld [smem:$0x3FB0];
	_ =	sdelay $0x3  }
0x34: {  	[smem:$0x3FB0] =	sst s10  }
0x35: {  	s10 =	sld [smem:$0x3FAF];
	_ =	sdelay $0x3  }
0x36: {  	p1 =	seq.s32 s10, $0x1;
	s10 =	sld [smem:$0x3FB0];
	_ =	sdelay $0x3  }
0x37: {  	[smem:$0x3FB0] =	sst s10  }
0x38: {  	s10 =	sld [smem:$0x3FB1]  }
0x39: {  	_ = 	snop;
	(pc) =	sbr.ind lr, $3  }
0x3a: {  	_ = 	snop  }
0x3b: {  	_ = 	snop  }
0x3c: {  	p2 =	seq.s32 s10, $0x1;
	s10 =	sld [smem:$0x3FB0]  }
0x3d: {  	_ =	shalt  }
0x3e: {  	_ =	shalt  }
0x3f: {  	_ =	shalt  }
0x40: {  	_ =	shalt  }
0x41: {  	_ =	shalt  }
0x42: {  	_ =	shalt  }
0x43: {  	_ =	shalt  }
0x44: {  	_ =	shalt  }
0x45: {  	_ =	shalt  }
0x46: {  	_ =	shalt  }
0x47: {  	_ =	shalt  }
0x48: {  	_ =	shalt  }
0x49: {  	_ =	shalt  }
0x4a: {  	_ =	shalt  }
0x4b: {  	_ =	shalt  }
0x4c: {  	_ =	shalt  }
0x4d: {  	_ =	shalt  }
0x4e: {  	_ =	shalt  }
0x4f: {  	_ =	shalt  }
0x50: {  	_ =	shalt  }
0x51: {  	_ =	shalt  }
0x52: {  	_ =	shalt  }
0x53: {  	_ =	shalt  }
0x54: {  	_ =	shalt  }
0x55: {  	_ =	shalt  }
0x56: {  	_ =	shalt  }
0x57: {  	_ =	shalt  }
0x58: {  	_ =	shalt  }
0x59: {  	_ =	shalt  }
0x5a: {  	_ =	shalt  }
0x5b: {  	_ =	shalt  }
0x5c: {  	_ =	shalt  }
0x5d: {  	_ =	shalt  }
0x5e: {  	_ =	shalt  }
0x5f: {  	_ =	shalt  }
0x60: {  	_ =	shalt  }
0x61: {  	_ =	shalt  }
0x62: {  	_ =	shalt  }
0x63: {  	_ =	shalt  }
0x64: {  	_ =	shalt  }
0x65: {  	_ =	shalt  }
0x66: {  	_ =	shalt  }
0x67: {  	_ =	shalt  }
0x68: {  	_ =	shalt  }
0x69: {  	_ =	shalt  }
0x6a: {  	_ =	shalt  }
0x6b: {  	_ =	shalt  }
0x6c: {  	_ =	shalt  }
0x6d: {  	_ =	shalt  }
0x6e: {  	_ =	shalt  }
0x6f: {  	_ =	shalt  }
0x70: {  	_ =	shalt  }
0x71: {  	_ =	shalt  }
0x72: {  	_ =	shalt  }
0x73: {  	_ =	shalt  }
0x74: {  	_ =	shalt  }
0x75: {  	_ =	shalt  }
0x76: {  	_ =	shalt  }
0x77: {  	_ =	shalt  }
0x78: {  	_ =	shalt  }
0x79: {  	_ =	shalt  }
0x7a: {  	_ =	shalt  }
0x7b: {  	_ =	shalt  }
0x7c: {  	_ =	shalt  }
0x7d: {  	_ =	shalt  }
0x7e: {  	_ =	shalt  }
0x7f: {  	_ =	shalt  }
0x80: {  	_ =	shalt  }
0x81: {  	_ =	shalt  }
0x82: {  	_ =	shalt  }
0x83: {  	_ =	shalt  }
0x84: {  	_ =	shalt  }
0x85: {  	_ =	shalt  }
0x86: {  	_ =	shalt  }
0x87: {  	_ =	shalt  }
.Lfunc_end0:
.L_simem_size_0:
called_computation.1_lowered:
.L_overlay_start_0:
0x88: {  	s2 =	sld [smem:$0x3FD9]  }
0x89: {  	s3 =	sld [smem:$0x3FFE];
	_ =	sdelay $0x1  }
0x8a: {  	s1 =	srdreg.scid  }
0x8b: {  	s0 =	sand.u32 $0x1, s1  }
0x8c: {  	s17 =	sshll.u32 s0, $0xA;
	s2 =	sadd.s32 s3, s2  }
0x8d: {  	s2 =	sadd.s32 s2, s17  }
0x8e: {  	[smem:$0x3FBC] =	sst s2  }
0x8f: {  	_ = 	snop  }
0x90: {  	s2 =	sld [smem:$0x3FD0];
	(tm) =	ssettm $0x1  }
0x91: {  	s18 =	sld [smem:$0x3FFB];
	_ =	sdelay $0x3  }
0x92: {  	_ =	strace s18  }
0x93: {  	s3 =	sld [smem:$0x3FFC];
	_ =	sdelay $0x3  }
0x94: {  	_ =	strace s3  }
0x95: {  	s3 =	sld [smem:$0x3FFD];
	_ =	sdelay $0x3  }
0x96: {  	_ =	strace s3  }
0x97: {  	_ =	strace $0x8FFFFFFF  }
0x98: {  	s19 =	sld [smem:$0x3FDB];
	_ =	sdelay $0x1  }
0x99: {  	s4 =	simm.s32 $_scs_section_size  }
0x9a: {  	s5 =	simm.s32 $_size__tile_overlayer_lowered;
	s6 =	simm.s32 $_tile_overlayer_lowered  }
0x9b: {  	s22 =	simm.s32 $0x1BFF;
	s21 =	sshll.u32 s6, $0x1;
	s3 =	sadd.s32 s4, s19  }
0x9c: {  	s7 =	simm.s32 $0x0;
	s20 =	sshll.u32 s5, $0x1;
	s5 =	sadd.s32 s21, s3  }
0x9d: {  	[timem:s7], [sflag:s22] =	dma.local [hbm:s5], s20  }
0x9e: {  	_ =	swait.ge [sflag:s22], s20  }
0x9f: {  	s4 =	ssub.s32 $0x0, s20;
	[sflag:s22] =	ssyncset.done $0x0  }
0xa0: {  	[sflag:s22] =	ssyncadd.s32 s4;
	_ =	sdelay $0x1  }
0xa1: {  	s23 =	simm.s32 $0x1B8B  }
0xa2: {  	_ =	swait.ge [sflag:s23], $0x1  }
0xa3: {  	[sflag:s23] =	ssyncset.done $0x0  }
0xa4: {  	s25 =	simm.s32 $0x1B8E;
	s24 =	sld [smem:$0x3FFE];
	[sflag:s23] =	ssyncadd.s32 $0xFFFFFFFF  }
0xa5: {  	s26 =	simm.s32 $execute0_lowered;
	[smem:$0x3FD2] =	sst s25  }
0xa6: {  	s5 =	sshll.u32 s26, $0x1;
	_ =	strace $0x80000049;
	[dreg:$0x1] =	wrdreg $0xFFFFFFFF  }
0xa7: {  	s28 =	simm.s32 $_size_execute0_lowered;
	s3 =	sadd.s32 s3, s5;
	[dreg:$0x0] =	wrdreg $0x0  }
0xa8: {  	s5 =	sshll.u32 s28, $0x1;
	[dreg:$0x2] =	wrdreg s3  }
0xa9: {  	[dreg:$0x3] =	wrdreg s5  }
0xaa: {  	[dreg:$0x4] =	wrdreg $0xC0  }
0xab: {  	_ =	task [dreg:s7], $0x5FFFF  }
0xac: {  	[dreg:$0x1] =	wrdreg $0xFFFFFFFF  }
0xad: {  	[dreg:$0x0] =	wrdreg $0x60  }
0xae: {  	[dreg:$0x2] =	wrdreg s24  }
0xaf: {  	[dreg:$0x3] =	wrdreg s2  }
0xb0: {  	[dreg:$0x4] =	wrdreg $0x0  }
0xb1: {  	[dreg:$0x5] =	wrdreg $0x9  }
0xb2: {  	_ =	task.clear_ibuf [dreg:s7], $0x6FFFF;
	_ =	strace $0x90000049  }
0xb3: {  	s29 =	simm.s32 $0x9;
	_ =	strace $0x8000004B  }
0xb4: {  	_ =	swait.ge [sflag:s29], $0x1  }
0xb5: {  	[sflag:s29] =	ssyncadd.s32 $0xFFFFFFFF  }
0xb6: {  	_ =	strace $0x9000004B  }
0xb7: {  	_ =	sfence  }
0xb8: {  	s30 =	sld [smem:$0x0];
	_ =	sdelay $0x2  }
0xb9: {  	s31 =	sshll.u32 s1, $0xD;
	s1 =	sshrl.u32 s1, $0x2  }
0xba: {  	s3 =	sand.u32 $0x4000, s31;
	s1 =	sadd.s32 s1, s30  }
0xbb: {  	s0 =	sor.u32 s3, s0;
	s1 =	sshll.u32 s1, $0x11  }
0xbc: {  	s0 =	sor.u32 s1, s0  }
0xbd: {  	s0 =	sadd.s32 $0x8F2B, s0  }
0xbe: {  	[sflag:s0] =	ssyncadd.remote.s32 $0x1  }
0xbf: {  	_ =	sfence.sel $0xFFFF  }
0xc0: {  	[dreg:$0x0] =	wrdreg $0xFFFFFFFF;
	(pc) =	sbr.abs _section_cstart, $3  }
0xc1: {  	[dreg:$0x1] =	wrdreg $0xFFFFFFFF  }
0xc2: {  	_ =	task.clear_ibuf [dreg:s7], $0x2FFFF;
	_ =	strace $0x9FFFFFFF  }
0xc3: {  	(tm) =	ssettm $0x7FFFFFFF  }
tec
execute0_lowered:
.L_overlay_start_1:
0x0: {  	(tag) =	ssettag $0x1  }
0x1: {  	s6 =	rddreg [dreg:$0x0]  }
0x2: {  	s1 =	rddreg [dreg:$0x1]  }
0x3: {  	s3 =	rddreg [dreg:$0x2]  }
0x4: {  	s0 =	rddreg [dreg:$0x3]  }
0x5: {  	s4 =	simm.s32 $0x0;
	s5 =	srdreg.scid;
	s2 =	stileid.u32  }
0x6: {  	s16 =	simm.s32 $0x4;
	s17 =	simm.s32 $0x64;
	s18 =	simm.s32 $0x17800  }
0x7: {  	s19 =	simm.s32 $0x3;
	s20 =	simm.s32 $0x1;
	s21 =	simm.s32 $0x17480  }
0x8: {  	s22 =	simm.s32 $0x2;
	s23 =	simm.s32 $0x0;
	[smem:$0x7FF] =	sst s4  }
0x9: {  	s7 =	sand.u32 $0x1, s5;
	s8 =	smul.u32 $0x2800, s2;
	s5 =	sadd.s32 $0x20600, s6  }
0xa: {  	s10 =	sadd.s32 $0x4600, s6;
	s11 =	sadd.s32 $0x12600, s6;
	s9 =	smul.u32 $0x28000, s7  }
0xb: {  	s25 =	sshll.u32 s2, $0x2;
	s13 =	smul.u32 $0x50000, s2;
	s12 =	sshll.u32 s7, $0x1  }
0xc: {  	s7 =	ssub.s32 $0x2, s7;
	s8 =	sadd.s32 s8, s9;
	s9 =	sor.u32 s12, s25  }
0xd: {  	_ =	strace $0x8000004A;
	s28 =	sshrl.u32 s7, $0x1;
	s29 =	smul.u32 $0x1C00, s9  }
0xe: {  	s30 =	sshrl.u32 s13, $0x2;
	s14 =	ssub.s32 s7, s28;
	s9 =	smul.u32 $0x380, s9  }
.Ltmp0:
0xf: {  	s26 =	sadd.s32 s8, s6;
	s6 =	sshll.u32 s2, $0x6;
	(pc) =	sbr.rel .LBB2_1-.Ltmp0, $4  }
0x10: {  	s15 =	sadd.s32 s30, s3;
	s7 =	sor.u32 $0x1C03, s6;
	s31 =	sshrl.u32 s29, $0x3  }
0x11: {  	s12 =	sadd.s32 $0x47800, s26;
	s8 =	sadd.s32 s10, s9;
	s13 =	sadd.s32 $0x380, s31  }
0x12: {  	s9 =	sadd.s32 s11, s9;
	s10 =	sadd.s32 s10, s13;
	s11 =	sadd.s32 s11, s13  }
0x13: {  	s13 =	smax.u32 s14, $0x1;
	s14 =	sshrl.u32 s15, $0x3;
	s15 =	simm.s32 $0x14000  }
.LBB2_7:
0x14: {  	[spmem:s3] =	stream.indirect.scatter.add.f32 [tilespmem:s29], [sflag:$0x2], $0x80, s21, s17, $0xb8;
	[tilespmem:$0x1E000] =	vst v63  }
0x15: {  	_ =	swait.ge [sflag:s22], $0x3200  }
0x16: {  	s23 =	sadd.s32 $0x1, s23;
	[sflag:s22] =	ssyncset.done $0x0  }
0x17: {  	p0 =	sne.s32 s23, s13;
	[sflag:s22] =	ssyncadd.s32 $0xFFFFCE00  }
.Ltmp1:
0x18: {  	s24 =	sor.u32 $0x1C04, s6;
	[bflag:$0x0] =	sbarrier.arrive $0xFFFF;
	(pc) =	sbr.rel @!p0 .LBB2_8-.Ltmp1, $4  }
0x19: {  	[hbm:s12], [sflag:s24] =	dma.local [spmem:s14], $0x2800  }
0x1a: {  	_ =	swait.ge [sflag:s16], $0x2800  }
0x1b: {  	[sflag:s16] =	ssyncset.done $0x0  }
0x1c: {  	[sflag:s16] =	ssyncadd.s32 $0xFFFFD800  }
.LBB2_1:
0x1d: {  	[spmem:s14], [sflag:s7] =	dma.local [hbm:s1], $0x2800  }
0x1e: {  	[tilespmem:s15], [sflag:$0x4] =	stream.linear.gather [hbm4b:s8+s4], $0x1900, $0x38;
	[tilespmem:$0x1E000] =	vst v63  }
0x1f: {  	_ =	swait.ge [sflag:s16], $0x1900  }
0x20: {  	[sflag:s16] =	ssyncset.done $0x0  }
0x21: {  	s24 =	simm.s32 $0x15C00;
	[sflag:s16] =	ssyncadd.s32 $0xFFFFE700  }
0x22: {  	[tilespmem:s24], [sflag:$0x4] =	stream.linear.gather [hbm4b:s9+s4], $0x1900, $0x38;
	[tilespmem:$0x1E000] =	vst v63  }
0x23: {  	_ =	swait.ge [sflag:s16], $0x1900  }
0x24: {  	[sflag:s16] =	ssyncset.done $0x0  }
0x25: {  	[sflag:s16] =	ssyncadd.s32 $0xFFFFE700  }
0x26: {  	[tilespmem:s18], [sflag:$0x1] =	stream.indirect.gather [hbm4b:s5+s17], $0x80, s15, s17, $0xb8;
	[tilespmem:$0x1E000] =	vst v63  }
0x27: {  	_ =	swait.ge [sflag:s19], $0x2800  }
0x28: {  	[sflag:s19] =	ssyncset.done $0x0  }
0x29: {  	[sflag:s19] =	ssyncadd.s32 $0xFFFFD800  }
0x2a: {  	s25 =	simm.s32 $0x14080;
	s26 =	simm.s32 $0x0;
	[bflag:$0x0] =	sbarrier.arrive $0xFFFF  }
.LBB2_2:
0x2b: {  	p0 =	seq.s32 s26, $0x0  }
0x2c: {  	p1 =	seq.s32 @!p0 s26, $0x31  }
0x2d: {  	_ =	swait.ge [sflag:s20], $0x3200;
	p1 =	por p0, !p1  }
.Ltmp2:
0x2e: {  	s28 =	sand.u32 $0x1, s26;
	[sflag:s20] =	ssyncset.done $0x0;
	(pc) =	sbr.rel @!p1 .LBB2_4-.Ltmp2, $4  }
0x2f: {  	s29 =	smul.u32 $0xD000, s28;
	s30 =	simm.s32 @!p0 $0x2;
	[sflag:s20] =	ssyncadd.s32 $0xFFFFCE00  }
0x30: {  	_ =	swait.ge @!p0 [sflag:s30], $0x3200  }
0x31: {  	s29 =	sshrl.u32 s29, $0x2;
	[sflag:s30] =	ssyncset.done @!p0 $0x0  }
0x32: {  	s29 =	sadd.s32 $0x17800, s29;
	[sflag:s30] =	ssyncadd.s32 @!p0 $0xFFFFCE00  }
0x33: {  	s28 =	sxor.u32 $0x1, s28  }
0x34: {  	s28 =	smul.u32 $0xD000, s28;
	_ =	sdelay $0x1  }
0x35: {  	s28 =	sshrl.u32 s28, $0x2  }
.Ltmp3:
0x36: {  	s28 =	sadd.s32 $0x17800, s28;
	(pc) =	sbr.rel .LBB2_2-.Ltmp3, $4  }
0x37: {  	[tilespmem:s28], [sflag:$0x1] =	stream.indirect.gather [hbm4b:s5+s17], $0x80, s25, s17, $0xb8;
	[tilespmem:$0x1E000] =	vst v63  }
0x38: {  	_ = 	snop  }
0x39: {  	[spmem:s3] =	stream.indirect.scatter.add.f32 [tilespmem:s29], [sflag:$0x2], $0x80, s24, s17, $0xb8;
	[tilespmem:$0x1E000] =	vst v63  }
0x3a: {  	s26 =	sadd.s32 $0x1, s26;
	s25 =	sadd.s32 $0x80, s25;
	s24 =	sadd.s32 $0x80, s24  }
.LBB2_4:
0x3b: {  	[spmem:s3] =	stream.indirect.scatter.add.f32 [tilespmem:s29], [sflag:$0x2], $0x80, s21, s17, $0xb8;
	[tilespmem:$0x1E000] =	vst v63  }
0x3c: {  	_ =	swait.ge [sflag:s22], $0x3200  }
0x3d: {  	[sflag:s22] =	ssyncset.done $0x0  }
0x3e: {  	s24 =	simm.s32 $0x0;
	[sflag:s22] =	ssyncadd.s32 $0xFFFFCE00  }
0x3f: {  	[tilespmem:s15], [sflag:$0x4] =	stream.linear.gather [hbm4b:s10+s24], $0x1900, $0x38;
	[tilespmem:$0x1E000] =	vst v63  }
0x40: {  	_ =	swait.ge [sflag:s16], $0x1900  }
0x41: {  	[sflag:s16] =	ssyncset.done $0x0  }
0x42: {  	s25 =	simm.s32 $0x15C00;
	[sflag:s16] =	ssyncadd.s32 $0xFFFFE700  }
0x43: {  	[tilespmem:s25], [sflag:$0x4] =	stream.linear.gather [hbm4b:s11+s24], $0x1900, $0x38;
	[tilespmem:$0x1E000] =	vst v63  }
0x44: {  	_ =	swait.ge [sflag:s16], $0x1900  }
0x45: {  	[sflag:s16] =	ssyncset.done $0x0  }
0x46: {  	s26 =	simm.s32 $0x14080;
	[sflag:s16] =	ssyncadd.s32 $0xFFFFE700  }
0x47: {  	[tilespmem:s18], [sflag:$0x1] =	stream.indirect.gather [hbm4b:s5+s17], $0x80, s15, s17, $0xb8;
	[tilespmem:$0x1E000] =	vst v63  }
.LBB2_5:
0x48: {  	p0 =	seq.s32 s24, $0x0  }
0x49: {  	p1 =	seq.s32 @!p0 s24, $0x31  }
0x4a: {  	_ =	swait.ge [sflag:s20], $0x3200;
	p1 =	por p0, !p1  }
.Ltmp4:
0x4b: {  	s28 =	sand.u32 $0x1, s24;
	[sflag:s20] =	ssyncset.done $0x0;
	(pc) =	sbr.rel @!p1 .LBB2_7-.Ltmp4, $4  }
0x4c: {  	s29 =	smul.u32 $0xD000, s28;
	s30 =	simm.s32 @!p0 $0x2;
	[sflag:s20] =	ssyncadd.s32 $0xFFFFCE00  }
0x4d: {  	_ =	swait.ge @!p0 [sflag:s30], $0x3200  }
0x4e: {  	s29 =	sshrl.u32 s29, $0x2;
	[sflag:s30] =	ssyncset.done @!p0 $0x0  }
0x4f: {  	s29 =	sadd.s32 $0x17800, s29;
	[sflag:s30] =	ssyncadd.s32 @!p0 $0xFFFFCE00  }
0x50: {  	s28 =	sxor.u32 $0x1, s28  }
0x51: {  	s28 =	smul.u32 $0xD000, s28;
	_ =	sdelay $0x1  }
0x52: {  	s28 =	sshrl.u32 s28, $0x2  }
.Ltmp5:
0x53: {  	s28 =	sadd.s32 $0x17800, s28;
	(pc) =	sbr.rel .LBB2_5-.Ltmp5, $4  }
0x54: {  	[tilespmem:s28], [sflag:$0x1] =	stream.indirect.gather [hbm4b:s5+s17], $0x80, s26, s17, $0xb8;
	[tilespmem:$0x1E000] =	vst v63  }
0x55: {  	_ = 	snop  }
0x56: {  	[spmem:s3] =	stream.indirect.scatter.add.f32 [tilespmem:s29], [sflag:$0x2], $0x80, s25, s17, $0xb8;
	[tilespmem:$0x1E000] =	vst v63  }
0x57: {  	s24 =	sadd.s32 $0x1, s24;
	s26 =	sadd.s32 $0x80, s26;
	s25 =	sadd.s32 $0x80, s25  }
.LBB2_8:
0x58: {  	_ =	sfence.sel $0x180000  }
0x59: {  	[bflag:$0x0] =	sbarrier.arrive $0xFFFF  }
0x5a: {  	p0 =	sne.s32 s2, $0x0;
	_ =	strace $0x9000004A  }
0x5b: {  	s0 =	sadd.s32 @!p0 $0x100000, s0;
	[bflag:$0x2] =	sbarrier.arrive $0xFFFF  }
0x5c: {  	[sflag:s0] =	ssyncadd.tile.s32 @!p0 $0x1;
	_ =	shalt  }
.Lfunc_end2:
_tile_overlayer_lowered:
.L_overlay_start_2:
0x5d: {  	(tag) =	ssettag $0x2  }
0x5e: {  	s0 =	rddreg [dreg:$0x0];
	s2 =	stileid.u32  }
0x5f: {  	s1 =	rddreg [dreg:$0x1];
	p0 =	sne.s32 s2, $0x0  }
0x60: {  	s3 =	rddreg [dreg:$0x2];
	[bflag:$0x3] =	sbarrier.arrive $0xFFFF;
	s2 =	simm.s32 @!p0 $0x1C04  }
0x61: {  	[timem:s3], [sflag:s2] =	dma.local @!p0 [hbm:s0], s1  }
0x62: {  	s0 =	simm.s32 @!p0 $0x4  }
0x63: {  	_ =	swait.ge @!p0 [sflag:s0], s1  }
0x64: {  	s1 =	ssub.s32 @!p0 $0x0, s1;
	[sflag:s0] =	ssyncset.done @!p0 $0x0  }
0x65: {  	[sflag:s0] =	ssyncadd.s32 @!p0 s1  }
0x66: {  	[bflag:$0x3] =	sbarrier.arrive $0xFFFF  }
0x67: {  	_ =	shalt  }

// kernel: kernel.18.cloned.1.call-start
scs
__scs_entry_jumppad:
0x0: {  	(pc) =	sbr.rel $0x88, $3  }
0x1: {  	(tag) =	ssettag $0x0;
	lr =	simm.s32 $0x1  }
0x2: {  	[smem:$0x3F95] =	sst lr;
	_ =	strace $0xD0000000  }
0x3: {  	_ = 	snop  }
0x4: {  	_ = 	snop  }
0x5: {  	_ = 	snop  }
0x6: {  	_ = 	snop  }
0x7: {  	_ = 	snop  }
__scs_overlays_trampoline_lowered:
0x8: {  	[smem:$0x3FA4] =	sst s0  }
0x9: {  	[smem:$0x3FA5] =	sst s1  }
0xa: {  	[smem:$0x3FA6] =	sst s2  }
0xb: {  	[smem:$0x3FA7] =	sst s3  }
0xc: {  	[smem:$0x3FA8] =	sst s4  }
0xd: {  	[smem:$0x3FA9] =	sst s5  }
0xe: {  	[smem:$0x3FAA] =	sst s6  }
0xf: {  	[smem:$0x3FAB] =	sst s7  }
0x10: {  	[smem:$0x3FAC] =	sst s8  }
0x11: {  	[smem:$0x3FAD] =	sst s9;
	s0 =	simm.s32 @!p0 $0x0  }
0x12: {  	s1 =	sld [smem:$0x3F93];
	s0 =	simm.s32 @p0 $0x1  }
0x13: {  	[smem:$0x3FAE] =	sst s0;
	s0 =	simm.s32 @!p1 $0x0  }
0x14: {  	s2 =	sld [smem:$0x3F92];
	s0 =	simm.s32 @p1 $0x1  }
0x15: {  	[smem:$0x3FAF] =	sst s0;
	s0 =	simm.s32 @!p2 $0x0  }
0x16: {  	s3 =	sld [smem:$0x3FDB];
	s0 =	simm.s32 @p2 $0x1  }
0x17: {  	s4 =	simm.s32 $0x1BF5;
	[smem:$0x3FB1] =	sst s0  }
0x18: {  	s0 =	sld [smem:$0x3F94];
	_ =	swait.ge [sflag:s4], $0x0  }
0x19: {  	s7 =	sld [smem:$0x3F95]  }
0x1a: {  	s8 =	sadd.s32 $0xFFFFE003, lr  }
0x1b: {  	s9 =	sadd.s32 $0xFFFFFEF7, lr;
	s5 =	simm.s32 $0xFFFFFFFF;
	p2 =	slt.u32 s8, $0xFFFFF086  }
0x1c: {  	p1 =	slt.u32 s9, $0xF7A;
	s5 =	simm.s32 @!p2 $0x0  }
0x1d: {  	s5 =	simm.s32 @p1 $0x1;
	p0 =	seq.s32 s7, s2  }
0x1e: {  	s7 =	smul.u32 @!p0 $0xF7A, s2;
	p2 =	seq.s32 @!p0 s5, $0x0  }
0x1f: {  	s9 =	smul.u32 $0xF7A, s1;
	s8 =	simm.s32 @!p0 $0x1BF5;
	p2 =	por !p2, p0  }
0x20: {  	[sflag:s8] =	ssyncset.s32 @!p0 $0xFFFFF086;
	s6 =	sadd.s32 @!p0 s3, s7;
	s7 =	simm.s32 @!p0 $0x108  }
0x21: {  	s3 =	sadd.s32 s3, s9;
	s6 =	sadd.s32 @!p0 $0x88, s6;
	s7 =	simm.s32 @p2 $0x1082  }
0x22: {  	[simem:s7], [sflag:s8] =	dma.local @!p0 [hbm:s6], $0xF7A  }
0x23: {  	s9 =	sor.u32 $0xD0000000, s2;
	s6 =	simm.s32 $0x108;
	_ =	swait.ge @!p0 [sflag:s8], $0x0  }
0x24: {  	s3 =	sadd.s32 $0x88, s3;
	s6 =	simm.s32 @!p1 $0x1082;
	[sflag:s4] =	ssyncset.s32 $0xFFFFF086  }
0x25: {  	[simem:s6], [sflag:s4] =	dma.local [hbm:s3], $0xF7A  }
0x26: {  	[smem:$0x3F95] =	sst s1;
	(tag) =	ssettag s2;
	_ =	strace s9  }
0x27: {  	s1 =	sld [smem:$0x3FA5]  }
0x28: {  	s2 =	sld [smem:$0x3FA6]  }
0x29: {  	s4 =	sld [smem:$0x3FA8]  }
0x2a: {  	p0 =	seq.s32 s5, $0x0;
	s5 =	sld [smem:$0x3FA9]  }
0x2b: {  	s6 =	sld [smem:$0x3FAA]  }
0x2c: {  	s7 =	sld [smem:$0x3FAB]  }
0x2d: {  	s3 =	simm.s32 $0x108;
	s8 =	sld [smem:$0x3FAC]  }
0x2e: {  	s3 =	simm.s32 @!p0 $0x1082;
	s9 =	sld [smem:$0x3FAD]  }
0x2f: {  	lr =	sadd.s32 s0, s3;
	s0 =	sld [smem:$0x3FA4]  }
0x30: {  	s3 =	sld [smem:$0x3FA7]  }
0x31: {  	[smem:$0x3FB0] =	sst s10  }
0x32: {  	s10 =	sld [smem:$0x3FAE];
	_ =	sdelay $0x3  }
0x33: {  	p0 =	seq.s32 s10, $0x1;
	s10 =	sld [smem:$0x3FB0];
	_ =	sdelay $0x3  }
0x34: {  	[smem:$0x3FB0] =	sst s10  }
0x35: {  	s10 =	sld [smem:$0x3FAF];
	_ =	sdelay $0x3  }
0x36: {  	p1 =	seq.s32 s10, $0x1;
	s10 =	sld [smem:$0x3FB0];
	_ =	sdelay $0x3  }
0x37: {  	[smem:$0x3FB0] =	sst s10  }
0x38: {  	s10 =	sld [smem:$0x3FB1]  }
0x39: {  	_ = 	snop;
	(pc) =	sbr.ind lr, $3  }
0x3a: {  	_ = 	snop  }
0x3b: {  	_ = 	snop  }
0x3c: {  	p2 =	seq.s32 s10, $0x1;
	s10 =	sld [smem:$0x3FB0]  }
0x3d: {  	_ =	shalt  }
0x3e: {  	_ =	shalt  }
0x3f: {  	_ =	shalt  }
0x40: {  	_ =	shalt  }
0x41: {  	_ =	shalt  }
0x42: {  	_ =	shalt  }
0x43: {  	_ =	shalt  }
0x44: {  	_ =	shalt  }
0x45: {  	_ =	shalt  }
0x46: {  	_ =	shalt  }
0x47: {  	_ =	shalt  }
0x48: {  	_ =	shalt  }
0x49: {  	_ =	shalt  }
0x4a: {  	_ =	shalt  }
0x4b: {  	_ =	shalt  }
0x4c: {  	_ =	shalt  }
0x4d: {  	_ =	shalt  }
0x4e: {  	_ =	shalt  }
0x4f: {  	_ =	shalt  }
0x50: {  	_ =	shalt  }
0x51: {  	_ =	shalt  }
0x52: {  	_ =	shalt  }
0x53: {  	_ =	shalt  }
0x54: {  	_ =	shalt  }
0x55: {  	_ =	shalt  }
0x56: {  	_ =	shalt  }
0x57: {  	_ =	shalt  }
0x58: {  	_ =	shalt  }
0x59: {  	_ =	shalt  }
0x5a: {  	_ =	shalt  }
0x5b: {  	_ =	shalt  }
0x5c: {  	_ =	shalt  }
0x5d: {  	_ =	shalt  }
0x5e: {  	_ =	shalt  }
0x5f: {  	_ =	shalt  }
0x60: {  	_ =	shalt  }
0x61: {  	_ =	shalt  }
0x62: {  	_ =	shalt  }
0x63: {  	_ =	shalt  }
0x64: {  	_ =	shalt  }
0x65: {  	_ =	shalt  }
0x66: {  	_ =	shalt  }
0x67: {  	_ =	shalt  }
0x68: {  	_ =	shalt  }
0x69: {  	_ =	shalt  }
0x6a: {  	_ =	shalt  }
0x6b: {  	_ =	shalt  }
0x6c: {  	_ =	shalt  }
0x6d: {  	_ =	shalt  }
0x6e: {  	_ =	shalt  }
0x6f: {  	_ =	shalt  }
0x70: {  	_ =	shalt  }
0x71: {  	_ =	shalt  }
0x72: {  	_ =	shalt  }
0x73: {  	_ =	shalt  }
0x74: {  	_ =	shalt  }
0x75: {  	_ =	shalt  }
0x76: {  	_ =	shalt  }
0x77: {  	_ =	shalt  }
0x78: {  	_ =	shalt  }
0x79: {  	_ =	shalt  }
0x7a: {  	_ =	shalt  }
0x7b: {  	_ =	shalt  }
0x7c: {  	_ =	shalt  }
0x7d: {  	_ =	shalt  }
0x7e: {  	_ =	shalt  }
0x7f: {  	_ =	shalt  }
0x80: {  	_ =	shalt  }
0x81: {  	_ =	shalt  }
0x82: {  	_ =	shalt  }
0x83: {  	_ =	shalt  }
0x84: {  	_ =	shalt  }
0x85: {  	_ =	shalt  }
0x86: {  	_ =	shalt  }
0x87: {  	_ =	shalt  }
.Lfunc_end0:
.L_simem_size_0:
called_computation.2_lowered:
.L_overlay_start_0:
0x88: {  	s2 =	sld [smem:$0x3FD9]  }
0x89: {  	s3 =	sld [smem:$0x3FFE];
	_ =	sdelay $0x1  }
0x8a: {  	s1 =	srdreg.scid  }
0x8b: {  	s0 =	sand.u32 $0x1, s1  }
0x8c: {  	s17 =	sshll.u32 s0, $0xA;
	s2 =	sadd.s32 s3, s2  }
0x8d: {  	s2 =	sadd.s32 s2, s17  }
0x8e: {  	[smem:$0x3FBC] =	sst s2  }
0x8f: {  	_ = 	snop  }
0x90: {  	s2 =	sld [smem:$0x3FD0];
	(tm) =	ssettm $0x1  }
0x91: {  	s18 =	sld [smem:$0x3FFB];
	_ =	sdelay $0x3  }
0x92: {  	_ =	strace s18  }
0x93: {  	s3 =	sld [smem:$0x3FFC];
	_ =	sdelay $0x3  }
0x94: {  	_ =	strace s3  }
0x95: {  	s3 =	sld [smem:$0x3FFD];
	_ =	sdelay $0x3  }
0x96: {  	_ =	strace s3  }
0x97: {  	_ =	strace $0x8FFFFFFF  }
0x98: {  	s19 =	sld [smem:$0x3FDB];
	_ =	sdelay $0x1  }
0x99: {  	s4 =	simm.s32 $_scs_section_size  }
0x9a: {  	s5 =	simm.s32 $_size__tile_overlayer_lowered;
	s6 =	simm.s32 $_tile_overlayer_lowered  }
0x9b: {  	s22 =	simm.s32 $0x1BFF;
	s21 =	sshll.u32 s6, $0x1;
	s3 =	sadd.s32 s4, s19  }
0x9c: {  	s7 =	simm.s32 $0x0;
	s20 =	sshll.u32 s5, $0x1;
	s5 =	sadd.s32 s21, s3  }
0x9d: {  	[timem:s7], [sflag:s22] =	dma.local [hbm:s5], s20  }
0x9e: {  	_ =	swait.ge [sflag:s22], s20  }
0x9f: {  	s4 =	ssub.s32 $0x0, s20;
	[sflag:s22] =	ssyncset.done $0x0  }
0xa0: {  	[sflag:s22] =	ssyncadd.s32 s4;
	_ =	sdelay $0x1  }
0xa1: {  	s23 =	simm.s32 $0x1B8B  }
0xa2: {  	_ =	swait.ge [sflag:s23], $0x1  }
0xa3: {  	[sflag:s23] =	ssyncset.done $0x0  }
0xa4: {  	s25 =	simm.s32 $0x1B8E;
	s24 =	sld [smem:$0x3FFE];
	[sflag:s23] =	ssyncadd.s32 $0xFFFFFFFF  }
0xa5: {  	s26 =	simm.s32 $execute0_lowered;
	[smem:$0x3FD2] =	sst s25  }
0xa6: {  	s5 =	sshll.u32 s26, $0x1;
	_ =	strace $0x8000004C;
	[dreg:$0x1] =	wrdreg $0xFFFFFFFF  }
0xa7: {  	s28 =	simm.s32 $_size_execute0_lowered;
	s3 =	sadd.s32 s3, s5;
	[dreg:$0x0] =	wrdreg $0x0  }
0xa8: {  	s5 =	sshll.u32 s28, $0x1;
	[dreg:$0x2] =	wrdreg s3  }
0xa9: {  	[dreg:$0x3] =	wrdreg s5  }
0xaa: {  	[dreg:$0x4] =	wrdreg $0xC0  }
0xab: {  	_ =	task [dreg:s7], $0x5FFFF  }
0xac: {  	[dreg:$0x1] =	wrdreg $0xFFFFFFFF  }
0xad: {  	[dreg:$0x0] =	wrdreg $0x60  }
0xae: {  	[dreg:$0x2] =	wrdreg s24  }
0xaf: {  	[dreg:$0x3] =	wrdreg s2  }
0xb0: {  	[dreg:$0x4] =	wrdreg $0x0  }
0xb1: {  	[dreg:$0x5] =	wrdreg $0x9  }
0xb2: {  	_ =	task.clear_ibuf [dreg:s7], $0x6FFFF;
	_ =	strace $0x9000004C  }
0xb3: {  	s29 =	simm.s32 $0x9;
	_ =	strace $0x8000004E  }
0xb4: {  	_ =	swait.ge [sflag:s29], $0x1  }
0xb5: {  	[sflag:s29] =	ssyncadd.s32 $0xFFFFFFFF  }
0xb6: {  	_ =	strace $0x9000004E  }
0xb7: {  	_ =	sfence  }
0xb8: {  	s30 =	sld [smem:$0x0];
	_ =	sdelay $0x2  }
0xb9: {  	s31 =	sshll.u32 s1, $0xD;
	s1 =	sshrl.u32 s1, $0x2  }
0xba: {  	s3 =	sand.u32 $0x4000, s31;
	s1 =	sadd.s32 s1, s30  }
0xbb: {  	s0 =	sor.u32 s3, s0;
	s1 =	sshll.u32 s1, $0x11  }
0xbc: {  	s0 =	sor.u32 s1, s0  }
0xbd: {  	s0 =	sadd.s32 $0x8F2B, s0  }
0xbe: {  	[sflag:s0] =	ssyncadd.remote.s32 $0x1  }
0xbf: {  	_ =	sfence.sel $0xFFFF  }
0xc0: {  	[dreg:$0x0] =	wrdreg $0xFFFFFFFF;
	(pc) =	sbr.abs _section_cstart, $3  }
0xc1: {  	[dreg:$0x1] =	wrdreg $0xFFFFFFFF  }
0xc2: {  	_ =	task.clear_ibuf [dreg:s7], $0x2FFFF;
	_ =	strace $0x9FFFFFFF  }
0xc3: {  	(tm) =	ssettm $0x7FFFFFFF  }
tec
execute0_lowered:
.L_overlay_start_1:
0x0: {  	(tag) =	ssettag $0x1  }
0x1: {  	s6 =	rddreg [dreg:$0x0]  }
0x2: {  	s1 =	rddreg [dreg:$0x1]  }
0x3: {  	s3 =	rddreg [dreg:$0x2]  }
0x4: {  	s0 =	rddreg [dreg:$0x3]  }
0x5: {  	s4 =	simm.s32 $0x0;
	s5 =	srdreg.scid;
	s2 =	stileid.u32  }
0x6: {  	s16 =	simm.s32 $0x4;
	s17 =	simm.s32 $0x64;
	s18 =	simm.s32 $0x17800  }
0x7: {  	s19 =	simm.s32 $0x3;
	s20 =	simm.s32 $0x1;
	s21 =	simm.s32 $0x17480  }
0x8: {  	s22 =	simm.s32 $0x2;
	s23 =	simm.s32 $0x0;
	[smem:$0x7FF] =	sst s4  }
0x9: {  	s7 =	sand.u32 $0x1, s5;
	s8 =	smul.u32 $0x2800, s2;
	s5 =	sadd.s32 $0x20600, s6  }
0xa: {  	s10 =	sadd.s32 $0x4600, s6;
	s11 =	sadd.s32 $0x12600, s6;
	s9 =	smul.u32 $0x28000, s7  }
0xb: {  	s25 =	sshll.u32 s2, $0x2;
	s13 =	smul.u32 $0x50000, s2;
	s12 =	sshll.u32 s7, $0x1  }
0xc: {  	s7 =	ssub.s32 $0x2, s7;
	s8 =	sadd.s32 s8, s9;
	s9 =	sor.u32 s12, s25  }
0xd: {  	_ =	strace $0x8000004D;
	s28 =	sshrl.u32 s7, $0x1;
	s29 =	smul.u32 $0x1C00, s9  }
0xe: {  	s30 =	sshrl.u32 s13, $0x2;
	s14 =	ssub.s32 s7, s28;
	s9 =	smul.u32 $0x380, s9  }
.Ltmp0:
0xf: {  	s26 =	sadd.s32 s8, s6;
	s6 =	sshll.u32 s2, $0x6;
	(pc) =	sbr.rel .LBB2_1-.Ltmp0, $4  }
0x10: {  	s15 =	sadd.s32 s30, s3;
	s7 =	sor.u32 $0x1C03, s6;
	s31 =	sshrl.u32 s29, $0x3  }
0x11: {  	s12 =	sadd.s32 $0x47800, s26;
	s8 =	sadd.s32 s10, s9;
	s13 =	sadd.s32 $0x380, s31  }
0x12: {  	s9 =	sadd.s32 s11, s9;
	s10 =	sadd.s32 s10, s13;
	s11 =	sadd.s32 s11, s13  }
0x13: {  	s13 =	smax.u32 s14, $0x1;
	s14 =	sshrl.u32 s15, $0x3;
	s15 =	simm.s32 $0x14000  }
.LBB2_7:
0x14: {  	[spmem:s3] =	stream.indirect.scatter.add.f32 [tilespmem:s29], [sflag:$0x2], $0x80, s21, s17, $0xb8;
	[tilespmem:$0x1E000] =	vst v63  }
0x15: {  	_ =	swait.ge [sflag:s22], $0x3200  }
0x16: {  	s23 =	sadd.s32 $0x1, s23;
	[sflag:s22] =	ssyncset.done $0x0  }
0x17: {  	p0 =	sne.s32 s23, s13;
	[sflag:s22] =	ssyncadd.s32 $0xFFFFCE00  }
.Ltmp1:
0x18: {  	s24 =	sor.u32 $0x1C04, s6;
	[bflag:$0x0] =	sbarrier.arrive $0xFFFF;
	(pc) =	sbr.rel @!p0 .LBB2_8-.Ltmp1, $4  }
0x19: {  	[hbm:s12], [sflag:s24] =	dma.local [spmem:s14], $0x2800  }
0x1a: {  	_ =	swait.ge [sflag:s16], $0x2800  }
0x1b: {  	[sflag:s16] =	ssyncset.done $0x0  }
0x1c: {  	[sflag:s16] =	ssyncadd.s32 $0xFFFFD800  }
.LBB2_1:
0x1d: {  	[spmem:s14], [sflag:s7] =	dma.local [hbm:s1], $0x2800  }
0x1e: {  	[tilespmem:s15], [sflag:$0x4] =	stream.linear.gather [hbm4b:s8+s4], $0x1900, $0x38;
	[tilespmem:$0x1E000] =	vst v63  }
0x1f: {  	_ =	swait.ge [sflag:s16], $0x1900  }
0x20: {  	[sflag:s16] =	ssyncset.done $0x0  }
0x21: {  	s24 =	simm.s32 $0x15C00;
	[sflag:s16] =	ssyncadd.s32 $0xFFFFE700  }
0x22: {  	[tilespmem:s24], [sflag:$0x4] =	stream.linear.gather [hbm4b:s9+s4], $0x1900, $0x38;
	[tilespmem:$0x1E000] =	vst v63  }
0x23: {  	_ =	swait.ge [sflag:s16], $0x1900  }
0x24: {  	[sflag:s16] =	ssyncset.done $0x0  }
0x25: {  	[sflag:s16] =	ssyncadd.s32 $0xFFFFE700  }
0x26: {  	[tilespmem:s18], [sflag:$0x1] =	stream.indirect.gather [hbm4b:s5+s17], $0x80, s15, s17, $0xb8;
	[tilespmem:$0x1E000] =	vst v63  }
0x27: {  	_ =	swait.ge [sflag:s19], $0x2800  }
0x28: {  	[sflag:s19] =	ssyncset.done $0x0  }
0x29: {  	[sflag:s19] =	ssyncadd.s32 $0xFFFFD800  }
0x2a: {  	s25 =	simm.s32 $0x14080;
	s26 =	simm.s32 $0x0;
	[bflag:$0x0] =	sbarrier.arrive $0xFFFF  }
.LBB2_2:
0x2b: {  	p0 =	seq.s32 s26, $0x0  }
0x2c: {  	p1 =	seq.s32 @!p0 s26, $0x31  }
0x2d: {  	_ =	swait.ge [sflag:s20], $0x3200;
	p1 =	por p0, !p1  }
.Ltmp2:
0x2e: {  	s28 =	sand.u32 $0x1, s26;
	[sflag:s20] =	ssyncset.done $0x0;
	(pc) =	sbr.rel @!p1 .LBB2_4-.Ltmp2, $4  }
0x2f: {  	s29 =	smul.u32 $0xD000, s28;
	s30 =	simm.s32 @!p0 $0x2;
	[sflag:s20] =	ssyncadd.s32 $0xFFFFCE00  }
0x30: {  	_ =	swait.ge @!p0 [sflag:s30], $0x3200  }
0x31: {  	s29 =	sshrl.u32 s29, $0x2;
	[sflag:s30] =	ssyncset.done @!p0 $0x0  }
0x32: {  	s29 =	sadd.s32 $0x17800, s29;
	[sflag:s30] =	ssyncadd.s32 @!p0 $0xFFFFCE00  }
0x33: {  	s28 =	sxor.u32 $0x1, s28  }
0x34: {  	s28 =	smul.u32 $0xD000, s28;
	_ =	sdelay $0x1  }
0x35: {  	s28 =	sshrl.u32 s28, $0x2  }
.Ltmp3:
0x36: {  	s28 =	sadd.s32 $0x17800, s28;
	(pc) =	sbr.rel .LBB2_2-.Ltmp3, $4  }
0x37: {  	[tilespmem:s28], [sflag:$0x1] =	stream.indirect.gather [hbm4b:s5+s17], $0x80, s25, s17, $0xb8;
	[tilespmem:$0x1E000] =	vst v63  }
0x38: {  	_ = 	snop  }
0x39: {  	[spmem:s3] =	stream.indirect.scatter.add.f32 [tilespmem:s29], [sflag:$0x2], $0x80, s24, s17, $0xb8;
	[tilespmem:$0x1E000] =	vst v63  }
0x3a: {  	s26 =	sadd.s32 $0x1, s26;
	s25 =	sadd.s32 $0x80, s25;
	s24 =	sadd.s32 $0x80, s24  }
.LBB2_4:
0x3b: {  	[spmem:s3] =	stream.indirect.scatter.add.f32 [tilespmem:s29], [sflag:$0x2], $0x80, s21, s17, $0xb8;
	[tilespmem:$0x1E000] =	vst v63  }
0x3c: {  	_ =	swait.ge [sflag:s22], $0x3200  }
0x3d: {  	[sflag:s22] =	ssyncset.done $0x0  }
0x3e: {  	s24 =	simm.s32 $0x0;
	[sflag:s22] =	ssyncadd.s32 $0xFFFFCE00  }
0x3f: {  	[tilespmem:s15], [sflag:$0x4] =	stream.linear.gather [hbm4b:s10+s24], $0x1900, $0x38;
	[tilespmem:$0x1E000] =	vst v63  }
0x40: {  	_ =	swait.ge [sflag:s16], $0x1900  }
0x41: {  	[sflag:s16] =	ssyncset.done $0x0  }
0x42: {  	s25 =	simm.s32 $0x15C00;
	[sflag:s16] =	ssyncadd.s32 $0xFFFFE700  }
0x43: {  	[tilespmem:s25], [sflag:$0x4] =	stream.linear.gather [hbm4b:s11+s24], $0x1900, $0x38;
	[tilespmem:$0x1E000] =	vst v63  }
0x44: {  	_ =	swait.ge [sflag:s16], $0x1900  }
0x45: {  	[sflag:s16] =	ssyncset.done $0x0  }
0x46: {  	s26 =	simm.s32 $0x14080;
	[sflag:s16] =	ssyncadd.s32 $0xFFFFE700  }
0x47: {  	[tilespmem:s18], [sflag:$0x1] =	stream.indirect.gather [hbm4b:s5+s17], $0x80, s15, s17, $0xb8;
	[tilespmem:$0x1E000] =	vst v63  }
.LBB2_5:
0x48: {  	p0 =	seq.s32 s24, $0x0  }
0x49: {  	p1 =	seq.s32 @!p0 s24, $0x31  }
0x4a: {  	_ =	swait.ge [sflag:s20], $0x3200;
	p1 =	por p0, !p1  }
.Ltmp4:
0x4b: {  	s28 =	sand.u32 $0x1, s24;
	[sflag:s20] =	ssyncset.done $0x0;
	(pc) =	sbr.rel @!p1 .LBB2_7-.Ltmp4, $4  }
0x4c: {  	s29 =	smul.u32 $0xD000, s28;
	s30 =	simm.s32 @!p0 $0x2;
	[sflag:s20] =	ssyncadd.s32 $0xFFFFCE00  }
0x4d: {  	_ =	swait.ge @!p0 [sflag:s30], $0x3200  }
0x4e: {  	s29 =	sshrl.u32 s29, $0x2;
	[sflag:s30] =	ssyncset.done @!p0 $0x0  }
0x4f: {  	s29 =	sadd.s32 $0x17800, s29;
	[sflag:s30] =	ssyncadd.s32 @!p0 $0xFFFFCE00  }
0x50: {  	s28 =	sxor.u32 $0x1, s28  }
0x51: {  	s28 =	smul.u32 $0xD000, s28;
	_ =	sdelay $0x1  }
0x52: {  	s28 =	sshrl.u32 s28, $0x2  }
.Ltmp5:
0x53: {  	s28 =	sadd.s32 $0x17800, s28;
	(pc) =	sbr.rel .LBB2_5-.Ltmp5, $4  }
0x54: {  	[tilespmem:s28], [sflag:$0x1] =	stream.indirect.gather [hbm4b:s5+s17], $0x80, s26, s17, $0xb8;
	[tilespmem:$0x1E000] =	vst v63  }
0x55: {  	_ = 	snop  }
0x56: {  	[spmem:s3] =	stream.indirect.scatter.add.f32 [tilespmem:s29], [sflag:$0x2], $0x80, s25, s17, $0xb8;
	[tilespmem:$0x1E000] =	vst v63  }
0x57: {  	s24 =	sadd.s32 $0x1, s24;
	s26 =	sadd.s32 $0x80, s26;
	s25 =	sadd.s32 $0x80, s25  }
.LBB2_8:
0x58: {  	_ =	sfence.sel $0x180000  }
0x59: {  	[bflag:$0x0] =	sbarrier.arrive $0xFFFF  }
0x5a: {  	p0 =	sne.s32 s2, $0x0;
	_ =	strace $0x9000004D  }
0x5b: {  	s0 =	sadd.s32 @!p0 $0x100000, s0;
	[bflag:$0x2] =	sbarrier.arrive $0xFFFF  }
0x5c: {  	[sflag:s0] =	ssyncadd.tile.s32 @!p0 $0x1;
	_ =	shalt  }
.Lfunc_end2:
_tile_overlayer_lowered:
.L_overlay_start_2:
0x5d: {  	(tag) =	ssettag $0x2  }
0x5e: {  	s0 =	rddreg [dreg:$0x0];
	s2 =	stileid.u32  }
0x5f: {  	s1 =	rddreg [dreg:$0x1];
	p0 =	sne.s32 s2, $0x0  }
0x60: {  	s3 =	rddreg [dreg:$0x2];
	[bflag:$0x3] =	sbarrier.arrive $0xFFFF;
	s2 =	simm.s32 @!p0 $0x1C04  }
0x61: {  	[timem:s3], [sflag:s2] =	dma.local @!p0 [hbm:s0], s1  }
0x62: {  	s0 =	simm.s32 @!p0 $0x4  }
0x63: {  	_ =	swait.ge @!p0 [sflag:s0], s1  }
0x64: {  	s1 =	ssub.s32 @!p0 $0x0, s1;
	[sflag:s0] =	ssyncset.done @!p0 $0x0  }
0x65: {  	[sflag:s0] =	ssyncadd.s32 @!p0 s1  }
0x66: {  	[bflag:$0x3] =	sbarrier.arrive $0xFFFF  }
0x67: {  	_ =	shalt  }

// kernel: kernel.21.cloned.1.call-start
scs
__scs_entry_jumppad:
0x0: {  	(pc) =	sbr.rel $0x88, $3  }
0x1: {  	(tag) =	ssettag $0x0;
	lr =	simm.s32 $0x1  }
0x2: {  	[smem:$0x3F95] =	sst lr;
	_ =	strace $0xD0000000  }
0x3: {  	_ = 	snop  }
0x4: {  	_ = 	snop  }
0x5: {  	_ = 	snop  }
0x6: {  	_ = 	snop  }
0x7: {  	_ = 	snop  }
__scs_overlays_trampoline_lowered:
0x8: {  	[smem:$0x3FA4] =	sst s0  }
0x9: {  	[smem:$0x3FA5] =	sst s1  }
0xa: {  	[smem:$0x3FA6] =	sst s2  }
0xb: {  	[smem:$0x3FA7] =	sst s3  }
0xc: {  	[smem:$0x3FA8] =	sst s4  }
0xd: {  	[smem:$0x3FA9] =	sst s5  }
0xe: {  	[smem:$0x3FAA] =	sst s6  }
0xf: {  	[smem:$0x3FAB] =	sst s7  }
0x10: {  	[smem:$0x3FAC] =	sst s8  }
0x11: {  	[smem:$0x3FAD] =	sst s9;
	s0 =	simm.s32 @!p0 $0x0  }
0x12: {  	s1 =	sld [smem:$0x3F93];
	s0 =	simm.s32 @p0 $0x1  }
0x13: {  	[smem:$0x3FAE] =	sst s0;
	s0 =	simm.s32 @!p1 $0x0  }
0x14: {  	s2 =	sld [smem:$0x3F92];
	s0 =	simm.s32 @p1 $0x1  }
0x15: {  	[smem:$0x3FAF] =	sst s0;
	s0 =	simm.s32 @!p2 $0x0  }
0x16: {  	s3 =	sld [smem:$0x3FDB];
	s0 =	simm.s32 @p2 $0x1  }
0x17: {  	s4 =	simm.s32 $0x1BF5;
	[smem:$0x3FB1] =	sst s0  }
0x18: {  	s0 =	sld [smem:$0x3F94];
	_ =	swait.ge [sflag:s4], $0x0  }
0x19: {  	s7 =	sld [smem:$0x3F95]  }
0x1a: {  	s8 =	sadd.s32 $0xFFFFE003, lr  }
0x1b: {  	s9 =	sadd.s32 $0xFFFFFEF7, lr;
	s5 =	simm.s32 $0xFFFFFFFF;
	p2 =	slt.u32 s8, $0xFFFFF086  }
0x1c: {  	p1 =	slt.u32 s9, $0xF7A;
	s5 =	simm.s32 @!p2 $0x0  }
0x1d: {  	s5 =	simm.s32 @p1 $0x1;
	p0 =	seq.s32 s7, s2  }
0x1e: {  	s7 =	smul.u32 @!p0 $0xF7A, s2;
	p2 =	seq.s32 @!p0 s5, $0x0  }
0x1f: {  	s9 =	smul.u32 $0xF7A, s1;
	s8 =	simm.s32 @!p0 $0x1BF5;
	p2 =	por !p2, p0  }
0x20: {  	[sflag:s8] =	ssyncset.s32 @!p0 $0xFFFFF086;
	s6 =	sadd.s32 @!p0 s3, s7;
	s7 =	simm.s32 @!p0 $0x108  }
0x21: {  	s3 =	sadd.s32 s3, s9;
	s6 =	sadd.s32 @!p0 $0x88, s6;
	s7 =	simm.s32 @p2 $0x1082  }
0x22: {  	[simem:s7], [sflag:s8] =	dma.local @!p0 [hbm:s6], $0xF7A  }
0x23: {  	s9 =	sor.u32 $0xD0000000, s2;
	s6 =	simm.s32 $0x108;
	_ =	swait.ge @!p0 [sflag:s8], $0x0  }
0x24: {  	s3 =	sadd.s32 $0x88, s3;
	s6 =	simm.s32 @!p1 $0x1082;
	[sflag:s4] =	ssyncset.s32 $0xFFFFF086  }
0x25: {  	[simem:s6], [sflag:s4] =	dma.local [hbm:s3], $0xF7A  }
0x26: {  	[smem:$0x3F95] =	sst s1;
	(tag) =	ssettag s2;
	_ =	strace s9  }
0x27: {  	s1 =	sld [smem:$0x3FA5]  }
0x28: {  	s2 =	sld [smem:$0x3FA6]  }
0x29: {  	s4 =	sld [smem:$0x3FA8]  }
0x2a: {  	p0 =	seq.s32 s5, $0x0;
	s5 =	sld [smem:$0x3FA9]  }
0x2b: {  	s6 =	sld [smem:$0x3FAA]  }
0x2c: {  	s7 =	sld [smem:$0x3FAB]  }
0x2d: {  	s3 =	simm.s32 $0x108;
	s8 =	sld [smem:$0x3FAC]  }
0x2e: {  	s3 =	simm.s32 @!p0 $0x1082;
	s9 =	sld [smem:$0x3FAD]  }
0x2f: {  	lr =	sadd.s32 s0, s3;
	s0 =	sld [smem:$0x3FA4]  }
0x30: {  	s3 =	sld [smem:$0x3FA7]  }
0x31: {  	[smem:$0x3FB0] =	sst s10  }
0x32: {  	s10 =	sld [smem:$0x3FAE];
	_ =	sdelay $0x3  }
0x33: {  	p0 =	seq.s32 s10, $0x1;
	s10 =	sld [smem:$0x3FB0];
	_ =	sdelay $0x3  }
0x34: {  	[smem:$0x3FB0] =	sst s10  }
0x35: {  	s10 =	sld [smem:$0x3FAF];
	_ =	sdelay $0x3  }
0x36: {  	p1 =	seq.s32 s10, $0x1;
	s10 =	sld [smem:$0x3FB0];
	_ =	sdelay $0x3  }
0x37: {  	[smem:$0x3FB0] =	sst s10  }
0x38: {  	s10 =	sld [smem:$0x3FB1]  }
0x39: {  	_ = 	snop;
	(pc) =	sbr.ind lr, $3  }
0x3a: {  	_ = 	snop  }
0x3b: {  	_ = 	snop  }
0x3c: {  	p2 =	seq.s32 s10, $0x1;
	s10 =	sld [smem:$0x3FB0]  }
0x3d: {  	_ =	shalt  }
0x3e: {  	_ =	shalt  }
0x3f: {  	_ =	shalt  }
0x40: {  	_ =	shalt  }
0x41: {  	_ =	shalt  }
0x42: {  	_ =	shalt  }
0x43: {  	_ =	shalt  }
0x44: {  	_ =	shalt  }
0x45: {  	_ =	shalt  }
0x46: {  	_ =	shalt  }
0x47: {  	_ =	shalt  }
0x48: {  	_ =	shalt  }
0x49: {  	_ =	shalt  }
0x4a: {  	_ =	shalt  }
0x4b: {  	_ =	shalt  }
0x4c: {  	_ =	shalt  }
0x4d: {  	_ =	shalt  }
0x4e: {  	_ =	shalt  }
0x4f: {  	_ =	shalt  }
0x50: {  	_ =	shalt  }
0x51: {  	_ =	shalt  }
0x52: {  	_ =	shalt  }
0x53: {  	_ =	shalt  }
0x54: {  	_ =	shalt  }
0x55: {  	_ =	shalt  }
0x56: {  	_ =	shalt  }
0x57: {  	_ =	shalt  }
0x58: {  	_ =	shalt  }
0x59: {  	_ =	shalt  }
0x5a: {  	_ =	shalt  }
0x5b: {  	_ =	shalt  }
0x5c: {  	_ =	shalt  }
0x5d: {  	_ =	shalt  }
0x5e: {  	_ =	shalt  }
0x5f: {  	_ =	shalt  }
0x60: {  	_ =	shalt  }
0x61: {  	_ =	shalt  }
0x62: {  	_ =	shalt  }
0x63: {  	_ =	shalt  }
0x64: {  	_ =	shalt  }
0x65: {  	_ =	shalt  }
0x66: {  	_ =	shalt  }
0x67: {  	_ =	shalt  }
0x68: {  	_ =	shalt  }
0x69: {  	_ =	shalt  }
0x6a: {  	_ =	shalt  }
0x6b: {  	_ =	shalt  }
0x6c: {  	_ =	shalt  }
0x6d: {  	_ =	shalt  }
0x6e: {  	_ =	shalt  }
0x6f: {  	_ =	shalt  }
0x70: {  	_ =	shalt  }
0x71: {  	_ =	shalt  }
0x72: {  	_ =	shalt  }
0x73: {  	_ =	shalt  }
0x74: {  	_ =	shalt  }
0x75: {  	_ =	shalt  }
0x76: {  	_ =	shalt  }
0x77: {  	_ =	shalt  }
0x78: {  	_ =	shalt  }
0x79: {  	_ =	shalt  }
0x7a: {  	_ =	shalt  }
0x7b: {  	_ =	shalt  }
0x7c: {  	_ =	shalt  }
0x7d: {  	_ =	shalt  }
0x7e: {  	_ =	shalt  }
0x7f: {  	_ =	shalt  }
0x80: {  	_ =	shalt  }
0x81: {  	_ =	shalt  }
0x82: {  	_ =	shalt  }
0x83: {  	_ =	shalt  }
0x84: {  	_ =	shalt  }
0x85: {  	_ =	shalt  }
0x86: {  	_ =	shalt  }
0x87: {  	_ =	shalt  }
.Lfunc_end0:
.L_simem_size_0:
called_computation.3_lowered:
.L_overlay_start_0:
0x88: {  	s2 =	sld [smem:$0x3FD9]  }
0x89: {  	s3 =	sld [smem:$0x3FFE];
	_ =	sdelay $0x1  }
0x8a: {  	s1 =	srdreg.scid  }
0x8b: {  	s0 =	sand.u32 $0x1, s1  }
0x8c: {  	s17 =	sshll.u32 s0, $0xA;
	s2 =	sadd.s32 s3, s2  }
0x8d: {  	s2 =	sadd.s32 s2, s17  }
0x8e: {  	[smem:$0x3FBC] =	sst s2  }
0x8f: {  	_ = 	snop  }
0x90: {  	s2 =	sld [smem:$0x3FD0];
	(tm) =	ssettm $0x1  }
0x91: {  	s18 =	sld [smem:$0x3FFB];
	_ =	sdelay $0x3  }
0x92: {  	_ =	strace s18  }
0x93: {  	s3 =	sld [smem:$0x3FFC];
	_ =	sdelay $0x3  }
0x94: {  	_ =	strace s3  }
0x95: {  	s3 =	sld [smem:$0x3FFD];
	_ =	sdelay $0x3  }
0x96: {  	_ =	strace s3  }
0x97: {  	_ =	strace $0x8FFFFFFF  }
0x98: {  	s19 =	sld [smem:$0x3FDB];
	_ =	sdelay $0x1  }
0x99: {  	s4 =	simm.s32 $_scs_section_size  }
0x9a: {  	s5 =	simm.s32 $_size__tile_overlayer_lowered;
	s6 =	simm.s32 $_tile_overlayer_lowered  }
0x9b: {  	s22 =	simm.s32 $0x1BFF;
	s21 =	sshll.u32 s6, $0x1;
	s3 =	sadd.s32 s4, s19  }
0x9c: {  	s7 =	simm.s32 $0x0;
	s20 =	sshll.u32 s5, $0x1;
	s5 =	sadd.s32 s21, s3  }
0x9d: {  	[timem:s7], [sflag:s22] =	dma.local [hbm:s5], s20  }
0x9e: {  	_ =	swait.ge [sflag:s22], s20  }
0x9f: {  	s4 =	ssub.s32 $0x0, s20;
	[sflag:s22] =	ssyncset.done $0x0  }
0xa0: {  	[sflag:s22] =	ssyncadd.s32 s4;
	_ =	sdelay $0x1  }
0xa1: {  	s23 =	simm.s32 $0x1B8B  }
0xa2: {  	_ =	swait.ge [sflag:s23], $0x1  }
0xa3: {  	[sflag:s23] =	ssyncset.done $0x0  }
0xa4: {  	s25 =	simm.s32 $0x1B8E;
	s24 =	sld [smem:$0x3FFE];
	[sflag:s23] =	ssyncadd.s32 $0xFFFFFFFF  }
0xa5: {  	s26 =	simm.s32 $execute0_lowered;
	[smem:$0x3FD2] =	sst s25  }
0xa6: {  	s5 =	sshll.u32 s26, $0x1;
	_ =	strace $0x8000004F;
	[dreg:$0x1] =	wrdreg $0xFFFFFFFF  }
0xa7: {  	s28 =	simm.s32 $_size_execute0_lowered;
	s3 =	sadd.s32 s3, s5;
	[dreg:$0x0] =	wrdreg $0x0  }
0xa8: {  	s5 =	sshll.u32 s28, $0x1;
	[dreg:$0x2] =	wrdreg s3  }
0xa9: {  	[dreg:$0x3] =	wrdreg s5  }
0xaa: {  	[dreg:$0x4] =	wrdreg $0xC0  }
0xab: {  	_ =	task [dreg:s7], $0x5FFFF  }
0xac: {  	[dreg:$0x1] =	wrdreg $0xFFFFFFFF  }
0xad: {  	[dreg:$0x0] =	wrdreg $0x60  }
0xae: {  	[dreg:$0x2] =	wrdreg s24  }
0xaf: {  	[dreg:$0x3] =	wrdreg s2  }
0xb0: {  	[dreg:$0x4] =	wrdreg $0x0  }
0xb1: {  	[dreg:$0x5] =	wrdreg $0x9  }
0xb2: {  	_ =	task.clear_ibuf [dreg:s7], $0x6FFFF;
	_ =	strace $0x9000004F  }
0xb3: {  	s29 =	simm.s32 $0x9;
	_ =	strace $0x80000051  }
0xb4: {  	_ =	swait.ge [sflag:s29], $0x1  }
0xb5: {  	[sflag:s29] =	ssyncadd.s32 $0xFFFFFFFF  }
0xb6: {  	_ =	strace $0x90000051  }
0xb7: {  	_ =	sfence  }
0xb8: {  	s30 =	sld [smem:$0x0];
	_ =	sdelay $0x2  }
0xb9: {  	s31 =	sshll.u32 s1, $0xD;
	s1 =	sshrl.u32 s1, $0x2  }
0xba: {  	s3 =	sand.u32 $0x4000, s31;
	s1 =	sadd.s32 s1, s30  }
0xbb: {  	s0 =	sor.u32 s3, s0;
	s1 =	sshll.u32 s1, $0x11  }
0xbc: {  	s0 =	sor.u32 s1, s0  }
0xbd: {  	s0 =	sadd.s32 $0x8F2B, s0  }
0xbe: {  	[sflag:s0] =	ssyncadd.remote.s32 $0x1  }
0xbf: {  	_ =	sfence.sel $0xFFFF  }
0xc0: {  	[dreg:$0x0] =	wrdreg $0xFFFFFFFF;
	(pc) =	sbr.abs _section_cstart, $3  }
0xc1: {  	[dreg:$0x1] =	wrdreg $0xFFFFFFFF  }
0xc2: {  	_ =	task.clear_ibuf [dreg:s7], $0x2FFFF;
	_ =	strace $0x9FFFFFFF  }
0xc3: {  	(tm) =	ssettm $0x7FFFFFFF  }
tec
execute0_lowered:
.L_overlay_start_1:
0x0: {  	(tag) =	ssettag $0x1  }
0x1: {  	s6 =	rddreg [dreg:$0x0]  }
0x2: {  	s1 =	rddreg [dreg:$0x1]  }
0x3: {  	s3 =	rddreg [dreg:$0x2]  }
0x4: {  	s0 =	rddreg [dreg:$0x3]  }
0x5: {  	s4 =	simm.s32 $0x0;
	s5 =	srdreg.scid;
	s2 =	stileid.u32  }
0x6: {  	s16 =	simm.s32 $0x4;
	s17 =	simm.s32 $0x64;
	s18 =	simm.s32 $0x17800  }
0x7: {  	s19 =	simm.s32 $0x3;
	s20 =	simm.s32 $0x1;
	s21 =	simm.s32 $0x17480  }
0x8: {  	s22 =	simm.s32 $0x2;
	s23 =	simm.s32 $0x0;
	[smem:$0x7FF] =	sst s4  }
0x9: {  	s7 =	sand.u32 $0x1, s5;
	s8 =	smul.u32 $0x2800, s2;
	s5 =	sadd.s32 $0x20600, s6  }
0xa: {  	s10 =	sadd.s32 $0x4600, s6;
	s11 =	sadd.s32 $0x12600, s6;
	s9 =	smul.u32 $0x28000, s7  }
0xb: {  	s25 =	sshll.u32 s2, $0x2;
	s13 =	smul.u32 $0x50000, s2;
	s12 =	sshll.u32 s7, $0x1  }
0xc: {  	s7 =	ssub.s32 $0x2, s7;
	s8 =	sadd.s32 s8, s9;
	s9 =	sor.u32 s12, s25  }
0xd: {  	_ =	strace $0x80000050;
	s28 =	sshrl.u32 s7, $0x1;
	s29 =	smul.u32 $0x1C00, s9  }
0xe: {  	s30 =	sshrl.u32 s13, $0x2;
	s14 =	ssub.s32 s7, s28;
	s9 =	smul.u32 $0x380, s9  }
.Ltmp0:
0xf: {  	s26 =	sadd.s32 s8, s6;
	s6 =	sshll.u32 s2, $0x6;
	(pc) =	sbr.rel .LBB2_1-.Ltmp0, $4  }
0x10: {  	s15 =	sadd.s32 s30, s3;
	s7 =	sor.u32 $0x1C03, s6;
	s31 =	sshrl.u32 s29, $0x3  }
0x11: {  	s12 =	sadd.s32 $0x47800, s26;
	s8 =	sadd.s32 s10, s9;
	s13 =	sadd.s32 $0x380, s31  }
0x12: {  	s9 =	sadd.s32 s11, s9;
	s10 =	sadd.s32 s10, s13;
	s11 =	sadd.s32 s11, s13  }
0x13: {  	s13 =	smax.u32 s14, $0x1;
	s14 =	sshrl.u32 s15, $0x3;
	s15 =	simm.s32 $0x14000  }
.LBB2_7:
0x14: {  	[spmem:s3] =	stream.indirect.scatter.add.f32 [tilespmem:s29], [sflag:$0x2], $0x80, s21, s17, $0xb8;
	[tilespmem:$0x1E000] =	vst v63  }
0x15: {  	_ =	swait.ge [sflag:s22], $0x3200  }
0x16: {  	s23 =	sadd.s32 $0x1, s23;
	[sflag:s22] =	ssyncset.done $0x0  }
0x17: {  	p0 =	sne.s32 s23, s13;
	[sflag:s22] =	ssyncadd.s32 $0xFFFFCE00  }
.Ltmp1:
0x18: {  	s24 =	sor.u32 $0x1C04, s6;
	[bflag:$0x0] =	sbarrier.arrive $0xFFFF;
	(pc) =	sbr.rel @!p0 .LBB2_8-.Ltmp1, $4  }
0x19: {  	[hbm:s12], [sflag:s24] =	dma.local [spmem:s14], $0x2800  }
0x1a: {  	_ =	swait.ge [sflag:s16], $0x2800  }
0x1b: {  	[sflag:s16] =	ssyncset.done $0x0  }
0x1c: {  	[sflag:s16] =	ssyncadd.s32 $0xFFFFD800  }
.LBB2_1:
0x1d: {  	[spmem:s14], [sflag:s7] =	dma.local [hbm:s1], $0x2800  }
0x1e: {  	[tilespmem:s15], [sflag:$0x4] =	stream.linear.gather [hbm4b:s8+s4], $0x1900, $0x38;
	[tilespmem:$0x1E000] =	vst v63  }
0x1f: {  	_ =	swait.ge [sflag:s16], $0x1900  }
0x20: {  	[sflag:s16] =	ssyncset.done $0x0  }
0x21: {  	s24 =	simm.s32 $0x15C00;
	[sflag:s16] =	ssyncadd.s32 $0xFFFFE700  }
0x22: {  	[tilespmem:s24], [sflag:$0x4] =	stream.linear.gather [hbm4b:s9+s4], $0x1900, $0x38;
	[tilespmem:$0x1E000] =	vst v63  }
0x23: {  	_ =	swait.ge [sflag:s16], $0x1900  }
0x24: {  	[sflag:s16] =	ssyncset.done $0x0  }
0x25: {  	[sflag:s16] =	ssyncadd.s32 $0xFFFFE700  }
0x26: {  	[tilespmem:s18], [sflag:$0x1] =	stream.indirect.gather [hbm4b:s5+s17], $0x80, s15, s17, $0xb8;
	[tilespmem:$0x1E000] =	vst v63  }
0x27: {  	_ =	swait.ge [sflag:s19], $0x2800  }
0x28: {  	[sflag:s19] =	ssyncset.done $0x0  }
0x29: {  	[sflag:s19] =	ssyncadd.s32 $0xFFFFD800  }
0x2a: {  	s25 =	simm.s32 $0x14080;
	s26 =	simm.s32 $0x0;
	[bflag:$0x0] =	sbarrier.arrive $0xFFFF  }
.LBB2_2:
0x2b: {  	p0 =	seq.s32 s26, $0x0  }
0x2c: {  	p1 =	seq.s32 @!p0 s26, $0x31  }
0x2d: {  	_ =	swait.ge [sflag:s20], $0x3200;
	p1 =	por p0, !p1  }
.Ltmp2:
0x2e: {  	s28 =	sand.u32 $0x1, s26;
	[sflag:s20] =	ssyncset.done $0x0;
	(pc) =	sbr.rel @!p1 .LBB2_4-.Ltmp2, $4  }
0x2f: {  	s29 =	smul.u32 $0xD000, s28;
	s30 =	simm.s32 @!p0 $0x2;
	[sflag:s20] =	ssyncadd.s32 $0xFFFFCE00  }
0x30: {  	_ =	swait.ge @!p0 [sflag:s30], $0x3200  }
0x31: {  	s29 =	sshrl.u32 s29, $0x2;
	[sflag:s30] =	ssyncset.done @!p0 $0x0  }
0x32: {  	s29 =	sadd.s32 $0x17800, s29;
	[sflag:s30] =	ssyncadd.s32 @!p0 $0xFFFFCE00  }
0x33: {  	s28 =	sxor.u32 $0x1, s28  }
0x34: {  	s28 =	smul.u32 $0xD000, s28;
	_ =	sdelay $0x1  }
0x35: {  	s28 =	sshrl.u32 s28, $0x2  }
.Ltmp3:
0x36: {  	s28 =	sadd.s32 $0x17800, s28;
	(pc) =	sbr.rel .LBB2_2-.Ltmp3, $4  }
0x37: {  	[tilespmem:s28], [sflag:$0x1] =	stream.indirect.gather [hbm4b:s5+s17], $0x80, s25, s17, $0xb8;
	[tilespmem:$0x1E000] =	vst v63  }
0x38: {  	_ = 	snop  }
0x39: {  	[spmem:s3] =	stream.indirect.scatter.add.f32 [tilespmem:s29], [sflag:$0x2], $0x80, s24, s17, $0xb8;
	[tilespmem:$0x1E000] =	vst v63  }
0x3a: {  	s26 =	sadd.s32 $0x1, s26;
	s25 =	sadd.s32 $0x80, s25;
	s24 =	sadd.s32 $0x80, s24  }
.LBB2_4:
0x3b: {  	[spmem:s3] =	stream.indirect.scatter.add.f32 [tilespmem:s29], [sflag:$0x2], $0x80, s21, s17, $0xb8;
	[tilespmem:$0x1E000] =	vst v63  }
0x3c: {  	_ =	swait.ge [sflag:s22], $0x3200  }
0x3d: {  	[sflag:s22] =	ssyncset.done $0x0  }
0x3e: {  	s24 =	simm.s32 $0x0;
	[sflag:s22] =	ssyncadd.s32 $0xFFFFCE00  }
0x3f: {  	[tilespmem:s15], [sflag:$0x4] =	stream.linear.gather [hbm4b:s10+s24], $0x1900, $0x38;
	[tilespmem:$0x1E000] =	vst v63  }
0x40: {  	_ =	swait.ge [sflag:s16], $0x1900  }
0x41: {  	[sflag:s16] =	ssyncset.done $0x0  }
0x42: {  	s25 =	simm.s32 $0x15C00;
	[sflag:s16] =	ssyncadd.s32 $0xFFFFE700  }
0x43: {  	[tilespmem:s25], [sflag:$0x4] =	stream.linear.gather [hbm4b:s11+s24], $0x1900, $0x38;
	[tilespmem:$0x1E000] =	vst v63  }
0x44: {  	_ =	swait.ge [sflag:s16], $0x1900  }
0x45: {  	[sflag:s16] =	ssyncset.done $0x0  }
0x46: {  	s26 =	simm.s32 $0x14080;
	[sflag:s16] =	ssyncadd.s32 $0xFFFFE700  }
0x47: {  	[tilespmem:s18], [sflag:$0x1] =	stream.indirect.gather [hbm4b:s5+s17], $0x80, s15, s17, $0xb8;
	[tilespmem:$0x1E000] =	vst v63  }
.LBB2_5:
0x48: {  	p0 =	seq.s32 s24, $0x0  }
0x49: {  	p1 =	seq.s32 @!p0 s24, $0x31  }
0x4a: {  	_ =	swait.ge [sflag:s20], $0x3200;
	p1 =	por p0, !p1  }
.Ltmp4:
0x4b: {  	s28 =	sand.u32 $0x1, s24;
	[sflag:s20] =	ssyncset.done $0x0;
	(pc) =	sbr.rel @!p1 .LBB2_7-.Ltmp4, $4  }
0x4c: {  	s29 =	smul.u32 $0xD000, s28;
	s30 =	simm.s32 @!p0 $0x2;
	[sflag:s20] =	ssyncadd.s32 $0xFFFFCE00  }
0x4d: {  	_ =	swait.ge @!p0 [sflag:s30], $0x3200  }
0x4e: {  	s29 =	sshrl.u32 s29, $0x2;
	[sflag:s30] =	ssyncset.done @!p0 $0x0  }
0x4f: {  	s29 =	sadd.s32 $0x17800, s29;
	[sflag:s30] =	ssyncadd.s32 @!p0 $0xFFFFCE00  }
0x50: {  	s28 =	sxor.u32 $0x1, s28  }
0x51: {  	s28 =	smul.u32 $0xD000, s28;
	_ =	sdelay $0x1  }
0x52: {  	s28 =	sshrl.u32 s28, $0x2  }
.Ltmp5:
0x53: {  	s28 =	sadd.s32 $0x17800, s28;
	(pc) =	sbr.rel .LBB2_5-.Ltmp5, $4  }
0x54: {  	[tilespmem:s28], [sflag:$0x1] =	stream.indirect.gather [hbm4b:s5+s17], $0x80, s26, s17, $0xb8;
	[tilespmem:$0x1E000] =	vst v63  }
0x55: {  	_ = 	snop  }
0x56: {  	[spmem:s3] =	stream.indirect.scatter.add.f32 [tilespmem:s29], [sflag:$0x2], $0x80, s25, s17, $0xb8;
	[tilespmem:$0x1E000] =	vst v63  }
0x57: {  	s24 =	sadd.s32 $0x1, s24;
	s26 =	sadd.s32 $0x80, s26;
	s25 =	sadd.s32 $0x80, s25  }
.LBB2_8:
0x58: {  	_ =	sfence.sel $0x180000  }
0x59: {  	[bflag:$0x0] =	sbarrier.arrive $0xFFFF  }
0x5a: {  	p0 =	sne.s32 s2, $0x0;
	_ =	strace $0x90000050  }
0x5b: {  	s0 =	sadd.s32 @!p0 $0x100000, s0;
	[bflag:$0x2] =	sbarrier.arrive $0xFFFF  }
0x5c: {  	[sflag:s0] =	ssyncadd.tile.s32 @!p0 $0x1;
	_ =	shalt  }
.Lfunc_end2:
_tile_overlayer_lowered:
.L_overlay_start_2:
0x5d: {  	(tag) =	ssettag $0x2  }
0x5e: {  	s0 =	rddreg [dreg:$0x0];
	s2 =	stileid.u32  }
0x5f: {  	s1 =	rddreg [dreg:$0x1];
	p0 =	sne.s32 s2, $0x0  }
0x60: {  	s3 =	rddreg [dreg:$0x2];
	[bflag:$0x3] =	sbarrier.arrive $0xFFFF;
	s2 =	simm.s32 @!p0 $0x1C04  }
0x61: {  	[timem:s3], [sflag:s2] =	dma.local @!p0 [hbm:s0], s1  }
0x62: {  	s0 =	simm.s32 @!p0 $0x4  }
0x63: {  	_ =	swait.ge @!p0 [sflag:s0], s1  }
0x64: {  	s1 =	ssub.s32 @!p0 $0x0, s1;
	[sflag:s0] =	ssyncset.done @!p0 $0x0  }
0x65: {  	[sflag:s0] =	ssyncadd.s32 @!p0 s1  }
0x66: {  	[bflag:$0x3] =	sbarrier.arrive $0xFFFF  }
0x67: {  	_ =	shalt  }

// kernel: kernel.24.cloned.1.call-start
scs
__scs_entry_jumppad:
0x0: {  	(pc) =	sbr.rel $0x88, $3  }
0x1: {  	(tag) =	ssettag $0x0;
	lr =	simm.s32 $0x1  }
0x2: {  	[smem:$0x3F95] =	sst lr;
	_ =	strace $0xD0000000  }
0x3: {  	_ = 	snop  }
0x4: {  	_ = 	snop  }
0x5: {  	_ = 	snop  }
0x6: {  	_ = 	snop  }
0x7: {  	_ = 	snop  }
__scs_overlays_trampoline_lowered:
0x8: {  	[smem:$0x3FA4] =	sst s0  }
0x9: {  	[smem:$0x3FA5] =	sst s1  }
0xa: {  	[smem:$0x3FA6] =	sst s2  }
0xb: {  	[smem:$0x3FA7] =	sst s3  }
0xc: {  	[smem:$0x3FA8] =	sst s4  }
0xd: {  	[smem:$0x3FA9] =	sst s5  }
0xe: {  	[smem:$0x3FAA] =	sst s6  }
0xf: {  	[smem:$0x3FAB] =	sst s7  }
0x10: {  	[smem:$0x3FAC] =	sst s8  }
0x11: {  	[smem:$0x3FAD] =	sst s9;
	s0 =	simm.s32 @!p0 $0x0  }
0x12: {  	s1 =	sld [smem:$0x3F93];
	s0 =	simm.s32 @p0 $0x1  }
0x13: {  	[smem:$0x3FAE] =	sst s0;
	s0 =	simm.s32 @!p1 $0x0  }
0x14: {  	s2 =	sld [smem:$0x3F92];
	s0 =	simm.s32 @p1 $0x1  }
0x15: {  	[smem:$0x3FAF] =	sst s0;
	s0 =	simm.s32 @!p2 $0x0  }
0x16: {  	s3 =	sld [smem:$0x3FDB];
	s0 =	simm.s32 @p2 $0x1  }
0x17: {  	s4 =	simm.s32 $0x1BF5;
	[smem:$0x3FB1] =	sst s0  }
0x18: {  	s0 =	sld [smem:$0x3F94];
	_ =	swait.ge [sflag:s4], $0x0  }
0x19: {  	s7 =	sld [smem:$0x3F95]  }
0x1a: {  	s8 =	sadd.s32 $0xFFFFE003, lr  }
0x1b: {  	s9 =	sadd.s32 $0xFFFFFEF7, lr;
	s5 =	simm.s32 $0xFFFFFFFF;
	p2 =	slt.u32 s8, $0xFFFFF086  }
0x1c: {  	p1 =	slt.u32 s9, $0xF7A;
	s5 =	simm.s32 @!p2 $0x0  }
0x1d: {  	s5 =	simm.s32 @p1 $0x1;
	p0 =	seq.s32 s7, s2  }
0x1e: {  	s7 =	smul.u32 @!p0 $0xF7A, s2;
	p2 =	seq.s32 @!p0 s5, $0x0  }
0x1f: {  	s9 =	smul.u32 $0xF7A, s1;
	s8 =	simm.s32 @!p0 $0x1BF5;
	p2 =	por !p2, p0  }
0x20: {  	[sflag:s8] =	ssyncset.s32 @!p0 $0xFFFFF086;
	s6 =	sadd.s32 @!p0 s3, s7;
	s7 =	simm.s32 @!p0 $0x108  }
0x21: {  	s3 =	sadd.s32 s3, s9;
	s6 =	sadd.s32 @!p0 $0x88, s6;
	s7 =	simm.s32 @p2 $0x1082  }
0x22: {  	[simem:s7], [sflag:s8] =	dma.local @!p0 [hbm:s6], $0xF7A  }
0x23: {  	s9 =	sor.u32 $0xD0000000, s2;
	s6 =	simm.s32 $0x108;
	_ =	swait.ge @!p0 [sflag:s8], $0x0  }
0x24: {  	s3 =	sadd.s32 $0x88, s3;
	s6 =	simm.s32 @!p1 $0x1082;
	[sflag:s4] =	ssyncset.s32 $0xFFFFF086  }
0x25: {  	[simem:s6], [sflag:s4] =	dma.local [hbm:s3], $0xF7A  }
0x26: {  	[smem:$0x3F95] =	sst s1;
	(tag) =	ssettag s2;
	_ =	strace s9  }
0x27: {  	s1 =	sld [smem:$0x3FA5]  }
0x28: {  	s2 =	sld [smem:$0x3FA6]  }
0x29: {  	s4 =	sld [smem:$0x3FA8]  }
0x2a: {  	p0 =	seq.s32 s5, $0x0;
	s5 =	sld [smem:$0x3FA9]  }
0x2b: {  	s6 =	sld [smem:$0x3FAA]  }
0x2c: {  	s7 =	sld [smem:$0x3FAB]  }
0x2d: {  	s3 =	simm.s32 $0x108;
	s8 =	sld [smem:$0x3FAC]  }
0x2e: {  	s3 =	simm.s32 @!p0 $0x1082;
	s9 =	sld [smem:$0x3FAD]  }
0x2f: {  	lr =	sadd.s32 s0, s3;
	s0 =	sld [smem:$0x3FA4]  }
0x30: {  	s3 =	sld [smem:$0x3FA7]  }
0x31: {  	[smem:$0x3FB0] =	sst s10  }
0x32: {  	s10 =	sld [smem:$0x3FAE];
	_ =	sdelay $0x3  }
0x33: {  	p0 =	seq.s32 s10, $0x1;
	s10 =	sld [smem:$0x3FB0];
	_ =	sdelay $0x3  }
0x34: {  	[smem:$0x3FB0] =	sst s10  }
0x35: {  	s10 =	sld [smem:$0x3FAF];
	_ =	sdelay $0x3  }
0x36: {  	p1 =	seq.s32 s10, $0x1;
	s10 =	sld [smem:$0x3FB0];
	_ =	sdelay $0x3  }
0x37: {  	[smem:$0x3FB0] =	sst s10  }
0x38: {  	s10 =	sld [smem:$0x3FB1]  }
0x39: {  	_ = 	snop;
	(pc) =	sbr.ind lr, $3  }
0x3a: {  	_ = 	snop  }
0x3b: {  	_ = 	snop  }
0x3c: {  	p2 =	seq.s32 s10, $0x1;
	s10 =	sld [smem:$0x3FB0]  }
0x3d: {  	_ =	shalt  }
0x3e: {  	_ =	shalt  }
0x3f: {  	_ =	shalt  }
0x40: {  	_ =	shalt  }
0x41: {  	_ =	shalt  }
0x42: {  	_ =	shalt  }
0x43: {  	_ =	shalt  }
0x44: {  	_ =	shalt  }
0x45: {  	_ =	shalt  }
0x46: {  	_ =	shalt  }
0x47: {  	_ =	shalt  }
0x48: {  	_ =	shalt  }
0x49: {  	_ =	shalt  }
0x4a: {  	_ =	shalt  }
0x4b: {  	_ =	shalt  }
0x4c: {  	_ =	shalt  }
0x4d: {  	_ =	shalt  }
0x4e: {  	_ =	shalt  }
0x4f: {  	_ =	shalt  }
0x50: {  	_ =	shalt  }
0x51: {  	_ =	shalt  }
0x52: {  	_ =	shalt  }
0x53: {  	_ =	shalt  }
0x54: {  	_ =	shalt  }
0x55: {  	_ =	shalt  }
0x56: {  	_ =	shalt  }
0x57: {  	_ =	shalt  }
0x58: {  	_ =	shalt  }
0x59: {  	_ =	shalt  }
0x5a: {  	_ =	shalt  }
0x5b: {  	_ =	shalt  }
0x5c: {  	_ =	shalt  }
0x5d: {  	_ =	shalt  }
0x5e: {  	_ =	shalt  }
0x5f: {  	_ =	shalt  }
0x60: {  	_ =	shalt  }
0x61: {  	_ =	shalt  }
0x62: {  	_ =	shalt  }
0x63: {  	_ =	shalt  }
0x64: {  	_ =	shalt  }
0x65: {  	_ =	shalt  }
0x66: {  	_ =	shalt  }
0x67: {  	_ =	shalt  }
0x68: {  	_ =	shalt  }
0x69: {  	_ =	shalt  }
0x6a: {  	_ =	shalt  }
0x6b: {  	_ =	shalt  }
0x6c: {  	_ =	shalt  }
0x6d: {  	_ =	shalt  }
0x6e: {  	_ =	shalt  }
0x6f: {  	_ =	shalt  }
0x70: {  	_ =	shalt  }
0x71: {  	_ =	shalt  }
0x72: {  	_ =	shalt  }
0x73: {  	_ =	shalt  }
0x74: {  	_ =	shalt  }
0x75: {  	_ =	shalt  }
0x76: {  	_ =	shalt  }
0x77: {  	_ =	shalt  }
0x78: {  	_ =	shalt  }
0x79: {  	_ =	shalt  }
0x7a: {  	_ =	shalt  }
0x7b: {  	_ =	shalt  }
0x7c: {  	_ =	shalt  }
0x7d: {  	_ =	shalt  }
0x7e: {  	_ =	shalt  }
0x7f: {  	_ =	shalt  }
0x80: {  	_ =	shalt  }
0x81: {  	_ =	shalt  }
0x82: {  	_ =	shalt  }
0x83: {  	_ =	shalt  }
0x84: {  	_ =	shalt  }
0x85: {  	_ =	shalt  }
0x86: {  	_ =	shalt  }
0x87: {  	_ =	shalt  }
.Lfunc_end0:
.L_simem_size_0:
called_computation.4_lowered:
.L_overlay_start_0:
0x88: {  	s2 =	sld [smem:$0x3FD9]  }
0x89: {  	s3 =	sld [smem:$0x3FFE];
	_ =	sdelay $0x1  }
0x8a: {  	s1 =	srdreg.scid  }
0x8b: {  	s0 =	sand.u32 $0x1, s1  }
0x8c: {  	s17 =	sshll.u32 s0, $0xA;
	s2 =	sadd.s32 s3, s2  }
0x8d: {  	s2 =	sadd.s32 s2, s17  }
0x8e: {  	[smem:$0x3FBC] =	sst s2  }
0x8f: {  	_ = 	snop  }
0x90: {  	s2 =	sld [smem:$0x3FD0];
	(tm) =	ssettm $0x1  }
0x91: {  	s18 =	sld [smem:$0x3FFB];
	_ =	sdelay $0x3  }
0x92: {  	_ =	strace s18  }
0x93: {  	s3 =	sld [smem:$0x3FFC];
	_ =	sdelay $0x3  }
0x94: {  	_ =	strace s3  }
0x95: {  	s3 =	sld [smem:$0x3FFD];
	_ =	sdelay $0x3  }
0x96: {  	_ =	strace s3  }
0x97: {  	_ =	strace $0x8FFFFFFF  }
0x98: {  	s19 =	sld [smem:$0x3FDB];
	_ =	sdelay $0x1  }
0x99: {  	s4 =	simm.s32 $_scs_section_size  }
0x9a: {  	s5 =	simm.s32 $_size__tile_overlayer_lowered;
	s6 =	simm.s32 $_tile_overlayer_lowered  }
0x9b: {  	s22 =	simm.s32 $0x1BFF;
	s21 =	sshll.u32 s6, $0x1;
	s3 =	sadd.s32 s4, s19  }
0x9c: {  	s7 =	simm.s32 $0x0;
	s20 =	sshll.u32 s5, $0x1;
	s5 =	sadd.s32 s21, s3  }
0x9d: {  	[timem:s7], [sflag:s22] =	dma.local [hbm:s5], s20  }
0x9e: {  	_ =	swait.ge [sflag:s22], s20  }
0x9f: {  	s4 =	ssub.s32 $0x0, s20;
	[sflag:s22] =	ssyncset.done $0x0  }
0xa0: {  	[sflag:s22] =	ssyncadd.s32 s4;
	_ =	sdelay $0x1  }
0xa1: {  	s23 =	simm.s32 $0x1B8B  }
0xa2: {  	_ =	swait.ge [sflag:s23], $0x1  }
0xa3: {  	[sflag:s23] =	ssyncset.done $0x0  }
0xa4: {  	s25 =	simm.s32 $0x1B8E;
	s24 =	sld [smem:$0x3FFE];
	[sflag:s23] =	ssyncadd.s32 $0xFFFFFFFF  }
0xa5: {  	s26 =	simm.s32 $execute0_lowered;
	[smem:$0x3FD2] =	sst s25  }
0xa6: {  	s5 =	sshll.u32 s26, $0x1;
	_ =	strace $0x80000052;
	[dreg:$0x1] =	wrdreg $0xFFFFFFFF  }
0xa7: {  	s28 =	simm.s32 $_size_execute0_lowered;
	s3 =	sadd.s32 s3, s5;
	[dreg:$0x0] =	wrdreg $0x0  }
0xa8: {  	s5 =	sshll.u32 s28, $0x1;
	[dreg:$0x2] =	wrdreg s3  }
0xa9: {  	[dreg:$0x3] =	wrdreg s5  }
0xaa: {  	[dreg:$0x4] =	wrdreg $0xC0  }
0xab: {  	_ =	task [dreg:s7], $0x5FFFF  }
0xac: {  	[dreg:$0x1] =	wrdreg $0xFFFFFFFF  }
0xad: {  	[dreg:$0x0] =	wrdreg $0x60  }
0xae: {  	[dreg:$0x2] =	wrdreg s24  }
0xaf: {  	[dreg:$0x3] =	wrdreg s2  }
0xb0: {  	[dreg:$0x4] =	wrdreg $0x0  }
0xb1: {  	[dreg:$0x5] =	wrdreg $0x9  }
0xb2: {  	_ =	task.clear_ibuf [dreg:s7], $0x6FFFF;
	_ =	strace $0x90000052  }
0xb3: {  	s29 =	simm.s32 $0x9;
	_ =	strace $0x80000054  }
0xb4: {  	_ =	swait.ge [sflag:s29], $0x1  }
0xb5: {  	[sflag:s29] =	ssyncadd.s32 $0xFFFFFFFF  }
0xb6: {  	_ =	strace $0x90000054  }
0xb7: {  	_ =	sfence  }
0xb8: {  	s30 =	sld [smem:$0x0];
	_ =	sdelay $0x2  }
0xb9: {  	s31 =	sshll.u32 s1, $0xD;
	s1 =	sshrl.u32 s1, $0x2  }
0xba: {  	s3 =	sand.u32 $0x4000, s31;
	s1 =	sadd.s32 s1, s30  }
0xbb: {  	s0 =	sor.u32 s3, s0;
	s1 =	sshll.u32 s1, $0x11  }
0xbc: {  	s0 =	sor.u32 s1, s0  }
0xbd: {  	s0 =	sadd.s32 $0x8F2B, s0  }
0xbe: {  	[sflag:s0] =	ssyncadd.remote.s32 $0x1  }
0xbf: {  	_ =	sfence.sel $0xFFFF  }
0xc0: {  	[dreg:$0x0] =	wrdreg $0xFFFFFFFF;
	(pc) =	sbr.abs _section_cstart, $3  }
0xc1: {  	[dreg:$0x1] =	wrdreg $0xFFFFFFFF  }
0xc2: {  	_ =	task.clear_ibuf [dreg:s7], $0x2FFFF;
	_ =	strace $0x9FFFFFFF  }
0xc3: {  	(tm) =	ssettm $0x7FFFFFFF  }
tec
execute0_lowered:
.L_overlay_start_1:
0x0: {  	(tag) =	ssettag $0x1  }
0x1: {  	s6 =	rddreg [dreg:$0x0]  }
0x2: {  	s1 =	rddreg [dreg:$0x1]  }
0x3: {  	s3 =	rddreg [dreg:$0x2]  }
0x4: {  	s0 =	rddreg [dreg:$0x3]  }
0x5: {  	s4 =	simm.s32 $0x0;
	s5 =	srdreg.scid;
	s2 =	stileid.u32  }
0x6: {  	s16 =	simm.s32 $0x4;
	s17 =	simm.s32 $0x64;
	s18 =	simm.s32 $0x17800  }
0x7: {  	s19 =	simm.s32 $0x3;
	s20 =	simm.s32 $0x1;
	s21 =	simm.s32 $0x17480  }
0x8: {  	s22 =	simm.s32 $0x2;
	s23 =	simm.s32 $0x0;
	[smem:$0x7FF] =	sst s4  }
0x9: {  	s7 =	sand.u32 $0x1, s5;
	s8 =	smul.u32 $0x2800, s2;
	s5 =	sadd.s32 $0x20600, s6  }
0xa: {  	s10 =	sadd.s32 $0x4600, s6;
	s11 =	sadd.s32 $0x12600, s6;
	s9 =	smul.u32 $0x28000, s7  }
0xb: {  	s25 =	sshll.u32 s2, $0x2;
	s13 =	smul.u32 $0x50000, s2;
	s12 =	sshll.u32 s7, $0x1  }
0xc: {  	s7 =	ssub.s32 $0x2, s7;
	s8 =	sadd.s32 s8, s9;
	s9 =	sor.u32 s12, s25  }
0xd: {  	_ =	strace $0x80000053;
	s28 =	sshrl.u32 s7, $0x1;
	s29 =	smul.u32 $0x1C00, s9  }
0xe: {  	s30 =	sshrl.u32 s13, $0x2;
	s14 =	ssub.s32 s7, s28;
	s9 =	smul.u32 $0x380, s9  }
.Ltmp0:
0xf: {  	s26 =	sadd.s32 s8, s6;
	s6 =	sshll.u32 s2, $0x6;
	(pc) =	sbr.rel .LBB2_1-.Ltmp0, $4  }
0x10: {  	s15 =	sadd.s32 s30, s3;
	s7 =	sor.u32 $0x1C03, s6;
	s31 =	sshrl.u32 s29, $0x3  }
0x11: {  	s12 =	sadd.s32 $0x47800, s26;
	s8 =	sadd.s32 s10, s9;
	s13 =	sadd.s32 $0x380, s31  }
0x12: {  	s9 =	sadd.s32 s11, s9;
	s10 =	sadd.s32 s10, s13;
	s11 =	sadd.s32 s11, s13  }
0x13: {  	s13 =	smax.u32 s14, $0x1;
	s14 =	sshrl.u32 s15, $0x3;
	s15 =	simm.s32 $0x14000  }
.LBB2_7:
0x14: {  	[spmem:s3] =	stream.indirect.scatter.add.f32 [tilespmem:s29], [sflag:$0x2], $0x80, s21, s17, $0xb8;
	[tilespmem:$0x1E000] =	vst v63  }
0x15: {  	_ =	swait.ge [sflag:s22], $0x3200  }
0x16: {  	s23 =	sadd.s32 $0x1, s23;
	[sflag:s22] =	ssyncset.done $0x0  }
0x17: {  	p0 =	sne.s32 s23, s13;
	[sflag:s22] =	ssyncadd.s32 $0xFFFFCE00  }
.Ltmp1:
0x18: {  	s24 =	sor.u32 $0x1C04, s6;
	[bflag:$0x0] =	sbarrier.arrive $0xFFFF;
	(pc) =	sbr.rel @!p0 .LBB2_8-.Ltmp1, $4  }
0x19: {  	[hbm:s12], [sflag:s24] =	dma.local [spmem:s14], $0x2800  }
0x1a: {  	_ =	swait.ge [sflag:s16], $0x2800  }
0x1b: {  	[sflag:s16] =	ssyncset.done $0x0  }
0x1c: {  	[sflag:s16] =	ssyncadd.s32 $0xFFFFD800  }
.LBB2_1:
0x1d: {  	[spmem:s14], [sflag:s7] =	dma.local [hbm:s1], $0x2800  }
0x1e: {  	[tilespmem:s15], [sflag:$0x4] =	stream.linear.gather [hbm4b:s8+s4], $0x1900, $0x38;
	[tilespmem:$0x1E000] =	vst v63  }
0x1f: {  	_ =	swait.ge [sflag:s16], $0x1900  }
0x20: {  	[sflag:s16] =	ssyncset.done $0x0  }
0x21: {  	s24 =	simm.s32 $0x15C00;
	[sflag:s16] =	ssyncadd.s32 $0xFFFFE700  }
0x22: {  	[tilespmem:s24], [sflag:$0x4] =	stream.linear.gather [hbm4b:s9+s4], $0x1900, $0x38;
	[tilespmem:$0x1E000] =	vst v63  }
0x23: {  	_ =	swait.ge [sflag:s16], $0x1900  }
0x24: {  	[sflag:s16] =	ssyncset.done $0x0  }
0x25: {  	[sflag:s16] =	ssyncadd.s32 $0xFFFFE700  }
0x26: {  	[tilespmem:s18], [sflag:$0x1] =	stream.indirect.gather [hbm4b:s5+s17], $0x80, s15, s17, $0xb8;
	[tilespmem:$0x1E000] =	vst v63  }
0x27: {  	_ =	swait.ge [sflag:s19], $0x2800  }
0x28: {  	[sflag:s19] =	ssyncset.done $0x0  }
0x29: {  	[sflag:s19] =	ssyncadd.s32 $0xFFFFD800  }
0x2a: {  	s25 =	simm.s32 $0x14080;
	s26 =	simm.s32 $0x0;
	[bflag:$0x0] =	sbarrier.arrive $0xFFFF  }
.LBB2_2:
0x2b: {  	p0 =	seq.s32 s26, $0x0  }
0x2c: {  	p1 =	seq.s32 @!p0 s26, $0x31  }
0x2d: {  	_ =	swait.ge [sflag:s20], $0x3200;
	p1 =	por p0, !p1  }
.Ltmp2:
0x2e: {  	s28 =	sand.u32 $0x1, s26;
	[sflag:s20] =	ssyncset.done $0x0;
	(pc) =	sbr.rel @!p1 .LBB2_4-.Ltmp2, $4  }
0x2f: {  	s29 =	smul.u32 $0xD000, s28;
	s30 =	simm.s32 @!p0 $0x2;
	[sflag:s20] =	ssyncadd.s32 $0xFFFFCE00  }
0x30: {  	_ =	swait.ge @!p0 [sflag:s30], $0x3200  }
0x31: {  	s29 =	sshrl.u32 s29, $0x2;
	[sflag:s30] =	ssyncset.done @!p0 $0x0  }
0x32: {  	s29 =	sadd.s32 $0x17800, s29;
	[sflag:s30] =	ssyncadd.s32 @!p0 $0xFFFFCE00  }
0x33: {  	s28 =	sxor.u32 $0x1, s28  }
0x34: {  	s28 =	smul.u32 $0xD000, s28;
	_ =	sdelay $0x1  }
0x35: {  	s28 =	sshrl.u32 s28, $0x2  }
.Ltmp3:
0x36: {  	s28 =	sadd.s32 $0x17800, s28;
	(pc) =	sbr.rel .LBB2_2-.Ltmp3, $4  }
0x37: {  	[tilespmem:s28], [sflag:$0x1] =	stream.indirect.gather [hbm4b:s5+s17], $0x80, s25, s17, $0xb8;
	[tilespmem:$0x1E000] =	vst v63  }
0x38: {  	_ = 	snop  }
0x39: {  	[spmem:s3] =	stream.indirect.scatter.add.f32 [tilespmem:s29], [sflag:$0x2], $0x80, s24, s17, $0xb8;
	[tilespmem:$0x1E000] =	vst v63  }
0x3a: {  	s26 =	sadd.s32 $0x1, s26;
	s25 =	sadd.s32 $0x80, s25;
	s24 =	sadd.s32 $0x80, s24  }
.LBB2_4:
0x3b: {  	[spmem:s3] =	stream.indirect.scatter.add.f32 [tilespmem:s29], [sflag:$0x2], $0x80, s21, s17, $0xb8;
	[tilespmem:$0x1E000] =	vst v63  }
0x3c: {  	_ =	swait.ge [sflag:s22], $0x3200  }
0x3d: {  	[sflag:s22] =	ssyncset.done $0x0  }
0x3e: {  	s24 =	simm.s32 $0x0;
	[sflag:s22] =	ssyncadd.s32 $0xFFFFCE00  }
0x3f: {  	[tilespmem:s15], [sflag:$0x4] =	stream.linear.gather [hbm4b:s10+s24], $0x1900, $0x38;
	[tilespmem:$0x1E000] =	vst v63  }
0x40: {  	_ =	swait.ge [sflag:s16], $0x1900  }
0x41: {  	[sflag:s16] =	ssyncset.done $0x0  }
0x42: {  	s25 =	simm.s32 $0x15C00;
	[sflag:s16] =	ssyncadd.s32 $0xFFFFE700  }
0x43: {  	[tilespmem:s25], [sflag:$0x4] =	stream.linear.gather [hbm4b:s11+s24], $0x1900, $0x38;
	[tilespmem:$0x1E000] =	vst v63  }
0x44: {  	_ =	swait.ge [sflag:s16], $0x1900  }
0x45: {  	[sflag:s16] =	ssyncset.done $0x0  }
0x46: {  	s26 =	simm.s32 $0x14080;
	[sflag:s16] =	ssyncadd.s32 $0xFFFFE700  }
0x47: {  	[tilespmem:s18], [sflag:$0x1] =	stream.indirect.gather [hbm4b:s5+s17], $0x80, s15, s17, $0xb8;
	[tilespmem:$0x1E000] =	vst v63  }
.LBB2_5:
0x48: {  	p0 =	seq.s32 s24, $0x0  }
0x49: {  	p1 =	seq.s32 @!p0 s24, $0x31  }
0x4a: {  	_ =	swait.ge [sflag:s20], $0x3200;
	p1 =	por p0, !p1  }
.Ltmp4:
0x4b: {  	s28 =	sand.u32 $0x1, s24;
	[sflag:s20] =	ssyncset.done $0x0;
	(pc) =	sbr.rel @!p1 .LBB2_7-.Ltmp4, $4  }
0x4c: {  	s29 =	smul.u32 $0xD000, s28;
	s30 =	simm.s32 @!p0 $0x2;
	[sflag:s20] =	ssyncadd.s32 $0xFFFFCE00  }
0x4d: {  	_ =	swait.ge @!p0 [sflag:s30], $0x3200  }
0x4e: {  	s29 =	sshrl.u32 s29, $0x2;
	[sflag:s30] =	ssyncset.done @!p0 $0x0  }
0x4f: {  	s29 =	sadd.s32 $0x17800, s29;
	[sflag:s30] =	ssyncadd.s32 @!p0 $0xFFFFCE00  }
0x50: {  	s28 =	sxor.u32 $0x1, s28  }
0x51: {  	s28 =	smul.u32 $0xD000, s28;
	_ =	sdelay $0x1  }
0x52: {  	s28 =	sshrl.u32 s28, $0x2  }
.Ltmp5:
0x53: {  	s28 =	sadd.s32 $0x17800, s28;
	(pc) =	sbr.rel .LBB2_5-.Ltmp5, $4  }
0x54: {  	[tilespmem:s28], [sflag:$0x1] =	stream.indirect.gather [hbm4b:s5+s17], $0x80, s26, s17, $0xb8;
	[tilespmem:$0x1E000] =	vst v63  }
0x55: {  	_ = 	snop  }
0x56: {  	[spmem:s3] =	stream.indirect.scatter.add.f32 [tilespmem:s29], [sflag:$0x2], $0x80, s25, s17, $0xb8;
	[tilespmem:$0x1E000] =	vst v63  }
0x57: {  	s24 =	sadd.s32 $0x1, s24;
	s26 =	sadd.s32 $0x80, s26;
	s25 =	sadd.s32 $0x80, s25  }
.LBB2_8:
0x58: {  	_ =	sfence.sel $0x180000  }
0x59: {  	[bflag:$0x0] =	sbarrier.arrive $0xFFFF  }
0x5a: {  	p0 =	sne.s32 s2, $0x0;
	_ =	strace $0x90000053  }
0x5b: {  	s0 =	sadd.s32 @!p0 $0x100000, s0;
	[bflag:$0x2] =	sbarrier.arrive $0xFFFF  }
0x5c: {  	[sflag:s0] =	ssyncadd.tile.s32 @!p0 $0x1;
	_ =	shalt  }
.Lfunc_end2:
_tile_overlayer_lowered:
.L_overlay_start_2:
0x5d: {  	(tag) =	ssettag $0x2  }
0x5e: {  	s0 =	rddreg [dreg:$0x0];
	s2 =	stileid.u32  }
0x5f: {  	s1 =	rddreg [dreg:$0x1];
	p0 =	sne.s32 s2, $0x0  }
0x60: {  	s3 =	rddreg [dreg:$0x2];
	[bflag:$0x3] =	sbarrier.arrive $0xFFFF;
	s2 =	simm.s32 @!p0 $0x1C04  }
0x61: {  	[timem:s3], [sflag:s2] =	dma.local @!p0 [hbm:s0], s1  }
0x62: {  	s0 =	simm.s32 @!p0 $0x4  }
0x63: {  	_ =	swait.ge @!p0 [sflag:s0], s1  }
0x64: {  	s1 =	ssub.s32 @!p0 $0x0, s1;
	[sflag:s0] =	ssyncset.done @!p0 $0x0  }
0x65: {  	[sflag:s0] =	ssyncadd.s32 @!p0 s1  }
0x66: {  	[bflag:$0x3] =	sbarrier.arrive $0xFFFF  }
0x67: {  	_ =	shalt  }

</sc_bundles>
